<compile_context>
chip_gen: v7x
topology: tpu7x:2x2x1
jax: 0.10.2.dev20260603
libtpu: 0.0.44.dev20260713+nightly
codegen_flags: <defaults>
</compile_context>

<pallas_src>
import functools

import numpy as np
import jax
import jax.numpy as jnp
from jax import lax
from jax.experimental import pallas as pl
from jax.experimental.pallas import tpu as pltpu
from jax.experimental.pallas import tpu_sc as plsc

_BS = 64
_NB = 4096 // _BS
_L = 16


_T16_BITS = (48128, 47529, 47190, 46763, 46329, 45801, 45075, 43363,
             10595, 12307, 13033, 13561, 13995, 14422, 14761, 15360)


def _nf4_tables():
    t32 = np.array(_T16_BITS, dtype=np.uint16).view(np.float16).astype(np.float32)
    u = (t32 + np.float32(1.0)) / np.float32(2.0)
    mids = (t32[:-1] + t32[1:]) * np.float32(0.5)
    c = (mids + np.float32(1.0)) * np.float32(0.5)
    return u, c


_U, _C = _nf4_tables()

_MAGIC = np.float32(12582912.0)


def _sc_body(x_hbm, o_hbm, xbuf, obuf, tab, bnd, in_sem, out_sem,
             *, rows_per_w, ch, ncols):
    nc = 2
    wid = lax.axis_index("s") * nc + lax.axis_index("c")
    lane = lax.broadcasted_iota(jnp.int32, (_L,), 0)
    gstride = lane * _BS
    sstride = lane * 16
    n_chunks = rows_per_w // ch
    cbytes = ch * ncols
    wrow = wid * rows_per_w

    def start_in(ci, slot):
        for r in range(ch):
            pltpu.async_copy(x_hbm.at[wrow + ci * ch + r],
                             xbuf.at[pl.ds(slot * cbytes + r * ncols, ncols)],
                             in_sem)

    def wait_in(ci, slot):
        for r in range(ch):
            pltpu.make_async_copy(
                x_hbm.at[wrow + ci * ch + r],
                xbuf.at[pl.ds(slot * cbytes + r * ncols, ncols)],
                in_sem).wait()

    def start_out(ci, slot):
        for r in range(ch):
            pltpu.async_copy(obuf.at[pl.ds(slot * cbytes + r * ncols, ncols)],
                             o_hbm.at[wrow + ci * ch + r], out_sem)

    def wait_out(ci, slot):
        for r in range(ch):
            pltpu.make_async_copy(
                obuf.at[pl.ds(slot * cbytes + r * ncols, ncols)],
                o_hbm.at[wrow + ci * ch + r],
                out_sem).wait()

    start_in(0, 0)

    def chunk_body(ci, _c):
        slot = lax.rem(ci, 2)
        sbase = slot * cbytes
        wait_in(ci, slot)

        @pl.when(ci + 1 < n_chunks)
        def _():
            start_in(ci + 1, 1 - slot)

        @pl.when(ci >= 2)
        def _():
            wait_out(ci - 2, slot)

        def row_body(r, _r):
            ro = sbase + r * ncols
            mins = []
            scales = []
            for g in range(_NB // _L):
                gbase = gstride + (ro + g * (_L * _BS))
                lo = hi = None
                for e0 in range(0, _BS, 8):
                    vv = [plsc.load_gather(xbuf, [gbase + (e0 + t)])
                          for t in range(8)]
                    l = jnp.minimum(
                        jnp.minimum(jnp.minimum(vv[0], vv[1]),
                                    jnp.minimum(vv[2], vv[3])),
                        jnp.minimum(jnp.minimum(vv[4], vv[5]),
                                    jnp.minimum(vv[6], vv[7])))
                    h = jnp.maximum(
                        jnp.maximum(jnp.maximum(vv[0], vv[1]),
                                    jnp.maximum(vv[2], vv[3])),
                        jnp.maximum(jnp.maximum(vv[4], vv[5]),
                                    jnp.maximum(vv[6], vv[7])))
                    lo = l if lo is None else jnp.minimum(lo, l)
                    hi = h if hi is None else jnp.maximum(hi, h)
                mins.append(lo)
                scales.append(hi - lo)

            s01 = jnp.minimum(scales[0], scales[1])
            s23 = jnp.minimum(scales[2], scales[3])
            smin = jnp.min(jnp.minimum(s01, s23))
            x01 = jnp.maximum(scales[0], scales[1])
            x23 = jnp.maximum(scales[2], scales[3])
            smax = jnp.max(jnp.maximum(x01, x23))
            ds = smax - smin + jnp.float32(1e-8)
            srange = smax - smin

            for g in range(_NB // _L):
                t = (scales[g] - smin) / ds * jnp.float32(255.0)
                qs = (t + _MAGIC) - _MAGIC
                sdq = smin + qs / jnp.float32(255.0) * srange
                d = scales[g] + jnp.float32(1e-8)
                sb = sstride + (g * _L * 16)
                for i in range(16):
                    plsc.store_scatter(tab, [sb + i],
                                       jnp.float32(_U[i]) * sdq + mins[g])
                for i in range(15):
                    plsc.store_scatter(bnd, [sb + i],
                                       d * jnp.float32(_C[i]) + mins[g])

            @plsc.parallel_loop(0, _NB, unroll=2)
            def b_body(b):
                cnt0 = jnp.full((_L,), 0, jnp.int32) + b * 16
                eb = ro + b * _BS
                for j in range(_BS // _L):
                    v = xbuf[pl.ds(eb + j * _L, _L)]
                    cnt = cnt0
                    for step in (8, 4, 2, 1):
                        m = plsc.load_gather(bnd, [cnt + (step - 1)])
                        cnt = jnp.where(v > m, cnt + step, cnt)
                    obuf[pl.ds(eb + j * _L, _L)] = plsc.load_gather(tab, [cnt])

            return _r

        lax.fori_loop(0, ch, row_body, 0)
        start_out(ci, slot)
        return _c

    lax.fori_loop(0, n_chunks, chunk_body, 0)
    wait_out(n_chunks - 2, lax.rem(n_chunks - 2, 2))
    wait_out(n_chunks - 1, lax.rem(n_chunks - 1, 2))


def _tc_body(x_ref, o_ref, *, rows):
    x = x_ref[...]
    xb = x.reshape(rows, _NB, _BS)
    xmin = jnp.min(xb, axis=2)
    xmax = jnp.max(xb, axis=2)
    scales = xmax - xmin
    d = scales + jnp.float32(1e-8)
    smin = jnp.min(scales, axis=1, keepdims=True)
    smax = jnp.max(scales, axis=1, keepdims=True)
    ds = smax - smin + jnp.float32(1e-8)
    qs = jnp.round((scales - smin) / ds * jnp.float32(255.0))
    scales_d = smin + qs / jnp.float32(255.0) * (smax - smin)
    y = xb - xmin[:, :, None]
    u = jnp.full(xb.shape, _U[0], dtype=jnp.float32)
    for i in range(15):
        thr = d * jnp.float32(_C[i])
        u = jnp.where(y > thr[:, :, None], jnp.float32(_U[i + 1]), u)
    w = u * scales_d[:, :, None] + xmin[:, :, None]
    o_ref[...] = w.reshape(rows, _NB * _BS)


_SC_ROWS = 640


@jax.jit
def kernel(x):
    B, C = x.shape
    nw = 32
    rows_per_w = _SC_ROWS // nw
    ch = 5
    mesh = plsc.VectorSubcoreMesh(core_axis_name="c", subcore_axis_name="s")
    k = functools.partial(
        pl.kernel,
        mesh=mesh,
        compiler_params=pltpu.CompilerParams(
            needs_layout_passes=False, use_tc_tiling_on_sc=True),
        out_type=jax.ShapeDtypeStruct((_SC_ROWS, C), jnp.float32),
        scratch_types=[
            pltpu.VMEM((2 * ch * C,), jnp.float32),
            pltpu.VMEM((2 * ch * C,), jnp.float32),
            pltpu.VMEM((_NB * 16,), jnp.float32),
            pltpu.VMEM((_NB * 16,), jnp.float32),
            pltpu.SemaphoreType.DMA,
            pltpu.SemaphoreType.DMA,
        ],
    )(functools.partial(_sc_body, rows_per_w=rows_per_w, ch=ch, ncols=C))
    sc_out = k(x)

    tc_rows = B - _SC_ROWS
    blk = 8
    tc_out = pl.pallas_call(
        functools.partial(_tc_body, rows=blk),
        grid=(tc_rows // blk,),
        in_specs=[pl.BlockSpec((blk, C), lambda i: (i + _SC_ROWS // blk, 0))],
        out_specs=pl.BlockSpec((blk, C), lambda i: (i, 0)),
        out_shape=jax.ShapeDtypeStruct((tc_rows, C), jnp.float32),
    )(x)
    return jnp.concatenate([sc_out, tc_out], axis=0)

# --- scband reference (transcript-rebuilt; emitter-appended) ---
"""Pipeline reference for scband-nfndouble-quantizer-70360154243711 (READ-ONLY COPY).

The authoritative reference and input builder live on the scoring server;
editing this copy changes nothing except your own understanding.
"""

import jax, jax.numpy as jnp
import numpy as np

BITS = 4
BLOCK_SIZE = 64


def _nf_table(bits=BITS):
    n_levels = 2 ** bits
    p = (np.arange(n_levels) + 0.5) / n_levels
    q = jax.scipy.special.ndtri(jnp.asarray(p, dtype=jnp.float32))
    q = q / jnp.max(jnp.abs(q))
    # original stores the table in float16
    return q.astype(jnp.float16)


def setup_inputs(seed: int = 0) -> dict:
    key = jax.random.key(seed)
    x = jax.random.normal(key, (1024, 4096), dtype=jnp.float32)
    return {"x": x}


def reference(x):
    table = _nf_table()
    B, C = x.shape
    nb = C // BLOCK_SIZE
    xb = x.reshape(B, nb, BLOCK_SIZE)
    # ---- quantize ----
    x_min = jnp.min(xb, axis=2, keepdims=True)
    x_max = jnp.max(xb, axis=2, keepdims=True)
    scales = (x_max - x_min)[..., 0]
    x_norm = 2.0 * (xb - x_min) / (x_max - x_min + 1e-08) - 1.0
    # table (fp16) promotes to fp32 against x_norm, as in torch
    dist = jnp.abs(x_norm[..., None] - table.astype(jnp.float32))
    q_idx = jnp.argmin(dist, axis=-1).astype(jnp.uint8)
    mins = x_min
    # double quant of per-block scales
    s_min = jnp.min(scales, axis=-1, keepdims=True)
    s_max = jnp.max(scales, axis=-1, keepdims=True)
    scales_q = jnp.round((scales - s_min) / (s_max - s_min + 1e-08) * 255.0).astype(jnp.uint8)
    # ---- dequantize ----
    scales_d = s_min + scales_q.astype(jnp.float32) / 255.0 * (s_max - s_min)
    scales_d = scales_d[..., None]
    w_block = jnp.take(table, q_idx.astype(jnp.int32), axis=0).astype(jnp.float32)
    w_block = (w_block + 1.0) / 2.0 * scales_d + mins
    return w_block.reshape(-1, nb * BLOCK_SIZE)

if __name__ == "__main__":
    import jax
    _d = setup_inputs()
    print(jax.jit(kernel)(*tuple(_d.values())))

</pallas_src>

<mosaic_0001>
#map = affine_map<(d0, d1) -> (0, 0)>
module attributes {stable_mosaic.version = 14 : i64} {
  func.func @_sc_body(%arg0: i32, %arg1: i32, %arg2: memref<1024x4096xf32, #tpu.memory_space<hbm>>, %arg3: memref<640x4096xf32, #tpu.memory_space<hbm>>, %arg4: memref<40960xf32, #tpu.memory_space<vmem>>, %arg5: memref<40960xf32, #tpu.memory_space<vmem>>, %arg6: memref<1024xf32, #tpu.memory_space<vmem>>, %arg7: memref<1024xf32, #tpu.memory_space<vmem>>, %arg8: memref<!tpu.dma_semaphore, #tpu.memory_space<semaphore_mem>>, %arg9: memref<!tpu.dma_semaphore, #tpu.memory_space<semaphore_mem>>) attributes {dimension_semantics = [#tpu.dimension_semantics<core_parallel>, #tpu.dimension_semantics<subcore_parallel>], iteration_bounds = array<i64: 2, 16>, scalar_prefetch = 0 : i64, scratch_operands = 6 : i64, tpu.core_type = #tpu.core_type<sc_vector_subcore>, window_params = [{transform_indices = #map}, {transform_indices = #map}]} {
    %mul3A = arith.constant 2 : i32
    %mul3A_0 = arith.muli %arg1, %mul3A : i32
    %add3A = arith.addi %mul3A_0, %arg0 : i32
    %iota3A = tpu.iota {dimensions = array<i32: 0>} : vector<16xi32>
    %mul3A_1 = arith.constant 64 : i32
    %mul3A_2 = vector.broadcast %mul3A_1 : i32 to vector<16xi32>
    %mul3A_3 = arith.muli %iota3A, %mul3A_2 : vector<16xi32>
    %mul3A_4 = arith.constant 16 : i32
    %mul3A_5 = vector.broadcast %mul3A_4 : i32 to vector<16xi32>
    %mul3A_6 = arith.muli %iota3A, %mul3A_5 : vector<16xi32>
    %mul3A_7 = arith.constant 20 : i32
    %mul3A_8 = arith.muli %add3A, %mul3A_7 : i32
    %add3A_9 = arith.constant 0 : i32
    %add3A_10 = arith.addi %mul3A_8, %add3A_9 : i32
    %add3A_11 = arith.constant 0 : i32
    %add3A_12 = arith.addi %add3A_10, %add3A_11 : i32
    %dma_start3A = arith.constant 0 : i32
    %dma_start3A_13 = tpu.memref_slice %arg4[%dma_start3A] : memref<40960xf32, #tpu.memory_space<vmem>> -> memref<4096xf32, #tpu.memory_space<vmem>>
    %dma_start3A_14 = arith.constant 0 : i32
    %dma_start3A_15 = tpu.memref_slice %arg2[%add3A_12, %dma_start3A_14] : memref<1024x4096xf32, #tpu.memory_space<hbm>> -> memref<1x4096xf32, #tpu.memory_space<hbm>>
    %dma_start3A_16 = tpu.memref_squeeze %dma_start3A_15 : memref<1x4096xf32, #tpu.memory_space<hbm>> -> memref<4096xf32, #tpu.memory_space<hbm>>
    %dma_start3A_17 = arith.constant 0 : i32
    %dma_start3A_18 = tpu.memref_slice %arg4[%dma_start3A_17] : memref<40960xf32, #tpu.memory_space<vmem>> -> memref<4096xf32, #tpu.memory_space<vmem>>
    %dma_start3A_19 = arith.constant 0 : i32
    %dma_start3A_20 = tpu.memref_slice %arg2[%add3A_12, %dma_start3A_19] : memref<1024x4096xf32, #tpu.memory_space<hbm>> -> memref<1x4096xf32, #tpu.memory_space<hbm>>
    %dma_start3A_21 = tpu.memref_squeeze %dma_start3A_20 : memref<1x4096xf32, #tpu.memory_space<hbm>> -> memref<4096xf32, #tpu.memory_space<hbm>>
    tpu.enqueue_dma source(%dma_start3A_21 : memref<4096xf32, #tpu.memory_space<hbm>>) target(%dma_start3A_18 : memref<4096xf32, #tpu.memory_space<vmem>>) target_semaphore(%arg8 : memref<!tpu.dma_semaphore, #tpu.memory_space<semaphore_mem>>)
    %add3A_22 = arith.constant 0 : i32
    %add3A_23 = arith.addi %mul3A_8, %add3A_22 : i32
    %add3A_24 = arith.constant 1 : i32
    %add3A_25 = arith.addi %add3A_23, %add3A_24 : i32
    %dma_start3A_26 = arith.constant 4096 : i32
    %dma_start3A_27 = tpu.memref_slice %arg4[%dma_start3A_26] : memref<40960xf32, #tpu.memory_space<vmem>> -> memref<4096xf32, #tpu.memory_space<vmem>>
    %dma_start3A_28 = arith.constant 0 : i32
    %dma_start3A_29 = tpu.memref_slice %arg2[%add3A_25, %dma_start3A_28] : memref<1024x4096xf32, #tpu.memory_space<hbm>> -> memref<1x4096xf32, #tpu.memory_space<hbm>>
    %dma_start3A_30 = tpu.memref_squeeze %dma_start3A_29 : memref<1x4096xf32, #tpu.memory_space<hbm>> -> memref<4096xf32, #tpu.memory_space<hbm>>
    %dma_start3A_31 = arith.constant 4096 : i32
    %dma_start3A_32 = tpu.memref_slice %arg4[%dma_start3A_31] : memref<40960xf32, #tpu.memory_space<vmem>> -> memref<4096xf32, #tpu.memory_space<vmem>>
    %dma_start3A_33 = arith.constant 0 : i32
    %dma_start3A_34 = tpu.memref_slice %arg2[%add3A_25, %dma_start3A_33] : memref<1024x4096xf32, #tpu.memory_space<hbm>> -> memref<1x4096xf32, #tpu.memory_space<hbm>>
    %dma_start3A_35 = tpu.memref_squeeze %dma_start3A_34 : memref<1x4096xf32, #tpu.memory_space<hbm>> -> memref<4096xf32, #tpu.memory_space<hbm>>
    tpu.enqueue_dma source(%dma_start3A_35 : memref<4096xf32, #tpu.memory_space<hbm>>) target(%dma_start3A_32 : memref<4096xf32, #tpu.memory_space<vmem>>) target_semaphore(%arg8 : memref<!tpu.dma_semaphore, #tpu.memory_space<semaphore_mem>>)
    %add3A_36 = arith.constant 0 : i32
    %add3A_37 = arith.addi %mul3A_8, %add3A_36 : i32
    %add3A_38 = arith.constant 2 : i32
    %add3A_39 = arith.addi %add3A_37, %add3A_38 : i32
    %dma_start3A_40 = arith.constant 8192 : i32
    %dma_start3A_41 = tpu.memref_slice %arg4[%dma_start3A_40] : memref<40960xf32, #tpu.memory_space<vmem>> -> memref<4096xf32, #tpu.memory_space<vmem>>
    %dma_start3A_42 = arith.constant 0 : i32
    %dma_start3A_43 = tpu.memref_slice %arg2[%add3A_39, %dma_start3A_42] : memref<1024x4096xf32, #tpu.memory_space<hbm>> -> memref<1x4096xf32, #tpu.memory_space<hbm>>
    %dma_start3A_44 = tpu.memref_squeeze %dma_start3A_43 : memref<1x4096xf32, #tpu.memory_space<hbm>> -> memref<4096xf32, #tpu.memory_space<hbm>>
    %dma_start3A_45 = arith.constant 8192 : i32
    %dma_start3A_46 = tpu.memref_slice %arg4[%dma_start3A_45] : memref<40960xf32, #tpu.memory_space<vmem>> -> memref<4096xf32, #tpu.memory_space<vmem>>
    %dma_start3A_47 = arith.constant 0 : i32
    %dma_start3A_48 = tpu.memref_slice %arg2[%add3A_39, %dma_start3A_47] : memref<1024x4096xf32, #tpu.memory_space<hbm>> -> memref<1x4096xf32, #tpu.memory_space<hbm>>
    %dma_start3A_49 = tpu.memref_squeeze %dma_start3A_48 : memref<1x4096xf32, #tpu.memory_space<hbm>> -> memref<4096xf32, #tpu.memory_space<hbm>>
    tpu.enqueue_dma source(%dma_start3A_49 : memref<4096xf32, #tpu.memory_space<hbm>>) target(%dma_start3A_46 : memref<4096xf32, #tpu.memory_space<vmem>>) target_semaphore(%arg8 : memref<!tpu.dma_semaphore, #tpu.memory_space<semaphore_mem>>)
    %add3A_50 = arith.constant 0 : i32
    %add3A_51 = arith.addi %mul3A_8, %add3A_50 : i32
    %add3A_52 = arith.constant 3 : i32
    %add3A_53 = arith.addi %add3A_51, %add3A_52 : i32
    %dma_start3A_54 = arith.constant 12288 : i32
    %dma_start3A_55 = tpu.memref_slice %arg4[%dma_start3A_54] : memref<40960xf32, #tpu.memory_space<vmem>> -> memref<4096xf32, #tpu.memory_space<vmem>>
    %dma_start3A_56 = arith.constant 0 : i32
    %dma_start3A_57 = tpu.memref_slice %arg2[%add3A_53, %dma_start3A_56] : memref<1024x4096xf32, #tpu.memory_space<hbm>> -> memref<1x4096xf32, #tpu.memory_space<hbm>>
    %dma_start3A_58 = tpu.memref_squeeze %dma_start3A_57 : memref<1x4096xf32, #tpu.memory_space<hbm>> -> memref<4096xf32, #tpu.memory_space<hbm>>
    %dma_start3A_59 = arith.constant 12288 : i32
    %dma_start3A_60 = tpu.memref_slice %arg4[%dma_start3A_59] : memref<40960xf32, #tpu.memory_space<vmem>> -> memref<4096xf32, #tpu.memory_space<vmem>>
    %dma_start3A_61 = arith.constant 0 : i32
    %dma_start3A_62 = tpu.memref_slice %arg2[%add3A_53, %dma_start3A_61] : memref<1024x4096xf32, #tpu.memory_space<hbm>> -> memref<1x4096xf32, #tpu.memory_space<hbm>>
    %dma_start3A_63 = tpu.memref_squeeze %dma_start3A_62 : memref<1x4096xf32, #tpu.memory_space<hbm>> -> memref<4096xf32, #tpu.memory_space<hbm>>
    tpu.enqueue_dma source(%dma_start3A_63 : memref<4096xf32, #tpu.memory_space<hbm>>) target(%dma_start3A_60 : memref<4096xf32, #tpu.memory_space<vmem>>) target_semaphore(%arg8 : memref<!tpu.dma_semaphore, #tpu.memory_space<semaphore_mem>>)
    %add3A_64 = arith.constant 0 : i32
    %add3A_65 = arith.addi %mul3A_8, %add3A_64 : i32
    %add3A_66 = arith.constant 4 : i32
    %add3A_67 = arith.addi %add3A_65, %add3A_66 : i32
    %dma_start3A_68 = arith.constant 16384 : i32
    %dma_start3A_69 = tpu.memref_slice %arg4[%dma_start3A_68] : memref<40960xf32, #tpu.memory_space<vmem>> -> memref<4096xf32, #tpu.memory_space<vmem>>
    %dma_start3A_70 = arith.constant 0 : i32
    %dma_start3A_71 = tpu.memref_slice %arg2[%add3A_67, %dma_start3A_70] : memref<1024x4096xf32, #tpu.memory_space<hbm>> -> memref<1x4096xf32, #tpu.memory_space<hbm>>
    %dma_start3A_72 = tpu.memref_squeeze %dma_start3A_71 : memref<1x4096xf32, #tpu.memory_space<hbm>> -> memref<4096xf32, #tpu.memory_space<hbm>>
    %dma_start3A_73 = arith.constant 16384 : i32
    %dma_start3A_74 = tpu.memref_slice %arg4[%dma_start3A_73] : memref<40960xf32, #tpu.memory_space<vmem>> -> memref<4096xf32, #tpu.memory_space<vmem>>
    %dma_start3A_75 = arith.constant 0 : i32
    %dma_start3A_76 = tpu.memref_slice %arg2[%add3A_67, %dma_start3A_75] : memref<1024x4096xf32, #tpu.memory_space<hbm>> -> memref<1x4096xf32, #tpu.memory_space<hbm>>
    %dma_start3A_77 = tpu.memref_squeeze %dma_start3A_76 : memref<1x4096xf32, #tpu.memory_space<hbm>> -> memref<4096xf32, #tpu.memory_space<hbm>>
    tpu.enqueue_dma source(%dma_start3A_77 : memref<4096xf32, #tpu.memory_space<hbm>>) target(%dma_start3A_74 : memref<4096xf32, #tpu.memory_space<vmem>>) target_semaphore(%arg8 : memref<!tpu.dma_semaphore, #tpu.memory_space<semaphore_mem>>)
    %scan3A = arith.constant 0 : i32
    %scan3A_78 = arith.constant 0 : i32
    %scan3A_79 = arith.constant 4 : i32
    %scan3A_80 = arith.addi %scan3A_78, %scan3A_79 : i32
    %scan3A_81 = arith.constant 1 : i32
    scf.for %scan3A_247 = %scan3A_78 to %scan3A_80 step %scan3A_81  : i32 {
      %rem3A_248 = arith.constant 2 : i32
      %rem3A_249 = arith.remsi %scan3A_247, %rem3A_248 : i32
      %mul3A_250 = arith.constant 20480 : i32
      %mul3A_251 = arith.muli %rem3A_249, %mul3A_250 : i32
      %mul3A_252 = arith.constant 5 : i32
      %mul3A_253 = arith.muli %scan3A_247, %mul3A_252 : i32
      %add3A_254 = arith.addi %mul3A_8, %mul3A_253 : i32
      %add3A_255 = arith.constant 0 : i32
      %add3A_256 = arith.addi %add3A_254, %add3A_255 : i32
      %mul3A_257 = arith.constant 20480 : i32
      %mul3A_258 = arith.muli %rem3A_249, %mul3A_257 : i32
      %add3A_259 = arith.constant 0 : i32
      %add3A_260 = arith.addi %mul3A_258, %add3A_259 : i32
      %dma_wait3A_261 = tpu.memref_slice %arg4[%add3A_260] : memref<40960xf32, #tpu.memory_space<vmem>> -> memref<4096xf32, #tpu.memory_space<vmem>>
      %dma_wait3A_262 = arith.constant 0 : i32
      %dma_wait3A_263 = tpu.memref_slice %arg2[%add3A_256, %dma_wait3A_262] : memref<1024x4096xf32, #tpu.memory_space<hbm>> -> memref<1x4096xf32, #tpu.memory_space<hbm>>
      %dma_wait3A_264 = tpu.memref_squeeze %dma_wait3A_263 : memref<1x4096xf32, #tpu.memory_space<hbm>> -> memref<4096xf32, #tpu.memory_space<hbm>>
      %dma_wait3A_265 = tpu.memref_slice %arg4[%add3A_260] : memref<40960xf32, #tpu.memory_space<vmem>> -> memref<4096xf32, #tpu.memory_space<vmem>>
      %dma_wait3A_266 = arith.constant 0 : i32
      %dma_wait3A_267 = tpu.memref_slice %arg2[%add3A_256, %dma_wait3A_266] : memref<1024x4096xf32, #tpu.memory_space<hbm>> -> memref<1x4096xf32, #tpu.memory_space<hbm>>
      %dma_wait3A_268 = tpu.memref_squeeze %dma_wait3A_267 : memref<1x4096xf32, #tpu.memory_space<hbm>> -> memref<4096xf32, #tpu.memory_space<hbm>>
      tpu.wait_dma2 semaphore(%arg8 : memref<!tpu.dma_semaphore, #tpu.memory_space<semaphore_mem>>) src(%dma_wait3A_268 : memref<4096xf32, #tpu.memory_space<hbm>>) dst(%dma_wait3A_265 : memref<4096xf32, #tpu.memory_space<vmem>>)
      %mul3A_269 = arith.constant 5 : i32
      %mul3A_270 = arith.muli %scan3A_247, %mul3A_269 : i32
      %add3A_271 = arith.addi %mul3A_8, %mul3A_270 : i32
      %add3A_272 = arith.constant 1 : i32
      %add3A_273 = arith.addi %add3A_271, %add3A_272 : i32
      %mul3A_274 = arith.constant 20480 : i32
      %mul3A_275 = arith.muli %rem3A_249, %mul3A_274 : i32
      %add3A_276 = arith.constant 4096 : i32
      %add3A_277 = arith.addi %mul3A_275, %add3A_276 : i32
      %dma_wait3A_278 = tpu.memref_slice %arg4[%add3A_277] : memref<40960xf32, #tpu.memory_space<vmem>> -> memref<4096xf32, #tpu.memory_space<vmem>>
      %dma_wait3A_279 = arith.constant 0 : i32
      %dma_wait3A_280 = tpu.memref_slice %arg2[%add3A_273, %dma_wait3A_279] : memref<1024x4096xf32, #tpu.memory_space<hbm>> -> memref<1x4096xf32, #tpu.memory_space<hbm>>
      %dma_wait3A_281 = tpu.memref_squeeze %dma_wait3A_280 : memref<1x4096xf32, #tpu.memory_space<hbm>> -> memref<4096xf32, #tpu.memory_space<hbm>>
      %dma_wait3A_282 = tpu.memref_slice %arg4[%add3A_277] : memref<40960xf32, #tpu.memory_space<vmem>> -> memref<4096xf32, #tpu.memory_space<vmem>>
      %dma_wait3A_283 = arith.constant 0 : i32
      %dma_wait3A_284 = tpu.memref_slice %arg2[%add3A_273, %dma_wait3A_283] : memref<1024x4096xf32, #tpu.memory_space<hbm>> -> memref<1x4096xf32, #tpu.memory_space<hbm>>
      %dma_wait3A_285 = tpu.memref_squeeze %dma_wait3A_284 : memref<1x4096xf32, #tpu.memory_space<hbm>> -> memref<4096xf32, #tpu.memory_space<hbm>>
      tpu.wait_dma2 semaphore(%arg8 : memref<!tpu.dma_semaphore, #tpu.memory_space<semaphore_mem>>) src(%dma_wait3A_285 : memref<4096xf32, #tpu.memory_space<hbm>>) dst(%dma_wait3A_282 : memref<4096xf32, #tpu.memory_space<vmem>>)
      %mul3A_286 = arith.constant 5 : i32
      %mul3A_287 = arith.muli %scan3A_247, %mul3A_286 : i32
      %add3A_288 = arith.addi %mul3A_8, %mul3A_287 : i32
      %add3A_289 = arith.constant 2 : i32
      %add3A_290 = arith.addi %add3A_288, %add3A_289 : i32
      %mul3A_291 = arith.constant 20480 : i32
      %mul3A_292 = arith.muli %rem3A_249, %mul3A_291 : i32
      %add3A_293 = arith.constant 8192 : i32
      %add3A_294 = arith.addi %mul3A_292, %add3A_293 : i32
      %dma_wait3A_295 = tpu.memref_slice %arg4[%add3A_294] : memref<40960xf32, #tpu.memory_space<vmem>> -> memref<4096xf32, #tpu.memory_space<vmem>>
      %dma_wait3A_296 = arith.constant 0 : i32
      %dma_wait3A_297 = tpu.memref_slice %arg2[%add3A_290, %dma_wait3A_296] : memref<1024x4096xf32, #tpu.memory_space<hbm>> -> memref<1x4096xf32, #tpu.memory_space<hbm>>
      %dma_wait3A_298 = tpu.memref_squeeze %dma_wait3A_297 : memref<1x4096xf32, #tpu.memory_space<hbm>> -> memref<4096xf32, #tpu.memory_space<hbm>>
      %dma_wait3A_299 = tpu.memref_slice %arg4[%add3A_294] : memref<40960xf32, #tpu.memory_space<vmem>> -> memref<4096xf32, #tpu.memory_space<vmem>>
      %dma_wait3A_300 = arith.constant 0 : i32
      %dma_wait3A_301 = tpu.memref_slice %arg2[%add3A_290, %dma_wait3A_300] : memref<1024x4096xf32, #tpu.memory_space<hbm>> -> memref<1x4096xf32, #tpu.memory_space<hbm>>
      %dma_wait3A_302 = tpu.memref_squeeze %dma_wait3A_301 : memref<1x4096xf32, #tpu.memory_space<hbm>> -> memref<4096xf32, #tpu.memory_space<hbm>>
      tpu.wait_dma2 semaphore(%arg8 : memref<!tpu.dma_semaphore, #tpu.memory_space<semaphore_mem>>) src(%dma_wait3A_302 : memref<4096xf32, #tpu.memory_space<hbm>>) dst(%dma_wait3A_299 : memref<4096xf32, #tpu.memory_space<vmem>>)
      %mul3A_303 = arith.constant 5 : i32
      %mul3A_304 = arith.muli %scan3A_247, %mul3A_303 : i32
      %add3A_305 = arith.addi %mul3A_8, %mul3A_304 : i32
      %add3A_306 = arith.constant 3 : i32
      %add3A_307 = arith.addi %add3A_305, %add3A_306 : i32
      %mul3A_308 = arith.constant 20480 : i32
      %mul3A_309 = arith.muli %rem3A_249, %mul3A_308 : i32
      %add3A_310 = arith.constant 12288 : i32
      %add3A_311 = arith.addi %mul3A_309, %add3A_310 : i32
      %dma_wait3A_312 = tpu.memref_slice %arg4[%add3A_311] : memref<40960xf32, #tpu.memory_space<vmem>> -> memref<4096xf32, #tpu.memory_space<vmem>>
      %dma_wait3A_313 = arith.constant 0 : i32
      %dma_wait3A_314 = tpu.memref_slice %arg2[%add3A_307, %dma_wait3A_313] : memref<1024x4096xf32, #tpu.memory_space<hbm>> -> memref<1x4096xf32, #tpu.memory_space<hbm>>
      %dma_wait3A_315 = tpu.memref_squeeze %dma_wait3A_314 : memref<1x4096xf32, #tpu.memory_space<hbm>> -> memref<4096xf32, #tpu.memory_space<hbm>>
      %dma_wait3A_316 = tpu.memref_slice %arg4[%add3A_311] : memref<40960xf32, #tpu.memory_space<vmem>> -> memref<4096xf32, #tpu.memory_space<vmem>>
      %dma_wait3A_317 = arith.constant 0 : i32
      %dma_wait3A_318 = tpu.memref_slice %arg2[%add3A_307, %dma_wait3A_317] : memref<1024x4096xf32, #tpu.memory_space<hbm>> -> memref<1x4096xf32, #tpu.memory_space<hbm>>
      %dma_wait3A_319 = tpu.memref_squeeze %dma_wait3A_318 : memref<1x4096xf32, #tpu.memory_space<hbm>> -> memref<4096xf32, #tpu.memory_space<hbm>>
      tpu.wait_dma2 semaphore(%arg8 : memref<!tpu.dma_semaphore, #tpu.memory_space<semaphore_mem>>) src(%dma_wait3A_319 : memref<4096xf32, #tpu.memory_space<hbm>>) dst(%dma_wait3A_316 : memref<4096xf32, #tpu.memory_space<vmem>>)
      %mul3A_320 = arith.constant 5 : i32
      %mul3A_321 = arith.muli %scan3A_247, %mul3A_320 : i32
      %add3A_322 = arith.addi %mul3A_8, %mul3A_321 : i32
      %add3A_323 = arith.constant 4 : i32
      %add3A_324 = arith.addi %add3A_322, %add3A_323 : i32
      %mul3A_325 = arith.constant 20480 : i32
      %mul3A_326 = arith.muli %rem3A_249, %mul3A_325 : i32
      %add3A_327 = arith.constant 16384 : i32
      %add3A_328 = arith.addi %mul3A_326, %add3A_327 : i32
      %dma_wait3A_329 = tpu.memref_slice %arg4[%add3A_328] : memref<40960xf32, #tpu.memory_space<vmem>> -> memref<4096xf32, #tpu.memory_space<vmem>>
      %dma_wait3A_330 = arith.constant 0 : i32
      %dma_wait3A_331 = tpu.memref_slice %arg2[%add3A_324, %dma_wait3A_330] : memref<1024x4096xf32, #tpu.memory_space<hbm>> -> memref<1x4096xf32, #tpu.memory_space<hbm>>
      %dma_wait3A_332 = tpu.memref_squeeze %dma_wait3A_331 : memref<1x4096xf32, #tpu.memory_space<hbm>> -> memref<4096xf32, #tpu.memory_space<hbm>>
      %dma_wait3A_333 = tpu.memref_slice %arg4[%add3A_328] : memref<40960xf32, #tpu.memory_space<vmem>> -> memref<4096xf32, #tpu.memory_space<vmem>>
      %dma_wait3A_334 = arith.constant 0 : i32
      %dma_wait3A_335 = tpu.memref_slice %arg2[%add3A_324, %dma_wait3A_334] : memref<1024x4096xf32, #tpu.memory_space<hbm>> -> memref<1x4096xf32, #tpu.memory_space<hbm>>
      %dma_wait3A_336 = tpu.memref_squeeze %dma_wait3A_335 : memref<1x4096xf32, #tpu.memory_space<hbm>> -> memref<4096xf32, #tpu.memory_space<hbm>>
      tpu.wait_dma2 semaphore(%arg8 : memref<!tpu.dma_semaphore, #tpu.memory_space<semaphore_mem>>) src(%dma_wait3A_336 : memref<4096xf32, #tpu.memory_space<hbm>>) dst(%dma_wait3A_333 : memref<4096xf32, #tpu.memory_space<vmem>>)
      %add3A_337 = arith.constant 1 : i32
      %add3A_338 = arith.addi %scan3A_247, %add3A_337 : i32
      %lt3A = arith.constant 4 : i32
      %lt3A_339 = arith.cmpi slt, %add3A_338, %lt3A : i32
      %convert_element_type3A = arith.extui %lt3A_339 : i1 to i32
      %cond3A = arith.constant 0 : i32
      %cond3A_340 = arith.cmpi ne, %convert_element_type3A, %cond3A : i32
      scf.if %cond3A_340 {
        %add3A_436 = arith.constant 1 : i32
        %add3A_437 = arith.addi %scan3A_247, %add3A_436 : i32
        %sub3A = arith.constant 1 : i32
        %sub3A_438 = arith.subi %sub3A, %rem3A_249 : i32
        %mul3A_439 = arith.constant 5 : i32
        %mul3A_440 = arith.muli %add3A_437, %mul3A_439 : i32
        %add3A_441 = arith.addi %mul3A_8, %mul3A_440 : i32
        %add3A_442 = arith.constant 0 : i32
        %add3A_443 = arith.addi %add3A_441, %add3A_442 : i32
        %mul3A_444 = arith.constant 20480 : i32
        %mul3A_445 = arith.muli %sub3A_438, %mul3A_444 : i32
        %add3A_446 = arith.constant 0 : i32
        %add3A_447 = arith.addi %mul3A_445, %add3A_446 : i32
        %dma_start3A_448 = tpu.memref_slice %arg4[%add3A_447] : memref<40960xf32, #tpu.memory_space<vmem>> -> memref<4096xf32, #tpu.memory_space<vmem>>
        %dma_start3A_449 = arith.constant 0 : i32
        %dma_start3A_450 = tpu.memref_slice %arg2[%add3A_443, %dma_start3A_449] : memref<1024x4096xf32, #tpu.memory_space<hbm>> -> memref<1x4096xf32, #tpu.memory_space<hbm>>
        %dma_start3A_451 = tpu.memref_squeeze %dma_start3A_450 : memref<1x4096xf32, #tpu.memory_space<hbm>> -> memref<4096xf32, #tpu.memory_space<hbm>>
        %dma_start3A_452 = tpu.memref_slice %arg4[%add3A_447] : memref<40960xf32, #tpu.memory_space<vmem>> -> memref<4096xf32, #tpu.memory_space<vmem>>
        %dma_start3A_453 = arith.constant 0 : i32
        %dma_start3A_454 = tpu.memref_slice %arg2[%add3A_443, %dma_start3A_453] : memref<1024x4096xf32, #tpu.memory_space<hbm>> -> memref<1x4096xf32, #tpu.memory_space<hbm>>
        %dma_start3A_455 = tpu.memref_squeeze %dma_start3A_454 : memref<1x4096xf32, #tpu.memory_space<hbm>> -> memref<4096xf32, #tpu.memory_space<hbm>>
        tpu.enqueue_dma source(%dma_start3A_455 : memref<4096xf32, #tpu.memory_space<hbm>>) target(%dma_start3A_452 : memref<4096xf32, #tpu.memory_space<vmem>>) target_semaphore(%arg8 : memref<!tpu.dma_semaphore, #tpu.memory_space<semaphore_mem>>)
        %mul3A_456 = arith.constant 5 : i32
        %mul3A_457 = arith.muli %add3A_437, %mul3A_456 : i32
        %add3A_458 = arith.addi %mul3A_8, %mul3A_457 : i32
        %add3A_459 = arith.constant 1 : i32
        %add3A_460 = arith.addi %add3A_458, %add3A_459 : i32
        %mul3A_461 = arith.constant 20480 : i32
        %mul3A_462 = arith.muli %sub3A_438, %mul3A_461 : i32
        %add3A_463 = arith.constant 4096 : i32
        %add3A_464 = arith.addi %mul3A_462, %add3A_463 : i32
        %dma_start3A_465 = tpu.memref_slice %arg4[%add3A_464] : memref<40960xf32, #tpu.memory_space<vmem>> -> memref<4096xf32, #tpu.memory_space<vmem>>
        %dma_start3A_466 = arith.constant 0 : i32
        %dma_start3A_467 = tpu.memref_slice %arg2[%add3A_460, %dma_start3A_466] : memref<1024x4096xf32, #tpu.memory_space<hbm>> -> memref<1x4096xf32, #tpu.memory_space<hbm>>
        %dma_start3A_468 = tpu.memref_squeeze %dma_start3A_467 : memref<1x4096xf32, #tpu.memory_space<hbm>> -> memref<4096xf32, #tpu.memory_space<hbm>>
        %dma_start3A_469 = tpu.memref_slice %arg4[%add3A_464] : memref<40960xf32, #tpu.memory_space<vmem>> -> memref<4096xf32, #tpu.memory_space<vmem>>
        %dma_start3A_470 = arith.constant 0 : i32
        %dma_start3A_471 = tpu.memref_slice %arg2[%add3A_460, %dma_start3A_470] : memref<1024x4096xf32, #tpu.memory_space<hbm>> -> memref<1x4096xf32, #tpu.memory_space<hbm>>
        %dma_start3A_472 = tpu.memref_squeeze %dma_start3A_471 : memref<1x4096xf32, #tpu.memory_space<hbm>> -> memref<4096xf32, #tpu.memory_space<hbm>>
        tpu.enqueue_dma source(%dma_start3A_472 : memref<4096xf32, #tpu.memory_space<hbm>>) target(%dma_start3A_469 : memref<4096xf32, #tpu.memory_space<vmem>>) target_semaphore(%arg8 : memref<!tpu.dma_semaphore, #tpu.memory_space<semaphore_mem>>)
        %mul3A_473 = arith.constant 5 : i32
        %mul3A_474 = arith.muli %add3A_437, %mul3A_473 : i32
        %add3A_475 = arith.addi %mul3A_8, %mul3A_474 : i32
        %add3A_476 = arith.constant 2 : i32
        %add3A_477 = arith.addi %add3A_475, %add3A_476 : i32
        %mul3A_478 = arith.constant 20480 : i32
        %mul3A_479 = arith.muli %sub3A_438, %mul3A_478 : i32
        %add3A_480 = arith.constant 8192 : i32
        %add3A_481 = arith.addi %mul3A_479, %add3A_480 : i32
        %dma_start3A_482 = tpu.memref_slice %arg4[%add3A_481] : memref<40960xf32, #tpu.memory_space<vmem>> -> memref<4096xf32, #tpu.memory_space<vmem>>
        %dma_start3A_483 = arith.constant 0 : i32
        %dma_start3A_484 = tpu.memref_slice %arg2[%add3A_477, %dma_start3A_483] : memref<1024x4096xf32, #tpu.memory_space<hbm>> -> memref<1x4096xf32, #tpu.memory_space<hbm>>
        %dma_start3A_485 = tpu.memref_squeeze %dma_start3A_484 : memref<1x4096xf32, #tpu.memory_space<hbm>> -> memref<4096xf32, #tpu.memory_space<hbm>>
        %dma_start3A_486 = tpu.memref_slice %arg4[%add3A_481] : memref<40960xf32, #tpu.memory_space<vmem>> -> memref<4096xf32, #tpu.memory_space<vmem>>
        %dma_start3A_487 = arith.constant 0 : i32
        %dma_start3A_488 = tpu.memref_slice %arg2[%add3A_477, %dma_start3A_487] : memref<1024x4096xf32, #tpu.memory_space<hbm>> -> memref<1x4096xf32, #tpu.memory_space<hbm>>
        %dma_start3A_489 = tpu.memref_squeeze %dma_start3A_488 : memref<1x4096xf32, #tpu.memory_space<hbm>> -> memref<4096xf32, #tpu.memory_space<hbm>>
        tpu.enqueue_dma source(%dma_start3A_489 : memref<4096xf32, #tpu.memory_space<hbm>>) target(%dma_start3A_486 : memref<4096xf32, #tpu.memory_space<vmem>>) target_semaphore(%arg8 : memref<!tpu.dma_semaphore, #tpu.memory_space<semaphore_mem>>)
        %mul3A_490 = arith.constant 5 : i32
        %mul3A_491 = arith.muli %add3A_437, %mul3A_490 : i32
        %add3A_492 = arith.addi %mul3A_8, %mul3A_491 : i32
        %add3A_493 = arith.constant 3 : i32
        %add3A_494 = arith.addi %add3A_492, %add3A_493 : i32
        %mul3A_495 = arith.constant 20480 : i32
        %mul3A_496 = arith.muli %sub3A_438, %mul3A_495 : i32
        %add3A_497 = arith.constant 12288 : i32
        %add3A_498 = arith.addi %mul3A_496, %add3A_497 : i32
        %dma_start3A_499 = tpu.memref_slice %arg4[%add3A_498] : memref<40960xf32, #tpu.memory_space<vmem>> -> memref<4096xf32, #tpu.memory_space<vmem>>
        %dma_start3A_500 = arith.constant 0 : i32
        %dma_start3A_501 = tpu.memref_slice %arg2[%add3A_494, %dma_start3A_500] : memref<1024x4096xf32, #tpu.memory_space<hbm>> -> memref<1x4096xf32, #tpu.memory_space<hbm>>
        %dma_start3A_502 = tpu.memref_squeeze %dma_start3A_501 : memref<1x4096xf32, #tpu.memory_space<hbm>> -> memref<4096xf32, #tpu.memory_space<hbm>>
        %dma_start3A_503 = tpu.memref_slice %arg4[%add3A_498] : memref<40960xf32, #tpu.memory_space<vmem>> -> memref<4096xf32, #tpu.memory_space<vmem>>
        %dma_start3A_504 = arith.constant 0 : i32
        %dma_start3A_505 = tpu.memref_slice %arg2[%add3A_494, %dma_start3A_504] : memref<1024x4096xf32, #tpu.memory_space<hbm>> -> memref<1x4096xf32, #tpu.memory_space<hbm>>
        %dma_start3A_506 = tpu.memref_squeeze %dma_start3A_505 : memref<1x4096xf32, #tpu.memory_space<hbm>> -> memref<4096xf32, #tpu.memory_space<hbm>>
        tpu.enqueue_dma source(%dma_start3A_506 : memref<4096xf32, #tpu.memory_space<hbm>>) target(%dma_start3A_503 : memref<4096xf32, #tpu.memory_space<vmem>>) target_semaphore(%arg8 : memref<!tpu.dma_semaphore, #tpu.memory_space<semaphore_mem>>)
        %mul3A_507 = arith.constant 5 : i32
        %mul3A_508 = arith.muli %add3A_437, %mul3A_507 : i32
        %add3A_509 = arith.addi %mul3A_8, %mul3A_508 : i32
        %add3A_510 = arith.constant 4 : i32
        %add3A_511 = arith.addi %add3A_509, %add3A_510 : i32
        %mul3A_512 = arith.constant 20480 : i32
        %mul3A_513 = arith.muli %sub3A_438, %mul3A_512 : i32
        %add3A_514 = arith.constant 16384 : i32
        %add3A_515 = arith.addi %mul3A_513, %add3A_514 : i32
        %dma_start3A_516 = tpu.memref_slice %arg4[%add3A_515] : memref<40960xf32, #tpu.memory_space<vmem>> -> memref<4096xf32, #tpu.memory_space<vmem>>
        %dma_start3A_517 = arith.constant 0 : i32
        %dma_start3A_518 = tpu.memref_slice %arg2[%add3A_511, %dma_start3A_517] : memref<1024x4096xf32, #tpu.memory_space<hbm>> -> memref<1x4096xf32, #tpu.memory_space<hbm>>
        %dma_start3A_519 = tpu.memref_squeeze %dma_start3A_518 : memref<1x4096xf32, #tpu.memory_space<hbm>> -> memref<4096xf32, #tpu.memory_space<hbm>>
        %dma_start3A_520 = tpu.memref_slice %arg4[%add3A_515] : memref<40960xf32, #tpu.memory_space<vmem>> -> memref<4096xf32, #tpu.memory_space<vmem>>
        %dma_start3A_521 = arith.constant 0 : i32
        %dma_start3A_522 = tpu.memref_slice %arg2[%add3A_511, %dma_start3A_521] : memref<1024x4096xf32, #tpu.memory_space<hbm>> -> memref<1x4096xf32, #tpu.memory_space<hbm>>
        %dma_start3A_523 = tpu.memref_squeeze %dma_start3A_522 : memref<1x4096xf32, #tpu.memory_space<hbm>> -> memref<4096xf32, #tpu.memory_space<hbm>>
        tpu.enqueue_dma source(%dma_start3A_523 : memref<4096xf32, #tpu.memory_space<hbm>>) target(%dma_start3A_520 : memref<4096xf32, #tpu.memory_space<vmem>>) target_semaphore(%arg8 : memref<!tpu.dma_semaphore, #tpu.memory_space<semaphore_mem>>)
      } else {
      }
      %ge3A = arith.constant 2 : i32
      %ge3A_341 = arith.cmpi sge, %scan3A_247, %ge3A : i32
      %convert_element_type3A_342 = arith.extui %ge3A_341 : i1 to i32
      %cond3A_343 = arith.constant 0 : i32
      %cond3A_344 = arith.cmpi ne, %convert_element_type3A_342, %cond3A_343 : i32
      scf.if %cond3A_344 {
        %sub3A = arith.constant 2 : i32
        %sub3A_436 = arith.subi %scan3A_247, %sub3A : i32
        %mul3A_437 = arith.constant 20480 : i32
        %mul3A_438 = arith.muli %rem3A_249, %mul3A_437 : i32
        %add3A_439 = arith.constant 0 : i32
        %add3A_440 = arith.addi %mul3A_438, %add3A_439 : i32
        %mul3A_441 = arith.constant 5 : i32
        %mul3A_442 = arith.muli %sub3A_436, %mul3A_441 : i32
        %add3A_443 = arith.addi %mul3A_8, %mul3A_442 : i32
        %add3A_444 = arith.constant 0 : i32
        %add3A_445 = arith.addi %add3A_443, %add3A_444 : i32
        %dma_wait3A_446 = tpu.memref_slice %arg5[%add3A_440] : memref<40960xf32, #tpu.memory_space<vmem>> -> memref<4096xf32, #tpu.memory_space<vmem>>
        %dma_wait3A_447 = arith.constant 0 : i32
        %dma_wait3A_448 = tpu.memref_slice %arg3[%add3A_445, %dma_wait3A_447] : memref<640x4096xf32, #tpu.memory_space<hbm>> -> memref<1x4096xf32, #tpu.memory_space<hbm>>
        %dma_wait3A_449 = tpu.memref_squeeze %dma_wait3A_448 : memref<1x4096xf32, #tpu.memory_space<hbm>> -> memref<4096xf32, #tpu.memory_space<hbm>>
        %dma_wait3A_450 = arith.constant 0 : i32
        %dma_wait3A_451 = tpu.memref_slice %arg3[%add3A_445, %dma_wait3A_450] : memref<640x4096xf32, #tpu.memory_space<hbm>> -> memref<1x4096xf32, #tpu.memory_space<hbm>>
        %dma_wait3A_452 = tpu.memref_squeeze %dma_wait3A_451 : memref<1x4096xf32, #tpu.memory_space<hbm>> -> memref<4096xf32, #tpu.memory_space<hbm>>
        %dma_wait3A_453 = tpu.memref_slice %arg5[%add3A_440] : memref<40960xf32, #tpu.memory_space<vmem>> -> memref<4096xf32, #tpu.memory_space<vmem>>
        tpu.wait_dma2 semaphore(%arg9 : memref<!tpu.dma_semaphore, #tpu.memory_space<semaphore_mem>>) src(%dma_wait3A_453 : memref<4096xf32, #tpu.memory_space<vmem>>) dst(%dma_wait3A_452 : memref<4096xf32, #tpu.memory_space<hbm>>)
        %mul3A_454 = arith.constant 20480 : i32
        %mul3A_455 = arith.muli %rem3A_249, %mul3A_454 : i32
        %add3A_456 = arith.constant 4096 : i32
        %add3A_457 = arith.addi %mul3A_455, %add3A_456 : i32
        %mul3A_458 = arith.constant 5 : i32
        %mul3A_459 = arith.muli %sub3A_436, %mul3A_458 : i32
        %add3A_460 = arith.addi %mul3A_8, %mul3A_459 : i32
        %add3A_461 = arith.constant 1 : i32
        %add3A_462 = arith.addi %add3A_460, %add3A_461 : i32
        %dma_wait3A_463 = tpu.memref_slice %arg5[%add3A_457] : memref<40960xf32, #tpu.memory_space<vmem>> -> memref<4096xf32, #tpu.memory_space<vmem>>
        %dma_wait3A_464 = arith.constant 0 : i32
        %dma_wait3A_465 = tpu.memref_slice %arg3[%add3A_462, %dma_wait3A_464] : memref<640x4096xf32, #tpu.memory_space<hbm>> -> memref<1x4096xf32, #tpu.memory_space<hbm>>
        %dma_wait3A_466 = tpu.memref_squeeze %dma_wait3A_465 : memref<1x4096xf32, #tpu.memory_space<hbm>> -> memref<4096xf32, #tpu.memory_space<hbm>>
        %dma_wait3A_467 = arith.constant 0 : i32
        %dma_wait3A_468 = tpu.memref_slice %arg3[%add3A_462, %dma_wait3A_467] : memref<640x4096xf32, #tpu.memory_space<hbm>> -> memref<1x4096xf32, #tpu.memory_space<hbm>>
        %dma_wait3A_469 = tpu.memref_squeeze %dma_wait3A_468 : memref<1x4096xf32, #tpu.memory_space<hbm>> -> memref<4096xf32, #tpu.memory_space<hbm>>
        %dma_wait3A_470 = tpu.memref_slice %arg5[%add3A_457] : memref<40960xf32, #tpu.memory_space<vmem>> -> memref<4096xf32, #tpu.memory_space<vmem>>
        tpu.wait_dma2 semaphore(%arg9 : memref<!tpu.dma_semaphore, #tpu.memory_space<semaphore_mem>>) src(%dma_wait3A_470 : memref<4096xf32, #tpu.memory_space<vmem>>) dst(%dma_wait3A_469 : memref<4096xf32, #tpu.memory_space<hbm>>)
        %mul3A_471 = arith.constant 20480 : i32
        %mul3A_472 = arith.muli %rem3A_249, %mul3A_471 : i32
        %add3A_473 = arith.constant 8192 : i32
        %add3A_474 = arith.addi %mul3A_472, %add3A_473 : i32
        %mul3A_475 = arith.constant 5 : i32
        %mul3A_476 = arith.muli %sub3A_436, %mul3A_475 : i32
        %add3A_477 = arith.addi %mul3A_8, %mul3A_476 : i32
        %add3A_478 = arith.constant 2 : i32
        %add3A_479 = arith.addi %add3A_477, %add3A_478 : i32
        %dma_wait3A_480 = tpu.memref_slice %arg5[%add3A_474] : memref<40960xf32, #tpu.memory_space<vmem>> -> memref<4096xf32, #tpu.memory_space<vmem>>
        %dma_wait3A_481 = arith.constant 0 : i32
        %dma_wait3A_482 = tpu.memref_slice %arg3[%add3A_479, %dma_wait3A_481] : memref<640x4096xf32, #tpu.memory_space<hbm>> -> memref<1x4096xf32, #tpu.memory_space<hbm>>
        %dma_wait3A_483 = tpu.memref_squeeze %dma_wait3A_482 : memref<1x4096xf32, #tpu.memory_space<hbm>> -> memref<4096xf32, #tpu.memory_space<hbm>>
        %dma_wait3A_484 = arith.constant 0 : i32
        %dma_wait3A_485 = tpu.memref_slice %arg3[%add3A_479, %dma_wait3A_484] : memref<640x4096xf32, #tpu.memory_space<hbm>> -> memref<1x4096xf32, #tpu.memory_space<hbm>>
        %dma_wait3A_486 = tpu.memref_squeeze %dma_wait3A_485 : memref<1x4096xf32, #tpu.memory_space<hbm>> -> memref<4096xf32, #tpu.memory_space<hbm>>
        %dma_wait3A_487 = tpu.memref_slice %arg5[%add3A_474] : memref<40960xf32, #tpu.memory_space<vmem>> -> memref<4096xf32, #tpu.memory_space<vmem>>
        tpu.wait_dma2 semaphore(%arg9 : memref<!tpu.dma_semaphore, #tpu.memory_space<semaphore_mem>>) src(%dma_wait3A_487 : memref<4096xf32, #tpu.memory_space<vmem>>) dst(%dma_wait3A_486 : memref<4096xf32, #tpu.memory_space<hbm>>)
        %mul3A_488 = arith.constant 20480 : i32
        %mul3A_489 = arith.muli %rem3A_249, %mul3A_488 : i32
        %add3A_490 = arith.constant 12288 : i32
        %add3A_491 = arith.addi %mul3A_489, %add3A_490 : i32
        %mul3A_492 = arith.constant 5 : i32
        %mul3A_493 = arith.muli %sub3A_436, %mul3A_492 : i32
        %add3A_494 = arith.addi %mul3A_8, %mul3A_493 : i32
        %add3A_495 = arith.constant 3 : i32
        %add3A_496 = arith.addi %add3A_494, %add3A_495 : i32
        %dma_wait3A_497 = tpu.memref_slice %arg5[%add3A_491] : memref<40960xf32, #tpu.memory_space<vmem>> -> memref<4096xf32, #tpu.memory_space<vmem>>
        %dma_wait3A_498 = arith.constant 0 : i32
        %dma_wait3A_499 = tpu.memref_slice %arg3[%add3A_496, %dma_wait3A_498] : memref<640x4096xf32, #tpu.memory_space<hbm>> -> memref<1x4096xf32, #tpu.memory_space<hbm>>
        %dma_wait3A_500 = tpu.memref_squeeze %dma_wait3A_499 : memref<1x4096xf32, #tpu.memory_space<hbm>> -> memref<4096xf32, #tpu.memory_space<hbm>>
        %dma_wait3A_501 = arith.constant 0 : i32
        %dma_wait3A_502 = tpu.memref_slice %arg3[%add3A_496, %dma_wait3A_501] : memref<640x4096xf32, #tpu.memory_space<hbm>> -> memref<1x4096xf32, #tpu.memory_space<hbm>>
        %dma_wait3A_503 = tpu.memref_squeeze %dma_wait3A_502 : memref<1x4096xf32, #tpu.memory_space<hbm>> -> memref<4096xf32, #tpu.memory_space<hbm>>
        %dma_wait3A_504 = tpu.memref_slice %arg5[%add3A_491] : memref<40960xf32, #tpu.memory_space<vmem>> -> memref<4096xf32, #tpu.memory_space<vmem>>
        tpu.wait_dma2 semaphore(%arg9 : memref<!tpu.dma_semaphore, #tpu.memory_space<semaphore_mem>>) src(%dma_wait3A_504 : memref<4096xf32, #tpu.memory_space<vmem>>) dst(%dma_wait3A_503 : memref<4096xf32, #tpu.memory_space<hbm>>)
        %mul3A_505 = arith.constant 20480 : i32
        %mul3A_506 = arith.muli %rem3A_249, %mul3A_505 : i32
        %add3A_507 = arith.constant 16384 : i32
        %add3A_508 = arith.addi %mul3A_506, %add3A_507 : i32
        %mul3A_509 = arith.constant 5 : i32
        %mul3A_510 = arith.muli %sub3A_436, %mul3A_509 : i32
        %add3A_511 = arith.addi %mul3A_8, %mul3A_510 : i32
        %add3A_512 = arith.constant 4 : i32
        %add3A_513 = arith.addi %add3A_511, %add3A_512 : i32
        %dma_wait3A_514 = tpu.memref_slice %arg5[%add3A_508] : memref<40960xf32, #tpu.memory_space<vmem>> -> memref<4096xf32, #tpu.memory_space<vmem>>
        %dma_wait3A_515 = arith.constant 0 : i32
        %dma_wait3A_516 = tpu.memref_slice %arg3[%add3A_513, %dma_wait3A_515] : memref<640x4096xf32, #tpu.memory_space<hbm>> -> memref<1x4096xf32, #tpu.memory_space<hbm>>
        %dma_wait3A_517 = tpu.memref_squeeze %dma_wait3A_516 : memref<1x4096xf32, #tpu.memory_space<hbm>> -> memref<4096xf32, #tpu.memory_space<hbm>>
        %dma_wait3A_518 = arith.constant 0 : i32
        %dma_wait3A_519 = tpu.memref_slice %arg3[%add3A_513, %dma_wait3A_518] : memref<640x4096xf32, #tpu.memory_space<hbm>> -> memref<1x4096xf32, #tpu.memory_space<hbm>>
        %dma_wait3A_520 = tpu.memref_squeeze %dma_wait3A_519 : memref<1x4096xf32, #tpu.memory_space<hbm>> -> memref<4096xf32, #tpu.memory_space<hbm>>
        %dma_wait3A_521 = tpu.memref_slice %arg5[%add3A_508] : memref<40960xf32, #tpu.memory_space<vmem>> -> memref<4096xf32, #tpu.memory_space<vmem>>
        tpu.wait_dma2 semaphore(%arg9 : memref<!tpu.dma_semaphore, #tpu.memory_space<semaphore_mem>>) src(%dma_wait3A_521 : memref<4096xf32, #tpu.memory_space<vmem>>) dst(%dma_wait3A_520 : memref<4096xf32, #tpu.memory_space<hbm>>)
      } else {
      }
      %scan3A_345 = arith.constant 0 : i32
      %scan3A_346 = arith.constant 0 : i32
      %scan3A_347 = arith.constant 5 : i32
      %scan3A_348 = arith.addi %scan3A_346, %scan3A_347 : i32
      %scan3A_349 = arith.constant 1 : i32
      scf.for %scan3A_436 = %scan3A_346 to %scan3A_348 step %scan3A_349  : i32 {
        %mul3A_437 = arith.constant 4096 : i32
        %mul3A_438 = arith.muli %scan3A_436, %mul3A_437 : i32
        %add3A_439 = arith.addi %mul3A_251, %mul3A_438 : i32
        %add3A_440 = arith.constant 0 : i32
        %add3A_441 = arith.addi %add3A_439, %add3A_440 : i32
        %add3A_442 = vector.broadcast %add3A_441 : i32 to vector<16xi32>
        %add3A_443 = arith.addi %mul3A_3, %add3A_442 : vector<16xi32>
        %add3A_444 = arith.constant 0 : i32
        %add3A_445 = vector.broadcast %add3A_444 : i32 to vector<16xi32>
        %add3A_446 = arith.addi %add3A_443, %add3A_445 : vector<16xi32>
        %gather3A = tpu.vector_load_idx %arg4[%add3A_446] : memref<40960xf32, #tpu.memory_space<vmem>>[vector<16xi32>], vector<16xf32>,
        %add3A_447 = arith.constant 1 : i32
        %add3A_448 = vector.broadcast %add3A_447 : i32 to vector<16xi32>
        %add3A_449 = arith.addi %add3A_443, %add3A_448 : vector<16xi32>
        %gather3A_450 = tpu.vector_load_idx %arg4[%add3A_449] : memref<40960xf32, #tpu.memory_space<vmem>>[vector<16xi32>], vector<16xf32>,
        %add3A_451 = arith.constant 2 : i32
        %add3A_452 = vector.broadcast %add3A_451 : i32 to vector<16xi32>
        %add3A_453 = arith.addi %add3A_443, %add3A_452 : vector<16xi32>
        %gather3A_454 = tpu.vector_load_idx %arg4[%add3A_453] : memref<40960xf32, #tpu.memory_space<vmem>>[vector<16xi32>], vector<16xf32>,
        %add3A_455 = arith.constant 3 : i32
        %add3A_456 = vector.broadcast %add3A_455 : i32 to vector<16xi32>
        %add3A_457 = arith.addi %add3A_443, %add3A_456 : vector<16xi32>
        %gather3A_458 = tpu.vector_load_idx %arg4[%add3A_457] : memref<40960xf32, #tpu.memory_space<vmem>>[vector<16xi32>], vector<16xf32>,
        %add3A_459 = arith.constant 4 : i32
        %add3A_460 = vector.broadcast %add3A_459 : i32 to vector<16xi32>
        %add3A_461 = arith.addi %add3A_443, %add3A_460 : vector<16xi32>
        %gather3A_462 = tpu.vector_load_idx %arg4[%add3A_461] : memref<40960xf32, #tpu.memory_space<vmem>>[vector<16xi32>], vector<16xf32>,
        %add3A_463 = arith.constant 5 : i32
        %add3A_464 = vector.broadcast %add3A_463 : i32 to vector<16xi32>
        %add3A_465 = arith.addi %add3A_443, %add3A_464 : vector<16xi32>
        %gather3A_466 = tpu.vector_load_idx %arg4[%add3A_465] : memref<40960xf32, #tpu.memory_space<vmem>>[vector<16xi32>], vector<16xf32>,
        %add3A_467 = arith.constant 6 : i32
        %add3A_468 = vector.broadcast %add3A_467 : i32 to vector<16xi32>
        %add3A_469 = arith.addi %add3A_443, %add3A_468 : vector<16xi32>
        %gather3A_470 = tpu.vector_load_idx %arg4[%add3A_469] : memref<40960xf32, #tpu.memory_space<vmem>>[vector<16xi32>], vector<16xf32>,
        %add3A_471 = arith.constant 7 : i32
        %add3A_472 = vector.broadcast %add3A_471 : i32 to vector<16xi32>
        %add3A_473 = arith.addi %add3A_443, %add3A_472 : vector<16xi32>
        %gather3A_474 = tpu.vector_load_idx %arg4[%add3A_473] : memref<40960xf32, #tpu.memory_space<vmem>>[vector<16xi32>], vector<16xf32>,
        %min3A = arith.minimumf %gather3A, %gather3A_450 : vector<16xf32>
        %min3A_475 = arith.minimumf %gather3A_454, %gather3A_458 : vector<16xf32>
        %min3A_476 = arith.minimumf %min3A, %min3A_475 : vector<16xf32>
        %min3A_477 = arith.minimumf %gather3A_462, %gather3A_466 : vector<16xf32>
        %min3A_478 = arith.minimumf %gather3A_470, %gather3A_474 : vector<16xf32>
        %min3A_479 = arith.minimumf %min3A_477, %min3A_478 : vector<16xf32>
        %min3A_480 = arith.minimumf %min3A_476, %min3A_479 : vector<16xf32>
        %max3A = arith.maximumf %gather3A, %gather3A_450 : vector<16xf32>
        %max3A_481 = arith.maximumf %gather3A_454, %gather3A_458 : vector<16xf32>
        %max3A_482 = arith.maximumf %max3A, %max3A_481 : vector<16xf32>
        %max3A_483 = arith.maximumf %gather3A_462, %gather3A_466 : vector<16xf32>
        %max3A_484 = arith.maximumf %gather3A_470, %gather3A_474 : vector<16xf32>
        %max3A_485 = arith.maximumf %max3A_483, %max3A_484 : vector<16xf32>
        %max3A_486 = arith.maximumf %max3A_482, %max3A_485 : vector<16xf32>
        %add3A_487 = arith.constant 8 : i32
        %add3A_488 = vector.broadcast %add3A_487 : i32 to vector<16xi32>
        %add3A_489 = arith.addi %add3A_443, %add3A_488 : vector<16xi32>
        %gather3A_490 = tpu.vector_load_idx %arg4[%add3A_489] : memref<40960xf32, #tpu.memory_space<vmem>>[vector<16xi32>], vector<16xf32>,
        %add3A_491 = arith.constant 9 : i32
        %add3A_492 = vector.broadcast %add3A_491 : i32 to vector<16xi32>
        %add3A_493 = arith.addi %add3A_443, %add3A_492 : vector<16xi32>
        %gather3A_494 = tpu.vector_load_idx %arg4[%add3A_493] : memref<40960xf32, #tpu.memory_space<vmem>>[vector<16xi32>], vector<16xf32>,
        %add3A_495 = arith.constant 10 : i32
        %add3A_496 = vector.broadcast %add3A_495 : i32 to vector<16xi32>
        %add3A_497 = arith.addi %add3A_443, %add3A_496 : vector<16xi32>
        %gather3A_498 = tpu.vector_load_idx %arg4[%add3A_497] : memref<40960xf32, #tpu.memory_space<vmem>>[vector<16xi32>], vector<16xf32>,
        %add3A_499 = arith.constant 11 : i32
        %add3A_500 = vector.broadcast %add3A_499 : i32 to vector<16xi32>
        %add3A_501 = arith.addi %add3A_443, %add3A_500 : vector<16xi32>
        %gather3A_502 = tpu.vector_load_idx %arg4[%add3A_501] : memref<40960xf32, #tpu.memory_space<vmem>>[vector<16xi32>], vector<16xf32>,
        %add3A_503 = arith.constant 12 : i32
        %add3A_504 = vector.broadcast %add3A_503 : i32 to vector<16xi32>
        %add3A_505 = arith.addi %add3A_443, %add3A_504 : vector<16xi32>
        %gather3A_506 = tpu.vector_load_idx %arg4[%add3A_505] : memref<40960xf32, #tpu.memory_space<vmem>>[vector<16xi32>], vector<16xf32>,
        %add3A_507 = arith.constant 13 : i32
        %add3A_508 = vector.broadcast %add3A_507 : i32 to vector<16xi32>
        %add3A_509 = arith.addi %add3A_443, %add3A_508 : vector<16xi32>
        %gather3A_510 = tpu.vector_load_idx %arg4[%add3A_509] : memref<40960xf32, #tpu.memory_space<vmem>>[vector<16xi32>], vector<16xf32>,
        %add3A_511 = arith.constant 14 : i32
        %add3A_512 = vector.broadcast %add3A_511 : i32 to vector<16xi32>
        %add3A_513 = arith.addi %add3A_443, %add3A_512 : vector<16xi32>
        %gather3A_514 = tpu.vector_load_idx %arg4[%add3A_513] : memref<40960xf32, #tpu.memory_space<vmem>>[vector<16xi32>], vector<16xf32>,
        %add3A_515 = arith.constant 15 : i32
        %add3A_516 = vector.broadcast %add3A_515 : i32 to vector<16xi32>
        %add3A_517 = arith.addi %add3A_443, %add3A_516 : vector<16xi32>
        %gather3A_518 = tpu.vector_load_idx %arg4[%add3A_517] : memref<40960xf32, #tpu.memory_space<vmem>>[vector<16xi32>], vector<16xf32>,
        %min3A_519 = arith.minimumf %gather3A_490, %gather3A_494 : vector<16xf32>
        %min3A_520 = arith.minimumf %gather3A_498, %gather3A_502 : vector<16xf32>
        %min3A_521 = arith.minimumf %min3A_519, %min3A_520 : vector<16xf32>
        %min3A_522 = arith.minimumf %gather3A_506, %gather3A_510 : vector<16xf32>
        %min3A_523 = arith.minimumf %gather3A_514, %gather3A_518 : vector<16xf32>
        %min3A_524 = arith.minimumf %min3A_522, %min3A_523 : vector<16xf32>
        %min3A_525 = arith.minimumf %min3A_521, %min3A_524 : vector<16xf32>
        %max3A_526 = arith.maximumf %gather3A_490, %gather3A_494 : vector<16xf32>
        %max3A_527 = arith.maximumf %gather3A_498, %gather3A_502 : vector<16xf32>
        %max3A_528 = arith.maximumf %max3A_526, %max3A_527 : vector<16xf32>
        %max3A_529 = arith.maximumf %gather3A_506, %gather3A_510 : vector<16xf32>
        %max3A_530 = arith.maximumf %gather3A_514, %gather3A_518 : vector<16xf32>
        %max3A_531 = arith.maximumf %max3A_529, %max3A_530 : vector<16xf32>
        %max3A_532 = arith.maximumf %max3A_528, %max3A_531 : vector<16xf32>
        %min3A_533 = arith.minimumf %min3A_480, %min3A_525 : vector<16xf32>
        %max3A_534 = arith.maximumf %max3A_486, %max3A_532 : vector<16xf32>
        %add3A_535 = arith.constant 16 : i32
        %add3A_536 = vector.broadcast %add3A_535 : i32 to vector<16xi32>
        %add3A_537 = arith.addi %add3A_443, %add3A_536 : vector<16xi32>
        %gather3A_538 = tpu.vector_load_idx %arg4[%add3A_537] : memref<40960xf32, #tpu.memory_space<vmem>>[vector<16xi32>], vector<16xf32>,
        %add3A_539 = arith.constant 17 : i32
        %add3A_540 = vector.broadcast %add3A_539 : i32 to vector<16xi32>
        %add3A_541 = arith.addi %add3A_443, %add3A_540 : vector<16xi32>
        %gather3A_542 = tpu.vector_load_idx %arg4[%add3A_541] : memref<40960xf32, #tpu.memory_space<vmem>>[vector<16xi32>], vector<16xf32>,
        %add3A_543 = arith.constant 18 : i32
        %add3A_544 = vector.broadcast %add3A_543 : i32 to vector<16xi32>
        %add3A_545 = arith.addi %add3A_443, %add3A_544 : vector<16xi32>
        %gather3A_546 = tpu.vector_load_idx %arg4[%add3A_545] : memref<40960xf32, #tpu.memory_space<vmem>>[vector<16xi32>], vector<16xf32>,
        %add3A_547 = arith.constant 19 : i32
        %add3A_548 = vector.broadcast %add3A_547 : i32 to vector<16xi32>
        %add3A_549 = arith.addi %add3A_443, %add3A_548 : vector<16xi32>
        %gather3A_550 = tpu.vector_load_idx %arg4[%add3A_549] : memref<40960xf32, #tpu.memory_space<vmem>>[vector<16xi32>], vector<16xf32>,
        %add3A_551 = arith.constant 20 : i32
        %add3A_552 = vector.broadcast %add3A_551 : i32 to vector<16xi32>
        %add3A_553 = arith.addi %add3A_443, %add3A_552 : vector<16xi32>
        %gather3A_554 = tpu.vector_load_idx %arg4[%add3A_553] : memref<40960xf32, #tpu.memory_space<vmem>>[vector<16xi32>], vector<16xf32>,
        %add3A_555 = arith.constant 21 : i32
        %add3A_556 = vector.broadcast %add3A_555 : i32 to vector<16xi32>
        %add3A_557 = arith.addi %add3A_443, %add3A_556 : vector<16xi32>
        %gather3A_558 = tpu.vector_load_idx %arg4[%add3A_557] : memref<40960xf32, #tpu.memory_space<vmem>>[vector<16xi32>], vector<16xf32>,
        %add3A_559 = arith.constant 22 : i32
        %add3A_560 = vector.broadcast %add3A_559 : i32 to vector<16xi32>
        %add3A_561 = arith.addi %add3A_443, %add3A_560 : vector<16xi32>
        %gather3A_562 = tpu.vector_load_idx %arg4[%add3A_561] : memref<40960xf32, #tpu.memory_space<vmem>>[vector<16xi32>], vector<16xf32>,
        %add3A_563 = arith.constant 23 : i32
        %add3A_564 = vector.broadcast %add3A_563 : i32 to vector<16xi32>
        %add3A_565 = arith.addi %add3A_443, %add3A_564 : vector<16xi32>
        %gather3A_566 = tpu.vector_load_idx %arg4[%add3A_565] : memref<40960xf32, #tpu.memory_space<vmem>>[vector<16xi32>], vector<16xf32>,
        %min3A_567 = arith.minimumf %gather3A_538, %gather3A_542 : vector<16xf32>
        %min3A_568 = arith.minimumf %gather3A_546, %gather3A_550 : vector<16xf32>
        %min3A_569 = arith.minimumf %min3A_567, %min3A_568 : vector<16xf32>
        %min3A_570 = arith.minimumf %gather3A_554, %gather3A_558 : vector<16xf32>
        %min3A_571 = arith.minimumf %gather3A_562, %gather3A_566 : vector<16xf32>
        %min3A_572 = arith.minimumf %min3A_570, %min3A_571 : vector<16xf32>
        %min3A_573 = arith.minimumf %min3A_569, %min3A_572 : vector<16xf32>
        %max3A_574 = arith.maximumf %gather3A_538, %gather3A_542 : vector<16xf32>
        %max3A_575 = arith.maximumf %gather3A_546, %gather3A_550 : vector<16xf32>
        %max3A_576 = arith.maximumf %max3A_574, %max3A_575 : vector<16xf32>
        %max3A_577 = arith.maximumf %gather3A_554, %gather3A_558 : vector<16xf32>
        %max3A_578 = arith.maximumf %gather3A_562, %gather3A_566 : vector<16xf32>
        %max3A_579 = arith.maximumf %max3A_577, %max3A_578 : vector<16xf32>
        %max3A_580 = arith.maximumf %max3A_576, %max3A_579 : vector<16xf32>
        %min3A_581 = arith.minimumf %min3A_533, %min3A_573 : vector<16xf32>
        %max3A_582 = arith.maximumf %max3A_534, %max3A_580 : vector<16xf32>
        %add3A_583 = arith.constant 24 : i32
        %add3A_584 = vector.broadcast %add3A_583 : i32 to vector<16xi32>
        %add3A_585 = arith.addi %add3A_443, %add3A_584 : vector<16xi32>
        %gather3A_586 = tpu.vector_load_idx %arg4[%add3A_585] : memref<40960xf32, #tpu.memory_space<vmem>>[vector<16xi32>], vector<16xf32>,
        %add3A_587 = arith.constant 25 : i32
        %add3A_588 = vector.broadcast %add3A_587 : i32 to vector<16xi32>
        %add3A_589 = arith.addi %add3A_443, %add3A_588 : vector<16xi32>
        %gather3A_590 = tpu.vector_load_idx %arg4[%add3A_589] : memref<40960xf32, #tpu.memory_space<vmem>>[vector<16xi32>], vector<16xf32>,
        %add3A_591 = arith.constant 26 : i32
        %add3A_592 = vector.broadcast %add3A_591 : i32 to vector<16xi32>
        %add3A_593 = arith.addi %add3A_443, %add3A_592 : vector<16xi32>
        %gather3A_594 = tpu.vector_load_idx %arg4[%add3A_593] : memref<40960xf32, #tpu.memory_space<vmem>>[vector<16xi32>], vector<16xf32>,
        %add3A_595 = arith.constant 27 : i32
        %add3A_596 = vector.broadcast %add3A_595 : i32 to vector<16xi32>
        %add3A_597 = arith.addi %add3A_443, %add3A_596 : vector<16xi32>
        %gather3A_598 = tpu.vector_load_idx %arg4[%add3A_597] : memref<40960xf32, #tpu.memory_space<vmem>>[vector<16xi32>], vector<16xf32>,
        %add3A_599 = arith.constant 28 : i32
        %add3A_600 = vector.broadcast %add3A_599 : i32 to vector<16xi32>
        %add3A_601 = arith.addi %add3A_443, %add3A_600 : vector<16xi32>
        %gather3A_602 = tpu.vector_load_idx %arg4[%add3A_601] : memref<40960xf32, #tpu.memory_space<vmem>>[vector<16xi32>], vector<16xf32>,
        %add3A_603 = arith.constant 29 : i32
        %add3A_604 = vector.broadcast %add3A_603 : i32 to vector<16xi32>
        %add3A_605 = arith.addi %add3A_443, %add3A_604 : vector<16xi32>
        %gather3A_606 = tpu.vector_load_idx %arg4[%add3A_605] : memref<40960xf32, #tpu.memory_space<vmem>>[vector<16xi32>], vector<16xf32>,
        %add3A_607 = arith.constant 30 : i32
        %add3A_608 = vector.broadcast %add3A_607 : i32 to vector<16xi32>
        %add3A_609 = arith.addi %add3A_443, %add3A_608 : vector<16xi32>
        %gather3A_610 = tpu.vector_load_idx %arg4[%add3A_609] : memref<40960xf32, #tpu.memory_space<vmem>>[vector<16xi32>], vector<16xf32>,
        %add3A_611 = arith.constant 31 : i32
        %add3A_612 = vector.broadcast %add3A_611 : i32 to vector<16xi32>
        %add3A_613 = arith.addi %add3A_443, %add3A_612 : vector<16xi32>
        %gather3A_614 = tpu.vector_load_idx %arg4[%add3A_613] : memref<40960xf32, #tpu.memory_space<vmem>>[vector<16xi32>], vector<16xf32>,
        %min3A_615 = arith.minimumf %gather3A_586, %gather3A_590 : vector<16xf32>
        %min3A_616 = arith.minimumf %gather3A_594, %gather3A_598 : vector<16xf32>
        %min3A_617 = arith.minimumf %min3A_615, %min3A_616 : vector<16xf32>
        %min3A_618 = arith.minimumf %gather3A_602, %gather3A_606 : vector<16xf32>
        %min3A_619 = arith.minimumf %gather3A_610, %gather3A_614 : vector<16xf32>
        %min3A_620 = arith.minimumf %min3A_618, %min3A_619 : vector<16xf32>
        %min3A_621 = arith.minimumf %min3A_617, %min3A_620 : vector<16xf32>
        %max3A_622 = arith.maximumf %gather3A_586, %gather3A_590 : vector<16xf32>
        %max3A_623 = arith.maximumf %gather3A_594, %gather3A_598 : vector<16xf32>
        %max3A_624 = arith.maximumf %max3A_622, %max3A_623 : vector<16xf32>
        %max3A_625 = arith.maximumf %gather3A_602, %gather3A_606 : vector<16xf32>
        %max3A_626 = arith.maximumf %gather3A_610, %gather3A_614 : vector<16xf32>
        %max3A_627 = arith.maximumf %max3A_625, %max3A_626 : vector<16xf32>
        %max3A_628 = arith.maximumf %max3A_624, %max3A_627 : vector<16xf32>
        %min3A_629 = arith.minimumf %min3A_581, %min3A_621 : vector<16xf32>
        %max3A_630 = arith.maximumf %max3A_582, %max3A_628 : vector<16xf32>
        %add3A_631 = arith.constant 32 : i32
        %add3A_632 = vector.broadcast %add3A_631 : i32 to vector<16xi32>
        %add3A_633 = arith.addi %add3A_443, %add3A_632 : vector<16xi32>
        %gather3A_634 = tpu.vector_load_idx %arg4[%add3A_633] : memref<40960xf32, #tpu.memory_space<vmem>>[vector<16xi32>], vector<16xf32>,
        %add3A_635 = arith.constant 33 : i32
        %add3A_636 = vector.broadcast %add3A_635 : i32 to vector<16xi32>
        %add3A_637 = arith.addi %add3A_443, %add3A_636 : vector<16xi32>
        %gather3A_638 = tpu.vector_load_idx %arg4[%add3A_637] : memref<40960xf32, #tpu.memory_space<vmem>>[vector<16xi32>], vector<16xf32>,
        %add3A_639 = arith.constant 34 : i32
        %add3A_640 = vector.broadcast %add3A_639 : i32 to vector<16xi32>
        %add3A_641 = arith.addi %add3A_443, %add3A_640 : vector<16xi32>
        %gather3A_642 = tpu.vector_load_idx %arg4[%add3A_641] : memref<40960xf32, #tpu.memory_space<vmem>>[vector<16xi32>], vector<16xf32>,
        %add3A_643 = arith.constant 35 : i32
        %add3A_644 = vector.broadcast %add3A_643 : i32 to vector<16xi32>
        %add3A_645 = arith.addi %add3A_443, %add3A_644 : vector<16xi32>
        %gather3A_646 = tpu.vector_load_idx %arg4[%add3A_645] : memref<40960xf32, #tpu.memory_space<vmem>>[vector<16xi32>], vector<16xf32>,
        %add3A_647 = arith.constant 36 : i32
        %add3A_648 = vector.broadcast %add3A_647 : i32 to vector<16xi32>
        %add3A_649 = arith.addi %add3A_443, %add3A_648 : vector<16xi32>
        %gather3A_650 = tpu.vector_load_idx %arg4[%add3A_649] : memref<40960xf32, #tpu.memory_space<vmem>>[vector<16xi32>], vector<16xf32>,
        %add3A_651 = arith.constant 37 : i32
        %add3A_652 = vector.broadcast %add3A_651 : i32 to vector<16xi32>
        %add3A_653 = arith.addi %add3A_443, %add3A_652 : vector<16xi32>
        %gather3A_654 = tpu.vector_load_idx %arg4[%add3A_653] : memref<40960xf32, #tpu.memory_space<vmem>>[vector<16xi32>], vector<16xf32>,
        %add3A_655 = arith.constant 38 : i32
        %add3A_656 = vector.broadcast %add3A_655 : i32 to vector<16xi32>
        %add3A_657 = arith.addi %add3A_443, %add3A_656 : vector<16xi32>
        %gather3A_658 = tpu.vector_load_idx %arg4[%add3A_657] : memref<40960xf32, #tpu.memory_space<vmem>>[vector<16xi32>], vector<16xf32>,
        %add3A_659 = arith.constant 39 : i32
        %add3A_660 = vector.broadcast %add3A_659 : i32 to vector<16xi32>
        %add3A_661 = arith.addi %add3A_443, %add3A_660 : vector<16xi32>
        %gather3A_662 = tpu.vector_load_idx %arg4[%add3A_661] : memref<40960xf32, #tpu.memory_space<vmem>>[vector<16xi32>], vector<16xf32>,
        %min3A_663 = arith.minimumf %gather3A_634, %gather3A_638 : vector<16xf32>
        %min3A_664 = arith.minimumf %gather3A_642, %gather3A_646 : vector<16xf32>
        %min3A_665 = arith.minimumf %min3A_663, %min3A_664 : vector<16xf32>
        %min3A_666 = arith.minimumf %gather3A_650, %gather3A_654 : vector<16xf32>
        %min3A_667 = arith.minimumf %gather3A_658, %gather3A_662 : vector<16xf32>
        %min3A_668 = arith.minimumf %min3A_666, %min3A_667 : vector<16xf32>
        %min3A_669 = arith.minimumf %min3A_665, %min3A_668 : vector<16xf32>
        %max3A_670 = arith.maximumf %gather3A_634, %gather3A_638 : vector<16xf32>
        %max3A_671 = arith.maximumf %gather3A_642, %gather3A_646 : vector<16xf32>
        %max3A_672 = arith.maximumf %max3A_670, %max3A_671 : vector<16xf32>
        %max3A_673 = arith.maximumf %gather3A_650, %gather3A_654 : vector<16xf32>
        %max3A_674 = arith.maximumf %gather3A_658, %gather3A_662 : vector<16xf32>
        %max3A_675 = arith.maximumf %max3A_673, %max3A_674 : vector<16xf32>
        %max3A_676 = arith.maximumf %max3A_672, %max3A_675 : vector<16xf32>
        %min3A_677 = arith.minimumf %min3A_629, %min3A_669 : vector<16xf32>
        %max3A_678 = arith.maximumf %max3A_630, %max3A_676 : vector<16xf32>
        %add3A_679 = arith.constant 40 : i32
        %add3A_680 = vector.broadcast %add3A_679 : i32 to vector<16xi32>
        %add3A_681 = arith.addi %add3A_443, %add3A_680 : vector<16xi32>
        %gather3A_682 = tpu.vector_load_idx %arg4[%add3A_681] : memref<40960xf32, #tpu.memory_space<vmem>>[vector<16xi32>], vector<16xf32>,
        %add3A_683 = arith.constant 41 : i32
        %add3A_684 = vector.broadcast %add3A_683 : i32 to vector<16xi32>
        %add3A_685 = arith.addi %add3A_443, %add3A_684 : vector<16xi32>
        %gather3A_686 = tpu.vector_load_idx %arg4[%add3A_685] : memref<40960xf32, #tpu.memory_space<vmem>>[vector<16xi32>], vector<16xf32>,
        %add3A_687 = arith.constant 42 : i32
        %add3A_688 = vector.broadcast %add3A_687 : i32 to vector<16xi32>
        %add3A_689 = arith.addi %add3A_443, %add3A_688 : vector<16xi32>
        %gather3A_690 = tpu.vector_load_idx %arg4[%add3A_689] : memref<40960xf32, #tpu.memory_space<vmem>>[vector<16xi32>], vector<16xf32>,
        %add3A_691 = arith.constant 43 : i32
        %add3A_692 = vector.broadcast %add3A_691 : i32 to vector<16xi32>
        %add3A_693 = arith.addi %add3A_443, %add3A_692 : vector<16xi32>
        %gather3A_694 = tpu.vector_load_idx %arg4[%add3A_693] : memref<40960xf32, #tpu.memory_space<vmem>>[vector<16xi32>], vector<16xf32>,
        %add3A_695 = arith.constant 44 : i32
        %add3A_696 = vector.broadcast %add3A_695 : i32 to vector<16xi32>
        %add3A_697 = arith.addi %add3A_443, %add3A_696 : vector<16xi32>
        %gather3A_698 = tpu.vector_load_idx %arg4[%add3A_697] : memref<40960xf32, #tpu.memory_space<vmem>>[vector<16xi32>], vector<16xf32>,
        %add3A_699 = arith.constant 45 : i32
        %add3A_700 = vector.broadcast %add3A_699 : i32 to vector<16xi32>
        %add3A_701 = arith.addi %add3A_443, %add3A_700 : vector<16xi32>
        %gather3A_702 = tpu.vector_load_idx %arg4[%add3A_701] : memref<40960xf32, #tpu.memory_space<vmem>>[vector<16xi32>], vector<16xf32>,
        %add3A_703 = arith.constant 46 : i32
        %add3A_704 = vector.broadcast %add3A_703 : i32 to vector<16xi32>
        %add3A_705 = arith.addi %add3A_443, %add3A_704 : vector<16xi32>
        %gather3A_706 = tpu.vector_load_idx %arg4[%add3A_705] : memref<40960xf32, #tpu.memory_space<vmem>>[vector<16xi32>], vector<16xf32>,
        %add3A_707 = arith.constant 47 : i32
        %add3A_708 = vector.broadcast %add3A_707 : i32 to vector<16xi32>
        %add3A_709 = arith.addi %add3A_443, %add3A_708 : vector<16xi32>
        %gather3A_710 = tpu.vector_load_idx %arg4[%add3A_709] : memref<40960xf32, #tpu.memory_space<vmem>>[vector<16xi32>], vector<16xf32>,
        %min3A_711 = arith.minimumf %gather3A_682, %gather3A_686 : vector<16xf32>
        %min3A_712 = arith.minimumf %gather3A_690, %gather3A_694 : vector<16xf32>
        %min3A_713 = arith.minimumf %min3A_711, %min3A_712 : vector<16xf32>
        %min3A_714 = arith.minimumf %gather3A_698, %gather3A_702 : vector<16xf32>
        %min3A_715 = arith.minimumf %gather3A_706, %gather3A_710 : vector<16xf32>
        %min3A_716 = arith.minimumf %min3A_714, %min3A_715 : vector<16xf32>
        %min3A_717 = arith.minimumf %min3A_713, %min3A_716 : vector<16xf32>
        %max3A_718 = arith.maximumf %gather3A_682, %gather3A_686 : vector<16xf32>
        %max3A_719 = arith.maximumf %gather3A_690, %gather3A_694 : vector<16xf32>
        %max3A_720 = arith.maximumf %max3A_718, %max3A_719 : vector<16xf32>
        %max3A_721 = arith.maximumf %gather3A_698, %gather3A_702 : vector<16xf32>
        %max3A_722 = arith.maximumf %gather3A_706, %gather3A_710 : vector<16xf32>
        %max3A_723 = arith.maximumf %max3A_721, %max3A_722 : vector<16xf32>
        %max3A_724 = arith.maximumf %max3A_720, %max3A_723 : vector<16xf32>
        %min3A_725 = arith.minimumf %min3A_677, %min3A_717 : vector<16xf32>
        %max3A_726 = arith.maximumf %max3A_678, %max3A_724 : vector<16xf32>
        %add3A_727 = arith.constant 48 : i32
        %add3A_728 = vector.broadcast %add3A_727 : i32 to vector<16xi32>
        %add3A_729 = arith.addi %add3A_443, %add3A_728 : vector<16xi32>
        %gather3A_730 = tpu.vector_load_idx %arg4[%add3A_729] : memref<40960xf32, #tpu.memory_space<vmem>>[vector<16xi32>], vector<16xf32>,
        %add3A_731 = arith.constant 49 : i32
        %add3A_732 = vector.broadcast %add3A_731 : i32 to vector<16xi32>
        %add3A_733 = arith.addi %add3A_443, %add3A_732 : vector<16xi32>
        %gather3A_734 = tpu.vector_load_idx %arg4[%add3A_733] : memref<40960xf32, #tpu.memory_space<vmem>>[vector<16xi32>], vector<16xf32>,
        %add3A_735 = arith.constant 50 : i32
        %add3A_736 = vector.broadcast %add3A_735 : i32 to vector<16xi32>
        %add3A_737 = arith.addi %add3A_443, %add3A_736 : vector<16xi32>
        %gather3A_738 = tpu.vector_load_idx %arg4[%add3A_737] : memref<40960xf32, #tpu.memory_space<vmem>>[vector<16xi32>], vector<16xf32>,
        %add3A_739 = arith.constant 51 : i32
        %add3A_740 = vector.broadcast %add3A_739 : i32 to vector<16xi32>
        %add3A_741 = arith.addi %add3A_443, %add3A_740 : vector<16xi32>
        %gather3A_742 = tpu.vector_load_idx %arg4[%add3A_741] : memref<40960xf32, #tpu.memory_space<vmem>>[vector<16xi32>], vector<16xf32>,
        %add3A_743 = arith.constant 52 : i32
        %add3A_744 = vector.broadcast %add3A_743 : i32 to vector<16xi32>
        %add3A_745 = arith.addi %add3A_443, %add3A_744 : vector<16xi32>
        %gather3A_746 = tpu.vector_load_idx %arg4[%add3A_745] : memref<40960xf32, #tpu.memory_space<vmem>>[vector<16xi32>], vector<16xf32>,
        %add3A_747 = arith.constant 53 : i32
        %add3A_748 = vector.broadcast %add3A_747 : i32 to vector<16xi32>
        %add3A_749 = arith.addi %add3A_443, %add3A_748 : vector<16xi32>
        %gather3A_750 = tpu.vector_load_idx %arg4[%add3A_749] : memref<40960xf32, #tpu.memory_space<vmem>>[vector<16xi32>], vector<16xf32>,
        %add3A_751 = arith.constant 54 : i32
        %add3A_752 = vector.broadcast %add3A_751 : i32 to vector<16xi32>
        %add3A_753 = arith.addi %add3A_443, %add3A_752 : vector<16xi32>
        %gather3A_754 = tpu.vector_load_idx %arg4[%add3A_753] : memref<40960xf32, #tpu.memory_space<vmem>>[vector<16xi32>], vector<16xf32>,
        %add3A_755 = arith.constant 55 : i32
        %add3A_756 = vector.broadcast %add3A_755 : i32 to vector<16xi32>
        %add3A_757 = arith.addi %add3A_443, %add3A_756 : vector<16xi32>
        %gather3A_758 = tpu.vector_load_idx %arg4[%add3A_757] : memref<40960xf32, #tpu.memory_space<vmem>>[vector<16xi32>], vector<16xf32>,
        %min3A_759 = arith.minimumf %gather3A_730, %gather3A_734 : vector<16xf32>
        %min3A_760 = arith.minimumf %gather3A_738, %gather3A_742 : vector<16xf32>
        %min3A_761 = arith.minimumf %min3A_759, %min3A_760 : vector<16xf32>
        %min3A_762 = arith.minimumf %gather3A_746, %gather3A_750 : vector<16xf32>
        %min3A_763 = arith.minimumf %gather3A_754, %gather3A_758 : vector<16xf32>
        %min3A_764 = arith.minimumf %min3A_762, %min3A_763 : vector<16xf32>
        %min3A_765 = arith.minimumf %min3A_761, %min3A_764 : vector<16xf32>
        %max3A_766 = arith.maximumf %gather3A_730, %gather3A_734 : vector<16xf32>
        %max3A_767 = arith.maximumf %gather3A_738, %gather3A_742 : vector<16xf32>
        %max3A_768 = arith.maximumf %max3A_766, %max3A_767 : vector<16xf32>
        %max3A_769 = arith.maximumf %gather3A_746, %gather3A_750 : vector<16xf32>
        %max3A_770 = arith.maximumf %gather3A_754, %gather3A_758 : vector<16xf32>
        %max3A_771 = arith.maximumf %max3A_769, %max3A_770 : vector<16xf32>
        %max3A_772 = arith.maximumf %max3A_768, %max3A_771 : vector<16xf32>
        %min3A_773 = arith.minimumf %min3A_725, %min3A_765 : vector<16xf32>
        %max3A_774 = arith.maximumf %max3A_726, %max3A_772 : vector<16xf32>
        %add3A_775 = arith.constant 56 : i32
        %add3A_776 = vector.broadcast %add3A_775 : i32 to vector<16xi32>
        %add3A_777 = arith.addi %add3A_443, %add3A_776 : vector<16xi32>
        %gather3A_778 = tpu.vector_load_idx %arg4[%add3A_777] : memref<40960xf32, #tpu.memory_space<vmem>>[vector<16xi32>], vector<16xf32>,
        %add3A_779 = arith.constant 57 : i32
        %add3A_780 = vector.broadcast %add3A_779 : i32 to vector<16xi32>
        %add3A_781 = arith.addi %add3A_443, %add3A_780 : vector<16xi32>
        %gather3A_782 = tpu.vector_load_idx %arg4[%add3A_781] : memref<40960xf32, #tpu.memory_space<vmem>>[vector<16xi32>], vector<16xf32>,
        %add3A_783 = arith.constant 58 : i32
        %add3A_784 = vector.broadcast %add3A_783 : i32 to vector<16xi32>
        %add3A_785 = arith.addi %add3A_443, %add3A_784 : vector<16xi32>
        %gather3A_786 = tpu.vector_load_idx %arg4[%add3A_785] : memref<40960xf32, #tpu.memory_space<vmem>>[vector<16xi32>], vector<16xf32>,
        %add3A_787 = arith.constant 59 : i32
        %add3A_788 = vector.broadcast %add3A_787 : i32 to vector<16xi32>
        %add3A_789 = arith.addi %add3A_443, %add3A_788 : vector<16xi32>
        %gather3A_790 = tpu.vector_load_idx %arg4[%add3A_789] : memref<40960xf32, #tpu.memory_space<vmem>>[vector<16xi32>], vector<16xf32>,
        %add3A_791 = arith.constant 60 : i32
        %add3A_792 = vector.broadcast %add3A_791 : i32 to vector<16xi32>
        %add3A_793 = arith.addi %add3A_443, %add3A_792 : vector<16xi32>
        %gather3A_794 = tpu.vector_load_idx %arg4[%add3A_793] : memref<40960xf32, #tpu.memory_space<vmem>>[vector<16xi32>], vector<16xf32>,
        %add3A_795 = arith.constant 61 : i32
        %add3A_796 = vector.broadcast %add3A_795 : i32 to vector<16xi32>
        %add3A_797 = arith.addi %add3A_443, %add3A_796 : vector<16xi32>
        %gather3A_798 = tpu.vector_load_idx %arg4[%add3A_797] : memref<40960xf32, #tpu.memory_space<vmem>>[vector<16xi32>], vector<16xf32>,
        %add3A_799 = arith.constant 62 : i32
        %add3A_800 = vector.broadcast %add3A_799 : i32 to vector<16xi32>
        %add3A_801 = arith.addi %add3A_443, %add3A_800 : vector<16xi32>
        %gather3A_802 = tpu.vector_load_idx %arg4[%add3A_801] : memref<40960xf32, #tpu.memory_space<vmem>>[vector<16xi32>], vector<16xf32>,
        %add3A_803 = arith.constant 63 : i32
        %add3A_804 = vector.broadcast %add3A_803 : i32 to vector<16xi32>
        %add3A_805 = arith.addi %add3A_443, %add3A_804 : vector<16xi32>
        %gather3A_806 = tpu.vector_load_idx %arg4[%add3A_805] : memref<40960xf32, #tpu.memory_space<vmem>>[vector<16xi32>], vector<16xf32>,
        %min3A_807 = arith.minimumf %gather3A_778, %gather3A_782 : vector<16xf32>
        %min3A_808 = arith.minimumf %gather3A_786, %gather3A_790 : vector<16xf32>
        %min3A_809 = arith.minimumf %min3A_807, %min3A_808 : vector<16xf32>
        %min3A_810 = arith.minimumf %gather3A_794, %gather3A_798 : vector<16xf32>
        %min3A_811 = arith.minimumf %gather3A_802, %gather3A_806 : vector<16xf32>
        %min3A_812 = arith.minimumf %min3A_810, %min3A_811 : vector<16xf32>
        %min3A_813 = arith.minimumf %min3A_809, %min3A_812 : vector<16xf32>
        %max3A_814 = arith.maximumf %gather3A_778, %gather3A_782 : vector<16xf32>
        %max3A_815 = arith.maximumf %gather3A_786, %gather3A_790 : vector<16xf32>
        %max3A_816 = arith.maximumf %max3A_814, %max3A_815 : vector<16xf32>
        %max3A_817 = arith.maximumf %gather3A_794, %gather3A_798 : vector<16xf32>
        %max3A_818 = arith.maximumf %gather3A_802, %gather3A_806 : vector<16xf32>
        %max3A_819 = arith.maximumf %max3A_817, %max3A_818 : vector<16xf32>
        %max3A_820 = arith.maximumf %max3A_816, %max3A_819 : vector<16xf32>
        %min3A_821 = arith.minimumf %min3A_773, %min3A_813 : vector<16xf32>
        %max3A_822 = arith.maximumf %max3A_774, %max3A_820 : vector<16xf32>
        %sub3A = arith.subf %max3A_822, %min3A_821 : vector<16xf32>
        %add3A_823 = arith.constant 1024 : i32
        %add3A_824 = arith.addi %add3A_439, %add3A_823 : i32
        %add3A_825 = vector.broadcast %add3A_824 : i32 to vector<16xi32>
        %add3A_826 = arith.addi %mul3A_3, %add3A_825 : vector<16xi32>
        %add3A_827 = arith.constant 0 : i32
        %add3A_828 = vector.broadcast %add3A_827 : i32 to vector<16xi32>
        %add3A_829 = arith.addi %add3A_826, %add3A_828 : vector<16xi32>
        %gather3A_830 = tpu.vector_load_idx %arg4[%add3A_829] : memref<40960xf32, #tpu.memory_space<vmem>>[vector<16xi32>], vector<16xf32>,
        %add3A_831 = arith.constant 1 : i32
        %add3A_832 = vector.broadcast %add3A_831 : i32 to vector<16xi32>
        %add3A_833 = arith.addi %add3A_826, %add3A_832 : vector<16xi32>
        %gather3A_834 = tpu.vector_load_idx %arg4[%add3A_833] : memref<40960xf32, #tpu.memory_space<vmem>>[vector<16xi32>], vector<16xf32>,
        %add3A_835 = arith.constant 2 : i32
        %add3A_836 = vector.broadcast %add3A_835 : i32 to vector<16xi32>
        %add3A_837 = arith.addi %add3A_826, %add3A_836 : vector<16xi32>
        %gather3A_838 = tpu.vector_load_idx %arg4[%add3A_837] : memref<40960xf32, #tpu.memory_space<vmem>>[vector<16xi32>], vector<16xf32>,
        %add3A_839 = arith.constant 3 : i32
        %add3A_840 = vector.broadcast %add3A_839 : i32 to vector<16xi32>
        %add3A_841 = arith.addi %add3A_826, %add3A_840 : vector<16xi32>
        %gather3A_842 = tpu.vector_load_idx %arg4[%add3A_841] : memref<40960xf32, #tpu.memory_space<vmem>>[vector<16xi32>], vector<16xf32>,
        %add3A_843 = arith.constant 4 : i32
        %add3A_844 = vector.broadcast %add3A_843 : i32 to vector<16xi32>
        %add3A_845 = arith.addi %add3A_826, %add3A_844 : vector<16xi32>
        %gather3A_846 = tpu.vector_load_idx %arg4[%add3A_845] : memref<40960xf32, #tpu.memory_space<vmem>>[vector<16xi32>], vector<16xf32>,
        %add3A_847 = arith.constant 5 : i32
        %add3A_848 = vector.broadcast %add3A_847 : i32 to vector<16xi32>
        %add3A_849 = arith.addi %add3A_826, %add3A_848 : vector<16xi32>
        %gather3A_850 = tpu.vector_load_idx %arg4[%add3A_849] : memref<40960xf32, #tpu.memory_space<vmem>>[vector<16xi32>], vector<16xf32>,
        %add3A_851 = arith.constant 6 : i32
        %add3A_852 = vector.broadcast %add3A_851 : i32 to vector<16xi32>
        %add3A_853 = arith.addi %add3A_826, %add3A_852 : vector<16xi32>
        %gather3A_854 = tpu.vector_load_idx %arg4[%add3A_853] : memref<40960xf32, #tpu.memory_space<vmem>>[vector<16xi32>], vector<16xf32>,
        %add3A_855 = arith.constant 7 : i32
        %add3A_856 = vector.broadcast %add3A_855 : i32 to vector<16xi32>
        %add3A_857 = arith.addi %add3A_826, %add3A_856 : vector<16xi32>
        %gather3A_858 = tpu.vector_load_idx %arg4[%add3A_857] : memref<40960xf32, #tpu.memory_space<vmem>>[vector<16xi32>], vector<16xf32>,
        %min3A_859 = arith.minimumf %gather3A_830, %gather3A_834 : vector<16xf32>
        %min3A_860 = arith.minimumf %gather3A_838, %gather3A_842 : vector<16xf32>
        %min3A_861 = arith.minimumf %min3A_859, %min3A_860 : vector<16xf32>
        %min3A_862 = arith.minimumf %gather3A_846, %gather3A_850 : vector<16xf32>
        %min3A_863 = arith.minimumf %gather3A_854, %gather3A_858 : vector<16xf32>
        %min3A_864 = arith.minimumf %min3A_862, %min3A_863 : vector<16xf32>
        %min3A_865 = arith.minimumf %min3A_861, %min3A_864 : vector<16xf32>
        %max3A_866 = arith.maximumf %gather3A_830, %gather3A_834 : vector<16xf32>
        %max3A_867 = arith.maximumf %gather3A_838, %gather3A_842 : vector<16xf32>
        %max3A_868 = arith.maximumf %max3A_866, %max3A_867 : vector<16xf32>
        %max3A_869 = arith.maximumf %gather3A_846, %gather3A_850 : vector<16xf32>
        %max3A_870 = arith.maximumf %gather3A_854, %gather3A_858 : vector<16xf32>
        %max3A_871 = arith.maximumf %max3A_869, %max3A_870 : vector<16xf32>
        %max3A_872 = arith.maximumf %max3A_868, %max3A_871 : vector<16xf32>
        %add3A_873 = arith.constant 8 : i32
        %add3A_874 = vector.broadcast %add3A_873 : i32 to vector<16xi32>
        %add3A_875 = arith.addi %add3A_826, %add3A_874 : vector<16xi32>
        %gather3A_876 = tpu.vector_load_idx %arg4[%add3A_875] : memref<40960xf32, #tpu.memory_space<vmem>>[vector<16xi32>], vector<16xf32>,
        %add3A_877 = arith.constant 9 : i32
        %add3A_878 = vector.broadcast %add3A_877 : i32 to vector<16xi32>
        %add3A_879 = arith.addi %add3A_826, %add3A_878 : vector<16xi32>
        %gather3A_880 = tpu.vector_load_idx %arg4[%add3A_879] : memref<40960xf32, #tpu.memory_space<vmem>>[vector<16xi32>], vector<16xf32>,
        %add3A_881 = arith.constant 10 : i32
        %add3A_882 = vector.broadcast %add3A_881 : i32 to vector<16xi32>
        %add3A_883 = arith.addi %add3A_826, %add3A_882 : vector<16xi32>
        %gather3A_884 = tpu.vector_load_idx %arg4[%add3A_883] : memref<40960xf32, #tpu.memory_space<vmem>>[vector<16xi32>], vector<16xf32>,
        %add3A_885 = arith.constant 11 : i32
        %add3A_886 = vector.broadcast %add3A_885 : i32 to vector<16xi32>
        %add3A_887 = arith.addi %add3A_826, %add3A_886 : vector<16xi32>
        %gather3A_888 = tpu.vector_load_idx %arg4[%add3A_887] : memref<40960xf32, #tpu.memory_space<vmem>>[vector<16xi32>], vector<16xf32>,
        %add3A_889 = arith.constant 12 : i32
        %add3A_890 = vector.broadcast %add3A_889 : i32 to vector<16xi32>
        %add3A_891 = arith.addi %add3A_826, %add3A_890 : vector<16xi32>
        %gather3A_892 = tpu.vector_load_idx %arg4[%add3A_891] : memref<40960xf32, #tpu.memory_space<vmem>>[vector<16xi32>], vector<16xf32>,
        %add3A_893 = arith.constant 13 : i32
        %add3A_894 = vector.broadcast %add3A_893 : i32 to vector<16xi32>
        %add3A_895 = arith.addi %add3A_826, %add3A_894 : vector<16xi32>
        %gather3A_896 = tpu.vector_load_idx %arg4[%add3A_895] : memref<40960xf32, #tpu.memory_space<vmem>>[vector<16xi32>], vector<16xf32>,
        %add3A_897 = arith.constant 14 : i32
        %add3A_898 = vector.broadcast %add3A_897 : i32 to vector<16xi32>
        %add3A_899 = arith.addi %add3A_826, %add3A_898 : vector<16xi32>
        %gather3A_900 = tpu.vector_load_idx %arg4[%add3A_899] : memref<40960xf32, #tpu.memory_space<vmem>>[vector<16xi32>], vector<16xf32>,
        %add3A_901 = arith.constant 15 : i32
        %add3A_902 = vector.broadcast %add3A_901 : i32 to vector<16xi32>
        %add3A_903 = arith.addi %add3A_826, %add3A_902 : vector<16xi32>
        %gather3A_904 = tpu.vector_load_idx %arg4[%add3A_903] : memref<40960xf32, #tpu.memory_space<vmem>>[vector<16xi32>], vector<16xf32>,
        %min3A_905 = arith.minimumf %gather3A_876, %gather3A_880 : vector<16xf32>
        %min3A_906 = arith.minimumf %gather3A_884, %gather3A_888 : vector<16xf32>
        %min3A_907 = arith.minimumf %min3A_905, %min3A_906 : vector<16xf32>
        %min3A_908 = arith.minimumf %gather3A_892, %gather3A_896 : vector<16xf32>
        %min3A_909 = arith.minimumf %gather3A_900, %gather3A_904 : vector<16xf32>
        %min3A_910 = arith.minimumf %min3A_908, %min3A_909 : vector<16xf32>
        %min3A_911 = arith.minimumf %min3A_907, %min3A_910 : vector<16xf32>
        %max3A_912 = arith.maximumf %gather3A_876, %gather3A_880 : vector<16xf32>
        %max3A_913 = arith.maximumf %gather3A_884, %gather3A_888 : vector<16xf32>
        %max3A_914 = arith.maximumf %max3A_912, %max3A_913 : vector<16xf32>
        %max3A_915 = arith.maximumf %gather3A_892, %gather3A_896 : vector<16xf32>
        %max3A_916 = arith.maximumf %gather3A_900, %gather3A_904 : vector<16xf32>
        %max3A_917 = arith.maximumf %max3A_915, %max3A_916 : vector<16xf32>
        %max3A_918 = arith.maximumf %max3A_914, %max3A_917 : vector<16xf32>
        %min3A_919 = arith.minimumf %min3A_865, %min3A_911 : vector<16xf32>
        %max3A_920 = arith.maximumf %max3A_872, %max3A_918 : vector<16xf32>
        %add3A_921 = arith.constant 16 : i32
        %add3A_922 = vector.broadcast %add3A_921 : i32 to vector<16xi32>
        %add3A_923 = arith.addi %add3A_826, %add3A_922 : vector<16xi32>
        %gather3A_924 = tpu.vector_load_idx %arg4[%add3A_923] : memref<40960xf32, #tpu.memory_space<vmem>>[vector<16xi32>], vector<16xf32>,
        %add3A_925 = arith.constant 17 : i32
        %add3A_926 = vector.broadcast %add3A_925 : i32 to vector<16xi32>
        %add3A_927 = arith.addi %add3A_826, %add3A_926 : vector<16xi32>
        %gather3A_928 = tpu.vector_load_idx %arg4[%add3A_927] : memref<40960xf32, #tpu.memory_space<vmem>>[vector<16xi32>], vector<16xf32>,
        %add3A_929 = arith.constant 18 : i32
        %add3A_930 = vector.broadcast %add3A_929 : i32 to vector<16xi32>
        %add3A_931 = arith.addi %add3A_826, %add3A_930 : vector<16xi32>
        %gather3A_932 = tpu.vector_load_idx %arg4[%add3A_931] : memref<40960xf32, #tpu.memory_space<vmem>>[vector<16xi32>], vector<16xf32>,
        %add3A_933 = arith.constant 19 : i32
        %add3A_934 = vector.broadcast %add3A_933 : i32 to vector<16xi32>
        %add3A_935 = arith.addi %add3A_826, %add3A_934 : vector<16xi32>
        %gather3A_936 = tpu.vector_load_idx %arg4[%add3A_935] : memref<40960xf32, #tpu.memory_space<vmem>>[vector<16xi32>], vector<16xf32>,
        %add3A_937 = arith.constant 20 : i32
        %add3A_938 = vector.broadcast %add3A_937 : i32 to vector<16xi32>
        %add3A_939 = arith.addi %add3A_826, %add3A_938 : vector<16xi32>
        %gather3A_940 = tpu.vector_load_idx %arg4[%add3A_939] : memref<40960xf32, #tpu.memory_space<vmem>>[vector<16xi32>], vector<16xf32>,
        %add3A_941 = arith.constant 21 : i32
        %add3A_942 = vector.broadcast %add3A_941 : i32 to vector<16xi32>
        %add3A_943 = arith.addi %add3A_826, %add3A_942 : vector<16xi32>
        %gather3A_944 = tpu.vector_load_idx %arg4[%add3A_943] : memref<40960xf32, #tpu.memory_space<vmem>>[vector<16xi32>], vector<16xf32>,
        %add3A_945 = arith.constant 22 : i32
        %add3A_946 = vector.broadcast %add3A_945 : i32 to vector<16xi32>
        %add3A_947 = arith.addi %add3A_826, %add3A_946 : vector<16xi32>
        %gather3A_948 = tpu.vector_load_idx %arg4[%add3A_947] : memref<40960xf32, #tpu.memory_space<vmem>>[vector<16xi32>], vector<16xf32>,
        %add3A_949 = arith.constant 23 : i32
        %add3A_950 = vector.broadcast %add3A_949 : i32 to vector<16xi32>
        %add3A_951 = arith.addi %add3A_826, %add3A_950 : vector<16xi32>
        %gather3A_952 = tpu.vector_load_idx %arg4[%add3A_951] : memref<40960xf32, #tpu.memory_space<vmem>>[vector<16xi32>], vector<16xf32>,
        %min3A_953 = arith.minimumf %gather3A_924, %gather3A_928 : vector<16xf32>
        %min3A_954 = arith.minimumf %gather3A_932, %gather3A_936 : vector<16xf32>
        %min3A_955 = arith.minimumf %min3A_953, %min3A_954 : vector<16xf32>
        %min3A_956 = arith.minimumf %gather3A_940, %gather3A_944 : vector<16xf32>
        %min3A_957 = arith.minimumf %gather3A_948, %gather3A_952 : vector<16xf32>
        %min3A_958 = arith.minimumf %min3A_956, %min3A_957 : vector<16xf32>
        %min3A_959 = arith.minimumf %min3A_955, %min3A_958 : vector<16xf32>
        %max3A_960 = arith.maximumf %gather3A_924, %gather3A_928 : vector<16xf32>
        %max3A_961 = arith.maximumf %gather3A_932, %gather3A_936 : vector<16xf32>
        %max3A_962 = arith.maximumf %max3A_960, %max3A_961 : vector<16xf32>
        %max3A_963 = arith.maximumf %gather3A_940, %gather3A_944 : vector<16xf32>
        %max3A_964 = arith.maximumf %gather3A_948, %gather3A_952 : vector<16xf32>
        %max3A_965 = arith.maximumf %max3A_963, %max3A_964 : vector<16xf32>
        %max3A_966 = arith.maximumf %max3A_962, %max3A_965 : vector<16xf32>
        %min3A_967 = arith.minimumf %min3A_919, %min3A_959 : vector<16xf32>
        %max3A_968 = arith.maximumf %max3A_920, %max3A_966 : vector<16xf32>
        %add3A_969 = arith.constant 24 : i32
        %add3A_970 = vector.broadcast %add3A_969 : i32 to vector<16xi32>
        %add3A_971 = arith.addi %add3A_826, %add3A_970 : vector<16xi32>
        %gather3A_972 = tpu.vector_load_idx %arg4[%add3A_971] : memref<40960xf32, #tpu.memory_space<vmem>>[vector<16xi32>], vector<16xf32>,
        %add3A_973 = arith.constant 25 : i32
        %add3A_974 = vector.broadcast %add3A_973 : i32 to vector<16xi32>
        %add3A_975 = arith.addi %add3A_826, %add3A_974 : vector<16xi32>
        %gather3A_976 = tpu.vector_load_idx %arg4[%add3A_975] : memref<40960xf32, #tpu.memory_space<vmem>>[vector<16xi32>], vector<16xf32>,
        %add3A_977 = arith.constant 26 : i32
        %add3A_978 = vector.broadcast %add3A_977 : i32 to vector<16xi32>
        %add3A_979 = arith.addi %add3A_826, %add3A_978 : vector<16xi32>
        %gather3A_980 = tpu.vector_load_idx %arg4[%add3A_979] : memref<40960xf32, #tpu.memory_space<vmem>>[vector<16xi32>], vector<16xf32>,
        %add3A_981 = arith.constant 27 : i32
        %add3A_982 = vector.broadcast %add3A_981 : i32 to vector<16xi32>
        %add3A_983 = arith.addi %add3A_826, %add3A_982 : vector<16xi32>
        %gather3A_984 = tpu.vector_load_idx %arg4[%add3A_983] : memref<40960xf32, #tpu.memory_space<vmem>>[vector<16xi32>], vector<16xf32>,
        %add3A_985 = arith.constant 28 : i32
        %add3A_986 = vector.broadcast %add3A_985 : i32 to vector<16xi32>
        %add3A_987 = arith.addi %add3A_826, %add3A_986 : vector<16xi32>
        %gather3A_988 = tpu.vector_load_idx %arg4[%add3A_987] : memref<40960xf32, #tpu.memory_space<vmem>>[vector<16xi32>], vector<16xf32>,
        %add3A_989 = arith.constant 29 : i32
        %add3A_990 = vector.broadcast %add3A_989 : i32 to vector<16xi32>
        %add3A_991 = arith.addi %add3A_826, %add3A_990 : vector<16xi32>
        %gather3A_992 = tpu.vector_load_idx %arg4[%add3A_991] : memref<40960xf32, #tpu.memory_space<vmem>>[vector<16xi32>], vector<16xf32>,
        %add3A_993 = arith.constant 30 : i32
        %add3A_994 = vector.broadcast %add3A_993 : i32 to vector<16xi32>
        %add3A_995 = arith.addi %add3A_826, %add3A_994 : vector<16xi32>
        %gather3A_996 = tpu.vector_load_idx %arg4[%add3A_995] : memref<40960xf32, #tpu.memory_space<vmem>>[vector<16xi32>], vector<16xf32>,
        %add3A_997 = arith.constant 31 : i32
        %add3A_998 = vector.broadcast %add3A_997 : i32 to vector<16xi32>
        %add3A_999 = arith.addi %add3A_826, %add3A_998 : vector<16xi32>
        %gather3A_1000 = tpu.vector_load_idx %arg4[%add3A_999] : memref<40960xf32, #tpu.memory_space<vmem>>[vector<16xi32>], vector<16xf32>,
        %min3A_1001 = arith.minimumf %gather3A_972, %gather3A_976 : vector<16xf32>
        %min3A_1002 = arith.minimumf %gather3A_980, %gather3A_984 : vector<16xf32>
        %min3A_1003 = arith.minimumf %min3A_1001, %min3A_1002 : vector<16xf32>
        %min3A_1004 = arith.minimumf %gather3A_988, %gather3A_992 : vector<16xf32>
        %min3A_1005 = arith.minimumf %gather3A_996, %gather3A_1000 : vector<16xf32>
        %min3A_1006 = arith.minimumf %min3A_1004, %min3A_1005 : vector<16xf32>
        %min3A_1007 = arith.minimumf %min3A_1003, %min3A_1006 : vector<16xf32>
        %max3A_1008 = arith.maximumf %gather3A_972, %gather3A_976 : vector<16xf32>
        %max3A_1009 = arith.maximumf %gather3A_980, %gather3A_984 : vector<16xf32>
        %max3A_1010 = arith.maximumf %max3A_1008, %max3A_1009 : vector<16xf32>
        %max3A_1011 = arith.maximumf %gather3A_988, %gather3A_992 : vector<16xf32>
        %max3A_1012 = arith.maximumf %gather3A_996, %gather3A_1000 : vector<16xf32>
        %max3A_1013 = arith.maximumf %max3A_1011, %max3A_1012 : vector<16xf32>
        %max3A_1014 = arith.maximumf %max3A_1010, %max3A_1013 : vector<16xf32>
        %min3A_1015 = arith.minimumf %min3A_967, %min3A_1007 : vector<16xf32>
        %max3A_1016 = arith.maximumf %max3A_968, %max3A_1014 : vector<16xf32>
        %add3A_1017 = arith.constant 32 : i32
        %add3A_1018 = vector.broadcast %add3A_1017 : i32 to vector<16xi32>
        %add3A_1019 = arith.addi %add3A_826, %add3A_1018 : vector<16xi32>
        %gather3A_1020 = tpu.vector_load_idx %arg4[%add3A_1019] : memref<40960xf32, #tpu.memory_space<vmem>>[vector<16xi32>], vector<16xf32>,
        %add3A_1021 = arith.constant 33 : i32
        %add3A_1022 = vector.broadcast %add3A_1021 : i32 to vector<16xi32>
        %add3A_1023 = arith.addi %add3A_826, %add3A_1022 : vector<16xi32>
        %gather3A_1024 = tpu.vector_load_idx %arg4[%add3A_1023] : memref<40960xf32, #tpu.memory_space<vmem>>[vector<16xi32>], vector<16xf32>,
        %add3A_1025 = arith.constant 34 : i32
        %add3A_1026 = vector.broadcast %add3A_1025 : i32 to vector<16xi32>
        %add3A_1027 = arith.addi %add3A_826, %add3A_1026 : vector<16xi32>
        %gather3A_1028 = tpu.vector_load_idx %arg4[%add3A_1027] : memref<40960xf32, #tpu.memory_space<vmem>>[vector<16xi32>], vector<16xf32>,
        %add3A_1029 = arith.constant 35 : i32
        %add3A_1030 = vector.broadcast %add3A_1029 : i32 to vector<16xi32>
        %add3A_1031 = arith.addi %add3A_826, %add3A_1030 : vector<16xi32>
        %gather3A_1032 = tpu.vector_load_idx %arg4[%add3A_1031] : memref<40960xf32, #tpu.memory_space<vmem>>[vector<16xi32>], vector<16xf32>,
        %add3A_1033 = arith.constant 36 : i32
        %add3A_1034 = vector.broadcast %add3A_1033 : i32 to vector<16xi32>
        %add3A_1035 = arith.addi %add3A_826, %add3A_1034 : vector<16xi32>
        %gather3A_1036 = tpu.vector_load_idx %arg4[%add3A_1035] : memref<40960xf32, #tpu.memory_space<vmem>>[vector<16xi32>], vector<16xf32>,
        %add3A_1037 = arith.constant 37 : i32
        %add3A_1038 = vector.broadcast %add3A_1037 : i32 to vector<16xi32>
        %add3A_1039 = arith.addi %add3A_826, %add3A_1038 : vector<16xi32>
        %gather3A_1040 = tpu.vector_load_idx %arg4[%add3A_1039] : memref<40960xf32, #tpu.memory_space<vmem>>[vector<16xi32>], vector<16xf32>,
        %add3A_1041 = arith.constant 38 : i32
        %add3A_1042 = vector.broadcast %add3A_1041 : i32 to vector<16xi32>
        %add3A_1043 = arith.addi %add3A_826, %add3A_1042 : vector<16xi32>
        %gather3A_1044 = tpu.vector_load_idx %arg4[%add3A_1043] : memref<40960xf32, #tpu.memory_space<vmem>>[vector<16xi32>], vector<16xf32>,
        %add3A_1045 = arith.constant 39 : i32
        %add3A_1046 = vector.broadcast %add3A_1045 : i32 to vector<16xi32>
        %add3A_1047 = arith.addi %add3A_826, %add3A_1046 : vector<16xi32>
        %gather3A_1048 = tpu.vector_load_idx %arg4[%add3A_1047] : memref<40960xf32, #tpu.memory_space<vmem>>[vector<16xi32>], vector<16xf32>,
        %min3A_1049 = arith.minimumf %gather3A_1020, %gather3A_1024 : vector<16xf32>
        %min3A_1050 = arith.minimumf %gather3A_1028, %gather3A_1032 : vector<16xf32>
        %min3A_1051 = arith.minimumf %min3A_1049, %min3A_1050 : vector<16xf32>
        %min3A_1052 = arith.minimumf %gather3A_1036, %gather3A_1040 : vector<16xf32>
        %min3A_1053 = arith.minimumf %gather3A_1044, %gather3A_1048 : vector<16xf32>
        %min3A_1054 = arith.minimumf %min3A_1052, %min3A_1053 : vector<16xf32>
        %min3A_1055 = arith.minimumf %min3A_1051, %min3A_1054 : vector<16xf32>
        %max3A_1056 = arith.maximumf %gather3A_1020, %gather3A_1024 : vector<16xf32>
        %max3A_1057 = arith.maximumf %gather3A_1028, %gather3A_1032 : vector<16xf32>
        %max3A_1058 = arith.maximumf %max3A_1056, %max3A_1057 : vector<16xf32>
        %max3A_1059 = arith.maximumf %gather3A_1036, %gather3A_1040 : vector<16xf32>
        %max3A_1060 = arith.maximumf %gather3A_1044, %gather3A_1048 : vector<16xf32>
        %max3A_1061 = arith.maximumf %max3A_1059, %max3A_1060 : vector<16xf32>
        %max3A_1062 = arith.maximumf %max3A_1058, %max3A_1061 : vector<16xf32>
        %min3A_1063 = arith.minimumf %min3A_1015, %min3A_1055 : vector<16xf32>
        %max3A_1064 = arith.maximumf %max3A_1016, %max3A_1062 : vector<16xf32>
        %add3A_1065 = arith.constant 40 : i32
        %add3A_1066 = vector.broadcast %add3A_1065 : i32 to vector<16xi32>
        %add3A_1067 = arith.addi %add3A_826, %add3A_1066 : vector<16xi32>
        %gather3A_1068 = tpu.vector_load_idx %arg4[%add3A_1067] : memref<40960xf32, #tpu.memory_space<vmem>>[vector<16xi32>], vector<16xf32>,
        %add3A_1069 = arith.constant 41 : i32
        %add3A_1070 = vector.broadcast %add3A_1069 : i32 to vector<16xi32>
        %add3A_1071 = arith.addi %add3A_826, %add3A_1070 : vector<16xi32>
        %gather3A_1072 = tpu.vector_load_idx %arg4[%add3A_1071] : memref<40960xf32, #tpu.memory_space<vmem>>[vector<16xi32>], vector<16xf32>,
        %add3A_1073 = arith.constant 42 : i32
        %add3A_1074 = vector.broadcast %add3A_1073 : i32 to vector<16xi32>
        %add3A_1075 = arith.addi %add3A_826, %add3A_1074 : vector<16xi32>
        %gather3A_1076 = tpu.vector_load_idx %arg4[%add3A_1075] : memref<40960xf32, #tpu.memory_space<vmem>>[vector<16xi32>], vector<16xf32>,
        %add3A_1077 = arith.constant 43 : i32
        %add3A_1078 = vector.broadcast %add3A_1077 : i32 to vector<16xi32>
        %add3A_1079 = arith.addi %add3A_826, %add3A_1078 : vector<16xi32>
        %gather3A_1080 = tpu.vector_load_idx %arg4[%add3A_1079] : memref<40960xf32, #tpu.memory_space<vmem>>[vector<16xi32>], vector<16xf32>,
        %add3A_1081 = arith.constant 44 : i32
        %add3A_1082 = vector.broadcast %add3A_1081 : i32 to vector<16xi32>
        %add3A_1083 = arith.addi %add3A_826, %add3A_1082 : vector<16xi32>
        %gather3A_1084 = tpu.vector_load_idx %arg4[%add3A_1083] : memref<40960xf32, #tpu.memory_space<vmem>>[vector<16xi32>], vector<16xf32>,
        %add3A_1085 = arith.constant 45 : i32
        %add3A_1086 = vector.broadcast %add3A_1085 : i32 to vector<16xi32>
        %add3A_1087 = arith.addi %add3A_826, %add3A_1086 : vector<16xi32>
        %gather3A_1088 = tpu.vector_load_idx %arg4[%add3A_1087] : memref<40960xf32, #tpu.memory_space<vmem>>[vector<16xi32>], vector<16xf32>,
        %add3A_1089 = arith.constant 46 : i32
        %add3A_1090 = vector.broadcast %add3A_1089 : i32 to vector<16xi32>
        %add3A_1091 = arith.addi %add3A_826, %add3A_1090 : vector<16xi32>
        %gather3A_1092 = tpu.vector_load_idx %arg4[%add3A_1091] : memref<40960xf32, #tpu.memory_space<vmem>>[vector<16xi32>], vector<16xf32>,
        %add3A_1093 = arith.constant 47 : i32
        %add3A_1094 = vector.broadcast %add3A_1093 : i32 to vector<16xi32>
        %add3A_1095 = arith.addi %add3A_826, %add3A_1094 : vector<16xi32>
        %gather3A_1096 = tpu.vector_load_idx %arg4[%add3A_1095] : memref<40960xf32, #tpu.memory_space<vmem>>[vector<16xi32>], vector<16xf32>,
        %min3A_1097 = arith.minimumf %gather3A_1068, %gather3A_1072 : vector<16xf32>
        %min3A_1098 = arith.minimumf %gather3A_1076, %gather3A_1080 : vector<16xf32>
        %min3A_1099 = arith.minimumf %min3A_1097, %min3A_1098 : vector<16xf32>
        %min3A_1100 = arith.minimumf %gather3A_1084, %gather3A_1088 : vector<16xf32>
        %min3A_1101 = arith.minimumf %gather3A_1092, %gather3A_1096 : vector<16xf32>
        %min3A_1102 = arith.minimumf %min3A_1100, %min3A_1101 : vector<16xf32>
        %min3A_1103 = arith.minimumf %min3A_1099, %min3A_1102 : vector<16xf32>
        %max3A_1104 = arith.maximumf %gather3A_1068, %gather3A_1072 : vector<16xf32>
        %max3A_1105 = arith.maximumf %gather3A_1076, %gather3A_1080 : vector<16xf32>
        %max3A_1106 = arith.maximumf %max3A_1104, %max3A_1105 : vector<16xf32>
        %max3A_1107 = arith.maximumf %gather3A_1084, %gather3A_1088 : vector<16xf32>
        %max3A_1108 = arith.maximumf %gather3A_1092, %gather3A_1096 : vector<16xf32>
        %max3A_1109 = arith.maximumf %max3A_1107, %max3A_1108 : vector<16xf32>
        %max3A_1110 = arith.maximumf %max3A_1106, %max3A_1109 : vector<16xf32>
        %min3A_1111 = arith.minimumf %min3A_1063, %min3A_1103 : vector<16xf32>
        %max3A_1112 = arith.maximumf %max3A_1064, %max3A_1110 : vector<16xf32>
        %add3A_1113 = arith.constant 48 : i32
        %add3A_1114 = vector.broadcast %add3A_1113 : i32 to vector<16xi32>
        %add3A_1115 = arith.addi %add3A_826, %add3A_1114 : vector<16xi32>
        %gather3A_1116 = tpu.vector_load_idx %arg4[%add3A_1115] : memref<40960xf32, #tpu.memory_space<vmem>>[vector<16xi32>], vector<16xf32>,
        %add3A_1117 = arith.constant 49 : i32
        %add3A_1118 = vector.broadcast %add3A_1117 : i32 to vector<16xi32>
        %add3A_1119 = arith.addi %add3A_826, %add3A_1118 : vector<16xi32>
        %gather3A_1120 = tpu.vector_load_idx %arg4[%add3A_1119] : memref<40960xf32, #tpu.memory_space<vmem>>[vector<16xi32>], vector<16xf32>,
        %add3A_1121 = arith.constant 50 : i32
        %add3A_1122 = vector.broadcast %add3A_1121 : i32 to vector<16xi32>
        %add3A_1123 = arith.addi %add3A_826, %add3A_1122 : vector<16xi32>
        %gather3A_1124 = tpu.vector_load_idx %arg4[%add3A_1123] : memref<40960xf32, #tpu.memory_space<vmem>>[vector<16xi32>], vector<16xf32>,
        %add3A_1125 = arith.constant 51 : i32
        %add3A_1126 = vector.broadcast %add3A_1125 : i32 to vector<16xi32>
        %add3A_1127 = arith.addi %add3A_826, %add3A_1126 : vector<16xi32>
        %gather3A_1128 = tpu.vector_load_idx %arg4[%add3A_1127] : memref<40960xf32, #tpu.memory_space<vmem>>[vector<16xi32>], vector<16xf32>,
        %add3A_1129 = arith.constant 52 : i32
        %add3A_1130 = vector.broadcast %add3A_1129 : i32 to vector<16xi32>
        %add3A_1131 = arith.addi %add3A_826, %add3A_1130 : vector<16xi32>
        %gather3A_1132 = tpu.vector_load_idx %arg4[%add3A_1131] : memref<40960xf32, #tpu.memory_space<vmem>>[vector<16xi32>], vector<16xf32>,
        %add3A_1133 = arith.constant 53 : i32
        %add3A_1134 = vector.broadcast %add3A_1133 : i32 to vector<16xi32>
        %add3A_1135 = arith.addi %add3A_826, %add3A_1134 : vector<16xi32>
        %gather3A_1136 = tpu.vector_load_idx %arg4[%add3A_1135] : memref<40960xf32, #tpu.memory_space<vmem>>[vector<16xi32>], vector<16xf32>,
        %add3A_1137 = arith.constant 54 : i32
        %add3A_1138 = vector.broadcast %add3A_1137 : i32 to vector<16xi32>
        %add3A_1139 = arith.addi %add3A_826, %add3A_1138 : vector<16xi32>
        %gather3A_1140 = tpu.vector_load_idx %arg4[%add3A_1139] : memref<40960xf32, #tpu.memory_space<vmem>>[vector<16xi32>], vector<16xf32>,
        %add3A_1141 = arith.constant 55 : i32
        %add3A_1142 = vector.broadcast %add3A_1141 : i32 to vector<16xi32>
        %add3A_1143 = arith.addi %add3A_826, %add3A_1142 : vector<16xi32>
        %gather3A_1144 = tpu.vector_load_idx %arg4[%add3A_1143] : memref<40960xf32, #tpu.memory_space<vmem>>[vector<16xi32>], vector<16xf32>,
        %min3A_1145 = arith.minimumf %gather3A_1116, %gather3A_1120 : vector<16xf32>
        %min3A_1146 = arith.minimumf %gather3A_1124, %gather3A_1128 : vector<16xf32>
        %min3A_1147 = arith.minimumf %min3A_1145, %min3A_1146 : vector<16xf32>
        %min3A_1148 = arith.minimumf %gather3A_1132, %gather3A_1136 : vector<16xf32>
        %min3A_1149 = arith.minimumf %gather3A_1140, %gather3A_1144 : vector<16xf32>
        %min3A_1150 = arith.minimumf %min3A_1148, %min3A_1149 : vector<16xf32>
        %min3A_1151 = arith.minimumf %min3A_1147, %min3A_1150 : vector<16xf32>
        %max3A_1152 = arith.maximumf %gather3A_1116, %gather3A_1120 : vector<16xf32>
        %max3A_1153 = arith.maximumf %gather3A_1124, %gather3A_1128 : vector<16xf32>
        %max3A_1154 = arith.maximumf %max3A_1152, %max3A_1153 : vector<16xf32>
        %max3A_1155 = arith.maximumf %gather3A_1132, %gather3A_1136 : vector<16xf32>
        %max3A_1156 = arith.maximumf %gather3A_1140, %gather3A_1144 : vector<16xf32>
        %max3A_1157 = arith.maximumf %max3A_1155, %max3A_1156 : vector<16xf32>
        %max3A_1158 = arith.maximumf %max3A_1154, %max3A_1157 : vector<16xf32>
        %min3A_1159 = arith.minimumf %min3A_1111, %min3A_1151 : vector<16xf32>
        %max3A_1160 = arith.maximumf %max3A_1112, %max3A_1158 : vector<16xf32>
        %add3A_1161 = arith.constant 56 : i32
        %add3A_1162 = vector.broadcast %add3A_1161 : i32 to vector<16xi32>
        %add3A_1163 = arith.addi %add3A_826, %add3A_1162 : vector<16xi32>
        %gather3A_1164 = tpu.vector_load_idx %arg4[%add3A_1163] : memref<40960xf32, #tpu.memory_space<vmem>>[vector<16xi32>], vector<16xf32>,
        %add3A_1165 = arith.constant 57 : i32
        %add3A_1166 = vector.broadcast %add3A_1165 : i32 to vector<16xi32>
        %add3A_1167 = arith.addi %add3A_826, %add3A_1166 : vector<16xi32>
        %gather3A_1168 = tpu.vector_load_idx %arg4[%add3A_1167] : memref<40960xf32, #tpu.memory_space<vmem>>[vector<16xi32>], vector<16xf32>,
        %add3A_1169 = arith.constant 58 : i32
        %add3A_1170 = vector.broadcast %add3A_1169 : i32 to vector<16xi32>
        %add3A_1171 = arith.addi %add3A_826, %add3A_1170 : vector<16xi32>
        %gather3A_1172 = tpu.vector_load_idx %arg4[%add3A_1171] : memref<40960xf32, #tpu.memory_space<vmem>>[vector<16xi32>], vector<16xf32>,
        %add3A_1173 = arith.constant 59 : i32
        %add3A_1174 = vector.broadcast %add3A_1173 : i32 to vector<16xi32>
        %add3A_1175 = arith.addi %add3A_826, %add3A_1174 : vector<16xi32>
        %gather3A_1176 = tpu.vector_load_idx %arg4[%add3A_1175] : memref<40960xf32, #tpu.memory_space<vmem>>[vector<16xi32>], vector<16xf32>,
        %add3A_1177 = arith.constant 60 : i32
        %add3A_1178 = vector.broadcast %add3A_1177 : i32 to vector<16xi32>
        %add3A_1179 = arith.addi %add3A_826, %add3A_1178 : vector<16xi32>
        %gather3A_1180 = tpu.vector_load_idx %arg4[%add3A_1179] : memref<40960xf32, #tpu.memory_space<vmem>>[vector<16xi32>], vector<16xf32>,
        %add3A_1181 = arith.constant 61 : i32
        %add3A_1182 = vector.broadcast %add3A_1181 : i32 to vector<16xi32>
        %add3A_1183 = arith.addi %add3A_826, %add3A_1182 : vector<16xi32>
        %gather3A_1184 = tpu.vector_load_idx %arg4[%add3A_1183] : memref<40960xf32, #tpu.memory_space<vmem>>[vector<16xi32>], vector<16xf32>,
        %add3A_1185 = arith.constant 62 : i32
        %add3A_1186 = vector.broadcast %add3A_1185 : i32 to vector<16xi32>
        %add3A_1187 = arith.addi %add3A_826, %add3A_1186 : vector<16xi32>
        %gather3A_1188 = tpu.vector_load_idx %arg4[%add3A_1187] : memref<40960xf32, #tpu.memory_space<vmem>>[vector<16xi32>], vector<16xf32>,
        %add3A_1189 = arith.constant 63 : i32
        %add3A_1190 = vector.broadcast %add3A_1189 : i32 to vector<16xi32>
        %add3A_1191 = arith.addi %add3A_826, %add3A_1190 : vector<16xi32>
        %gather3A_1192 = tpu.vector_load_idx %arg4[%add3A_1191] : memref<40960xf32, #tpu.memory_space<vmem>>[vector<16xi32>], vector<16xf32>,
        %min3A_1193 = arith.minimumf %gather3A_1164, %gather3A_1168 : vector<16xf32>
        %min3A_1194 = arith.minimumf %gather3A_1172, %gather3A_1176 : vector<16xf32>
        %min3A_1195 = arith.minimumf %min3A_1193, %min3A_1194 : vector<16xf32>
        %min3A_1196 = arith.minimumf %gather3A_1180, %gather3A_1184 : vector<16xf32>
        %min3A_1197 = arith.minimumf %gather3A_1188, %gather3A_1192 : vector<16xf32>
        %min3A_1198 = arith.minimumf %min3A_1196, %min3A_1197 : vector<16xf32>
        %min3A_1199 = arith.minimumf %min3A_1195, %min3A_1198 : vector<16xf32>
        %max3A_1200 = arith.maximumf %gather3A_1164, %gather3A_1168 : vector<16xf32>
        %max3A_1201 = arith.maximumf %gather3A_1172, %gather3A_1176 : vector<16xf32>
        %max3A_1202 = arith.maximumf %max3A_1200, %max3A_1201 : vector<16xf32>
        %max3A_1203 = arith.maximumf %gather3A_1180, %gather3A_1184 : vector<16xf32>
        %max3A_1204 = arith.maximumf %gather3A_1188, %gather3A_1192 : vector<16xf32>
        %max3A_1205 = arith.maximumf %max3A_1203, %max3A_1204 : vector<16xf32>
        %max3A_1206 = arith.maximumf %max3A_1202, %max3A_1205 : vector<16xf32>
        %min3A_1207 = arith.minimumf %min3A_1159, %min3A_1199 : vector<16xf32>
        %max3A_1208 = arith.maximumf %max3A_1160, %max3A_1206 : vector<16xf32>
        %sub3A_1209 = arith.subf %max3A_1208, %min3A_1207 : vector<16xf32>
        %add3A_1210 = arith.constant 2048 : i32
        %add3A_1211 = arith.addi %add3A_439, %add3A_1210 : i32
        %add3A_1212 = vector.broadcast %add3A_1211 : i32 to vector<16xi32>
        %add3A_1213 = arith.addi %mul3A_3, %add3A_1212 : vector<16xi32>
        %add3A_1214 = arith.constant 0 : i32
        %add3A_1215 = vector.broadcast %add3A_1214 : i32 to vector<16xi32>
        %add3A_1216 = arith.addi %add3A_1213, %add3A_1215 : vector<16xi32>
        %gather3A_1217 = tpu.vector_load_idx %arg4[%add3A_1216] : memref<40960xf32, #tpu.memory_space<vmem>>[vector<16xi32>], vector<16xf32>,
        %add3A_1218 = arith.constant 1 : i32
        %add3A_1219 = vector.broadcast %add3A_1218 : i32 to vector<16xi32>
        %add3A_1220 = arith.addi %add3A_1213, %add3A_1219 : vector<16xi32>
        %gather3A_1221 = tpu.vector_load_idx %arg4[%add3A_1220] : memref<40960xf32, #tpu.memory_space<vmem>>[vector<16xi32>], vector<16xf32>,
        %add3A_1222 = arith.constant 2 : i32
        %add3A_1223 = vector.broadcast %add3A_1222 : i32 to vector<16xi32>
        %add3A_1224 = arith.addi %add3A_1213, %add3A_1223 : vector<16xi32>
        %gather3A_1225 = tpu.vector_load_idx %arg4[%add3A_1224] : memref<40960xf32, #tpu.memory_space<vmem>>[vector<16xi32>], vector<16xf32>,
        %add3A_1226 = arith.constant 3 : i32
        %add3A_1227 = vector.broadcast %add3A_1226 : i32 to vector<16xi32>
        %add3A_1228 = arith.addi %add3A_1213, %add3A_1227 : vector<16xi32>
        %gather3A_1229 = tpu.vector_load_idx %arg4[%add3A_1228] : memref<40960xf32, #tpu.memory_space<vmem>>[vector<16xi32>], vector<16xf32>,
        %add3A_1230 = arith.constant 4 : i32
        %add3A_1231 = vector.broadcast %add3A_1230 : i32 to vector<16xi32>
        %add3A_1232 = arith.addi %add3A_1213, %add3A_1231 : vector<16xi32>
        %gather3A_1233 = tpu.vector_load_idx %arg4[%add3A_1232] : memref<40960xf32, #tpu.memory_space<vmem>>[vector<16xi32>], vector<16xf32>,
        %add3A_1234 = arith.constant 5 : i32
        %add3A_1235 = vector.broadcast %add3A_1234 : i32 to vector<16xi32>
        %add3A_1236 = arith.addi %add3A_1213, %add3A_1235 : vector<16xi32>
        %gather3A_1237 = tpu.vector_load_idx %arg4[%add3A_1236] : memref<40960xf32, #tpu.memory_space<vmem>>[vector<16xi32>], vector<16xf32>,
        %add3A_1238 = arith.constant 6 : i32
        %add3A_1239 = vector.broadcast %add3A_1238 : i32 to vector<16xi32>
        %add3A_1240 = arith.addi %add3A_1213, %add3A_1239 : vector<16xi32>
        %gather3A_1241 = tpu.vector_load_idx %arg4[%add3A_1240] : memref<40960xf32, #tpu.memory_space<vmem>>[vector<16xi32>], vector<16xf32>,
        %add3A_1242 = arith.constant 7 : i32
        %add3A_1243 = vector.broadcast %add3A_1242 : i32 to vector<16xi32>
        %add3A_1244 = arith.addi %add3A_1213, %add3A_1243 : vector<16xi32>
        %gather3A_1245 = tpu.vector_load_idx %arg4[%add3A_1244] : memref<40960xf32, #tpu.memory_space<vmem>>[vector<16xi32>], vector<16xf32>,
        %min3A_1246 = arith.minimumf %gather3A_1217, %gather3A_1221 : vector<16xf32>
        %min3A_1247 = arith.minimumf %gather3A_1225, %gather3A_1229 : vector<16xf32>
        %min3A_1248 = arith.minimumf %min3A_1246, %min3A_1247 : vector<16xf32>
        %min3A_1249 = arith.minimumf %gather3A_1233, %gather3A_1237 : vector<16xf32>
        %min3A_1250 = arith.minimumf %gather3A_1241, %gather3A_1245 : vector<16xf32>
        %min3A_1251 = arith.minimumf %min3A_1249, %min3A_1250 : vector<16xf32>
        %min3A_1252 = arith.minimumf %min3A_1248, %min3A_1251 : vector<16xf32>
        %max3A_1253 = arith.maximumf %gather3A_1217, %gather3A_1221 : vector<16xf32>
        %max3A_1254 = arith.maximumf %gather3A_1225, %gather3A_1229 : vector<16xf32>
        %max3A_1255 = arith.maximumf %max3A_1253, %max3A_1254 : vector<16xf32>
        %max3A_1256 = arith.maximumf %gather3A_1233, %gather3A_1237 : vector<16xf32>
        %max3A_1257 = arith.maximumf %gather3A_1241, %gather3A_1245 : vector<16xf32>
        %max3A_1258 = arith.maximumf %max3A_1256, %max3A_1257 : vector<16xf32>
        %max3A_1259 = arith.maximumf %max3A_1255, %max3A_1258 : vector<16xf32>
        %add3A_1260 = arith.constant 8 : i32
        %add3A_1261 = vector.broadcast %add3A_1260 : i32 to vector<16xi32>
        %add3A_1262 = arith.addi %add3A_1213, %add3A_1261 : vector<16xi32>
        %gather3A_1263 = tpu.vector_load_idx %arg4[%add3A_1262] : memref<40960xf32, #tpu.memory_space<vmem>>[vector<16xi32>], vector<16xf32>,
        %add3A_1264 = arith.constant 9 : i32
        %add3A_1265 = vector.broadcast %add3A_1264 : i32 to vector<16xi32>
        %add3A_1266 = arith.addi %add3A_1213, %add3A_1265 : vector<16xi32>
        %gather3A_1267 = tpu.vector_load_idx %arg4[%add3A_1266] : memref<40960xf32, #tpu.memory_space<vmem>>[vector<16xi32>], vector<16xf32>,
        %add3A_1268 = arith.constant 10 : i32
        %add3A_1269 = vector.broadcast %add3A_1268 : i32 to vector<16xi32>
        %add3A_1270 = arith.addi %add3A_1213, %add3A_1269 : vector<16xi32>
        %gather3A_1271 = tpu.vector_load_idx %arg4[%add3A_1270] : memref<40960xf32, #tpu.memory_space<vmem>>[vector<16xi32>], vector<16xf32>,
        %add3A_1272 = arith.constant 11 : i32
        %add3A_1273 = vector.broadcast %add3A_1272 : i32 to vector<16xi32>
        %add3A_1274 = arith.addi %add3A_1213, %add3A_1273 : vector<16xi32>
        %gather3A_1275 = tpu.vector_load_idx %arg4[%add3A_1274] : memref<40960xf32, #tpu.memory_space<vmem>>[vector<16xi32>], vector<16xf32>,
        %add3A_1276 = arith.constant 12 : i32
        %add3A_1277 = vector.broadcast %add3A_1276 : i32 to vector<16xi32>
        %add3A_1278 = arith.addi %add3A_1213, %add3A_1277 : vector<16xi32>
        %gather3A_1279 = tpu.vector_load_idx %arg4[%add3A_1278] : memref<40960xf32, #tpu.memory_space<vmem>>[vector<16xi32>], vector<16xf32>,
        %add3A_1280 = arith.constant 13 : i32
        %add3A_1281 = vector.broadcast %add3A_1280 : i32 to vector<16xi32>
        %add3A_1282 = arith.addi %add3A_1213, %add3A_1281 : vector<16xi32>
        %gather3A_1283 = tpu.vector_load_idx %arg4[%add3A_1282] : memref<40960xf32, #tpu.memory_space<vmem>>[vector<16xi32>], vector<16xf32>,
        %add3A_1284 = arith.constant 14 : i32
        %add3A_1285 = vector.broadcast %add3A_1284 : i32 to vector<16xi32>
        %add3A_1286 = arith.addi %add3A_1213, %add3A_1285 : vector<16xi32>
        %gather3A_1287 = tpu.vector_load_idx %arg4[%add3A_1286] : memref<40960xf32, #tpu.memory_space<vmem>>[vector<16xi32>], vector<16xf32>,
        %add3A_1288 = arith.constant 15 : i32
        %add3A_1289 = vector.broadcast %add3A_1288 : i32 to vector<16xi32>
        %add3A_1290 = arith.addi %add3A_1213, %add3A_1289 : vector<16xi32>
        %gather3A_1291 = tpu.vector_load_idx %arg4[%add3A_1290] : memref<40960xf32, #tpu.memory_space<vmem>>[vector<16xi32>], vector<16xf32>,
        %min3A_1292 = arith.minimumf %gather3A_1263, %gather3A_1267 : vector<16xf32>
        %min3A_1293 = arith.minimumf %gather3A_1271, %gather3A_1275 : vector<16xf32>
        %min3A_1294 = arith.minimumf %min3A_1292, %min3A_1293 : vector<16xf32>
        %min3A_1295 = arith.minimumf %gather3A_1279, %gather3A_1283 : vector<16xf32>
        %min3A_1296 = arith.minimumf %gather3A_1287, %gather3A_1291 : vector<16xf32>
        %min3A_1297 = arith.minimumf %min3A_1295, %min3A_1296 : vector<16xf32>
        %min3A_1298 = arith.minimumf %min3A_1294, %min3A_1297 : vector<16xf32>
        %max3A_1299 = arith.maximumf %gather3A_1263, %gather3A_1267 : vector<16xf32>
        %max3A_1300 = arith.maximumf %gather3A_1271, %gather3A_1275 : vector<16xf32>
        %max3A_1301 = arith.maximumf %max3A_1299, %max3A_1300 : vector<16xf32>
        %max3A_1302 = arith.maximumf %gather3A_1279, %gather3A_1283 : vector<16xf32>
        %max3A_1303 = arith.maximumf %gather3A_1287, %gather3A_1291 : vector<16xf32>
        %max3A_1304 = arith.maximumf %max3A_1302, %max3A_1303 : vector<16xf32>
        %max3A_1305 = arith.maximumf %max3A_1301, %max3A_1304 : vector<16xf32>
        %min3A_1306 = arith.minimumf %min3A_1252, %min3A_1298 : vector<16xf32>
        %max3A_1307 = arith.maximumf %max3A_1259, %max3A_1305 : vector<16xf32>
        %add3A_1308 = arith.constant 16 : i32
        %add3A_1309 = vector.broadcast %add3A_1308 : i32 to vector<16xi32>
        %add3A_1310 = arith.addi %add3A_1213, %add3A_1309 : vector<16xi32>
        %gather3A_1311 = tpu.vector_load_idx %arg4[%add3A_1310] : memref<40960xf32, #tpu.memory_space<vmem>>[vector<16xi32>], vector<16xf32>,
        %add3A_1312 = arith.constant 17 : i32
        %add3A_1313 = vector.broadcast %add3A_1312 : i32 to vector<16xi32>
        %add3A_1314 = arith.addi %add3A_1213, %add3A_1313 : vector<16xi32>
        %gather3A_1315 = tpu.vector_load_idx %arg4[%add3A_1314] : memref<40960xf32, #tpu.memory_space<vmem>>[vector<16xi32>], vector<16xf32>,
        %add3A_1316 = arith.constant 18 : i32
        %add3A_1317 = vector.broadcast %add3A_1316 : i32 to vector<16xi32>
        %add3A_1318 = arith.addi %add3A_1213, %add3A_1317 : vector<16xi32>
        %gather3A_1319 = tpu.vector_load_idx %arg4[%add3A_1318] : memref<40960xf32, #tpu.memory_space<vmem>>[vector<16xi32>], vector<16xf32>,
        %add3A_1320 = arith.constant 19 : i32
        %add3A_1321 = vector.broadcast %add3A_1320 : i32 to vector<16xi32>
        %add3A_1322 = arith.addi %add3A_1213, %add3A_1321 : vector<16xi32>
        %gather3A_1323 = tpu.vector_load_idx %arg4[%add3A_1322] : memref<40960xf32, #tpu.memory_space<vmem>>[vector<16xi32>], vector<16xf32>,
        %add3A_1324 = arith.constant 20 : i32
        %add3A_1325 = vector.broadcast %add3A_1324 : i32 to vector<16xi32>
        %add3A_1326 = arith.addi %add3A_1213, %add3A_1325 : vector<16xi32>
        %gather3A_1327 = tpu.vector_load_idx %arg4[%add3A_1326] : memref<40960xf32, #tpu.memory_space<vmem>>[vector<16xi32>], vector<16xf32>,
        %add3A_1328 = arith.constant 21 : i32
        %add3A_1329 = vector.broadcast %add3A_1328 : i32 to vector<16xi32>
        %add3A_1330 = arith.addi %add3A_1213, %add3A_1329 : vector<16xi32>
        %gather3A_1331 = tpu.vector_load_idx %arg4[%add3A_1330] : memref<40960xf32, #tpu.memory_space<vmem>>[vector<16xi32>], vector<16xf32>,
        %add3A_1332 = arith.constant 22 : i32
        %add3A_1333 = vector.broadcast %add3A_1332 : i32 to vector<16xi32>
        %add3A_1334 = arith.addi %add3A_1213, %add3A_1333 : vector<16xi32>
        %gather3A_1335 = tpu.vector_load_idx %arg4[%add3A_1334] : memref<40960xf32, #tpu.memory_space<vmem>>[vector<16xi32>], vector<16xf32>,
        %add3A_1336 = arith.constant 23 : i32
        %add3A_1337 = vector.broadcast %add3A_1336 : i32 to vector<16xi32>
        %add3A_1338 = arith.addi %add3A_1213, %add3A_1337 : vector<16xi32>
        %gather3A_1339 = tpu.vector_load_idx %arg4[%add3A_1338] : memref<40960xf32, #tpu.memory_space<vmem>>[vector<16xi32>], vector<16xf32>,
        %min3A_1340 = arith.minimumf %gather3A_1311, %gather3A_1315 : vector<16xf32>
        %min3A_1341 = arith.minimumf %gather3A_1319, %gather3A_1323 : vector<16xf32>
        %min3A_1342 = arith.minimumf %min3A_1340, %min3A_1341 : vector<16xf32>
        %min3A_1343 = arith.minimumf %gather3A_1327, %gather3A_1331 : vector<16xf32>
        %min3A_1344 = arith.minimumf %gather3A_1335, %gather3A_1339 : vector<16xf32>
        %min3A_1345 = arith.minimumf %min3A_1343, %min3A_1344 : vector<16xf32>
        %min3A_1346 = arith.minimumf %min3A_1342, %min3A_1345 : vector<16xf32>
        %max3A_1347 = arith.maximumf %gather3A_1311, %gather3A_1315 : vector<16xf32>
        %max3A_1348 = arith.maximumf %gather3A_1319, %gather3A_1323 : vector<16xf32>
        %max3A_1349 = arith.maximumf %max3A_1347, %max3A_1348 : vector<16xf32>
        %max3A_1350 = arith.maximumf %gather3A_1327, %gather3A_1331 : vector<16xf32>
        %max3A_1351 = arith.maximumf %gather3A_1335, %gather3A_1339 : vector<16xf32>
        %max3A_1352 = arith.maximumf %max3A_1350, %max3A_1351 : vector<16xf32>
        %max3A_1353 = arith.maximumf %max3A_1349, %max3A_1352 : vector<16xf32>
        %min3A_1354 = arith.minimumf %min3A_1306, %min3A_1346 : vector<16xf32>
        %max3A_1355 = arith.maximumf %max3A_1307, %max3A_1353 : vector<16xf32>
        %add3A_1356 = arith.constant 24 : i32
        %add3A_1357 = vector.broadcast %add3A_1356 : i32 to vector<16xi32>
        %add3A_1358 = arith.addi %add3A_1213, %add3A_1357 : vector<16xi32>
        %gather3A_1359 = tpu.vector_load_idx %arg4[%add3A_1358] : memref<40960xf32, #tpu.memory_space<vmem>>[vector<16xi32>], vector<16xf32>,
        %add3A_1360 = arith.constant 25 : i32
        %add3A_1361 = vector.broadcast %add3A_1360 : i32 to vector<16xi32>
        %add3A_1362 = arith.addi %add3A_1213, %add3A_1361 : vector<16xi32>
        %gather3A_1363 = tpu.vector_load_idx %arg4[%add3A_1362] : memref<40960xf32, #tpu.memory_space<vmem>>[vector<16xi32>], vector<16xf32>,
        %add3A_1364 = arith.constant 26 : i32
        %add3A_1365 = vector.broadcast %add3A_1364 : i32 to vector<16xi32>
        %add3A_1366 = arith.addi %add3A_1213, %add3A_1365 : vector<16xi32>
        %gather3A_1367 = tpu.vector_load_idx %arg4[%add3A_1366] : memref<40960xf32, #tpu.memory_space<vmem>>[vector<16xi32>], vector<16xf32>,
        %add3A_1368 = arith.constant 27 : i32
        %add3A_1369 = vector.broadcast %add3A_1368 : i32 to vector<16xi32>
        %add3A_1370 = arith.addi %add3A_1213, %add3A_1369 : vector<16xi32>
        %gather3A_1371 = tpu.vector_load_idx %arg4[%add3A_1370] : memref<40960xf32, #tpu.memory_space<vmem>>[vector<16xi32>], vector<16xf32>,
        %add3A_1372 = arith.constant 28 : i32
        %add3A_1373 = vector.broadcast %add3A_1372 : i32 to vector<16xi32>
        %add3A_1374 = arith.addi %add3A_1213, %add3A_1373 : vector<16xi32>
        %gather3A_1375 = tpu.vector_load_idx %arg4[%add3A_1374] : memref<40960xf32, #tpu.memory_space<vmem>>[vector<16xi32>], vector<16xf32>,
        %add3A_1376 = arith.constant 29 : i32
        %add3A_1377 = vector.broadcast %add3A_1376 : i32 to vector<16xi32>
        %add3A_1378 = arith.addi %add3A_1213, %add3A_1377 : vector<16xi32>
        %gather3A_1379 = tpu.vector_load_idx %arg4[%add3A_1378] : memref<40960xf32, #tpu.memory_space<vmem>>[vector<16xi32>], vector<16xf32>,
        %add3A_1380 = arith.constant 30 : i32
        %add3A_1381 = vector.broadcast %add3A_1380 : i32 to vector<16xi32>
        %add3A_1382 = arith.addi %add3A_1213, %add3A_1381 : vector<16xi32>
        %gather3A_1383 = tpu.vector_load_idx %arg4[%add3A_1382] : memref<40960xf32, #tpu.memory_space<vmem>>[vector<16xi32>], vector<16xf32>,
        %add3A_1384 = arith.constant 31 : i32
        %add3A_1385 = vector.broadcast %add3A_1384 : i32 to vector<16xi32>
        %add3A_1386 = arith.addi %add3A_1213, %add3A_1385 : vector<16xi32>
        %gather3A_1387 = tpu.vector_load_idx %arg4[%add3A_1386] : memref<40960xf32, #tpu.memory_space<vmem>>[vector<16xi32>], vector<16xf32>,
        %min3A_1388 = arith.minimumf %gather3A_1359, %gather3A_1363 : vector<16xf32>
        %min3A_1389 = arith.minimumf %gather3A_1367, %gather3A_1371 : vector<16xf32>
        %min3A_1390 = arith.minimumf %min3A_1388, %min3A_1389 : vector<16xf32>
        %min3A_1391 = arith.minimumf %gather3A_1375, %gather3A_1379 : vector<16xf32>
        %min3A_1392 = arith.minimumf %gather3A_1383, %gather3A_1387 : vector<16xf32>
        %min3A_1393 = arith.minimumf %min3A_1391, %min3A_1392 : vector<16xf32>
        %min3A_1394 = arith.minimumf %min3A_1390, %min3A_1393 : vector<16xf32>
        %max3A_1395 = arith.maximumf %gather3A_1359, %gather3A_1363 : vector<16xf32>
        %max3A_1396 = arith.maximumf %gather3A_1367, %gather3A_1371 : vector<16xf32>
        %max3A_1397 = arith.maximumf %max3A_1395, %max3A_1396 : vector<16xf32>
        %max3A_1398 = arith.maximumf %gather3A_1375, %gather3A_1379 : vector<16xf32>
        %max3A_1399 = arith.maximumf %gather3A_1383, %gather3A_1387 : vector<16xf32>
        %max3A_1400 = arith.maximumf %max3A_1398, %max3A_1399 : vector<16xf32>
        %max3A_1401 = arith.maximumf %max3A_1397, %max3A_1400 : vector<16xf32>
        %min3A_1402 = arith.minimumf %min3A_1354, %min3A_1394 : vector<16xf32>
        %max3A_1403 = arith.maximumf %max3A_1355, %max3A_1401 : vector<16xf32>
        %add3A_1404 = arith.constant 32 : i32
        %add3A_1405 = vector.broadcast %add3A_1404 : i32 to vector<16xi32>
        %add3A_1406 = arith.addi %add3A_1213, %add3A_1405 : vector<16xi32>
        %gather3A_1407 = tpu.vector_load_idx %arg4[%add3A_1406] : memref<40960xf32, #tpu.memory_space<vmem>>[vector<16xi32>], vector<16xf32>,
        %add3A_1408 = arith.constant 33 : i32
        %add3A_1409 = vector.broadcast %add3A_1408 : i32 to vector<16xi32>
        %add3A_1410 = arith.addi %add3A_1213, %add3A_1409 : vector<16xi32>
        %gather3A_1411 = tpu.vector_load_idx %arg4[%add3A_1410] : memref<40960xf32, #tpu.memory_space<vmem>>[vector<16xi32>], vector<16xf32>,
        %add3A_1412 = arith.constant 34 : i32
        %add3A_1413 = vector.broadcast %add3A_1412 : i32 to vector<16xi32>
        %add3A_1414 = arith.addi %add3A_1213, %add3A_1413 : vector<16xi32>
        %gather3A_1415 = tpu.vector_load_idx %arg4[%add3A_1414] : memref<40960xf32, #tpu.memory_space<vmem>>[vector<16xi32>], vector<16xf32>,
        %add3A_1416 = arith.constant 35 : i32
        %add3A_1417 = vector.broadcast %add3A_1416 : i32 to vector<16xi32>
        %add3A_1418 = arith.addi %add3A_1213, %add3A_1417 : vector<16xi32>
        %gather3A_1419 = tpu.vector_load_idx %arg4[%add3A_1418] : memref<40960xf32, #tpu.memory_space<vmem>>[vector<16xi32>], vector<16xf32>,
        %add3A_1420 = arith.constant 36 : i32
        %add3A_1421 = vector.broadcast %add3A_1420 : i32 to vector<16xi32>
        %add3A_1422 = arith.addi %add3A_1213, %add3A_1421 : vector<16xi32>
        %gather3A_1423 = tpu.vector_load_idx %arg4[%add3A_1422] : memref<40960xf32, #tpu.memory_space<vmem>>[vector<16xi32>], vector<16xf32>,
        %add3A_1424 = arith.constant 37 : i32
        %add3A_1425 = vector.broadcast %add3A_1424 : i32 to vector<16xi32>
        %add3A_1426 = arith.addi %add3A_1213, %add3A_1425 : vector<16xi32>
        %gather3A_1427 = tpu.vector_load_idx %arg4[%add3A_1426] : memref<40960xf32, #tpu.memory_space<vmem>>[vector<16xi32>], vector<16xf32>,
        %add3A_1428 = arith.constant 38 : i32
        %add3A_1429 = vector.broadcast %add3A_1428 : i32 to vector<16xi32>
        %add3A_1430 = arith.addi %add3A_1213, %add3A_1429 : vector<16xi32>
        %gather3A_1431 = tpu.vector_load_idx %arg4[%add3A_1430] : memref<40960xf32, #tpu.memory_space<vmem>>[vector<16xi32>], vector<16xf32>,
        %add3A_1432 = arith.constant 39 : i32
        %add3A_1433 = vector.broadcast %add3A_1432 : i32 to vector<16xi32>
        %add3A_1434 = arith.addi %add3A_1213, %add3A_1433 : vector<16xi32>
        %gather3A_1435 = tpu.vector_load_idx %arg4[%add3A_1434] : memref<40960xf32, #tpu.memory_space<vmem>>[vector<16xi32>], vector<16xf32>,
        %min3A_1436 = arith.minimumf %gather3A_1407, %gather3A_1411 : vector<16xf32>
        %min3A_1437 = arith.minimumf %gather3A_1415, %gather3A_1419 : vector<16xf32>
        %min3A_1438 = arith.minimumf %min3A_1436, %min3A_1437 : vector<16xf32>
        %min3A_1439 = arith.minimumf %gather3A_1423, %gather3A_1427 : vector<16xf32>
        %min3A_1440 = arith.minimumf %gather3A_1431, %gather3A_1435 : vector<16xf32>
        %min3A_1441 = arith.minimumf %min3A_1439, %min3A_1440 : vector<16xf32>
        %min3A_1442 = arith.minimumf %min3A_1438, %min3A_1441 : vector<16xf32>
        %max3A_1443 = arith.maximumf %gather3A_1407, %gather3A_1411 : vector<16xf32>
        %max3A_1444 = arith.maximumf %gather3A_1415, %gather3A_1419 : vector<16xf32>
        %max3A_1445 = arith.maximumf %max3A_1443, %max3A_1444 : vector<16xf32>
        %max3A_1446 = arith.maximumf %gather3A_1423, %gather3A_1427 : vector<16xf32>
        %max3A_1447 = arith.maximumf %gather3A_1431, %gather3A_1435 : vector<16xf32>
        %max3A_1448 = arith.maximumf %max3A_1446, %max3A_1447 : vector<16xf32>
        %max3A_1449 = arith.maximumf %max3A_1445, %max3A_1448 : vector<16xf32>
        %min3A_1450 = arith.minimumf %min3A_1402, %min3A_1442 : vector<16xf32>
        %max3A_1451 = arith.maximumf %max3A_1403, %max3A_1449 : vector<16xf32>
        %add3A_1452 = arith.constant 40 : i32
        %add3A_1453 = vector.broadcast %add3A_1452 : i32 to vector<16xi32>
        %add3A_1454 = arith.addi %add3A_1213, %add3A_1453 : vector<16xi32>
        %gather3A_1455 = tpu.vector_load_idx %arg4[%add3A_1454] : memref<40960xf32, #tpu.memory_space<vmem>>[vector<16xi32>], vector<16xf32>,
        %add3A_1456 = arith.constant 41 : i32
        %add3A_1457 = vector.broadcast %add3A_1456 : i32 to vector<16xi32>
        %add3A_1458 = arith.addi %add3A_1213, %add3A_1457 : vector<16xi32>
        %gather3A_1459 = tpu.vector_load_idx %arg4[%add3A_1458] : memref<40960xf32, #tpu.memory_space<vmem>>[vector<16xi32>], vector<16xf32>,
        %add3A_1460 = arith.constant 42 : i32
        %add3A_1461 = vector.broadcast %add3A_1460 : i32 to vector<16xi32>
        %add3A_1462 = arith.addi %add3A_1213, %add3A_1461 : vector<16xi32>
        %gather3A_1463 = tpu.vector_load_idx %arg4[%add3A_1462] : memref<40960xf32, #tpu.memory_space<vmem>>[vector<16xi32>], vector<16xf32>,
        %add3A_1464 = arith.constant 43 : i32
        %add3A_1465 = vector.broadcast %add3A_1464 : i32 to vector<16xi32>
        %add3A_1466 = arith.addi %add3A_1213, %add3A_1465 : vector<16xi32>
        %gather3A_1467 = tpu.vector_load_idx %arg4[%add3A_1466] : memref<40960xf32, #tpu.memory_space<vmem>>[vector<16xi32>], vector<16xf32>,
        %add3A_1468 = arith.constant 44 : i32
        %add3A_1469 = vector.broadcast %add3A_1468 : i32 to vector<16xi32>
        %add3A_1470 = arith.addi %add3A_1213, %add3A_1469 : vector<16xi32>
        %gather3A_1471 = tpu.vector_load_idx %arg4[%add3A_1470] : memref<40960xf32, #tpu.memory_space<vmem>>[vector<16xi32>], vector<16xf32>,
        %add3A_1472 = arith.constant 45 : i32
        %add3A_1473 = vector.broadcast %add3A_1472 : i32 to vector<16xi32>
        %add3A_1474 = arith.addi %add3A_1213, %add3A_1473 : vector<16xi32>
        %gather3A_1475 = tpu.vector_load_idx %arg4[%add3A_1474] : memref<40960xf32, #tpu.memory_space<vmem>>[vector<16xi32>], vector<16xf32>,
        %add3A_1476 = arith.constant 46 : i32
        %add3A_1477 = vector.broadcast %add3A_1476 : i32 to vector<16xi32>
        %add3A_1478 = arith.addi %add3A_1213, %add3A_1477 : vector<16xi32>
        %gather3A_1479 = tpu.vector_load_idx %arg4[%add3A_1478] : memref<40960xf32, #tpu.memory_space<vmem>>[vector<16xi32>], vector<16xf32>,
        %add3A_1480 = arith.constant 47 : i32
        %add3A_1481 = vector.broadcast %add3A_1480 : i32 to vector<16xi32>
        %add3A_1482 = arith.addi %add3A_1213, %add3A_1481 : vector<16xi32>
        %gather3A_1483 = tpu.vector_load_idx %arg4[%add3A_1482] : memref<40960xf32, #tpu.memory_space<vmem>>[vector<16xi32>], vector<16xf32>,
        %min3A_1484 = arith.minimumf %gather3A_1455, %gather3A_1459 : vector<16xf32>
        %min3A_1485 = arith.minimumf %gather3A_1463, %gather3A_1467 : vector<16xf32>
        %min3A_1486 = arith.minimumf %min3A_1484, %min3A_1485 : vector<16xf32>
        %min3A_1487 = arith.minimumf %gather3A_1471, %gather3A_1475 : vector<16xf32>
        %min3A_1488 = arith.minimumf %gather3A_1479, %gather3A_1483 : vector<16xf32>
        %min3A_1489 = arith.minimumf %min3A_1487, %min3A_1488 : vector<16xf32>
        %min3A_1490 = arith.minimumf %min3A_1486, %min3A_1489 : vector<16xf32>
        %max3A_1491 = arith.maximumf %gather3A_1455, %gather3A_1459 : vector<16xf32>
        %max3A_1492 = arith.maximumf %gather3A_1463, %gather3A_1467 : vector<16xf32>
        %max3A_1493 = arith.maximumf %max3A_1491, %max3A_1492 : vector<16xf32>
        %max3A_1494 = arith.maximumf %gather3A_1471, %gather3A_1475 : vector<16xf32>
        %max3A_1495 = arith.maximumf %gather3A_1479, %gather3A_1483 : vector<16xf32>
        %max3A_1496 = arith.maximumf %max3A_1494, %max3A_1495 : vector<16xf32>
        %max3A_1497 = arith.maximumf %max3A_1493, %max3A_1496 : vector<16xf32>
        %min3A_1498 = arith.minimumf %min3A_1450, %min3A_1490 : vector<16xf32>
        %max3A_1499 = arith.maximumf %max3A_1451, %max3A_1497 : vector<16xf32>
        %add3A_1500 = arith.constant 48 : i32
        %add3A_1501 = vector.broadcast %add3A_1500 : i32 to vector<16xi32>
        %add3A_1502 = arith.addi %add3A_1213, %add3A_1501 : vector<16xi32>
        %gather3A_1503 = tpu.vector_load_idx %arg4[%add3A_1502] : memref<40960xf32, #tpu.memory_space<vmem>>[vector<16xi32>], vector<16xf32>,
        %add3A_1504 = arith.constant 49 : i32
        %add3A_1505 = vector.broadcast %add3A_1504 : i32 to vector<16xi32>
        %add3A_1506 = arith.addi %add3A_1213, %add3A_1505 : vector<16xi32>
        %gather3A_1507 = tpu.vector_load_idx %arg4[%add3A_1506] : memref<40960xf32, #tpu.memory_space<vmem>>[vector<16xi32>], vector<16xf32>,
        %add3A_1508 = arith.constant 50 : i32
        %add3A_1509 = vector.broadcast %add3A_1508 : i32 to vector<16xi32>
        %add3A_1510 = arith.addi %add3A_1213, %add3A_1509 : vector<16xi32>
        %gather3A_1511 = tpu.vector_load_idx %arg4[%add3A_1510] : memref<40960xf32, #tpu.memory_space<vmem>>[vector<16xi32>], vector<16xf32>,
        %add3A_1512 = arith.constant 51 : i32
        %add3A_1513 = vector.broadcast %add3A_1512 : i32 to vector<16xi32>
        %add3A_1514 = arith.addi %add3A_1213, %add3A_1513 : vector<16xi32>
        %gather3A_1515 = tpu.vector_load_idx %arg4[%add3A_1514] : memref<40960xf32, #tpu.memory_space<vmem>>[vector<16xi32>], vector<16xf32>,
        %add3A_1516 = arith.constant 52 : i32
        %add3A_1517 = vector.broadcast %add3A_1516 : i32 to vector<16xi32>
        %add3A_1518 = arith.addi %add3A_1213, %add3A_1517 : vector<16xi32>
        %gather3A_1519 = tpu.vector_load_idx %arg4[%add3A_1518] : memref<40960xf32, #tpu.memory_space<vmem>>[vector<16xi32>], vector<16xf32>,
        %add3A_1520 = arith.constant 53 : i32
        %add3A_1521 = vector.broadcast %add3A_1520 : i32 to vector<16xi32>
        %add3A_1522 = arith.addi %add3A_1213, %add3A_1521 : vector<16xi32>
        %gather3A_1523 = tpu.vector_load_idx %arg4[%add3A_1522] : memref<40960xf32, #tpu.memory_space<vmem>>[vector<16xi32>], vector<16xf32>,
        %add3A_1524 = arith.constant 54 : i32
        %add3A_1525 = vector.broadcast %add3A_1524 : i32 to vector<16xi32>
        %add3A_1526 = arith.addi %add3A_1213, %add3A_1525 : vector<16xi32>
        %gather3A_1527 = tpu.vector_load_idx %arg4[%add3A_1526] : memref<40960xf32, #tpu.memory_space<vmem>>[vector<16xi32>], vector<16xf32>,
        %add3A_1528 = arith.constant 55 : i32
        %add3A_1529 = vector.broadcast %add3A_1528 : i32 to vector<16xi32>
        %add3A_1530 = arith.addi %add3A_1213, %add3A_1529 : vector<16xi32>
        %gather3A_1531 = tpu.vector_load_idx %arg4[%add3A_1530] : memref<40960xf32, #tpu.memory_space<vmem>>[vector<16xi32>], vector<16xf32>,
        %min3A_1532 = arith.minimumf %gather3A_1503, %gather3A_1507 : vector<16xf32>
        %min3A_1533 = arith.minimumf %gather3A_1511, %gather3A_1515 : vector<16xf32>
        %min3A_1534 = arith.minimumf %min3A_1532, %min3A_1533 : vector<16xf32>
        %min3A_1535 = arith.minimumf %gather3A_1519, %gather3A_1523 : vector<16xf32>
        %min3A_1536 = arith.minimumf %gather3A_1527, %gather3A_1531 : vector<16xf32>
        %min3A_1537 = arith.minimumf %min3A_1535, %min3A_1536 : vector<16xf32>
        %min3A_1538 = arith.minimumf %min3A_1534, %min3A_1537 : vector<16xf32>
        %max3A_1539 = arith.maximumf %gather3A_1503, %gather3A_1507 : vector<16xf32>
        %max3A_1540 = arith.maximumf %gather3A_1511, %gather3A_1515 : vector<16xf32>
        %max3A_1541 = arith.maximumf %max3A_1539, %max3A_1540 : vector<16xf32>
        %max3A_1542 = arith.maximumf %gather3A_1519, %gather3A_1523 : vector<16xf32>
        %max3A_1543 = arith.maximumf %gather3A_1527, %gather3A_1531 : vector<16xf32>
        %max3A_1544 = arith.maximumf %max3A_1542, %max3A_1543 : vector<16xf32>
        %max3A_1545 = arith.maximumf %max3A_1541, %max3A_1544 : vector<16xf32>
        %min3A_1546 = arith.minimumf %min3A_1498, %min3A_1538 : vector<16xf32>
        %max3A_1547 = arith.maximumf %max3A_1499, %max3A_1545 : vector<16xf32>
        %add3A_1548 = arith.constant 56 : i32
        %add3A_1549 = vector.broadcast %add3A_1548 : i32 to vector<16xi32>
        %add3A_1550 = arith.addi %add3A_1213, %add3A_1549 : vector<16xi32>
        %gather3A_1551 = tpu.vector_load_idx %arg4[%add3A_1550] : memref<40960xf32, #tpu.memory_space<vmem>>[vector<16xi32>], vector<16xf32>,
        %add3A_1552 = arith.constant 57 : i32
        %add3A_1553 = vector.broadcast %add3A_1552 : i32 to vector<16xi32>
        %add3A_1554 = arith.addi %add3A_1213, %add3A_1553 : vector<16xi32>
        %gather3A_1555 = tpu.vector_load_idx %arg4[%add3A_1554] : memref<40960xf32, #tpu.memory_space<vmem>>[vector<16xi32>], vector<16xf32>,
        %add3A_1556 = arith.constant 58 : i32
        %add3A_1557 = vector.broadcast %add3A_1556 : i32 to vector<16xi32>
        %add3A_1558 = arith.addi %add3A_1213, %add3A_1557 : vector<16xi32>
        %gather3A_1559 = tpu.vector_load_idx %arg4[%add3A_1558] : memref<40960xf32, #tpu.memory_space<vmem>>[vector<16xi32>], vector<16xf32>,
        %add3A_1560 = arith.constant 59 : i32
        %add3A_1561 = vector.broadcast %add3A_1560 : i32 to vector<16xi32>
        %add3A_1562 = arith.addi %add3A_1213, %add3A_1561 : vector<16xi32>
        %gather3A_1563 = tpu.vector_load_idx %arg4[%add3A_1562] : memref<40960xf32, #tpu.memory_space<vmem>>[vector<16xi32>], vector<16xf32>,
        %add3A_1564 = arith.constant 60 : i32
        %add3A_1565 = vector.broadcast %add3A_1564 : i32 to vector<16xi32>
        %add3A_1566 = arith.addi %add3A_1213, %add3A_1565 : vector<16xi32>
        %gather3A_1567 = tpu.vector_load_idx %arg4[%add3A_1566] : memref<40960xf32, #tpu.memory_space<vmem>>[vector<16xi32>], vector<16xf32>,
        %add3A_1568 = arith.constant 61 : i32
        %add3A_1569 = vector.broadcast %add3A_1568 : i32 to vector<16xi32>
        %add3A_1570 = arith.addi %add3A_1213, %add3A_1569 : vector<16xi32>
        %gather3A_1571 = tpu.vector_load_idx %arg4[%add3A_1570] : memref<40960xf32, #tpu.memory_space<vmem>>[vector<16xi32>], vector<16xf32>,
        %add3A_1572 = arith.constant 62 : i32
        %add3A_1573 = vector.broadcast %add3A_1572 : i32 to vector<16xi32>
        %add3A_1574 = arith.addi %add3A_1213, %add3A_1573 : vector<16xi32>
        %gather3A_1575 = tpu.vector_load_idx %arg4[%add3A_1574] : memref<40960xf32, #tpu.memory_space<vmem>>[vector<16xi32>], vector<16xf32>,
        %add3A_1576 = arith.constant 63 : i32
        %add3A_1577 = vector.broadcast %add3A_1576 : i32 to vector<16xi32>
        %add3A_1578 = arith.addi %add3A_1213, %add3A_1577 : vector<16xi32>
        %gather3A_1579 = tpu.vector_load_idx %arg4[%add3A_1578] : memref<40960xf32, #tpu.memory_space<vmem>>[vector<16xi32>], vector<16xf32>,
        %min3A_1580 = arith.minimumf %gather3A_1551, %gather3A_1555 : vector<16xf32>
        %min3A_1581 = arith.minimumf %gather3A_1559, %gather3A_1563 : vector<16xf32>
        %min3A_1582 = arith.minimumf %min3A_1580, %min3A_1581 : vector<16xf32>
        %min3A_1583 = arith.minimumf %gather3A_1567, %gather3A_1571 : vector<16xf32>
        %min3A_1584 = arith.minimumf %gather3A_1575, %gather3A_1579 : vector<16xf32>
        %min3A_1585 = arith.minimumf %min3A_1583, %min3A_1584 : vector<16xf32>
        %min3A_1586 = arith.minimumf %min3A_1582, %min3A_1585 : vector<16xf32>
        %max3A_1587 = arith.maximumf %gather3A_1551, %gather3A_1555 : vector<16xf32>
        %max3A_1588 = arith.maximumf %gather3A_1559, %gather3A_1563 : vector<16xf32>
        %max3A_1589 = arith.maximumf %max3A_1587, %max3A_1588 : vector<16xf32>
        %max3A_1590 = arith.maximumf %gather3A_1567, %gather3A_1571 : vector<16xf32>
        %max3A_1591 = arith.maximumf %gather3A_1575, %gather3A_1579 : vector<16xf32>
        %max3A_1592 = arith.maximumf %max3A_1590, %max3A_1591 : vector<16xf32>
        %max3A_1593 = arith.maximumf %max3A_1589, %max3A_1592 : vector<16xf32>
        %min3A_1594 = arith.minimumf %min3A_1546, %min3A_1586 : vector<16xf32>
        %max3A_1595 = arith.maximumf %max3A_1547, %max3A_1593 : vector<16xf32>
        %sub3A_1596 = arith.subf %max3A_1595, %min3A_1594 : vector<16xf32>
        %add3A_1597 = arith.constant 3072 : i32
        %add3A_1598 = arith.addi %add3A_439, %add3A_1597 : i32
        %add3A_1599 = vector.broadcast %add3A_1598 : i32 to vector<16xi32>
        %add3A_1600 = arith.addi %mul3A_3, %add3A_1599 : vector<16xi32>
        %add3A_1601 = arith.constant 0 : i32
        %add3A_1602 = vector.broadcast %add3A_1601 : i32 to vector<16xi32>
        %add3A_1603 = arith.addi %add3A_1600, %add3A_1602 : vector<16xi32>
        %gather3A_1604 = tpu.vector_load_idx %arg4[%add3A_1603] : memref<40960xf32, #tpu.memory_space<vmem>>[vector<16xi32>], vector<16xf32>,
        %add3A_1605 = arith.constant 1 : i32
        %add3A_1606 = vector.broadcast %add3A_1605 : i32 to vector<16xi32>
        %add3A_1607 = arith.addi %add3A_1600, %add3A_1606 : vector<16xi32>
        %gather3A_1608 = tpu.vector_load_idx %arg4[%add3A_1607] : memref<40960xf32, #tpu.memory_space<vmem>>[vector<16xi32>], vector<16xf32>,
        %add3A_1609 = arith.constant 2 : i32
        %add3A_1610 = vector.broadcast %add3A_1609 : i32 to vector<16xi32>
        %add3A_1611 = arith.addi %add3A_1600, %add3A_1610 : vector<16xi32>
        %gather3A_1612 = tpu.vector_load_idx %arg4[%add3A_1611] : memref<40960xf32, #tpu.memory_space<vmem>>[vector<16xi32>], vector<16xf32>,
        %add3A_1613 = arith.constant 3 : i32
        %add3A_1614 = vector.broadcast %add3A_1613 : i32 to vector<16xi32>
        %add3A_1615 = arith.addi %add3A_1600, %add3A_1614 : vector<16xi32>
        %gather3A_1616 = tpu.vector_load_idx %arg4[%add3A_1615] : memref<40960xf32, #tpu.memory_space<vmem>>[vector<16xi32>], vector<16xf32>,
        %add3A_1617 = arith.constant 4 : i32
        %add3A_1618 = vector.broadcast %add3A_1617 : i32 to vector<16xi32>
        %add3A_1619 = arith.addi %add3A_1600, %add3A_1618 : vector<16xi32>
        %gather3A_1620 = tpu.vector_load_idx %arg4[%add3A_1619] : memref<40960xf32, #tpu.memory_space<vmem>>[vector<16xi32>], vector<16xf32>,
        %add3A_1621 = arith.constant 5 : i32
        %add3A_1622 = vector.broadcast %add3A_1621 : i32 to vector<16xi32>
        %add3A_1623 = arith.addi %add3A_1600, %add3A_1622 : vector<16xi32>
        %gather3A_1624 = tpu.vector_load_idx %arg4[%add3A_1623] : memref<40960xf32, #tpu.memory_space<vmem>>[vector<16xi32>], vector<16xf32>,
        %add3A_1625 = arith.constant 6 : i32
        %add3A_1626 = vector.broadcast %add3A_1625 : i32 to vector<16xi32>
        %add3A_1627 = arith.addi %add3A_1600, %add3A_1626 : vector<16xi32>
        %gather3A_1628 = tpu.vector_load_idx %arg4[%add3A_1627] : memref<40960xf32, #tpu.memory_space<vmem>>[vector<16xi32>], vector<16xf32>,
        %add3A_1629 = arith.constant 7 : i32
        %add3A_1630 = vector.broadcast %add3A_1629 : i32 to vector<16xi32>
        %add3A_1631 = arith.addi %add3A_1600, %add3A_1630 : vector<16xi32>
        %gather3A_1632 = tpu.vector_load_idx %arg4[%add3A_1631] : memref<40960xf32, #tpu.memory_space<vmem>>[vector<16xi32>], vector<16xf32>,
        %min3A_1633 = arith.minimumf %gather3A_1604, %gather3A_1608 : vector<16xf32>
        %min3A_1634 = arith.minimumf %gather3A_1612, %gather3A_1616 : vector<16xf32>
        %min3A_1635 = arith.minimumf %min3A_1633, %min3A_1634 : vector<16xf32>
        %min3A_1636 = arith.minimumf %gather3A_1620, %gather3A_1624 : vector<16xf32>
        %min3A_1637 = arith.minimumf %gather3A_1628, %gather3A_1632 : vector<16xf32>
        %min3A_1638 = arith.minimumf %min3A_1636, %min3A_1637 : vector<16xf32>
        %min3A_1639 = arith.minimumf %min3A_1635, %min3A_1638 : vector<16xf32>
        %max3A_1640 = arith.maximumf %gather3A_1604, %gather3A_1608 : vector<16xf32>
        %max3A_1641 = arith.maximumf %gather3A_1612, %gather3A_1616 : vector<16xf32>
        %max3A_1642 = arith.maximumf %max3A_1640, %max3A_1641 : vector<16xf32>
        %max3A_1643 = arith.maximumf %gather3A_1620, %gather3A_1624 : vector<16xf32>
        %max3A_1644 = arith.maximumf %gather3A_1628, %gather3A_1632 : vector<16xf32>
        %max3A_1645 = arith.maximumf %max3A_1643, %max3A_1644 : vector<16xf32>
        %max3A_1646 = arith.maximumf %max3A_1642, %max3A_1645 : vector<16xf32>
        %add3A_1647 = arith.constant 8 : i32
        %add3A_1648 = vector.broadcast %add3A_1647 : i32 to vector<16xi32>
        %add3A_1649 = arith.addi %add3A_1600, %add3A_1648 : vector<16xi32>
        %gather3A_1650 = tpu.vector_load_idx %arg4[%add3A_1649] : memref<40960xf32, #tpu.memory_space<vmem>>[vector<16xi32>], vector<16xf32>,
        %add3A_1651 = arith.constant 9 : i32
        %add3A_1652 = vector.broadcast %add3A_1651 : i32 to vector<16xi32>
        %add3A_1653 = arith.addi %add3A_1600, %add3A_1652 : vector<16xi32>
        %gather3A_1654 = tpu.vector_load_idx %arg4[%add3A_1653] : memref<40960xf32, #tpu.memory_space<vmem>>[vector<16xi32>], vector<16xf32>,
        %add3A_1655 = arith.constant 10 : i32
        %add3A_1656 = vector.broadcast %add3A_1655 : i32 to vector<16xi32>
        %add3A_1657 = arith.addi %add3A_1600, %add3A_1656 : vector<16xi32>
        %gather3A_1658 = tpu.vector_load_idx %arg4[%add3A_1657] : memref<40960xf32, #tpu.memory_space<vmem>>[vector<16xi32>], vector<16xf32>,
        %add3A_1659 = arith.constant 11 : i32
        %add3A_1660 = vector.broadcast %add3A_1659 : i32 to vector<16xi32>
        %add3A_1661 = arith.addi %add3A_1600, %add3A_1660 : vector<16xi32>
        %gather3A_1662 = tpu.vector_load_idx %arg4[%add3A_1661] : memref<40960xf32, #tpu.memory_space<vmem>>[vector<16xi32>], vector<16xf32>,
        %add3A_1663 = arith.constant 12 : i32
        %add3A_1664 = vector.broadcast %add3A_1663 : i32 to vector<16xi32>
        %add3A_1665 = arith.addi %add3A_1600, %add3A_1664 : vector<16xi32>
        %gather3A_1666 = tpu.vector_load_idx %arg4[%add3A_1665] : memref<40960xf32, #tpu.memory_space<vmem>>[vector<16xi32>], vector<16xf32>,
        %add3A_1667 = arith.constant 13 : i32
        %add3A_1668 = vector.broadcast %add3A_1667 : i32 to vector<16xi32>
        %add3A_1669 = arith.addi %add3A_1600, %add3A_1668 : vector<16xi32>
        %gather3A_1670 = tpu.vector_load_idx %arg4[%add3A_1669] : memref<40960xf32, #tpu.memory_space<vmem>>[vector<16xi32>], vector<16xf32>,
        %add3A_1671 = arith.constant 14 : i32
        %add3A_1672 = vector.broadcast %add3A_1671 : i32 to vector<16xi32>
        %add3A_1673 = arith.addi %add3A_1600, %add3A_1672 : vector<16xi32>
        %gather3A_1674 = tpu.vector_load_idx %arg4[%add3A_1673] : memref<40960xf32, #tpu.memory_space<vmem>>[vector<16xi32>], vector<16xf32>,
        %add3A_1675 = arith.constant 15 : i32
        %add3A_1676 = vector.broadcast %add3A_1675 : i32 to vector<16xi32>
        %add3A_1677 = arith.addi %add3A_1600, %add3A_1676 : vector<16xi32>
        %gather3A_1678 = tpu.vector_load_idx %arg4[%add3A_1677] : memref<40960xf32, #tpu.memory_space<vmem>>[vector<16xi32>], vector<16xf32>,
        %min3A_1679 = arith.minimumf %gather3A_1650, %gather3A_1654 : vector<16xf32>
        %min3A_1680 = arith.minimumf %gather3A_1658, %gather3A_1662 : vector<16xf32>
        %min3A_1681 = arith.minimumf %min3A_1679, %min3A_1680 : vector<16xf32>
        %min3A_1682 = arith.minimumf %gather3A_1666, %gather3A_1670 : vector<16xf32>
        %min3A_1683 = arith.minimumf %gather3A_1674, %gather3A_1678 : vector<16xf32>
        %min3A_1684 = arith.minimumf %min3A_1682, %min3A_1683 : vector<16xf32>
        %min3A_1685 = arith.minimumf %min3A_1681, %min3A_1684 : vector<16xf32>
        %max3A_1686 = arith.maximumf %gather3A_1650, %gather3A_1654 : vector<16xf32>
        %max3A_1687 = arith.maximumf %gather3A_1658, %gather3A_1662 : vector<16xf32>
        %max3A_1688 = arith.maximumf %max3A_1686, %max3A_1687 : vector<16xf32>
        %max3A_1689 = arith.maximumf %gather3A_1666, %gather3A_1670 : vector<16xf32>
        %max3A_1690 = arith.maximumf %gather3A_1674, %gather3A_1678 : vector<16xf32>
        %max3A_1691 = arith.maximumf %max3A_1689, %max3A_1690 : vector<16xf32>
        %max3A_1692 = arith.maximumf %max3A_1688, %max3A_1691 : vector<16xf32>
        %min3A_1693 = arith.minimumf %min3A_1639, %min3A_1685 : vector<16xf32>
        %max3A_1694 = arith.maximumf %max3A_1646, %max3A_1692 : vector<16xf32>
        %add3A_1695 = arith.constant 16 : i32
        %add3A_1696 = vector.broadcast %add3A_1695 : i32 to vector<16xi32>
        %add3A_1697 = arith.addi %add3A_1600, %add3A_1696 : vector<16xi32>
        %gather3A_1698 = tpu.vector_load_idx %arg4[%add3A_1697] : memref<40960xf32, #tpu.memory_space<vmem>>[vector<16xi32>], vector<16xf32>,
        %add3A_1699 = arith.constant 17 : i32
        %add3A_1700 = vector.broadcast %add3A_1699 : i32 to vector<16xi32>
        %add3A_1701 = arith.addi %add3A_1600, %add3A_1700 : vector<16xi32>
        %gather3A_1702 = tpu.vector_load_idx %arg4[%add3A_1701] : memref<40960xf32, #tpu.memory_space<vmem>>[vector<16xi32>], vector<16xf32>,
        %add3A_1703 = arith.constant 18 : i32
        %add3A_1704 = vector.broadcast %add3A_1703 : i32 to vector<16xi32>
        %add3A_1705 = arith.addi %add3A_1600, %add3A_1704 : vector<16xi32>
        %gather3A_1706 = tpu.vector_load_idx %arg4[%add3A_1705] : memref<40960xf32, #tpu.memory_space<vmem>>[vector<16xi32>], vector<16xf32>,
        %add3A_1707 = arith.constant 19 : i32
        %add3A_1708 = vector.broadcast %add3A_1707 : i32 to vector<16xi32>
        %add3A_1709 = arith.addi %add3A_1600, %add3A_1708 : vector<16xi32>
        %gather3A_1710 = tpu.vector_load_idx %arg4[%add3A_1709] : memref<40960xf32, #tpu.memory_space<vmem>>[vector<16xi32>], vector<16xf32>,
        %add3A_1711 = arith.constant 20 : i32
        %add3A_1712 = vector.broadcast %add3A_1711 : i32 to vector<16xi32>
        %add3A_1713 = arith.addi %add3A_1600, %add3A_1712 : vector<16xi32>
        %gather3A_1714 = tpu.vector_load_idx %arg4[%add3A_1713] : memref<40960xf32, #tpu.memory_space<vmem>>[vector<16xi32>], vector<16xf32>,
        %add3A_1715 = arith.constant 21 : i32
        %add3A_1716 = vector.broadcast %add3A_1715 : i32 to vector<16xi32>
        %add3A_1717 = arith.addi %add3A_1600, %add3A_1716 : vector<16xi32>
        %gather3A_1718 = tpu.vector_load_idx %arg4[%add3A_1717] : memref<40960xf32, #tpu.memory_space<vmem>>[vector<16xi32>], vector<16xf32>,
        %add3A_1719 = arith.constant 22 : i32
        %add3A_1720 = vector.broadcast %add3A_1719 : i32 to vector<16xi32>
        %add3A_1721 = arith.addi %add3A_1600, %add3A_1720 : vector<16xi32>
        %gather3A_1722 = tpu.vector_load_idx %arg4[%add3A_1721] : memref<40960xf32, #tpu.memory_space<vmem>>[vector<16xi32>], vector<16xf32>,
        %add3A_1723 = arith.constant 23 : i32
        %add3A_1724 = vector.broadcast %add3A_1723 : i32 to vector<16xi32>
        %add3A_1725 = arith.addi %add3A_1600, %add3A_1724 : vector<16xi32>
        %gather3A_1726 = tpu.vector_load_idx %arg4[%add3A_1725] : memref<40960xf32, #tpu.memory_space<vmem>>[vector<16xi32>], vector<16xf32>,
        %min3A_1727 = arith.minimumf %gather3A_1698, %gather3A_1702 : vector<16xf32>
        %min3A_1728 = arith.minimumf %gather3A_1706, %gather3A_1710 : vector<16xf32>
        %min3A_1729 = arith.minimumf %min3A_1727, %min3A_1728 : vector<16xf32>
        %min3A_1730 = arith.minimumf %gather3A_1714, %gather3A_1718 : vector<16xf32>
        %min3A_1731 = arith.minimumf %gather3A_1722, %gather3A_1726 : vector<16xf32>
        %min3A_1732 = arith.minimumf %min3A_1730, %min3A_1731 : vector<16xf32>
        %min3A_1733 = arith.minimumf %min3A_1729, %min3A_1732 : vector<16xf32>
        %max3A_1734 = arith.maximumf %gather3A_1698, %gather3A_1702 : vector<16xf32>
        %max3A_1735 = arith.maximumf %gather3A_1706, %gather3A_1710 : vector<16xf32>
        %max3A_1736 = arith.maximumf %max3A_1734, %max3A_1735 : vector<16xf32>
        %max3A_1737 = arith.maximumf %gather3A_1714, %gather3A_1718 : vector<16xf32>
        %max3A_1738 = arith.maximumf %gather3A_1722, %gather3A_1726 : vector<16xf32>
        %max3A_1739 = arith.maximumf %max3A_1737, %max3A_1738 : vector<16xf32>
        %max3A_1740 = arith.maximumf %max3A_1736, %max3A_1739 : vector<16xf32>
        %min3A_1741 = arith.minimumf %min3A_1693, %min3A_1733 : vector<16xf32>
        %max3A_1742 = arith.maximumf %max3A_1694, %max3A_1740 : vector<16xf32>
        %add3A_1743 = arith.constant 24 : i32
        %add3A_1744 = vector.broadcast %add3A_1743 : i32 to vector<16xi32>
        %add3A_1745 = arith.addi %add3A_1600, %add3A_1744 : vector<16xi32>
        %gather3A_1746 = tpu.vector_load_idx %arg4[%add3A_1745] : memref<40960xf32, #tpu.memory_space<vmem>>[vector<16xi32>], vector<16xf32>,
        %add3A_1747 = arith.constant 25 : i32
        %add3A_1748 = vector.broadcast %add3A_1747 : i32 to vector<16xi32>
        %add3A_1749 = arith.addi %add3A_1600, %add3A_1748 : vector<16xi32>
        %gather3A_1750 = tpu.vector_load_idx %arg4[%add3A_1749] : memref<40960xf32, #tpu.memory_space<vmem>>[vector<16xi32>], vector<16xf32>,
        %add3A_1751 = arith.constant 26 : i32
        %add3A_1752 = vector.broadcast %add3A_1751 : i32 to vector<16xi32>
        %add3A_1753 = arith.addi %add3A_1600, %add3A_1752 : vector<16xi32>
        %gather3A_1754 = tpu.vector_load_idx %arg4[%add3A_1753] : memref<40960xf32, #tpu.memory_space<vmem>>[vector<16xi32>], vector<16xf32>,
        %add3A_1755 = arith.constant 27 : i32
        %add3A_1756 = vector.broadcast %add3A_1755 : i32 to vector<16xi32>
        %add3A_1757 = arith.addi %add3A_1600, %add3A_1756 : vector<16xi32>
        %gather3A_1758 = tpu.vector_load_idx %arg4[%add3A_1757] : memref<40960xf32, #tpu.memory_space<vmem>>[vector<16xi32>], vector<16xf32>,
        %add3A_1759 = arith.constant 28 : i32
        %add3A_1760 = vector.broadcast %add3A_1759 : i32 to vector<16xi32>
        %add3A_1761 = arith.addi %add3A_1600, %add3A_1760 : vector<16xi32>
        %gather3A_1762 = tpu.vector_load_idx %arg4[%add3A_1761] : memref<40960xf32, #tpu.memory_space<vmem>>[vector<16xi32>], vector<16xf32>,
        %add3A_1763 = arith.constant 29 : i32
        %add3A_1764 = vector.broadcast %add3A_1763 : i32 to vector<16xi32>
        %add3A_1765 = arith.addi %add3A_1600, %add3A_1764 : vector<16xi32>
        %gather3A_1766 = tpu.vector_load_idx %arg4[%add3A_1765] : memref<40960xf32, #tpu.memory_space<vmem>>[vector<16xi32>], vector<16xf32>,
        %add3A_1767 = arith.constant 30 : i32
        %add3A_1768 = vector.broadcast %add3A_1767 : i32 to vector<16xi32>
        %add3A_1769 = arith.addi %add3A_1600, %add3A_1768 : vector<16xi32>
        %gather3A_1770 = tpu.vector_load_idx %arg4[%add3A_1769] : memref<40960xf32, #tpu.memory_space<vmem>>[vector<16xi32>], vector<16xf32>,
        %add3A_1771 = arith.constant 31 : i32
        %add3A_1772 = vector.broadcast %add3A_1771 : i32 to vector<16xi32>
        %add3A_1773 = arith.addi %add3A_1600, %add3A_1772 : vector<16xi32>
        %gather3A_1774 = tpu.vector_load_idx %arg4[%add3A_1773] : memref<40960xf32, #tpu.memory_space<vmem>>[vector<16xi32>], vector<16xf32>,
        %min3A_1775 = arith.minimumf %gather3A_1746, %gather3A_1750 : vector<16xf32>
        %min3A_1776 = arith.minimumf %gather3A_1754, %gather3A_1758 : vector<16xf32>
        %min3A_1777 = arith.minimumf %min3A_1775, %min3A_1776 : vector<16xf32>
        %min3A_1778 = arith.minimumf %gather3A_1762, %gather3A_1766 : vector<16xf32>
        %min3A_1779 = arith.minimumf %gather3A_1770, %gather3A_1774 : vector<16xf32>
        %min3A_1780 = arith.minimumf %min3A_1778, %min3A_1779 : vector<16xf32>
        %min3A_1781 = arith.minimumf %min3A_1777, %min3A_1780 : vector<16xf32>
        %max3A_1782 = arith.maximumf %gather3A_1746, %gather3A_1750 : vector<16xf32>
        %max3A_1783 = arith.maximumf %gather3A_1754, %gather3A_1758 : vector<16xf32>
        %max3A_1784 = arith.maximumf %max3A_1782, %max3A_1783 : vector<16xf32>
        %max3A_1785 = arith.maximumf %gather3A_1762, %gather3A_1766 : vector<16xf32>
        %max3A_1786 = arith.maximumf %gather3A_1770, %gather3A_1774 : vector<16xf32>
        %max3A_1787 = arith.maximumf %max3A_1785, %max3A_1786 : vector<16xf32>
        %max3A_1788 = arith.maximumf %max3A_1784, %max3A_1787 : vector<16xf32>
        %min3A_1789 = arith.minimumf %min3A_1741, %min3A_1781 : vector<16xf32>
        %max3A_1790 = arith.maximumf %max3A_1742, %max3A_1788 : vector<16xf32>
        %add3A_1791 = arith.constant 32 : i32
        %add3A_1792 = vector.broadcast %add3A_1791 : i32 to vector<16xi32>
        %add3A_1793 = arith.addi %add3A_1600, %add3A_1792 : vector<16xi32>
        %gather3A_1794 = tpu.vector_load_idx %arg4[%add3A_1793] : memref<40960xf32, #tpu.memory_space<vmem>>[vector<16xi32>], vector<16xf32>,
        %add3A_1795 = arith.constant 33 : i32
        %add3A_1796 = vector.broadcast %add3A_1795 : i32 to vector<16xi32>
        %add3A_1797 = arith.addi %add3A_1600, %add3A_1796 : vector<16xi32>
        %gather3A_1798 = tpu.vector_load_idx %arg4[%add3A_1797] : memref<40960xf32, #tpu.memory_space<vmem>>[vector<16xi32>], vector<16xf32>,
        %add3A_1799 = arith.constant 34 : i32
        %add3A_1800 = vector.broadcast %add3A_1799 : i32 to vector<16xi32>
        %add3A_1801 = arith.addi %add3A_1600, %add3A_1800 : vector<16xi32>
        %gather3A_1802 = tpu.vector_load_idx %arg4[%add3A_1801] : memref<40960xf32, #tpu.memory_space<vmem>>[vector<16xi32>], vector<16xf32>,
        %add3A_1803 = arith.constant 35 : i32
        %add3A_1804 = vector.broadcast %add3A_1803 : i32 to vector<16xi32>
        %add3A_1805 = arith.addi %add3A_1600, %add3A_1804 : vector<16xi32>
        %gather3A_1806 = tpu.vector_load_idx %arg4[%add3A_1805] : memref<40960xf32, #tpu.memory_space<vmem>>[vector<16xi32>], vector<16xf32>,
        %add3A_1807 = arith.constant 36 : i32
        %add3A_1808 = vector.broadcast %add3A_1807 : i32 to vector<16xi32>
        %add3A_1809 = arith.addi %add3A_1600, %add3A_1808 : vector<16xi32>
        %gather3A_1810 = tpu.vector_load_idx %arg4[%add3A_1809] : memref<40960xf32, #tpu.memory_space<vmem>>[vector<16xi32>], vector<16xf32>,
        %add3A_1811 = arith.constant 37 : i32
        %add3A_1812 = vector.broadcast %add3A_1811 : i32 to vector<16xi32>
        %add3A_1813 = arith.addi %add3A_1600, %add3A_1812 : vector<16xi32>
        %gather3A_1814 = tpu.vector_load_idx %arg4[%add3A_1813] : memref<40960xf32, #tpu.memory_space<vmem>>[vector<16xi32>], vector<16xf32>,
        %add3A_1815 = arith.constant 38 : i32
        %add3A_1816 = vector.broadcast %add3A_1815 : i32 to vector<16xi32>
        %add3A_1817 = arith.addi %add3A_1600, %add3A_1816 : vector<16xi32>
        %gather3A_1818 = tpu.vector_load_idx %arg4[%add3A_1817] : memref<40960xf32, #tpu.memory_space<vmem>>[vector<16xi32>], vector<16xf32>,
        %add3A_1819 = arith.constant 39 : i32
        %add3A_1820 = vector.broadcast %add3A_1819 : i32 to vector<16xi32>
        %add3A_1821 = arith.addi %add3A_1600, %add3A_1820 : vector<16xi32>
        %gather3A_1822 = tpu.vector_load_idx %arg4[%add3A_1821] : memref<40960xf32, #tpu.memory_space<vmem>>[vector<16xi32>], vector<16xf32>,
        %min3A_1823 = arith.minimumf %gather3A_1794, %gather3A_1798 : vector<16xf32>
        %min3A_1824 = arith.minimumf %gather3A_1802, %gather3A_1806 : vector<16xf32>
        %min3A_1825 = arith.minimumf %min3A_1823, %min3A_1824 : vector<16xf32>
        %min3A_1826 = arith.minimumf %gather3A_1810, %gather3A_1814 : vector<16xf32>
        %min3A_1827 = arith.minimumf %gather3A_1818, %gather3A_1822 : vector<16xf32>
        %min3A_1828 = arith.minimumf %min3A_1826, %min3A_1827 : vector<16xf32>
        %min3A_1829 = arith.minimumf %min3A_1825, %min3A_1828 : vector<16xf32>
        %max3A_1830 = arith.maximumf %gather3A_1794, %gather3A_1798 : vector<16xf32>
        %max3A_1831 = arith.maximumf %gather3A_1802, %gather3A_1806 : vector<16xf32>
        %max3A_1832 = arith.maximumf %max3A_1830, %max3A_1831 : vector<16xf32>
        %max3A_1833 = arith.maximumf %gather3A_1810, %gather3A_1814 : vector<16xf32>
        %max3A_1834 = arith.maximumf %gather3A_1818, %gather3A_1822 : vector<16xf32>
        %max3A_1835 = arith.maximumf %max3A_1833, %max3A_1834 : vector<16xf32>
        %max3A_1836 = arith.maximumf %max3A_1832, %max3A_1835 : vector<16xf32>
        %min3A_1837 = arith.minimumf %min3A_1789, %min3A_1829 : vector<16xf32>
        %max3A_1838 = arith.maximumf %max3A_1790, %max3A_1836 : vector<16xf32>
        %add3A_1839 = arith.constant 40 : i32
        %add3A_1840 = vector.broadcast %add3A_1839 : i32 to vector<16xi32>
        %add3A_1841 = arith.addi %add3A_1600, %add3A_1840 : vector<16xi32>
        %gather3A_1842 = tpu.vector_load_idx %arg4[%add3A_1841] : memref<40960xf32, #tpu.memory_space<vmem>>[vector<16xi32>], vector<16xf32>,
        %add3A_1843 = arith.constant 41 : i32
        %add3A_1844 = vector.broadcast %add3A_1843 : i32 to vector<16xi32>
        %add3A_1845 = arith.addi %add3A_1600, %add3A_1844 : vector<16xi32>
        %gather3A_1846 = tpu.vector_load_idx %arg4[%add3A_1845] : memref<40960xf32, #tpu.memory_space<vmem>>[vector<16xi32>], vector<16xf32>,
        %add3A_1847 = arith.constant 42 : i32
        %add3A_1848 = vector.broadcast %add3A_1847 : i32 to vector<16xi32>
        %add3A_1849 = arith.addi %add3A_1600, %add3A_1848 : vector<16xi32>
        %gather3A_1850 = tpu.vector_load_idx %arg4[%add3A_1849] : memref<40960xf32, #tpu.memory_space<vmem>>[vector<16xi32>], vector<16xf32>,
        %add3A_1851 = arith.constant 43 : i32
        %add3A_1852 = vector.broadcast %add3A_1851 : i32 to vector<16xi32>
        %add3A_1853 = arith.addi %add3A_1600, %add3A_1852 : vector<16xi32>
        %gather3A_1854 = tpu.vector_load_idx %arg4[%add3A_1853] : memref<40960xf32, #tpu.memory_space<vmem>>[vector<16xi32>], vector<16xf32>,
        %add3A_1855 = arith.constant 44 : i32
        %add3A_1856 = vector.broadcast %add3A_1855 : i32 to vector<16xi32>
        %add3A_1857 = arith.addi %add3A_1600, %add3A_1856 : vector<16xi32>
        %gather3A_1858 = tpu.vector_load_idx %arg4[%add3A_1857] : memref<40960xf32, #tpu.memory_space<vmem>>[vector<16xi32>], vector<16xf32>,
        %add3A_1859 = arith.constant 45 : i32
        %add3A_1860 = vector.broadcast %add3A_1859 : i32 to vector<16xi32>
        %add3A_1861 = arith.addi %add3A_1600, %add3A_1860 : vector<16xi32>
        %gather3A_1862 = tpu.vector_load_idx %arg4[%add3A_1861] : memref<40960xf32, #tpu.memory_space<vmem>>[vector<16xi32>], vector<16xf32>,
        %add3A_1863 = arith.constant 46 : i32
        %add3A_1864 = vector.broadcast %add3A_1863 : i32 to vector<16xi32>
        %add3A_1865 = arith.addi %add3A_1600, %add3A_1864 : vector<16xi32>
        %gather3A_1866 = tpu.vector_load_idx %arg4[%add3A_1865] : memref<40960xf32, #tpu.memory_space<vmem>>[vector<16xi32>], vector<16xf32>,
        %add3A_1867 = arith.constant 47 : i32
        %add3A_1868 = vector.broadcast %add3A_1867 : i32 to vector<16xi32>
        %add3A_1869 = arith.addi %add3A_1600, %add3A_1868 : vector<16xi32>
        %gather3A_1870 = tpu.vector_load_idx %arg4[%add3A_1869] : memref<40960xf32, #tpu.memory_space<vmem>>[vector<16xi32>], vector<16xf32>,
        %min3A_1871 = arith.minimumf %gather3A_1842, %gather3A_1846 : vector<16xf32>
        %min3A_1872 = arith.minimumf %gather3A_1850, %gather3A_1854 : vector<16xf32>
        %min3A_1873 = arith.minimumf %min3A_1871, %min3A_1872 : vector<16xf32>
        %min3A_1874 = arith.minimumf %gather3A_1858, %gather3A_1862 : vector<16xf32>
        %min3A_1875 = arith.minimumf %gather3A_1866, %gather3A_1870 : vector<16xf32>
        %min3A_1876 = arith.minimumf %min3A_1874, %min3A_1875 : vector<16xf32>
        %min3A_1877 = arith.minimumf %min3A_1873, %min3A_1876 : vector<16xf32>
        %max3A_1878 = arith.maximumf %gather3A_1842, %gather3A_1846 : vector<16xf32>
        %max3A_1879 = arith.maximumf %gather3A_1850, %gather3A_1854 : vector<16xf32>
        %max3A_1880 = arith.maximumf %max3A_1878, %max3A_1879 : vector<16xf32>
        %max3A_1881 = arith.maximumf %gather3A_1858, %gather3A_1862 : vector<16xf32>
        %max3A_1882 = arith.maximumf %gather3A_1866, %gather3A_1870 : vector<16xf32>
        %max3A_1883 = arith.maximumf %max3A_1881, %max3A_1882 : vector<16xf32>
        %max3A_1884 = arith.maximumf %max3A_1880, %max3A_1883 : vector<16xf32>
        %min3A_1885 = arith.minimumf %min3A_1837, %min3A_1877 : vector<16xf32>
        %max3A_1886 = arith.maximumf %max3A_1838, %max3A_1884 : vector<16xf32>
        %add3A_1887 = arith.constant 48 : i32
        %add3A_1888 = vector.broadcast %add3A_1887 : i32 to vector<16xi32>
        %add3A_1889 = arith.addi %add3A_1600, %add3A_1888 : vector<16xi32>
        %gather3A_1890 = tpu.vector_load_idx %arg4[%add3A_1889] : memref<40960xf32, #tpu.memory_space<vmem>>[vector<16xi32>], vector<16xf32>,
        %add3A_1891 = arith.constant 49 : i32
        %add3A_1892 = vector.broadcast %add3A_1891 : i32 to vector<16xi32>
        %add3A_1893 = arith.addi %add3A_1600, %add3A_1892 : vector<16xi32>
        %gather3A_1894 = tpu.vector_load_idx %arg4[%add3A_1893] : memref<40960xf32, #tpu.memory_space<vmem>>[vector<16xi32>], vector<16xf32>,
        %add3A_1895 = arith.constant 50 : i32
        %add3A_1896 = vector.broadcast %add3A_1895 : i32 to vector<16xi32>
        %add3A_1897 = arith.addi %add3A_1600, %add3A_1896 : vector<16xi32>
        %gather3A_1898 = tpu.vector_load_idx %arg4[%add3A_1897] : memref<40960xf32, #tpu.memory_space<vmem>>[vector<16xi32>], vector<16xf32>,
        %add3A_1899 = arith.constant 51 : i32
        %add3A_1900 = vector.broadcast %add3A_1899 : i32 to vector<16xi32>
        %add3A_1901 = arith.addi %add3A_1600, %add3A_1900 : vector<16xi32>
        %gather3A_1902 = tpu.vector_load_idx %arg4[%add3A_1901] : memref<40960xf32, #tpu.memory_space<vmem>>[vector<16xi32>], vector<16xf32>,
        %add3A_1903 = arith.constant 52 : i32
        %add3A_1904 = vector.broadcast %add3A_1903 : i32 to vector<16xi32>
        %add3A_1905 = arith.addi %add3A_1600, %add3A_1904 : vector<16xi32>
        %gather3A_1906 = tpu.vector_load_idx %arg4[%add3A_1905] : memref<40960xf32, #tpu.memory_space<vmem>>[vector<16xi32>], vector<16xf32>,
        %add3A_1907 = arith.constant 53 : i32
        %add3A_1908 = vector.broadcast %add3A_1907 : i32 to vector<16xi32>
        %add3A_1909 = arith.addi %add3A_1600, %add3A_1908 : vector<16xi32>
        %gather3A_1910 = tpu.vector_load_idx %arg4[%add3A_1909] : memref<40960xf32, #tpu.memory_space<vmem>>[vector<16xi32>], vector<16xf32>,
        %add3A_1911 = arith.constant 54 : i32
        %add3A_1912 = vector.broadcast %add3A_1911 : i32 to vector<16xi32>
        %add3A_1913 = arith.addi %add3A_1600, %add3A_1912 : vector<16xi32>
        %gather3A_1914 = tpu.vector_load_idx %arg4[%add3A_1913] : memref<40960xf32, #tpu.memory_space<vmem>>[vector<16xi32>], vector<16xf32>,
        %add3A_1915 = arith.constant 55 : i32
        %add3A_1916 = vector.broadcast %add3A_1915 : i32 to vector<16xi32>
        %add3A_1917 = arith.addi %add3A_1600, %add3A_1916 : vector<16xi32>
        %gather3A_1918 = tpu.vector_load_idx %arg4[%add3A_1917] : memref<40960xf32, #tpu.memory_space<vmem>>[vector<16xi32>], vector<16xf32>,
        %min3A_1919 = arith.minimumf %gather3A_1890, %gather3A_1894 : vector<16xf32>
        %min3A_1920 = arith.minimumf %gather3A_1898, %gather3A_1902 : vector<16xf32>
        %min3A_1921 = arith.minimumf %min3A_1919, %min3A_1920 : vector<16xf32>
        %min3A_1922 = arith.minimumf %gather3A_1906, %gather3A_1910 : vector<16xf32>
        %min3A_1923 = arith.minimumf %gather3A_1914, %gather3A_1918 : vector<16xf32>
        %min3A_1924 = arith.minimumf %min3A_1922, %min3A_1923 : vector<16xf32>
        %min3A_1925 = arith.minimumf %min3A_1921, %min3A_1924 : vector<16xf32>
        %max3A_1926 = arith.maximumf %gather3A_1890, %gather3A_1894 : vector<16xf32>
        %max3A_1927 = arith.maximumf %gather3A_1898, %gather3A_1902 : vector<16xf32>
        %max3A_1928 = arith.maximumf %max3A_1926, %max3A_1927 : vector<16xf32>
        %max3A_1929 = arith.maximumf %gather3A_1906, %gather3A_1910 : vector<16xf32>
        %max3A_1930 = arith.maximumf %gather3A_1914, %gather3A_1918 : vector<16xf32>
        %max3A_1931 = arith.maximumf %max3A_1929, %max3A_1930 : vector<16xf32>
        %max3A_1932 = arith.maximumf %max3A_1928, %max3A_1931 : vector<16xf32>
        %min3A_1933 = arith.minimumf %min3A_1885, %min3A_1925 : vector<16xf32>
        %max3A_1934 = arith.maximumf %max3A_1886, %max3A_1932 : vector<16xf32>
        %add3A_1935 = arith.constant 56 : i32
        %add3A_1936 = vector.broadcast %add3A_1935 : i32 to vector<16xi32>
        %add3A_1937 = arith.addi %add3A_1600, %add3A_1936 : vector<16xi32>
        %gather3A_1938 = tpu.vector_load_idx %arg4[%add3A_1937] : memref<40960xf32, #tpu.memory_space<vmem>>[vector<16xi32>], vector<16xf32>,
        %add3A_1939 = arith.constant 57 : i32
        %add3A_1940 = vector.broadcast %add3A_1939 : i32 to vector<16xi32>
        %add3A_1941 = arith.addi %add3A_1600, %add3A_1940 : vector<16xi32>
        %gather3A_1942 = tpu.vector_load_idx %arg4[%add3A_1941] : memref<40960xf32, #tpu.memory_space<vmem>>[vector<16xi32>], vector<16xf32>,
        %add3A_1943 = arith.constant 58 : i32
        %add3A_1944 = vector.broadcast %add3A_1943 : i32 to vector<16xi32>
        %add3A_1945 = arith.addi %add3A_1600, %add3A_1944 : vector<16xi32>
        %gather3A_1946 = tpu.vector_load_idx %arg4[%add3A_1945] : memref<40960xf32, #tpu.memory_space<vmem>>[vector<16xi32>], vector<16xf32>,
        %add3A_1947 = arith.constant 59 : i32
        %add3A_1948 = vector.broadcast %add3A_1947 : i32 to vector<16xi32>
        %add3A_1949 = arith.addi %add3A_1600, %add3A_1948 : vector<16xi32>
        %gather3A_1950 = tpu.vector_load_idx %arg4[%add3A_1949] : memref<40960xf32, #tpu.memory_space<vmem>>[vector<16xi32>], vector<16xf32>,
        %add3A_1951 = arith.constant 60 : i32
        %add3A_1952 = vector.broadcast %add3A_1951 : i32 to vector<16xi32>
        %add3A_1953 = arith.addi %add3A_1600, %add3A_1952 : vector<16xi32>
        %gather3A_1954 = tpu.vector_load_idx %arg4[%add3A_1953] : memref<40960xf32, #tpu.memory_space<vmem>>[vector<16xi32>], vector<16xf32>,
        %add3A_1955 = arith.constant 61 : i32
        %add3A_1956 = vector.broadcast %add3A_1955 : i32 to vector<16xi32>
        %add3A_1957 = arith.addi %add3A_1600, %add3A_1956 : vector<16xi32>
        %gather3A_1958 = tpu.vector_load_idx %arg4[%add3A_1957] : memref<40960xf32, #tpu.memory_space<vmem>>[vector<16xi32>], vector<16xf32>,
        %add3A_1959 = arith.constant 62 : i32
        %add3A_1960 = vector.broadcast %add3A_1959 : i32 to vector<16xi32>
        %add3A_1961 = arith.addi %add3A_1600, %add3A_1960 : vector<16xi32>
        %gather3A_1962 = tpu.vector_load_idx %arg4[%add3A_1961] : memref<40960xf32, #tpu.memory_space<vmem>>[vector<16xi32>], vector<16xf32>,
        %add3A_1963 = arith.constant 63 : i32
        %add3A_1964 = vector.broadcast %add3A_1963 : i32 to vector<16xi32>
        %add3A_1965 = arith.addi %add3A_1600, %add3A_1964 : vector<16xi32>
        %gather3A_1966 = tpu.vector_load_idx %arg4[%add3A_1965] : memref<40960xf32, #tpu.memory_space<vmem>>[vector<16xi32>], vector<16xf32>,
        %min3A_1967 = arith.minimumf %gather3A_1938, %gather3A_1942 : vector<16xf32>
        %min3A_1968 = arith.minimumf %gather3A_1946, %gather3A_1950 : vector<16xf32>
        %min3A_1969 = arith.minimumf %min3A_1967, %min3A_1968 : vector<16xf32>
        %min3A_1970 = arith.minimumf %gather3A_1954, %gather3A_1958 : vector<16xf32>
        %min3A_1971 = arith.minimumf %gather3A_1962, %gather3A_1966 : vector<16xf32>
        %min3A_1972 = arith.minimumf %min3A_1970, %min3A_1971 : vector<16xf32>
        %min3A_1973 = arith.minimumf %min3A_1969, %min3A_1972 : vector<16xf32>
        %max3A_1974 = arith.maximumf %gather3A_1938, %gather3A_1942 : vector<16xf32>
        %max3A_1975 = arith.maximumf %gather3A_1946, %gather3A_1950 : vector<16xf32>
        %max3A_1976 = arith.maximumf %max3A_1974, %max3A_1975 : vector<16xf32>
        %max3A_1977 = arith.maximumf %gather3A_1954, %gather3A_1958 : vector<16xf32>
        %max3A_1978 = arith.maximumf %gather3A_1962, %gather3A_1966 : vector<16xf32>
        %max3A_1979 = arith.maximumf %max3A_1977, %max3A_1978 : vector<16xf32>
        %max3A_1980 = arith.maximumf %max3A_1976, %max3A_1979 : vector<16xf32>
        %min3A_1981 = arith.minimumf %min3A_1933, %min3A_1973 : vector<16xf32>
        %max3A_1982 = arith.maximumf %max3A_1934, %max3A_1980 : vector<16xf32>
        %sub3A_1983 = arith.subf %max3A_1982, %min3A_1981 : vector<16xf32>
        %min3A_1984 = arith.minimumf %sub3A, %sub3A_1209 : vector<16xf32>
        %min3A_1985 = arith.minimumf %sub3A_1596, %sub3A_1983 : vector<16xf32>
        %min3A_1986 = arith.minimumf %min3A_1984, %min3A_1985 : vector<16xf32>
        %reduce_min3A = arith.constant true
        %reduce_min3A_1987 = vector.broadcast %reduce_min3A : i1 to vector<16xi1>
        %reduce_min3A_1988 = tpu.scan <min>, %min3A_1986 masked %reduce_min3A_1987 : vector<16xf32>, vector<16xi1> -> vector<16xf32>
        %reduce_min3A_1989 = vector.extract %reduce_min3A_1988[15] : f32 from vector<16xf32>
        %max3A_1990 = arith.maximumf %sub3A, %sub3A_1209 : vector<16xf32>
        %max3A_1991 = arith.maximumf %sub3A_1596, %sub3A_1983 : vector<16xf32>
        %max3A_1992 = arith.maximumf %max3A_1990, %max3A_1991 : vector<16xf32>
        %reduce_max3A = arith.constant true
        %reduce_max3A_1993 = vector.broadcast %reduce_max3A : i1 to vector<16xi1>
        %reduce_max3A_1994 = tpu.scan <max>, %max3A_1992 masked %reduce_max3A_1993 : vector<16xf32>, vector<16xi1> -> vector<16xf32>
        %reduce_max3A_1995 = vector.extract %reduce_max3A_1994[15] : f32 from vector<16xf32>
        %sub3A_1996 = arith.subf %reduce_max3A_1995, %reduce_min3A_1989 : f32
        %add3A_1997 = arith.constant 9.99999993E-9 : f32
        %add3A_1998 = arith.addf %sub3A_1996, %add3A_1997 : f32
        %sub3A_1999 = arith.subf %reduce_max3A_1995, %reduce_min3A_1989 : f32
        %sub3A_2000 = vector.broadcast %reduce_min3A_1989 : f32 to vector<16xf32>
        %sub3A_2001 = arith.subf %sub3A, %sub3A_2000 : vector<16xf32>
        %div3A = vector.broadcast %add3A_1998 : f32 to vector<16xf32>
        %div3A_2002 = arith.divf %sub3A_2001, %div3A : vector<16xf32>
        %mul3A_2003 = arith.constant 2.550000e+02 : f32
        %mul3A_2004 = vector.broadcast %mul3A_2003 : f32 to vector<16xf32>
        %mul3A_2005 = arith.mulf %div3A_2002, %mul3A_2004 : vector<16xf32>
        %add3A_2006 = arith.constant 0x4B400000 : f32
        %add3A_2007 = vector.broadcast %add3A_2006 : f32 to vector<16xf32>
        %add3A_2008 = arith.addf %mul3A_2005, %add3A_2007 : vector<16xf32>
        %sub3A_2009 = arith.constant 0x4B400000 : f32
        %sub3A_2010 = vector.broadcast %sub3A_2009 : f32 to vector<16xf32>
        %sub3A_2011 = arith.subf %add3A_2008, %sub3A_2010 : vector<16xf32>
        %div3A_2012 = arith.constant 2.550000e+02 : f32
        %div3A_2013 = vector.broadcast %div3A_2012 : f32 to vector<16xf32>
        %div3A_2014 = arith.divf %sub3A_2011, %div3A_2013 : vector<16xf32>
        %mul3A_2015 = vector.broadcast %sub3A_1999 : f32 to vector<16xf32>
        %mul3A_2016 = arith.mulf %div3A_2014, %mul3A_2015 : vector<16xf32>
        %add3A_2017 = vector.broadcast %reduce_min3A_1989 : f32 to vector<16xf32>
        %add3A_2018 = arith.addf %add3A_2017, %mul3A_2016 : vector<16xf32>
        %add3A_2019 = arith.constant 9.99999993E-9 : f32
        %add3A_2020 = vector.broadcast %add3A_2019 : f32 to vector<16xf32>
        %add3A_2021 = arith.addf %sub3A, %add3A_2020 : vector<16xf32>
        %add3A_2022 = arith.constant 0 : i32
        %add3A_2023 = vector.broadcast %add3A_2022 : i32 to vector<16xi32>
        %add3A_2024 = arith.addi %mul3A_6, %add3A_2023 : vector<16xi32>
        %add3A_2025 = arith.constant 0 : i32
        %add3A_2026 = vector.broadcast %add3A_2025 : i32 to vector<16xi32>
        %add3A_2027 = arith.addi %add3A_2024, %add3A_2026 : vector<16xi32>
        %mul3A_2028 = arith.constant 0.000000e+00 : f32
        %mul3A_2029 = vector.broadcast %mul3A_2028 : f32 to vector<16xf32>
        %mul3A_2030 = arith.mulf %mul3A_2029, %add3A_2018 : vector<16xf32>
        %add3A_2031 = arith.addf %mul3A_2030, %min3A_821 : vector<16xf32>
        tpu.vector_store_idx %arg6[%add3A_2027], %add3A_2031 : memref<1024xf32, #tpu.memory_space<vmem>>[vector<16xi32>], vector<16xf32>,
        %add3A_2032 = arith.constant 1 : i32
        %add3A_2033 = vector.broadcast %add3A_2032 : i32 to vector<16xi32>
        %add3A_2034 = arith.addi %add3A_2024, %add3A_2033 : vector<16xi32>
        %mul3A_2035 = arith.constant 0.146240234 : f32
        %mul3A_2036 = vector.broadcast %mul3A_2035 : f32 to vector<16xf32>
        %mul3A_2037 = arith.mulf %mul3A_2036, %add3A_2018 : vector<16xf32>
        %add3A_2038 = arith.addf %mul3A_2037, %min3A_821 : vector<16xf32>
        tpu.vector_store_idx %arg6[%add3A_2034], %add3A_2038 : memref<1024xf32, #tpu.memory_space<vmem>>[vector<16xi32>], vector<16xf32>,
        %add3A_2039 = arith.constant 2 : i32
        %add3A_2040 = vector.broadcast %add3A_2039 : i32 to vector<16xi32>
        %add3A_2041 = arith.addi %add3A_2024, %add3A_2040 : vector<16xi32>
        %mul3A_2042 = arith.constant 0.229003906 : f32
        %mul3A_2043 = vector.broadcast %mul3A_2042 : f32 to vector<16xf32>
        %mul3A_2044 = arith.mulf %mul3A_2043, %add3A_2018 : vector<16xf32>
        %add3A_2045 = arith.addf %mul3A_2044, %min3A_821 : vector<16xf32>
        tpu.vector_store_idx %arg6[%add3A_2041], %add3A_2045 : memref<1024xf32, #tpu.memory_space<vmem>>[vector<16xi32>], vector<16xf32>,
        %add3A_2046 = arith.constant 3 : i32
        %add3A_2047 = vector.broadcast %add3A_2046 : i32 to vector<16xi32>
        %add3A_2048 = arith.addi %add3A_2024, %add3A_2047 : vector<16xi32>
        %mul3A_2049 = arith.constant 0.291625977 : f32
        %mul3A_2050 = vector.broadcast %mul3A_2049 : f32 to vector<16xf32>
        %mul3A_2051 = arith.mulf %mul3A_2050, %add3A_2018 : vector<16xf32>
        %add3A_2052 = arith.addf %mul3A_2051, %min3A_821 : vector<16xf32>
        tpu.vector_store_idx %arg6[%add3A_2048], %add3A_2052 : memref<1024xf32, #tpu.memory_space<vmem>>[vector<16xi32>], vector<16xf32>,
        %add3A_2053 = arith.constant 4 : i32
        %add3A_2054 = vector.broadcast %add3A_2053 : i32 to vector<16xi32>
        %add3A_2055 = arith.addi %add3A_2024, %add3A_2054 : vector<16xi32>
        %mul3A_2056 = arith.constant 0.344604492 : f32
        %mul3A_2057 = vector.broadcast %mul3A_2056 : f32 to vector<16xf32>
        %mul3A_2058 = arith.mulf %mul3A_2057, %add3A_2018 : vector<16xf32>
        %add3A_2059 = arith.addf %mul3A_2058, %min3A_821 : vector<16xf32>
        tpu.vector_store_idx %arg6[%add3A_2055], %add3A_2059 : memref<1024xf32, #tpu.memory_space<vmem>>[vector<16xi32>], vector<16xf32>,
        %add3A_2060 = arith.constant 5 : i32
        %add3A_2061 = vector.broadcast %add3A_2060 : i32 to vector<16xi32>
        %add3A_2062 = arith.addi %add3A_2024, %add3A_2061 : vector<16xi32>
        %mul3A_2063 = arith.constant 0.392028809 : f32
        %mul3A_2064 = vector.broadcast %mul3A_2063 : f32 to vector<16xf32>
        %mul3A_2065 = arith.mulf %mul3A_2064, %add3A_2018 : vector<16xf32>
        %add3A_2066 = arith.addf %mul3A_2065, %min3A_821 : vector<16xf32>
        tpu.vector_store_idx %arg6[%add3A_2062], %add3A_2066 : memref<1024xf32, #tpu.memory_space<vmem>>[vector<16xi32>], vector<16xf32>,
        %add3A_2067 = arith.constant 6 : i32
        %add3A_2068 = vector.broadcast %add3A_2067 : i32 to vector<16xi32>
        %add3A_2069 = arith.addi %add3A_2024, %add3A_2068 : vector<16xi32>
        %mul3A_2070 = arith.constant 0.436340332 : f32
        %mul3A_2071 = vector.broadcast %mul3A_2070 : f32 to vector<16xf32>
        %mul3A_2072 = arith.mulf %mul3A_2071, %add3A_2018 : vector<16xf32>
        %add3A_2073 = arith.addf %mul3A_2072, %min3A_821 : vector<16xf32>
        tpu.vector_store_idx %arg6[%add3A_2069], %add3A_2073 : memref<1024xf32, #tpu.memory_space<vmem>>[vector<16xi32>], vector<16xf32>,
        %add3A_2074 = arith.constant 7 : i32
        %add3A_2075 = vector.broadcast %add3A_2074 : i32 to vector<16xi32>
        %add3A_2076 = arith.addi %add3A_2024, %add3A_2075 : vector<16xi32>
        %mul3A_2077 = arith.constant 0.47895813 : f32
        %mul3A_2078 = vector.broadcast %mul3A_2077 : f32 to vector<16xf32>
        %mul3A_2079 = arith.mulf %mul3A_2078, %add3A_2018 : vector<16xf32>
        %add3A_2080 = arith.addf %mul3A_2079, %min3A_821 : vector<16xf32>
        tpu.vector_store_idx %arg6[%add3A_2076], %add3A_2080 : memref<1024xf32, #tpu.memory_space<vmem>>[vector<16xi32>], vector<16xf32>,
        %add3A_2081 = arith.constant 8 : i32
        %add3A_2082 = vector.broadcast %add3A_2081 : i32 to vector<16xi32>
        %add3A_2083 = arith.addi %add3A_2024, %add3A_2082 : vector<16xi32>
        %mul3A_2084 = arith.constant 0.52104187 : f32
        %mul3A_2085 = vector.broadcast %mul3A_2084 : f32 to vector<16xf32>
        %mul3A_2086 = arith.mulf %mul3A_2085, %add3A_2018 : vector<16xf32>
        %add3A_2087 = arith.addf %mul3A_2086, %min3A_821 : vector<16xf32>
        tpu.vector_store_idx %arg6[%add3A_2083], %add3A_2087 : memref<1024xf32, #tpu.memory_space<vmem>>[vector<16xi32>], vector<16xf32>,
        %add3A_2088 = arith.constant 9 : i32
        %add3A_2089 = vector.broadcast %add3A_2088 : i32 to vector<16xi32>
        %add3A_2090 = arith.addi %add3A_2024, %add3A_2089 : vector<16xi32>
        %mul3A_2091 = arith.constant 0.563659668 : f32
        %mul3A_2092 = vector.broadcast %mul3A_2091 : f32 to vector<16xf32>
        %mul3A_2093 = arith.mulf %mul3A_2092, %add3A_2018 : vector<16xf32>
        %add3A_2094 = arith.addf %mul3A_2093, %min3A_821 : vector<16xf32>
        tpu.vector_store_idx %arg6[%add3A_2090], %add3A_2094 : memref<1024xf32, #tpu.memory_space<vmem>>[vector<16xi32>], vector<16xf32>,
        %add3A_2095 = arith.constant 10 : i32
        %add3A_2096 = vector.broadcast %add3A_2095 : i32 to vector<16xi32>
        %add3A_2097 = arith.addi %add3A_2024, %add3A_2096 : vector<16xi32>
        %mul3A_2098 = arith.constant 0.607971191 : f32
        %mul3A_2099 = vector.broadcast %mul3A_2098 : f32 to vector<16xf32>
        %mul3A_2100 = arith.mulf %mul3A_2099, %add3A_2018 : vector<16xf32>
        %add3A_2101 = arith.addf %mul3A_2100, %min3A_821 : vector<16xf32>
        tpu.vector_store_idx %arg6[%add3A_2097], %add3A_2101 : memref<1024xf32, #tpu.memory_space<vmem>>[vector<16xi32>], vector<16xf32>,
        %add3A_2102 = arith.constant 11 : i32
        %add3A_2103 = vector.broadcast %add3A_2102 : i32 to vector<16xi32>
        %add3A_2104 = arith.addi %add3A_2024, %add3A_2103 : vector<16xi32>
        %mul3A_2105 = arith.constant 0.655395508 : f32
        %mul3A_2106 = vector.broadcast %mul3A_2105 : f32 to vector<16xf32>
        %mul3A_2107 = arith.mulf %mul3A_2106, %add3A_2018 : vector<16xf32>
        %add3A_2108 = arith.addf %mul3A_2107, %min3A_821 : vector<16xf32>
        tpu.vector_store_idx %arg6[%add3A_2104], %add3A_2108 : memref<1024xf32, #tpu.memory_space<vmem>>[vector<16xi32>], vector<16xf32>,
        %add3A_2109 = arith.constant 12 : i32
        %add3A_2110 = vector.broadcast %add3A_2109 : i32 to vector<16xi32>
        %add3A_2111 = arith.addi %add3A_2024, %add3A_2110 : vector<16xi32>
        %mul3A_2112 = arith.constant 7.083740e-01 : f32
        %mul3A_2113 = vector.broadcast %mul3A_2112 : f32 to vector<16xf32>
        %mul3A_2114 = arith.mulf %mul3A_2113, %add3A_2018 : vector<16xf32>
        %add3A_2115 = arith.addf %mul3A_2114, %min3A_821 : vector<16xf32>
        tpu.vector_store_idx %arg6[%add3A_2111], %add3A_2115 : memref<1024xf32, #tpu.memory_space<vmem>>[vector<16xi32>], vector<16xf32>,
        %add3A_2116 = arith.constant 13 : i32
        %add3A_2117 = vector.broadcast %add3A_2116 : i32 to vector<16xi32>
        %add3A_2118 = arith.addi %add3A_2024, %add3A_2117 : vector<16xi32>
        %mul3A_2119 = arith.constant 0.770996093 : f32
        %mul3A_2120 = vector.broadcast %mul3A_2119 : f32 to vector<16xf32>
        %mul3A_2121 = arith.mulf %mul3A_2120, %add3A_2018 : vector<16xf32>
        %add3A_2122 = arith.addf %mul3A_2121, %min3A_821 : vector<16xf32>
        tpu.vector_store_idx %arg6[%add3A_2118], %add3A_2122 : memref<1024xf32, #tpu.memory_space<vmem>>[vector<16xi32>], vector<16xf32>,
        %add3A_2123 = arith.constant 14 : i32
        %add3A_2124 = vector.broadcast %add3A_2123 : i32 to vector<16xi32>
        %add3A_2125 = arith.addi %add3A_2024, %add3A_2124 : vector<16xi32>
        %mul3A_2126 = arith.constant 0.853759765 : f32
        %mul3A_2127 = vector.broadcast %mul3A_2126 : f32 to vector<16xf32>
        %mul3A_2128 = arith.mulf %mul3A_2127, %add3A_2018 : vector<16xf32>
        %add3A_2129 = arith.addf %mul3A_2128, %min3A_821 : vector<16xf32>
        tpu.vector_store_idx %arg6[%add3A_2125], %add3A_2129 : memref<1024xf32, #tpu.memory_space<vmem>>[vector<16xi32>], vector<16xf32>,
        %add3A_2130 = arith.constant 15 : i32
        %add3A_2131 = vector.broadcast %add3A_2130 : i32 to vector<16xi32>
        %add3A_2132 = arith.addi %add3A_2024, %add3A_2131 : vector<16xi32>
        %mul3A_2133 = arith.constant 1.000000e+00 : f32
        %mul3A_2134 = vector.broadcast %mul3A_2133 : f32 to vector<16xf32>
        %mul3A_2135 = arith.mulf %mul3A_2134, %add3A_2018 : vector<16xf32>
        %add3A_2136 = arith.addf %mul3A_2135, %min3A_821 : vector<16xf32>
        tpu.vector_store_idx %arg6[%add3A_2132], %add3A_2136 : memref<1024xf32, #tpu.memory_space<vmem>>[vector<16xi32>], vector<16xf32>,
        %add3A_2137 = arith.constant 0 : i32
        %add3A_2138 = vector.broadcast %add3A_2137 : i32 to vector<16xi32>
        %add3A_2139 = arith.addi %add3A_2024, %add3A_2138 : vector<16xi32>
        %mul3A_2140 = arith.constant 0.0731201171 : f32
        %mul3A_2141 = vector.broadcast %mul3A_2140 : f32 to vector<16xf32>
        %mul3A_2142 = arith.mulf %add3A_2021, %mul3A_2141 : vector<16xf32>
        %add3A_2143 = arith.addf %mul3A_2142, %min3A_821 : vector<16xf32>
        tpu.vector_store_idx %arg7[%add3A_2139], %add3A_2143 : memref<1024xf32, #tpu.memory_space<vmem>>[vector<16xi32>], vector<16xf32>,
        %add3A_2144 = arith.constant 1 : i32
        %add3A_2145 = vector.broadcast %add3A_2144 : i32 to vector<16xi32>
        %add3A_2146 = arith.addi %add3A_2024, %add3A_2145 : vector<16xi32>
        %mul3A_2147 = arith.constant 0.18762207 : f32
        %mul3A_2148 = vector.broadcast %mul3A_2147 : f32 to vector<16xf32>
        %mul3A_2149 = arith.mulf %add3A_2021, %mul3A_2148 : vector<16xf32>
        %add3A_2150 = arith.addf %mul3A_2149, %min3A_821 : vector<16xf32>
        tpu.vector_store_idx %arg7[%add3A_2146], %add3A_2150 : memref<1024xf32, #tpu.memory_space<vmem>>[vector<16xi32>], vector<16xf32>,
        %add3A_2151 = arith.constant 2 : i32
        %add3A_2152 = vector.broadcast %add3A_2151 : i32 to vector<16xi32>
        %add3A_2153 = arith.addi %add3A_2024, %add3A_2152 : vector<16xi32>
        %mul3A_2154 = arith.constant 0.260314941 : f32
        %mul3A_2155 = vector.broadcast %mul3A_2154 : f32 to vector<16xf32>
        %mul3A_2156 = arith.mulf %add3A_2021, %mul3A_2155 : vector<16xf32>
        %add3A_2157 = arith.addf %mul3A_2156, %min3A_821 : vector<16xf32>
        tpu.vector_store_idx %arg7[%add3A_2153], %add3A_2157 : memref<1024xf32, #tpu.memory_space<vmem>>[vector<16xi32>], vector<16xf32>,
        %add3A_2158 = arith.constant 3 : i32
        %add3A_2159 = vector.broadcast %add3A_2158 : i32 to vector<16xi32>
        %add3A_2160 = arith.addi %add3A_2024, %add3A_2159 : vector<16xi32>
        %mul3A_2161 = arith.constant 0.318115234 : f32
        %mul3A_2162 = vector.broadcast %mul3A_2161 : f32 to vector<16xf32>
        %mul3A_2163 = arith.mulf %add3A_2021, %mul3A_2162 : vector<16xf32>
        %add3A_2164 = arith.addf %mul3A_2163, %min3A_821 : vector<16xf32>
        tpu.vector_store_idx %arg7[%add3A_2160], %add3A_2164 : memref<1024xf32, #tpu.memory_space<vmem>>[vector<16xi32>], vector<16xf32>,
        %add3A_2165 = arith.constant 4 : i32
        %add3A_2166 = vector.broadcast %add3A_2165 : i32 to vector<16xi32>
        %add3A_2167 = arith.addi %add3A_2024, %add3A_2166 : vector<16xi32>
        %mul3A_2168 = arith.constant 0.36831665 : f32
        %mul3A_2169 = vector.broadcast %mul3A_2168 : f32 to vector<16xf32>
        %mul3A_2170 = arith.mulf %add3A_2021, %mul3A_2169 : vector<16xf32>
        %add3A_2171 = arith.addf %mul3A_2170, %min3A_821 : vector<16xf32>
        tpu.vector_store_idx %arg7[%add3A_2167], %add3A_2171 : memref<1024xf32, #tpu.memory_space<vmem>>[vector<16xi32>], vector<16xf32>,
        %add3A_2172 = arith.constant 5 : i32
        %add3A_2173 = vector.broadcast %add3A_2172 : i32 to vector<16xi32>
        %add3A_2174 = arith.addi %add3A_2024, %add3A_2173 : vector<16xi32>
        %mul3A_2175 = arith.constant 0.41418457 : f32
        %mul3A_2176 = vector.broadcast %mul3A_2175 : f32 to vector<16xf32>
        %mul3A_2177 = arith.mulf %add3A_2021, %mul3A_2176 : vector<16xf32>
        %add3A_2178 = arith.addf %mul3A_2177, %min3A_821 : vector<16xf32>
        tpu.vector_store_idx %arg7[%add3A_2174], %add3A_2178 : memref<1024xf32, #tpu.memory_space<vmem>>[vector<16xi32>], vector<16xf32>,
        %add3A_2179 = arith.constant 6 : i32
        %add3A_2180 = vector.broadcast %add3A_2179 : i32 to vector<16xi32>
        %add3A_2181 = arith.addi %add3A_2024, %add3A_2180 : vector<16xi32>
        %mul3A_2182 = arith.constant 0.457649231 : f32
        %mul3A_2183 = vector.broadcast %mul3A_2182 : f32 to vector<16xf32>
        %mul3A_2184 = arith.mulf %add3A_2021, %mul3A_2183 : vector<16xf32>
        %add3A_2185 = arith.addf %mul3A_2184, %min3A_821 : vector<16xf32>
        tpu.vector_store_idx %arg7[%add3A_2181], %add3A_2185 : memref<1024xf32, #tpu.memory_space<vmem>>[vector<16xi32>], vector<16xf32>,
        %add3A_2186 = arith.constant 7 : i32
        %add3A_2187 = vector.broadcast %add3A_2186 : i32 to vector<16xi32>
        %add3A_2188 = arith.addi %add3A_2024, %add3A_2187 : vector<16xi32>
        %mul3A_2189 = arith.constant 5.000000e-01 : f32
        %mul3A_2190 = vector.broadcast %mul3A_2189 : f32 to vector<16xf32>
        %mul3A_2191 = arith.mulf %add3A_2021, %mul3A_2190 : vector<16xf32>
        %add3A_2192 = arith.addf %mul3A_2191, %min3A_821 : vector<16xf32>
        tpu.vector_store_idx %arg7[%add3A_2188], %add3A_2192 : memref<1024xf32, #tpu.memory_space<vmem>>[vector<16xi32>], vector<16xf32>,
        %add3A_2193 = arith.constant 8 : i32
        %add3A_2194 = vector.broadcast %add3A_2193 : i32 to vector<16xi32>
        %add3A_2195 = arith.addi %add3A_2024, %add3A_2194 : vector<16xi32>
        %mul3A_2196 = arith.constant 0.542350769 : f32
        %mul3A_2197 = vector.broadcast %mul3A_2196 : f32 to vector<16xf32>
        %mul3A_2198 = arith.mulf %add3A_2021, %mul3A_2197 : vector<16xf32>
        %add3A_2199 = arith.addf %mul3A_2198, %min3A_821 : vector<16xf32>
        tpu.vector_store_idx %arg7[%add3A_2195], %add3A_2199 : memref<1024xf32, #tpu.memory_space<vmem>>[vector<16xi32>], vector<16xf32>,
        %add3A_2200 = arith.constant 9 : i32
        %add3A_2201 = vector.broadcast %add3A_2200 : i32 to vector<16xi32>
        %add3A_2202 = arith.addi %add3A_2024, %add3A_2201 : vector<16xi32>
        %mul3A_2203 = arith.constant 0.58581543 : f32
        %mul3A_2204 = vector.broadcast %mul3A_2203 : f32 to vector<16xf32>
        %mul3A_2205 = arith.mulf %add3A_2021, %mul3A_2204 : vector<16xf32>
        %add3A_2206 = arith.addf %mul3A_2205, %min3A_821 : vector<16xf32>
        tpu.vector_store_idx %arg7[%add3A_2202], %add3A_2206 : memref<1024xf32, #tpu.memory_space<vmem>>[vector<16xi32>], vector<16xf32>,
        %add3A_2207 = arith.constant 10 : i32
        %add3A_2208 = vector.broadcast %add3A_2207 : i32 to vector<16xi32>
        %add3A_2209 = arith.addi %add3A_2024, %add3A_2208 : vector<16xi32>
        %mul3A_2210 = arith.constant 0.631683349 : f32
        %mul3A_2211 = vector.broadcast %mul3A_2210 : f32 to vector<16xf32>
        %mul3A_2212 = arith.mulf %add3A_2021, %mul3A_2211 : vector<16xf32>
        %add3A_2213 = arith.addf %mul3A_2212, %min3A_821 : vector<16xf32>
        tpu.vector_store_idx %arg7[%add3A_2209], %add3A_2213 : memref<1024xf32, #tpu.memory_space<vmem>>[vector<16xi32>], vector<16xf32>,
        %add3A_2214 = arith.constant 11 : i32
        %add3A_2215 = vector.broadcast %add3A_2214 : i32 to vector<16xi32>
        %add3A_2216 = arith.addi %add3A_2024, %add3A_2215 : vector<16xi32>
        %mul3A_2217 = arith.constant 0.681884765 : f32
        %mul3A_2218 = vector.broadcast %mul3A_2217 : f32 to vector<16xf32>
        %mul3A_2219 = arith.mulf %add3A_2021, %mul3A_2218 : vector<16xf32>
        %add3A_2220 = arith.addf %mul3A_2219, %min3A_821 : vector<16xf32>
        tpu.vector_store_idx %arg7[%add3A_2216], %add3A_2220 : memref<1024xf32, #tpu.memory_space<vmem>>[vector<16xi32>], vector<16xf32>,
        %add3A_2221 = arith.constant 12 : i32
        %add3A_2222 = vector.broadcast %add3A_2221 : i32 to vector<16xi32>
        %add3A_2223 = arith.addi %add3A_2024, %add3A_2222 : vector<16xi32>
        %mul3A_2224 = arith.constant 0.739685058 : f32
        %mul3A_2225 = vector.broadcast %mul3A_2224 : f32 to vector<16xf32>
        %mul3A_2226 = arith.mulf %add3A_2021, %mul3A_2225 : vector<16xf32>
        %add3A_2227 = arith.addf %mul3A_2226, %min3A_821 : vector<16xf32>
        tpu.vector_store_idx %arg7[%add3A_2223], %add3A_2227 : memref<1024xf32, #tpu.memory_space<vmem>>[vector<16xi32>], vector<16xf32>,
        %add3A_2228 = arith.constant 13 : i32
        %add3A_2229 = vector.broadcast %add3A_2228 : i32 to vector<16xi32>
        %add3A_2230 = arith.addi %add3A_2024, %add3A_2229 : vector<16xi32>
        %mul3A_2231 = arith.constant 0.81237793 : f32
        %mul3A_2232 = vector.broadcast %mul3A_2231 : f32 to vector<16xf32>
        %mul3A_2233 = arith.mulf %add3A_2021, %mul3A_2232 : vector<16xf32>
        %add3A_2234 = arith.addf %mul3A_2233, %min3A_821 : vector<16xf32>
        tpu.vector_store_idx %arg7[%add3A_2230], %add3A_2234 : memref<1024xf32, #tpu.memory_space<vmem>>[vector<16xi32>], vector<16xf32>,
        %add3A_2235 = arith.constant 14 : i32
        %add3A_2236 = vector.broadcast %add3A_2235 : i32 to vector<16xi32>
        %add3A_2237 = arith.addi %add3A_2024, %add3A_2236 : vector<16xi32>
        %mul3A_2238 = arith.constant 0.926879882 : f32
        %mul3A_2239 = vector.broadcast %mul3A_2238 : f32 to vector<16xf32>
        %mul3A_2240 = arith.mulf %add3A_2021, %mul3A_2239 : vector<16xf32>
        %add3A_2241 = arith.addf %mul3A_2240, %min3A_821 : vector<16xf32>
        tpu.vector_store_idx %arg7[%add3A_2237], %add3A_2241 : memref<1024xf32, #tpu.memory_space<vmem>>[vector<16xi32>], vector<16xf32>,
        %sub3A_2242 = vector.broadcast %reduce_min3A_1989 : f32 to vector<16xf32>
        %sub3A_2243 = arith.subf %sub3A_1209, %sub3A_2242 : vector<16xf32>
        %div3A_2244 = vector.broadcast %add3A_1998 : f32 to vector<16xf32>
        %div3A_2245 = arith.divf %sub3A_2243, %div3A_2244 : vector<16xf32>
        %mul3A_2246 = arith.constant 2.550000e+02 : f32
        %mul3A_2247 = vector.broadcast %mul3A_2246 : f32 to vector<16xf32>
        %mul3A_2248 = arith.mulf %div3A_2245, %mul3A_2247 : vector<16xf32>
        %add3A_2249 = arith.constant 0x4B400000 : f32
        %add3A_2250 = vector.broadcast %add3A_2249 : f32 to vector<16xf32>
        %add3A_2251 = arith.addf %mul3A_2248, %add3A_2250 : vector<16xf32>
        %sub3A_2252 = arith.constant 0x4B400000 : f32
        %sub3A_2253 = vector.broadcast %sub3A_2252 : f32 to vector<16xf32>
        %sub3A_2254 = arith.subf %add3A_2251, %sub3A_2253 : vector<16xf32>
        %div3A_2255 = arith.constant 2.550000e+02 : f32
        %div3A_2256 = vector.broadcast %div3A_2255 : f32 to vector<16xf32>
        %div3A_2257 = arith.divf %sub3A_2254, %div3A_2256 : vector<16xf32>
        %mul3A_2258 = vector.broadcast %sub3A_1999 : f32 to vector<16xf32>
        %mul3A_2259 = arith.mulf %div3A_2257, %mul3A_2258 : vector<16xf32>
        %add3A_2260 = vector.broadcast %reduce_min3A_1989 : f32 to vector<16xf32>
        %add3A_2261 = arith.addf %add3A_2260, %mul3A_2259 : vector<16xf32>
        %add3A_2262 = arith.constant 9.99999993E-9 : f32
        %add3A_2263 = vector.broadcast %add3A_2262 : f32 to vector<16xf32>
        %add3A_2264 = arith.addf %sub3A_1209, %add3A_2263 : vector<16xf32>
        %add3A_2265 = arith.constant 256 : i32
        %add3A_2266 = vector.broadcast %add3A_2265 : i32 to vector<16xi32>
        %add3A_2267 = arith.addi %mul3A_6, %add3A_2266 : vector<16xi32>
        %add3A_2268 = arith.constant 0 : i32
        %add3A_2269 = vector.broadcast %add3A_2268 : i32 to vector<16xi32>
        %add3A_2270 = arith.addi %add3A_2267, %add3A_2269 : vector<16xi32>
        %mul3A_2271 = arith.constant 0.000000e+00 : f32
        %mul3A_2272 = vector.broadcast %mul3A_2271 : f32 to vector<16xf32>
        %mul3A_2273 = arith.mulf %mul3A_2272, %add3A_2261 : vector<16xf32>
        %add3A_2274 = arith.addf %mul3A_2273, %min3A_1207 : vector<16xf32>
        tpu.vector_store_idx %arg6[%add3A_2270], %add3A_2274 : memref<1024xf32, #tpu.memory_space<vmem>>[vector<16xi32>], vector<16xf32>,
        %add3A_2275 = arith.constant 1 : i32
        %add3A_2276 = vector.broadcast %add3A_2275 : i32 to vector<16xi32>
        %add3A_2277 = arith.addi %add3A_2267, %add3A_2276 : vector<16xi32>
        %mul3A_2278 = arith.constant 0.146240234 : f32
        %mul3A_2279 = vector.broadcast %mul3A_2278 : f32 to vector<16xf32>
        %mul3A_2280 = arith.mulf %mul3A_2279, %add3A_2261 : vector<16xf32>
        %add3A_2281 = arith.addf %mul3A_2280, %min3A_1207 : vector<16xf32>
        tpu.vector_store_idx %arg6[%add3A_2277], %add3A_2281 : memref<1024xf32, #tpu.memory_space<vmem>>[vector<16xi32>], vector<16xf32>,
        %add3A_2282 = arith.constant 2 : i32
        %add3A_2283 = vector.broadcast %add3A_2282 : i32 to vector<16xi32>
        %add3A_2284 = arith.addi %add3A_2267, %add3A_2283 : vector<16xi32>
        %mul3A_2285 = arith.constant 0.229003906 : f32
        %mul3A_2286 = vector.broadcast %mul3A_2285 : f32 to vector<16xf32>
        %mul3A_2287 = arith.mulf %mul3A_2286, %add3A_2261 : vector<16xf32>
        %add3A_2288 = arith.addf %mul3A_2287, %min3A_1207 : vector<16xf32>
        tpu.vector_store_idx %arg6[%add3A_2284], %add3A_2288 : memref<1024xf32, #tpu.memory_space<vmem>>[vector<16xi32>], vector<16xf32>,
        %add3A_2289 = arith.constant 3 : i32
        %add3A_2290 = vector.broadcast %add3A_2289 : i32 to vector<16xi32>
        %add3A_2291 = arith.addi %add3A_2267, %add3A_2290 : vector<16xi32>
        %mul3A_2292 = arith.constant 0.291625977 : f32
        %mul3A_2293 = vector.broadcast %mul3A_2292 : f32 to vector<16xf32>
        %mul3A_2294 = arith.mulf %mul3A_2293, %add3A_2261 : vector<16xf32>
        %add3A_2295 = arith.addf %mul3A_2294, %min3A_1207 : vector<16xf32>
        tpu.vector_store_idx %arg6[%add3A_2291], %add3A_2295 : memref<1024xf32, #tpu.memory_space<vmem>>[vector<16xi32>], vector<16xf32>,
        %add3A_2296 = arith.constant 4 : i32
        %add3A_2297 = vector.broadcast %add3A_2296 : i32 to vector<16xi32>
        %add3A_2298 = arith.addi %add3A_2267, %add3A_2297 : vector<16xi32>
        %mul3A_2299 = arith.constant 0.344604492 : f32
        %mul3A_2300 = vector.broadcast %mul3A_2299 : f32 to vector<16xf32>
        %mul3A_2301 = arith.mulf %mul3A_2300, %add3A_2261 : vector<16xf32>
        %add3A_2302 = arith.addf %mul3A_2301, %min3A_1207 : vector<16xf32>
        tpu.vector_store_idx %arg6[%add3A_2298], %add3A_2302 : memref<1024xf32, #tpu.memory_space<vmem>>[vector<16xi32>], vector<16xf32>,
        %add3A_2303 = arith.constant 5 : i32
        %add3A_2304 = vector.broadcast %add3A_2303 : i32 to vector<16xi32>
        %add3A_2305 = arith.addi %add3A_2267, %add3A_2304 : vector<16xi32>
        %mul3A_2306 = arith.constant 0.392028809 : f32
        %mul3A_2307 = vector.broadcast %mul3A_2306 : f32 to vector<16xf32>
        %mul3A_2308 = arith.mulf %mul3A_2307, %add3A_2261 : vector<16xf32>
        %add3A_2309 = arith.addf %mul3A_2308, %min3A_1207 : vector<16xf32>
        tpu.vector_store_idx %arg6[%add3A_2305], %add3A_2309 : memref<1024xf32, #tpu.memory_space<vmem>>[vector<16xi32>], vector<16xf32>,
        %add3A_2310 = arith.constant 6 : i32
        %add3A_2311 = vector.broadcast %add3A_2310 : i32 to vector<16xi32>
        %add3A_2312 = arith.addi %add3A_2267, %add3A_2311 : vector<16xi32>
        %mul3A_2313 = arith.constant 0.436340332 : f32
        %mul3A_2314 = vector.broadcast %mul3A_2313 : f32 to vector<16xf32>
        %mul3A_2315 = arith.mulf %mul3A_2314, %add3A_2261 : vector<16xf32>
        %add3A_2316 = arith.addf %mul3A_2315, %min3A_1207 : vector<16xf32>
        tpu.vector_store_idx %arg6[%add3A_2312], %add3A_2316 : memref<1024xf32, #tpu.memory_space<vmem>>[vector<16xi32>], vector<16xf32>,
        %add3A_2317 = arith.constant 7 : i32
        %add3A_2318 = vector.broadcast %add3A_2317 : i32 to vector<16xi32>
        %add3A_2319 = arith.addi %add3A_2267, %add3A_2318 : vector<16xi32>
        %mul3A_2320 = arith.constant 0.47895813 : f32
        %mul3A_2321 = vector.broadcast %mul3A_2320 : f32 to vector<16xf32>
        %mul3A_2322 = arith.mulf %mul3A_2321, %add3A_2261 : vector<16xf32>
        %add3A_2323 = arith.addf %mul3A_2322, %min3A_1207 : vector<16xf32>
        tpu.vector_store_idx %arg6[%add3A_2319], %add3A_2323 : memref<1024xf32, #tpu.memory_space<vmem>>[vector<16xi32>], vector<16xf32>,
        %add3A_2324 = arith.constant 8 : i32
        %add3A_2325 = vector.broadcast %add3A_2324 : i32 to vector<16xi32>
        %add3A_2326 = arith.addi %add3A_2267, %add3A_2325 : vector<16xi32>
        %mul3A_2327 = arith.constant 0.52104187 : f32
        %mul3A_2328 = vector.broadcast %mul3A_2327 : f32 to vector<16xf32>
        %mul3A_2329 = arith.mulf %mul3A_2328, %add3A_2261 : vector<16xf32>
        %add3A_2330 = arith.addf %mul3A_2329, %min3A_1207 : vector<16xf32>
        tpu.vector_store_idx %arg6[%add3A_2326], %add3A_2330 : memref<1024xf32, #tpu.memory_space<vmem>>[vector<16xi32>], vector<16xf32>,
        %add3A_2331 = arith.constant 9 : i32
        %add3A_2332 = vector.broadcast %add3A_2331 : i32 to vector<16xi32>
        %add3A_2333 = arith.addi %add3A_2267, %add3A_2332 : vector<16xi32>
        %mul3A_2334 = arith.constant 0.563659668 : f32
        %mul3A_2335 = vector.broadcast %mul3A_2334 : f32 to vector<16xf32>
        %mul3A_2336 = arith.mulf %mul3A_2335, %add3A_2261 : vector<16xf32>
        %add3A_2337 = arith.addf %mul3A_2336, %min3A_1207 : vector<16xf32>
        tpu.vector_store_idx %arg6[%add3A_2333], %add3A_2337 : memref<1024xf32, #tpu.memory_space<vmem>>[vector<16xi32>], vector<16xf32>,
        %add3A_2338 = arith.constant 10 : i32
        %add3A_2339 = vector.broadcast %add3A_2338 : i32 to vector<16xi32>
        %add3A_2340 = arith.addi %add3A_2267, %add3A_2339 : vector<16xi32>
        %mul3A_2341 = arith.constant 0.607971191 : f32
        %mul3A_2342 = vector.broadcast %mul3A_2341 : f32 to vector<16xf32>
        %mul3A_2343 = arith.mulf %mul3A_2342, %add3A_2261 : vector<16xf32>
        %add3A_2344 = arith.addf %mul3A_2343, %min3A_1207 : vector<16xf32>
        tpu.vector_store_idx %arg6[%add3A_2340], %add3A_2344 : memref<1024xf32, #tpu.memory_space<vmem>>[vector<16xi32>], vector<16xf32>,
        %add3A_2345 = arith.constant 11 : i32
        %add3A_2346 = vector.broadcast %add3A_2345 : i32 to vector<16xi32>
        %add3A_2347 = arith.addi %add3A_2267, %add3A_2346 : vector<16xi32>
        %mul3A_2348 = arith.constant 0.655395508 : f32
        %mul3A_2349 = vector.broadcast %mul3A_2348 : f32 to vector<16xf32>
        %mul3A_2350 = arith.mulf %mul3A_2349, %add3A_2261 : vector<16xf32>
        %add3A_2351 = arith.addf %mul3A_2350, %min3A_1207 : vector<16xf32>
        tpu.vector_store_idx %arg6[%add3A_2347], %add3A_2351 : memref<1024xf32, #tpu.memory_space<vmem>>[vector<16xi32>], vector<16xf32>,
        %add3A_2352 = arith.constant 12 : i32
        %add3A_2353 = vector.broadcast %add3A_2352 : i32 to vector<16xi32>
        %add3A_2354 = arith.addi %add3A_2267, %add3A_2353 : vector<16xi32>
        %mul3A_2355 = arith.constant 7.083740e-01 : f32
        %mul3A_2356 = vector.broadcast %mul3A_2355 : f32 to vector<16xf32>
        %mul3A_2357 = arith.mulf %mul3A_2356, %add3A_2261 : vector<16xf32>
        %add3A_2358 = arith.addf %mul3A_2357, %min3A_1207 : vector<16xf32>
        tpu.vector_store_idx %arg6[%add3A_2354], %add3A_2358 : memref<1024xf32, #tpu.memory_space<vmem>>[vector<16xi32>], vector<16xf32>,
        %add3A_2359 = arith.constant 13 : i32
        %add3A_2360 = vector.broadcast %add3A_2359 : i32 to vector<16xi32>
        %add3A_2361 = arith.addi %add3A_2267, %add3A_2360 : vector<16xi32>
        %mul3A_2362 = arith.constant 0.770996093 : f32
        %mul3A_2363 = vector.broadcast %mul3A_2362 : f32 to vector<16xf32>
        %mul3A_2364 = arith.mulf %mul3A_2363, %add3A_2261 : vector<16xf32>
        %add3A_2365 = arith.addf %mul3A_2364, %min3A_1207 : vector<16xf32>
        tpu.vector_store_idx %arg6[%add3A_2361], %add3A_2365 : memref<1024xf32, #tpu.memory_space<vmem>>[vector<16xi32>], vector<16xf32>,
        %add3A_2366 = arith.constant 14 : i32
        %add3A_2367 = vector.broadcast %add3A_2366 : i32 to vector<16xi32>
        %add3A_2368 = arith.addi %add3A_2267, %add3A_2367 : vector<16xi32>
        %mul3A_2369 = arith.constant 0.853759765 : f32
        %mul3A_2370 = vector.broadcast %mul3A_2369 : f32 to vector<16xf32>
        %mul3A_2371 = arith.mulf %mul3A_2370, %add3A_2261 : vector<16xf32>
        %add3A_2372 = arith.addf %mul3A_2371, %min3A_1207 : vector<16xf32>
        tpu.vector_store_idx %arg6[%add3A_2368], %add3A_2372 : memref<1024xf32, #tpu.memory_space<vmem>>[vector<16xi32>], vector<16xf32>,
        %add3A_2373 = arith.constant 15 : i32
        %add3A_2374 = vector.broadcast %add3A_2373 : i32 to vector<16xi32>
        %add3A_2375 = arith.addi %add3A_2267, %add3A_2374 : vector<16xi32>
        %mul3A_2376 = arith.constant 1.000000e+00 : f32
        %mul3A_2377 = vector.broadcast %mul3A_2376 : f32 to vector<16xf32>
        %mul3A_2378 = arith.mulf %mul3A_2377, %add3A_2261 : vector<16xf32>
        %add3A_2379 = arith.addf %mul3A_2378, %min3A_1207 : vector<16xf32>
        tpu.vector_store_idx %arg6[%add3A_2375], %add3A_2379 : memref<1024xf32, #tpu.memory_space<vmem>>[vector<16xi32>], vector<16xf32>,
        %add3A_2380 = arith.constant 0 : i32
        %add3A_2381 = vector.broadcast %add3A_2380 : i32 to vector<16xi32>
        %add3A_2382 = arith.addi %add3A_2267, %add3A_2381 : vector<16xi32>
        %mul3A_2383 = arith.constant 0.0731201171 : f32
        %mul3A_2384 = vector.broadcast %mul3A_2383 : f32 to vector<16xf32>
        %mul3A_2385 = arith.mulf %add3A_2264, %mul3A_2384 : vector<16xf32>
        %add3A_2386 = arith.addf %mul3A_2385, %min3A_1207 : vector<16xf32>
        tpu.vector_store_idx %arg7[%add3A_2382], %add3A_2386 : memref<1024xf32, #tpu.memory_space<vmem>>[vector<16xi32>], vector<16xf32>,
        %add3A_2387 = arith.constant 1 : i32
        %add3A_2388 = vector.broadcast %add3A_2387 : i32 to vector<16xi32>
        %add3A_2389 = arith.addi %add3A_2267, %add3A_2388 : vector<16xi32>
        %mul3A_2390 = arith.constant 0.18762207 : f32
        %mul3A_2391 = vector.broadcast %mul3A_2390 : f32 to vector<16xf32>
        %mul3A_2392 = arith.mulf %add3A_2264, %mul3A_2391 : vector<16xf32>
        %add3A_2393 = arith.addf %mul3A_2392, %min3A_1207 : vector<16xf32>
        tpu.vector_store_idx %arg7[%add3A_2389], %add3A_2393 : memref<1024xf32, #tpu.memory_space<vmem>>[vector<16xi32>], vector<16xf32>,
        %add3A_2394 = arith.constant 2 : i32
        %add3A_2395 = vector.broadcast %add3A_2394 : i32 to vector<16xi32>
        %add3A_2396 = arith.addi %add3A_2267, %add3A_2395 : vector<16xi32>
        %mul3A_2397 = arith.constant 0.260314941 : f32
        %mul3A_2398 = vector.broadcast %mul3A_2397 : f32 to vector<16xf32>
        %mul3A_2399 = arith.mulf %add3A_2264, %mul3A_2398 : vector<16xf32>
        %add3A_2400 = arith.addf %mul3A_2399, %min3A_1207 : vector<16xf32>
        tpu.vector_store_idx %arg7[%add3A_2396], %add3A_2400 : memref<1024xf32, #tpu.memory_space<vmem>>[vector<16xi32>], vector<16xf32>,
        %add3A_2401 = arith.constant 3 : i32
        %add3A_2402 = vector.broadcast %add3A_2401 : i32 to vector<16xi32>
        %add3A_2403 = arith.addi %add3A_2267, %add3A_2402 : vector<16xi32>
        %mul3A_2404 = arith.constant 0.318115234 : f32
        %mul3A_2405 = vector.broadcast %mul3A_2404 : f32 to vector<16xf32>
        %mul3A_2406 = arith.mulf %add3A_2264, %mul3A_2405 : vector<16xf32>
        %add3A_2407 = arith.addf %mul3A_2406, %min3A_1207 : vector<16xf32>
        tpu.vector_store_idx %arg7[%add3A_2403], %add3A_2407 : memref<1024xf32, #tpu.memory_space<vmem>>[vector<16xi32>], vector<16xf32>,
        %add3A_2408 = arith.constant 4 : i32
        %add3A_2409 = vector.broadcast %add3A_2408 : i32 to vector<16xi32>
        %add3A_2410 = arith.addi %add3A_2267, %add3A_2409 : vector<16xi32>
        %mul3A_2411 = arith.constant 0.36831665 : f32
        %mul3A_2412 = vector.broadcast %mul3A_2411 : f32 to vector<16xf32>
        %mul3A_2413 = arith.mulf %add3A_2264, %mul3A_2412 : vector<16xf32>
        %add3A_2414 = arith.addf %mul3A_2413, %min3A_1207 : vector<16xf32>
        tpu.vector_store_idx %arg7[%add3A_2410], %add3A_2414 : memref<1024xf32, #tpu.memory_space<vmem>>[vector<16xi32>], vector<16xf32>,
        %add3A_2415 = arith.constant 5 : i32
        %add3A_2416 = vector.broadcast %add3A_2415 : i32 to vector<16xi32>
        %add3A_2417 = arith.addi %add3A_2267, %add3A_2416 : vector<16xi32>
        %mul3A_2418 = arith.constant 0.41418457 : f32
        %mul3A_2419 = vector.broadcast %mul3A_2418 : f32 to vector<16xf32>
        %mul3A_2420 = arith.mulf %add3A_2264, %mul3A_2419 : vector<16xf32>
        %add3A_2421 = arith.addf %mul3A_2420, %min3A_1207 : vector<16xf32>
        tpu.vector_store_idx %arg7[%add3A_2417], %add3A_2421 : memref<1024xf32, #tpu.memory_space<vmem>>[vector<16xi32>], vector<16xf32>,
        %add3A_2422 = arith.constant 6 : i32
        %add3A_2423 = vector.broadcast %add3A_2422 : i32 to vector<16xi32>
        %add3A_2424 = arith.addi %add3A_2267, %add3A_2423 : vector<16xi32>
        %mul3A_2425 = arith.constant 0.457649231 : f32
        %mul3A_2426 = vector.broadcast %mul3A_2425 : f32 to vector<16xf32>
        %mul3A_2427 = arith.mulf %add3A_2264, %mul3A_2426 : vector<16xf32>
        %add3A_2428 = arith.addf %mul3A_2427, %min3A_1207 : vector<16xf32>
        tpu.vector_store_idx %arg7[%add3A_2424], %add3A_2428 : memref<1024xf32, #tpu.memory_space<vmem>>[vector<16xi32>], vector<16xf32>,
        %add3A_2429 = arith.constant 7 : i32
        %add3A_2430 = vector.broadcast %add3A_2429 : i32 to vector<16xi32>
        %add3A_2431 = arith.addi %add3A_2267, %add3A_2430 : vector<16xi32>
        %mul3A_2432 = arith.constant 5.000000e-01 : f32
        %mul3A_2433 = vector.broadcast %mul3A_2432 : f32 to vector<16xf32>
        %mul3A_2434 = arith.mulf %add3A_2264, %mul3A_2433 : vector<16xf32>
        %add3A_2435 = arith.addf %mul3A_2434, %min3A_1207 : vector<16xf32>
        tpu.vector_store_idx %arg7[%add3A_2431], %add3A_2435 : memref<1024xf32, #tpu.memory_space<vmem>>[vector<16xi32>], vector<16xf32>,
        %add3A_2436 = arith.constant 8 : i32
        %add3A_2437 = vector.broadcast %add3A_2436 : i32 to vector<16xi32>
        %add3A_2438 = arith.addi %add3A_2267, %add3A_2437 : vector<16xi32>
        %mul3A_2439 = arith.constant 0.542350769 : f32
        %mul3A_2440 = vector.broadcast %mul3A_2439 : f32 to vector<16xf32>
        %mul3A_2441 = arith.mulf %add3A_2264, %mul3A_2440 : vector<16xf32>
        %add3A_2442 = arith.addf %mul3A_2441, %min3A_1207 : vector<16xf32>
        tpu.vector_store_idx %arg7[%add3A_2438], %add3A_2442 : memref<1024xf32, #tpu.memory_space<vmem>>[vector<16xi32>], vector<16xf32>,
        %add3A_2443 = arith.constant 9 : i32
        %add3A_2444 = vector.broadcast %add3A_2443 : i32 to vector<16xi32>
        %add3A_2445 = arith.addi %add3A_2267, %add3A_2444 : vector<16xi32>
        %mul3A_2446 = arith.constant 0.58581543 : f32
        %mul3A_2447 = vector.broadcast %mul3A_2446 : f32 to vector<16xf32>
        %mul3A_2448 = arith.mulf %add3A_2264, %mul3A_2447 : vector<16xf32>
        %add3A_2449 = arith.addf %mul3A_2448, %min3A_1207 : vector<16xf32>
        tpu.vector_store_idx %arg7[%add3A_2445], %add3A_2449 : memref<1024xf32, #tpu.memory_space<vmem>>[vector<16xi32>], vector<16xf32>,
        %add3A_2450 = arith.constant 10 : i32
        %add3A_2451 = vector.broadcast %add3A_2450 : i32 to vector<16xi32>
        %add3A_2452 = arith.addi %add3A_2267, %add3A_2451 : vector<16xi32>
        %mul3A_2453 = arith.constant 0.631683349 : f32
        %mul3A_2454 = vector.broadcast %mul3A_2453 : f32 to vector<16xf32>
        %mul3A_2455 = arith.mulf %add3A_2264, %mul3A_2454 : vector<16xf32>
        %add3A_2456 = arith.addf %mul3A_2455, %min3A_1207 : vector<16xf32>
        tpu.vector_store_idx %arg7[%add3A_2452], %add3A_2456 : memref<1024xf32, #tpu.memory_space<vmem>>[vector<16xi32>], vector<16xf32>,
        %add3A_2457 = arith.constant 11 : i32
        %add3A_2458 = vector.broadcast %add3A_2457 : i32 to vector<16xi32>
        %add3A_2459 = arith.addi %add3A_2267, %add3A_2458 : vector<16xi32>
        %mul3A_2460 = arith.constant 0.681884765 : f32
        %mul3A_2461 = vector.broadcast %mul3A_2460 : f32 to vector<16xf32>
        %mul3A_2462 = arith.mulf %add3A_2264, %mul3A_2461 : vector<16xf32>
        %add3A_2463 = arith.addf %mul3A_2462, %min3A_1207 : vector<16xf32>
        tpu.vector_store_idx %arg7[%add3A_2459], %add3A_2463 : memref<1024xf32, #tpu.memory_space<vmem>>[vector<16xi32>], vector<16xf32>,
        %add3A_2464 = arith.constant 12 : i32
        %add3A_2465 = vector.broadcast %add3A_2464 : i32 to vector<16xi32>
        %add3A_2466 = arith.addi %add3A_2267, %add3A_2465 : vector<16xi32>
        %mul3A_2467 = arith.constant 0.739685058 : f32
        %mul3A_2468 = vector.broadcast %mul3A_2467 : f32 to vector<16xf32>
        %mul3A_2469 = arith.mulf %add3A_2264, %mul3A_2468 : vector<16xf32>
        %add3A_2470 = arith.addf %mul3A_2469, %min3A_1207 : vector<16xf32>
        tpu.vector_store_idx %arg7[%add3A_2466], %add3A_2470 : memref<1024xf32, #tpu.memory_space<vmem>>[vector<16xi32>], vector<16xf32>,
        %add3A_2471 = arith.constant 13 : i32
        %add3A_2472 = vector.broadcast %add3A_2471 : i32 to vector<16xi32>
        %add3A_2473 = arith.addi %add3A_2267, %add3A_2472 : vector<16xi32>
        %mul3A_2474 = arith.constant 0.81237793 : f32
        %mul3A_2475 = vector.broadcast %mul3A_2474 : f32 to vector<16xf32>
        %mul3A_2476 = arith.mulf %add3A_2264, %mul3A_2475 : vector<16xf32>
        %add3A_2477 = arith.addf %mul3A_2476, %min3A_1207 : vector<16xf32>
        tpu.vector_store_idx %arg7[%add3A_2473], %add3A_2477 : memref<1024xf32, #tpu.memory_space<vmem>>[vector<16xi32>], vector<16xf32>,
        %add3A_2478 = arith.constant 14 : i32
        %add3A_2479 = vector.broadcast %add3A_2478 : i32 to vector<16xi32>
        %add3A_2480 = arith.addi %add3A_2267, %add3A_2479 : vector<16xi32>
        %mul3A_2481 = arith.constant 0.926879882 : f32
        %mul3A_2482 = vector.broadcast %mul3A_2481 : f32 to vector<16xf32>
        %mul3A_2483 = arith.mulf %add3A_2264, %mul3A_2482 : vector<16xf32>
        %add3A_2484 = arith.addf %mul3A_2483, %min3A_1207 : vector<16xf32>
        tpu.vector_store_idx %arg7[%add3A_2480], %add3A_2484 : memref<1024xf32, #tpu.memory_space<vmem>>[vector<16xi32>], vector<16xf32>,
        %sub3A_2485 = vector.broadcast %reduce_min3A_1989 : f32 to vector<16xf32>
        %sub3A_2486 = arith.subf %sub3A_1596, %sub3A_2485 : vector<16xf32>
        %div3A_2487 = vector.broadcast %add3A_1998 : f32 to vector<16xf32>
        %div3A_2488 = arith.divf %sub3A_2486, %div3A_2487 : vector<16xf32>
        %mul3A_2489 = arith.constant 2.550000e+02 : f32
        %mul3A_2490 = vector.broadcast %mul3A_2489 : f32 to vector<16xf32>
        %mul3A_2491 = arith.mulf %div3A_2488, %mul3A_2490 : vector<16xf32>
        %add3A_2492 = arith.constant 0x4B400000 : f32
        %add3A_2493 = vector.broadcast %add3A_2492 : f32 to vector<16xf32>
        %add3A_2494 = arith.addf %mul3A_2491, %add3A_2493 : vector<16xf32>
        %sub3A_2495 = arith.constant 0x4B400000 : f32
        %sub3A_2496 = vector.broadcast %sub3A_2495 : f32 to vector<16xf32>
        %sub3A_2497 = arith.subf %add3A_2494, %sub3A_2496 : vector<16xf32>
        %div3A_2498 = arith.constant 2.550000e+02 : f32
        %div3A_2499 = vector.broadcast %div3A_2498 : f32 to vector<16xf32>
        %div3A_2500 = arith.divf %sub3A_2497, %div3A_2499 : vector<16xf32>
        %mul3A_2501 = vector.broadcast %sub3A_1999 : f32 to vector<16xf32>
        %mul3A_2502 = arith.mulf %div3A_2500, %mul3A_2501 : vector<16xf32>
        %add3A_2503 = vector.broadcast %reduce_min3A_1989 : f32 to vector<16xf32>
        %add3A_2504 = arith.addf %add3A_2503, %mul3A_2502 : vector<16xf32>
        %add3A_2505 = arith.constant 9.99999993E-9 : f32
        %add3A_2506 = vector.broadcast %add3A_2505 : f32 to vector<16xf32>
        %add3A_2507 = arith.addf %sub3A_1596, %add3A_2506 : vector<16xf32>
        %add3A_2508 = arith.constant 512 : i32
        %add3A_2509 = vector.broadcast %add3A_2508 : i32 to vector<16xi32>
        %add3A_2510 = arith.addi %mul3A_6, %add3A_2509 : vector<16xi32>
        %add3A_2511 = arith.constant 0 : i32
        %add3A_2512 = vector.broadcast %add3A_2511 : i32 to vector<16xi32>
        %add3A_2513 = arith.addi %add3A_2510, %add3A_2512 : vector<16xi32>
        %mul3A_2514 = arith.constant 0.000000e+00 : f32
        %mul3A_2515 = vector.broadcast %mul3A_2514 : f32 to vector<16xf32>
        %mul3A_2516 = arith.mulf %mul3A_2515, %add3A_2504 : vector<16xf32>
        %add3A_2517 = arith.addf %mul3A_2516, %min3A_1594 : vector<16xf32>
        tpu.vector_store_idx %arg6[%add3A_2513], %add3A_2517 : memref<1024xf32, #tpu.memory_space<vmem>>[vector<16xi32>], vector<16xf32>,
        %add3A_2518 = arith.constant 1 : i32
        %add3A_2519 = vector.broadcast %add3A_2518 : i32 to vector<16xi32>
        %add3A_2520 = arith.addi %add3A_2510, %add3A_2519 : vector<16xi32>
        %mul3A_2521 = arith.constant 0.146240234 : f32
        %mul3A_2522 = vector.broadcast %mul3A_2521 : f32 to vector<16xf32>
        %mul3A_2523 = arith.mulf %mul3A_2522, %add3A_2504 : vector<16xf32>
        %add3A_2524 = arith.addf %mul3A_2523, %min3A_1594 : vector<16xf32>
        tpu.vector_store_idx %arg6[%add3A_2520], %add3A_2524 : memref<1024xf32, #tpu.memory_space<vmem>>[vector<16xi32>], vector<16xf32>,
        %add3A_2525 = arith.constant 2 : i32
        %add3A_2526 = vector.broadcast %add3A_2525 : i32 to vector<16xi32>
        %add3A_2527 = arith.addi %add3A_2510, %add3A_2526 : vector<16xi32>
        %mul3A_2528 = arith.constant 0.229003906 : f32
        %mul3A_2529 = vector.broadcast %mul3A_2528 : f32 to vector<16xf32>
        %mul3A_2530 = arith.mulf %mul3A_2529, %add3A_2504 : vector<16xf32>
        %add3A_2531 = arith.addf %mul3A_2530, %min3A_1594 : vector<16xf32>
        tpu.vector_store_idx %arg6[%add3A_2527], %add3A_2531 : memref<1024xf32, #tpu.memory_space<vmem>>[vector<16xi32>], vector<16xf32>,
        %add3A_2532 = arith.constant 3 : i32
        %add3A_2533 = vector.broadcast %add3A_2532 : i32 to vector<16xi32>
        %add3A_2534 = arith.addi %add3A_2510, %add3A_2533 : vector<16xi32>
        %mul3A_2535 = arith.constant 0.291625977 : f32
        %mul3A_2536 = vector.broadcast %mul3A_2535 : f32 to vector<16xf32>
        %mul3A_2537 = arith.mulf %mul3A_2536, %add3A_2504 : vector<16xf32>
        %add3A_2538 = arith.addf %mul3A_2537, %min3A_1594 : vector<16xf32>
        tpu.vector_store_idx %arg6[%add3A_2534], %add3A_2538 : memref<1024xf32, #tpu.memory_space<vmem>>[vector<16xi32>], vector<16xf32>,
        %add3A_2539 = arith.constant 4 : i32
        %add3A_2540 = vector.broadcast %add3A_2539 : i32 to vector<16xi32>
        %add3A_2541 = arith.addi %add3A_2510, %add3A_2540 : vector<16xi32>
        %mul3A_2542 = arith.constant 0.344604492 : f32
        %mul3A_2543 = vector.broadcast %mul3A_2542 : f32 to vector<16xf32>
        %mul3A_2544 = arith.mulf %mul3A_2543, %add3A_2504 : vector<16xf32>
        %add3A_2545 = arith.addf %mul3A_2544, %min3A_1594 : vector<16xf32>
        tpu.vector_store_idx %arg6[%add3A_2541], %add3A_2545 : memref<1024xf32, #tpu.memory_space<vmem>>[vector<16xi32>], vector<16xf32>,
        %add3A_2546 = arith.constant 5 : i32
        %add3A_2547 = vector.broadcast %add3A_2546 : i32 to vector<16xi32>
        %add3A_2548 = arith.addi %add3A_2510, %add3A_2547 : vector<16xi32>
        %mul3A_2549 = arith.constant 0.392028809 : f32
        %mul3A_2550 = vector.broadcast %mul3A_2549 : f32 to vector<16xf32>
        %mul3A_2551 = arith.mulf %mul3A_2550, %add3A_2504 : vector<16xf32>
        %add3A_2552 = arith.addf %mul3A_2551, %min3A_1594 : vector<16xf32>
        tpu.vector_store_idx %arg6[%add3A_2548], %add3A_2552 : memref<1024xf32, #tpu.memory_space<vmem>>[vector<16xi32>], vector<16xf32>,
        %add3A_2553 = arith.constant 6 : i32
        %add3A_2554 = vector.broadcast %add3A_2553 : i32 to vector<16xi32>
        %add3A_2555 = arith.addi %add3A_2510, %add3A_2554 : vector<16xi32>
        %mul3A_2556 = arith.constant 0.436340332 : f32
        %mul3A_2557 = vector.broadcast %mul3A_2556 : f32 to vector<16xf32>
        %mul3A_2558 = arith.mulf %mul3A_2557, %add3A_2504 : vector<16xf32>
        %add3A_2559 = arith.addf %mul3A_2558, %min3A_1594 : vector<16xf32>
        tpu.vector_store_idx %arg6[%add3A_2555], %add3A_2559 : memref<1024xf32, #tpu.memory_space<vmem>>[vector<16xi32>], vector<16xf32>,
        %add3A_2560 = arith.constant 7 : i32
        %add3A_2561 = vector.broadcast %add3A_2560 : i32 to vector<16xi32>
        %add3A_2562 = arith.addi %add3A_2510, %add3A_2561 : vector<16xi32>
        %mul3A_2563 = arith.constant 0.47895813 : f32
        %mul3A_2564 = vector.broadcast %mul3A_2563 : f32 to vector<16xf32>
        %mul3A_2565 = arith.mulf %mul3A_2564, %add3A_2504 : vector<16xf32>
        %add3A_2566 = arith.addf %mul3A_2565, %min3A_1594 : vector<16xf32>
        tpu.vector_store_idx %arg6[%add3A_2562], %add3A_2566 : memref<1024xf32, #tpu.memory_space<vmem>>[vector<16xi32>], vector<16xf32>,
        %add3A_2567 = arith.constant 8 : i32
        %add3A_2568 = vector.broadcast %add3A_2567 : i32 to vector<16xi32>
        %add3A_2569 = arith.addi %add3A_2510, %add3A_2568 : vector<16xi32>
        %mul3A_2570 = arith.constant 0.52104187 : f32
        %mul3A_2571 = vector.broadcast %mul3A_2570 : f32 to vector<16xf32>
        %mul3A_2572 = arith.mulf %mul3A_2571, %add3A_2504 : vector<16xf32>
        %add3A_2573 = arith.addf %mul3A_2572, %min3A_1594 : vector<16xf32>
        tpu.vector_store_idx %arg6[%add3A_2569], %add3A_2573 : memref<1024xf32, #tpu.memory_space<vmem>>[vector<16xi32>], vector<16xf32>,
        %add3A_2574 = arith.constant 9 : i32
        %add3A_2575 = vector.broadcast %add3A_2574 : i32 to vector<16xi32>
        %add3A_2576 = arith.addi %add3A_2510, %add3A_2575 : vector<16xi32>
        %mul3A_2577 = arith.constant 0.563659668 : f32
        %mul3A_2578 = vector.broadcast %mul3A_2577 : f32 to vector<16xf32>
        %mul3A_2579 = arith.mulf %mul3A_2578, %add3A_2504 : vector<16xf32>
        %add3A_2580 = arith.addf %mul3A_2579, %min3A_1594 : vector<16xf32>
        tpu.vector_store_idx %arg6[%add3A_2576], %add3A_2580 : memref<1024xf32, #tpu.memory_space<vmem>>[vector<16xi32>], vector<16xf32>,
        %add3A_2581 = arith.constant 10 : i32
        %add3A_2582 = vector.broadcast %add3A_2581 : i32 to vector<16xi32>
        %add3A_2583 = arith.addi %add3A_2510, %add3A_2582 : vector<16xi32>
        %mul3A_2584 = arith.constant 0.607971191 : f32
        %mul3A_2585 = vector.broadcast %mul3A_2584 : f32 to vector<16xf32>
        %mul3A_2586 = arith.mulf %mul3A_2585, %add3A_2504 : vector<16xf32>
        %add3A_2587 = arith.addf %mul3A_2586, %min3A_1594 : vector<16xf32>
        tpu.vector_store_idx %arg6[%add3A_2583], %add3A_2587 : memref<1024xf32, #tpu.memory_space<vmem>>[vector<16xi32>], vector<16xf32>,
        %add3A_2588 = arith.constant 11 : i32
        %add3A_2589 = vector.broadcast %add3A_2588 : i32 to vector<16xi32>
        %add3A_2590 = arith.addi %add3A_2510, %add3A_2589 : vector<16xi32>
        %mul3A_2591 = arith.constant 0.655395508 : f32
        %mul3A_2592 = vector.broadcast %mul3A_2591 : f32 to vector<16xf32>
        %mul3A_2593 = arith.mulf %mul3A_2592, %add3A_2504 : vector<16xf32>
        %add3A_2594 = arith.addf %mul3A_2593, %min3A_1594 : vector<16xf32>
        tpu.vector_store_idx %arg6[%add3A_2590], %add3A_2594 : memref<1024xf32, #tpu.memory_space<vmem>>[vector<16xi32>], vector<16xf32>,
        %add3A_2595 = arith.constant 12 : i32
        %add3A_2596 = vector.broadcast %add3A_2595 : i32 to vector<16xi32>
        %add3A_2597 = arith.addi %add3A_2510, %add3A_2596 : vector<16xi32>
        %mul3A_2598 = arith.constant 7.083740e-01 : f32
        %mul3A_2599 = vector.broadcast %mul3A_2598 : f32 to vector<16xf32>
        %mul3A_2600 = arith.mulf %mul3A_2599, %add3A_2504 : vector<16xf32>
        %add3A_2601 = arith.addf %mul3A_2600, %min3A_1594 : vector<16xf32>
        tpu.vector_store_idx %arg6[%add3A_2597], %add3A_2601 : memref<1024xf32, #tpu.memory_space<vmem>>[vector<16xi32>], vector<16xf32>,
        %add3A_2602 = arith.constant 13 : i32
        %add3A_2603 = vector.broadcast %add3A_2602 : i32 to vector<16xi32>
        %add3A_2604 = arith.addi %add3A_2510, %add3A_2603 : vector<16xi32>
        %mul3A_2605 = arith.constant 0.770996093 : f32
        %mul3A_2606 = vector.broadcast %mul3A_2605 : f32 to vector<16xf32>
        %mul3A_2607 = arith.mulf %mul3A_2606, %add3A_2504 : vector<16xf32>
        %add3A_2608 = arith.addf %mul3A_2607, %min3A_1594 : vector<16xf32>
        tpu.vector_store_idx %arg6[%add3A_2604], %add3A_2608 : memref<1024xf32, #tpu.memory_space<vmem>>[vector<16xi32>], vector<16xf32>,
        %add3A_2609 = arith.constant 14 : i32
        %add3A_2610 = vector.broadcast %add3A_2609 : i32 to vector<16xi32>
        %add3A_2611 = arith.addi %add3A_2510, %add3A_2610 : vector<16xi32>
        %mul3A_2612 = arith.constant 0.853759765 : f32
        %mul3A_2613 = vector.broadcast %mul3A_2612 : f32 to vector<16xf32>
        %mul3A_2614 = arith.mulf %mul3A_2613, %add3A_2504 : vector<16xf32>
        %add3A_2615 = arith.addf %mul3A_2614, %min3A_1594 : vector<16xf32>
        tpu.vector_store_idx %arg6[%add3A_2611], %add3A_2615 : memref<1024xf32, #tpu.memory_space<vmem>>[vector<16xi32>], vector<16xf32>,
        %add3A_2616 = arith.constant 15 : i32
        %add3A_2617 = vector.broadcast %add3A_2616 : i32 to vector<16xi32>
        %add3A_2618 = arith.addi %add3A_2510, %add3A_2617 : vector<16xi32>
        %mul3A_2619 = arith.constant 1.000000e+00 : f32
        %mul3A_2620 = vector.broadcast %mul3A_2619 : f32 to vector<16xf32>
        %mul3A_2621 = arith.mulf %mul3A_2620, %add3A_2504 : vector<16xf32>
        %add3A_2622 = arith.addf %mul3A_2621, %min3A_1594 : vector<16xf32>
        tpu.vector_store_idx %arg6[%add3A_2618], %add3A_2622 : memref<1024xf32, #tpu.memory_space<vmem>>[vector<16xi32>], vector<16xf32>,
        %add3A_2623 = arith.constant 0 : i32
        %add3A_2624 = vector.broadcast %add3A_2623 : i32 to vector<16xi32>
        %add3A_2625 = arith.addi %add3A_2510, %add3A_2624 : vector<16xi32>
        %mul3A_2626 = arith.constant 0.0731201171 : f32
        %mul3A_2627 = vector.broadcast %mul3A_2626 : f32 to vector<16xf32>
        %mul3A_2628 = arith.mulf %add3A_2507, %mul3A_2627 : vector<16xf32>
        %add3A_2629 = arith.addf %mul3A_2628, %min3A_1594 : vector<16xf32>
        tpu.vector_store_idx %arg7[%add3A_2625], %add3A_2629 : memref<1024xf32, #tpu.memory_space<vmem>>[vector<16xi32>], vector<16xf32>,
        %add3A_2630 = arith.constant 1 : i32
        %add3A_2631 = vector.broadcast %add3A_2630 : i32 to vector<16xi32>
        %add3A_2632 = arith.addi %add3A_2510, %add3A_2631 : vector<16xi32>
        %mul3A_2633 = arith.constant 0.18762207 : f32
        %mul3A_2634 = vector.broadcast %mul3A_2633 : f32 to vector<16xf32>
        %mul3A_2635 = arith.mulf %add3A_2507, %mul3A_2634 : vector<16xf32>
        %add3A_2636 = arith.addf %mul3A_2635, %min3A_1594 : vector<16xf32>
        tpu.vector_store_idx %arg7[%add3A_2632], %add3A_2636 : memref<1024xf32, #tpu.memory_space<vmem>>[vector<16xi32>], vector<16xf32>,
        %add3A_2637 = arith.constant 2 : i32
        %add3A_2638 = vector.broadcast %add3A_2637 : i32 to vector<16xi32>
        %add3A_2639 = arith.addi %add3A_2510, %add3A_2638 : vector<16xi32>
        %mul3A_2640 = arith.constant 0.260314941 : f32
        %mul3A_2641 = vector.broadcast %mul3A_2640 : f32 to vector<16xf32>
        %mul3A_2642 = arith.mulf %add3A_2507, %mul3A_2641 : vector<16xf32>
        %add3A_2643 = arith.addf %mul3A_2642, %min3A_1594 : vector<16xf32>
        tpu.vector_store_idx %arg7[%add3A_2639], %add3A_2643 : memref<1024xf32, #tpu.memory_space<vmem>>[vector<16xi32>], vector<16xf32>,
        %add3A_2644 = arith.constant 3 : i32
        %add3A_2645 = vector.broadcast %add3A_2644 : i32 to vector<16xi32>
        %add3A_2646 = arith.addi %add3A_2510, %add3A_2645 : vector<16xi32>
        %mul3A_2647 = arith.constant 0.318115234 : f32
        %mul3A_2648 = vector.broadcast %mul3A_2647 : f32 to vector<16xf32>
        %mul3A_2649 = arith.mulf %add3A_2507, %mul3A_2648 : vector<16xf32>
        %add3A_2650 = arith.addf %mul3A_2649, %min3A_1594 : vector<16xf32>
        tpu.vector_store_idx %arg7[%add3A_2646], %add3A_2650 : memref<1024xf32, #tpu.memory_space<vmem>>[vector<16xi32>], vector<16xf32>,
        %add3A_2651 = arith.constant 4 : i32
        %add3A_2652 = vector.broadcast %add3A_2651 : i32 to vector<16xi32>
        %add3A_2653 = arith.addi %add3A_2510, %add3A_2652 : vector<16xi32>
        %mul3A_2654 = arith.constant 0.36831665 : f32
        %mul3A_2655 = vector.broadcast %mul3A_2654 : f32 to vector<16xf32>
        %mul3A_2656 = arith.mulf %add3A_2507, %mul3A_2655 : vector<16xf32>
        %add3A_2657 = arith.addf %mul3A_2656, %min3A_1594 : vector<16xf32>
        tpu.vector_store_idx %arg7[%add3A_2653], %add3A_2657 : memref<1024xf32, #tpu.memory_space<vmem>>[vector<16xi32>], vector<16xf32>,
        %add3A_2658 = arith.constant 5 : i32
        %add3A_2659 = vector.broadcast %add3A_2658 : i32 to vector<16xi32>
        %add3A_2660 = arith.addi %add3A_2510, %add3A_2659 : vector<16xi32>
        %mul3A_2661 = arith.constant 0.41418457 : f32
        %mul3A_2662 = vector.broadcast %mul3A_2661 : f32 to vector<16xf32>
        %mul3A_2663 = arith.mulf %add3A_2507, %mul3A_2662 : vector<16xf32>
        %add3A_2664 = arith.addf %mul3A_2663, %min3A_1594 : vector<16xf32>
        tpu.vector_store_idx %arg7[%add3A_2660], %add3A_2664 : memref<1024xf32, #tpu.memory_space<vmem>>[vector<16xi32>], vector<16xf32>,
        %add3A_2665 = arith.constant 6 : i32
        %add3A_2666 = vector.broadcast %add3A_2665 : i32 to vector<16xi32>
        %add3A_2667 = arith.addi %add3A_2510, %add3A_2666 : vector<16xi32>
        %mul3A_2668 = arith.constant 0.457649231 : f32
        %mul3A_2669 = vector.broadcast %mul3A_2668 : f32 to vector<16xf32>
        %mul3A_2670 = arith.mulf %add3A_2507, %mul3A_2669 : vector<16xf32>
        %add3A_2671 = arith.addf %mul3A_2670, %min3A_1594 : vector<16xf32>
        tpu.vector_store_idx %arg7[%add3A_2667], %add3A_2671 : memref<1024xf32, #tpu.memory_space<vmem>>[vector<16xi32>], vector<16xf32>,
        %add3A_2672 = arith.constant 7 : i32
        %add3A_2673 = vector.broadcast %add3A_2672 : i32 to vector<16xi32>
        %add3A_2674 = arith.addi %add3A_2510, %add3A_2673 : vector<16xi32>
        %mul3A_2675 = arith.constant 5.000000e-01 : f32
        %mul3A_2676 = vector.broadcast %mul3A_2675 : f32 to vector<16xf32>
        %mul3A_2677 = arith.mulf %add3A_2507, %mul3A_2676 : vector<16xf32>
        %add3A_2678 = arith.addf %mul3A_2677, %min3A_1594 : vector<16xf32>
        tpu.vector_store_idx %arg7[%add3A_2674], %add3A_2678 : memref<1024xf32, #tpu.memory_space<vmem>>[vector<16xi32>], vector<16xf32>,
        %add3A_2679 = arith.constant 8 : i32
        %add3A_2680 = vector.broadcast %add3A_2679 : i32 to vector<16xi32>
        %add3A_2681 = arith.addi %add3A_2510, %add3A_2680 : vector<16xi32>
        %mul3A_2682 = arith.constant 0.542350769 : f32
        %mul3A_2683 = vector.broadcast %mul3A_2682 : f32 to vector<16xf32>
        %mul3A_2684 = arith.mulf %add3A_2507, %mul3A_2683 : vector<16xf32>
        %add3A_2685 = arith.addf %mul3A_2684, %min3A_1594 : vector<16xf32>
        tpu.vector_store_idx %arg7[%add3A_2681], %add3A_2685 : memref<1024xf32, #tpu.memory_space<vmem>>[vector<16xi32>], vector<16xf32>,
        %add3A_2686 = arith.constant 9 : i32
        %add3A_2687 = vector.broadcast %add3A_2686 : i32 to vector<16xi32>
        %add3A_2688 = arith.addi %add3A_2510, %add3A_2687 : vector<16xi32>
        %mul3A_2689 = arith.constant 0.58581543 : f32
        %mul3A_2690 = vector.broadcast %mul3A_2689 : f32 to vector<16xf32>
        %mul3A_2691 = arith.mulf %add3A_2507, %mul3A_2690 : vector<16xf32>
        %add3A_2692 = arith.addf %mul3A_2691, %min3A_1594 : vector<16xf32>
        tpu.vector_store_idx %arg7[%add3A_2688], %add3A_2692 : memref<1024xf32, #tpu.memory_space<vmem>>[vector<16xi32>], vector<16xf32>,
        %add3A_2693 = arith.constant 10 : i32
        %add3A_2694 = vector.broadcast %add3A_2693 : i32 to vector<16xi32>
        %add3A_2695 = arith.addi %add3A_2510, %add3A_2694 : vector<16xi32>
        %mul3A_2696 = arith.constant 0.631683349 : f32
        %mul3A_2697 = vector.broadcast %mul3A_2696 : f32 to vector<16xf32>
        %mul3A_2698 = arith.mulf %add3A_2507, %mul3A_2697 : vector<16xf32>
        %add3A_2699 = arith.addf %mul3A_2698, %min3A_1594 : vector<16xf32>
        tpu.vector_store_idx %arg7[%add3A_2695], %add3A_2699 : memref<1024xf32, #tpu.memory_space<vmem>>[vector<16xi32>], vector<16xf32>,
        %add3A_2700 = arith.constant 11 : i32
        %add3A_2701 = vector.broadcast %add3A_2700 : i32 to vector<16xi32>
        %add3A_2702 = arith.addi %add3A_2510, %add3A_2701 : vector<16xi32>
        %mul3A_2703 = arith.constant 0.681884765 : f32
        %mul3A_2704 = vector.broadcast %mul3A_2703 : f32 to vector<16xf32>
        %mul3A_2705 = arith.mulf %add3A_2507, %mul3A_2704 : vector<16xf32>
        %add3A_2706 = arith.addf %mul3A_2705, %min3A_1594 : vector<16xf32>
        tpu.vector_store_idx %arg7[%add3A_2702], %add3A_2706 : memref<1024xf32, #tpu.memory_space<vmem>>[vector<16xi32>], vector<16xf32>,
        %add3A_2707 = arith.constant 12 : i32
        %add3A_2708 = vector.broadcast %add3A_2707 : i32 to vector<16xi32>
        %add3A_2709 = arith.addi %add3A_2510, %add3A_2708 : vector<16xi32>
        %mul3A_2710 = arith.constant 0.739685058 : f32
        %mul3A_2711 = vector.broadcast %mul3A_2710 : f32 to vector<16xf32>
        %mul3A_2712 = arith.mulf %add3A_2507, %mul3A_2711 : vector<16xf32>
        %add3A_2713 = arith.addf %mul3A_2712, %min3A_1594 : vector<16xf32>
        tpu.vector_store_idx %arg7[%add3A_2709], %add3A_2713 : memref<1024xf32, #tpu.memory_space<vmem>>[vector<16xi32>], vector<16xf32>,
        %add3A_2714 = arith.constant 13 : i32
        %add3A_2715 = vector.broadcast %add3A_2714 : i32 to vector<16xi32>
        %add3A_2716 = arith.addi %add3A_2510, %add3A_2715 : vector<16xi32>
        %mul3A_2717 = arith.constant 0.81237793 : f32
        %mul3A_2718 = vector.broadcast %mul3A_2717 : f32 to vector<16xf32>
        %mul3A_2719 = arith.mulf %add3A_2507, %mul3A_2718 : vector<16xf32>
        %add3A_2720 = arith.addf %mul3A_2719, %min3A_1594 : vector<16xf32>
        tpu.vector_store_idx %arg7[%add3A_2716], %add3A_2720 : memref<1024xf32, #tpu.memory_space<vmem>>[vector<16xi32>], vector<16xf32>,
        %add3A_2721 = arith.constant 14 : i32
        %add3A_2722 = vector.broadcast %add3A_2721 : i32 to vector<16xi32>
        %add3A_2723 = arith.addi %add3A_2510, %add3A_2722 : vector<16xi32>
        %mul3A_2724 = arith.constant 0.926879882 : f32
        %mul3A_2725 = vector.broadcast %mul3A_2724 : f32 to vector<16xf32>
        %mul3A_2726 = arith.mulf %add3A_2507, %mul3A_2725 : vector<16xf32>
        %add3A_2727 = arith.addf %mul3A_2726, %min3A_1594 : vector<16xf32>
        tpu.vector_store_idx %arg7[%add3A_2723], %add3A_2727 : memref<1024xf32, #tpu.memory_space<vmem>>[vector<16xi32>], vector<16xf32>,
        %sub3A_2728 = vector.broadcast %reduce_min3A_1989 : f32 to vector<16xf32>
        %sub3A_2729 = arith.subf %sub3A_1983, %sub3A_2728 : vector<16xf32>
        %div3A_2730 = vector.broadcast %add3A_1998 : f32 to vector<16xf32>
        %div3A_2731 = arith.divf %sub3A_2729, %div3A_2730 : vector<16xf32>
        %mul3A_2732 = arith.constant 2.550000e+02 : f32
        %mul3A_2733 = vector.broadcast %mul3A_2732 : f32 to vector<16xf32>
        %mul3A_2734 = arith.mulf %div3A_2731, %mul3A_2733 : vector<16xf32>
        %add3A_2735 = arith.constant 0x4B400000 : f32
        %add3A_2736 = vector.broadcast %add3A_2735 : f32 to vector<16xf32>
        %add3A_2737 = arith.addf %mul3A_2734, %add3A_2736 : vector<16xf32>
        %sub3A_2738 = arith.constant 0x4B400000 : f32
        %sub3A_2739 = vector.broadcast %sub3A_2738 : f32 to vector<16xf32>
        %sub3A_2740 = arith.subf %add3A_2737, %sub3A_2739 : vector<16xf32>
        %div3A_2741 = arith.constant 2.550000e+02 : f32
        %div3A_2742 = vector.broadcast %div3A_2741 : f32 to vector<16xf32>
        %div3A_2743 = arith.divf %sub3A_2740, %div3A_2742 : vector<16xf32>
        %mul3A_2744 = vector.broadcast %sub3A_1999 : f32 to vector<16xf32>
        %mul3A_2745 = arith.mulf %div3A_2743, %mul3A_2744 : vector<16xf32>
        %add3A_2746 = vector.broadcast %reduce_min3A_1989 : f32 to vector<16xf32>
        %add3A_2747 = arith.addf %add3A_2746, %mul3A_2745 : vector<16xf32>
        %add3A_2748 = arith.constant 9.99999993E-9 : f32
        %add3A_2749 = vector.broadcast %add3A_2748 : f32 to vector<16xf32>
        %add3A_2750 = arith.addf %sub3A_1983, %add3A_2749 : vector<16xf32>
        %add3A_2751 = arith.constant 768 : i32
        %add3A_2752 = vector.broadcast %add3A_2751 : i32 to vector<16xi32>
        %add3A_2753 = arith.addi %mul3A_6, %add3A_2752 : vector<16xi32>
        %add3A_2754 = arith.constant 0 : i32
        %add3A_2755 = vector.broadcast %add3A_2754 : i32 to vector<16xi32>
        %add3A_2756 = arith.addi %add3A_2753, %add3A_2755 : vector<16xi32>
        %mul3A_2757 = arith.constant 0.000000e+00 : f32
        %mul3A_2758 = vector.broadcast %mul3A_2757 : f32 to vector<16xf32>
        %mul3A_2759 = arith.mulf %mul3A_2758, %add3A_2747 : vector<16xf32>
        %add3A_2760 = arith.addf %mul3A_2759, %min3A_1981 : vector<16xf32>
        tpu.vector_store_idx %arg6[%add3A_2756], %add3A_2760 : memref<1024xf32, #tpu.memory_space<vmem>>[vector<16xi32>], vector<16xf32>,
        %add3A_2761 = arith.constant 1 : i32
        %add3A_2762 = vector.broadcast %add3A_2761 : i32 to vector<16xi32>
        %add3A_2763 = arith.addi %add3A_2753, %add3A_2762 : vector<16xi32>
        %mul3A_2764 = arith.constant 0.146240234 : f32
        %mul3A_2765 = vector.broadcast %mul3A_2764 : f32 to vector<16xf32>
        %mul3A_2766 = arith.mulf %mul3A_2765, %add3A_2747 : vector<16xf32>
        %add3A_2767 = arith.addf %mul3A_2766, %min3A_1981 : vector<16xf32>
        tpu.vector_store_idx %arg6[%add3A_2763], %add3A_2767 : memref<1024xf32, #tpu.memory_space<vmem>>[vector<16xi32>], vector<16xf32>,
        %add3A_2768 = arith.constant 2 : i32
        %add3A_2769 = vector.broadcast %add3A_2768 : i32 to vector<16xi32>
        %add3A_2770 = arith.addi %add3A_2753, %add3A_2769 : vector<16xi32>
        %mul3A_2771 = arith.constant 0.229003906 : f32
        %mul3A_2772 = vector.broadcast %mul3A_2771 : f32 to vector<16xf32>
        %mul3A_2773 = arith.mulf %mul3A_2772, %add3A_2747 : vector<16xf32>
        %add3A_2774 = arith.addf %mul3A_2773, %min3A_1981 : vector<16xf32>
        tpu.vector_store_idx %arg6[%add3A_2770], %add3A_2774 : memref<1024xf32, #tpu.memory_space<vmem>>[vector<16xi32>], vector<16xf32>,
        %add3A_2775 = arith.constant 3 : i32
        %add3A_2776 = vector.broadcast %add3A_2775 : i32 to vector<16xi32>
        %add3A_2777 = arith.addi %add3A_2753, %add3A_2776 : vector<16xi32>
        %mul3A_2778 = arith.constant 0.291625977 : f32
        %mul3A_2779 = vector.broadcast %mul3A_2778 : f32 to vector<16xf32>
        %mul3A_2780 = arith.mulf %mul3A_2779, %add3A_2747 : vector<16xf32>
        %add3A_2781 = arith.addf %mul3A_2780, %min3A_1981 : vector<16xf32>
        tpu.vector_store_idx %arg6[%add3A_2777], %add3A_2781 : memref<1024xf32, #tpu.memory_space<vmem>>[vector<16xi32>], vector<16xf32>,
        %add3A_2782 = arith.constant 4 : i32
        %add3A_2783 = vector.broadcast %add3A_2782 : i32 to vector<16xi32>
        %add3A_2784 = arith.addi %add3A_2753, %add3A_2783 : vector<16xi32>
        %mul3A_2785 = arith.constant 0.344604492 : f32
        %mul3A_2786 = vector.broadcast %mul3A_2785 : f32 to vector<16xf32>
        %mul3A_2787 = arith.mulf %mul3A_2786, %add3A_2747 : vector<16xf32>
        %add3A_2788 = arith.addf %mul3A_2787, %min3A_1981 : vector<16xf32>
        tpu.vector_store_idx %arg6[%add3A_2784], %add3A_2788 : memref<1024xf32, #tpu.memory_space<vmem>>[vector<16xi32>], vector<16xf32>,
        %add3A_2789 = arith.constant 5 : i32
        %add3A_2790 = vector.broadcast %add3A_2789 : i32 to vector<16xi32>
        %add3A_2791 = arith.addi %add3A_2753, %add3A_2790 : vector<16xi32>
        %mul3A_2792 = arith.constant 0.392028809 : f32
        %mul3A_2793 = vector.broadcast %mul3A_2792 : f32 to vector<16xf32>
        %mul3A_2794 = arith.mulf %mul3A_2793, %add3A_2747 : vector<16xf32>
        %add3A_2795 = arith.addf %mul3A_2794, %min3A_1981 : vector<16xf32>
        tpu.vector_store_idx %arg6[%add3A_2791], %add3A_2795 : memref<1024xf32, #tpu.memory_space<vmem>>[vector<16xi32>], vector<16xf32>,
        %add3A_2796 = arith.constant 6 : i32
        %add3A_2797 = vector.broadcast %add3A_2796 : i32 to vector<16xi32>
        %add3A_2798 = arith.addi %add3A_2753, %add3A_2797 : vector<16xi32>
        %mul3A_2799 = arith.constant 0.436340332 : f32
        %mul3A_2800 = vector.broadcast %mul3A_2799 : f32 to vector<16xf32>
        %mul3A_2801 = arith.mulf %mul3A_2800, %add3A_2747 : vector<16xf32>
        %add3A_2802 = arith.addf %mul3A_2801, %min3A_1981 : vector<16xf32>
        tpu.vector_store_idx %arg6[%add3A_2798], %add3A_2802 : memref<1024xf32, #tpu.memory_space<vmem>>[vector<16xi32>], vector<16xf32>,
        %add3A_2803 = arith.constant 7 : i32
        %add3A_2804 = vector.broadcast %add3A_2803 : i32 to vector<16xi32>
        %add3A_2805 = arith.addi %add3A_2753, %add3A_2804 : vector<16xi32>
        %mul3A_2806 = arith.constant 0.47895813 : f32
        %mul3A_2807 = vector.broadcast %mul3A_2806 : f32 to vector<16xf32>
        %mul3A_2808 = arith.mulf %mul3A_2807, %add3A_2747 : vector<16xf32>
        %add3A_2809 = arith.addf %mul3A_2808, %min3A_1981 : vector<16xf32>
        tpu.vector_store_idx %arg6[%add3A_2805], %add3A_2809 : memref<1024xf32, #tpu.memory_space<vmem>>[vector<16xi32>], vector<16xf32>,
        %add3A_2810 = arith.constant 8 : i32
        %add3A_2811 = vector.broadcast %add3A_2810 : i32 to vector<16xi32>
        %add3A_2812 = arith.addi %add3A_2753, %add3A_2811 : vector<16xi32>
        %mul3A_2813 = arith.constant 0.52104187 : f32
        %mul3A_2814 = vector.broadcast %mul3A_2813 : f32 to vector<16xf32>
        %mul3A_2815 = arith.mulf %mul3A_2814, %add3A_2747 : vector<16xf32>
        %add3A_2816 = arith.addf %mul3A_2815, %min3A_1981 : vector<16xf32>
        tpu.vector_store_idx %arg6[%add3A_2812], %add3A_2816 : memref<1024xf32, #tpu.memory_space<vmem>>[vector<16xi32>], vector<16xf32>,
        %add3A_2817 = arith.constant 9 : i32
        %add3A_2818 = vector.broadcast %add3A_2817 : i32 to vector<16xi32>
        %add3A_2819 = arith.addi %add3A_2753, %add3A_2818 : vector<16xi32>
        %mul3A_2820 = arith.constant 0.563659668 : f32
        %mul3A_2821 = vector.broadcast %mul3A_2820 : f32 to vector<16xf32>
        %mul3A_2822 = arith.mulf %mul3A_2821, %add3A_2747 : vector<16xf32>
        %add3A_2823 = arith.addf %mul3A_2822, %min3A_1981 : vector<16xf32>
        tpu.vector_store_idx %arg6[%add3A_2819], %add3A_2823 : memref<1024xf32, #tpu.memory_space<vmem>>[vector<16xi32>], vector<16xf32>,
        %add3A_2824 = arith.constant 10 : i32
        %add3A_2825 = vector.broadcast %add3A_2824 : i32 to vector<16xi32>
        %add3A_2826 = arith.addi %add3A_2753, %add3A_2825 : vector<16xi32>
        %mul3A_2827 = arith.constant 0.607971191 : f32
        %mul3A_2828 = vector.broadcast %mul3A_2827 : f32 to vector<16xf32>
        %mul3A_2829 = arith.mulf %mul3A_2828, %add3A_2747 : vector<16xf32>
        %add3A_2830 = arith.addf %mul3A_2829, %min3A_1981 : vector<16xf32>
        tpu.vector_store_idx %arg6[%add3A_2826], %add3A_2830 : memref<1024xf32, #tpu.memory_space<vmem>>[vector<16xi32>], vector<16xf32>,
        %add3A_2831 = arith.constant 11 : i32
        %add3A_2832 = vector.broadcast %add3A_2831 : i32 to vector<16xi32>
        %add3A_2833 = arith.addi %add3A_2753, %add3A_2832 : vector<16xi32>
        %mul3A_2834 = arith.constant 0.655395508 : f32
        %mul3A_2835 = vector.broadcast %mul3A_2834 : f32 to vector<16xf32>
        %mul3A_2836 = arith.mulf %mul3A_2835, %add3A_2747 : vector<16xf32>
        %add3A_2837 = arith.addf %mul3A_2836, %min3A_1981 : vector<16xf32>
        tpu.vector_store_idx %arg6[%add3A_2833], %add3A_2837 : memref<1024xf32, #tpu.memory_space<vmem>>[vector<16xi32>], vector<16xf32>,
        %add3A_2838 = arith.constant 12 : i32
        %add3A_2839 = vector.broadcast %add3A_2838 : i32 to vector<16xi32>
        %add3A_2840 = arith.addi %add3A_2753, %add3A_2839 : vector<16xi32>
        %mul3A_2841 = arith.constant 7.083740e-01 : f32
        %mul3A_2842 = vector.broadcast %mul3A_2841 : f32 to vector<16xf32>
        %mul3A_2843 = arith.mulf %mul3A_2842, %add3A_2747 : vector<16xf32>
        %add3A_2844 = arith.addf %mul3A_2843, %min3A_1981 : vector<16xf32>
        tpu.vector_store_idx %arg6[%add3A_2840], %add3A_2844 : memref<1024xf32, #tpu.memory_space<vmem>>[vector<16xi32>], vector<16xf32>,
        %add3A_2845 = arith.constant 13 : i32
        %add3A_2846 = vector.broadcast %add3A_2845 : i32 to vector<16xi32>
        %add3A_2847 = arith.addi %add3A_2753, %add3A_2846 : vector<16xi32>
        %mul3A_2848 = arith.constant 0.770996093 : f32
        %mul3A_2849 = vector.broadcast %mul3A_2848 : f32 to vector<16xf32>
        %mul3A_2850 = arith.mulf %mul3A_2849, %add3A_2747 : vector<16xf32>
        %add3A_2851 = arith.addf %mul3A_2850, %min3A_1981 : vector<16xf32>
        tpu.vector_store_idx %arg6[%add3A_2847], %add3A_2851 : memref<1024xf32, #tpu.memory_space<vmem>>[vector<16xi32>], vector<16xf32>,
        %add3A_2852 = arith.constant 14 : i32
        %add3A_2853 = vector.broadcast %add3A_2852 : i32 to vector<16xi32>
        %add3A_2854 = arith.addi %add3A_2753, %add3A_2853 : vector<16xi32>
        %mul3A_2855 = arith.constant 0.853759765 : f32
        %mul3A_2856 = vector.broadcast %mul3A_2855 : f32 to vector<16xf32>
        %mul3A_2857 = arith.mulf %mul3A_2856, %add3A_2747 : vector<16xf32>
        %add3A_2858 = arith.addf %mul3A_2857, %min3A_1981 : vector<16xf32>
        tpu.vector_store_idx %arg6[%add3A_2854], %add3A_2858 : memref<1024xf32, #tpu.memory_space<vmem>>[vector<16xi32>], vector<16xf32>,
        %add3A_2859 = arith.constant 15 : i32
        %add3A_2860 = vector.broadcast %add3A_2859 : i32 to vector<16xi32>
        %add3A_2861 = arith.addi %add3A_2753, %add3A_2860 : vector<16xi32>
        %mul3A_2862 = arith.constant 1.000000e+00 : f32
        %mul3A_2863 = vector.broadcast %mul3A_2862 : f32 to vector<16xf32>
        %mul3A_2864 = arith.mulf %mul3A_2863, %add3A_2747 : vector<16xf32>
        %add3A_2865 = arith.addf %mul3A_2864, %min3A_1981 : vector<16xf32>
        tpu.vector_store_idx %arg6[%add3A_2861], %add3A_2865 : memref<1024xf32, #tpu.memory_space<vmem>>[vector<16xi32>], vector<16xf32>,
        %add3A_2866 = arith.constant 0 : i32
        %add3A_2867 = vector.broadcast %add3A_2866 : i32 to vector<16xi32>
        %add3A_2868 = arith.addi %add3A_2753, %add3A_2867 : vector<16xi32>
        %mul3A_2869 = arith.constant 0.0731201171 : f32
        %mul3A_2870 = vector.broadcast %mul3A_2869 : f32 to vector<16xf32>
        %mul3A_2871 = arith.mulf %add3A_2750, %mul3A_2870 : vector<16xf32>
        %add3A_2872 = arith.addf %mul3A_2871, %min3A_1981 : vector<16xf32>
        tpu.vector_store_idx %arg7[%add3A_2868], %add3A_2872 : memref<1024xf32, #tpu.memory_space<vmem>>[vector<16xi32>], vector<16xf32>,
        %add3A_2873 = arith.constant 1 : i32
        %add3A_2874 = vector.broadcast %add3A_2873 : i32 to vector<16xi32>
        %add3A_2875 = arith.addi %add3A_2753, %add3A_2874 : vector<16xi32>
        %mul3A_2876 = arith.constant 0.18762207 : f32
        %mul3A_2877 = vector.broadcast %mul3A_2876 : f32 to vector<16xf32>
        %mul3A_2878 = arith.mulf %add3A_2750, %mul3A_2877 : vector<16xf32>
        %add3A_2879 = arith.addf %mul3A_2878, %min3A_1981 : vector<16xf32>
        tpu.vector_store_idx %arg7[%add3A_2875], %add3A_2879 : memref<1024xf32, #tpu.memory_space<vmem>>[vector<16xi32>], vector<16xf32>,
        %add3A_2880 = arith.constant 2 : i32
        %add3A_2881 = vector.broadcast %add3A_2880 : i32 to vector<16xi32>
        %add3A_2882 = arith.addi %add3A_2753, %add3A_2881 : vector<16xi32>
        %mul3A_2883 = arith.constant 0.260314941 : f32
        %mul3A_2884 = vector.broadcast %mul3A_2883 : f32 to vector<16xf32>
        %mul3A_2885 = arith.mulf %add3A_2750, %mul3A_2884 : vector<16xf32>
        %add3A_2886 = arith.addf %mul3A_2885, %min3A_1981 : vector<16xf32>
        tpu.vector_store_idx %arg7[%add3A_2882], %add3A_2886 : memref<1024xf32, #tpu.memory_space<vmem>>[vector<16xi32>], vector<16xf32>,
        %add3A_2887 = arith.constant 3 : i32
        %add3A_2888 = vector.broadcast %add3A_2887 : i32 to vector<16xi32>
        %add3A_2889 = arith.addi %add3A_2753, %add3A_2888 : vector<16xi32>
        %mul3A_2890 = arith.constant 0.318115234 : f32
        %mul3A_2891 = vector.broadcast %mul3A_2890 : f32 to vector<16xf32>
        %mul3A_2892 = arith.mulf %add3A_2750, %mul3A_2891 : vector<16xf32>
        %add3A_2893 = arith.addf %mul3A_2892, %min3A_1981 : vector<16xf32>
        tpu.vector_store_idx %arg7[%add3A_2889], %add3A_2893 : memref<1024xf32, #tpu.memory_space<vmem>>[vector<16xi32>], vector<16xf32>,
        %add3A_2894 = arith.constant 4 : i32
        %add3A_2895 = vector.broadcast %add3A_2894 : i32 to vector<16xi32>
        %add3A_2896 = arith.addi %add3A_2753, %add3A_2895 : vector<16xi32>
        %mul3A_2897 = arith.constant 0.36831665 : f32
        %mul3A_2898 = vector.broadcast %mul3A_2897 : f32 to vector<16xf32>
        %mul3A_2899 = arith.mulf %add3A_2750, %mul3A_2898 : vector<16xf32>
        %add3A_2900 = arith.addf %mul3A_2899, %min3A_1981 : vector<16xf32>
        tpu.vector_store_idx %arg7[%add3A_2896], %add3A_2900 : memref<1024xf32, #tpu.memory_space<vmem>>[vector<16xi32>], vector<16xf32>,
        %add3A_2901 = arith.constant 5 : i32
        %add3A_2902 = vector.broadcast %add3A_2901 : i32 to vector<16xi32>
        %add3A_2903 = arith.addi %add3A_2753, %add3A_2902 : vector<16xi32>
        %mul3A_2904 = arith.constant 0.41418457 : f32
        %mul3A_2905 = vector.broadcast %mul3A_2904 : f32 to vector<16xf32>
        %mul3A_2906 = arith.mulf %add3A_2750, %mul3A_2905 : vector<16xf32>
        %add3A_2907 = arith.addf %mul3A_2906, %min3A_1981 : vector<16xf32>
        tpu.vector_store_idx %arg7[%add3A_2903], %add3A_2907 : memref<1024xf32, #tpu.memory_space<vmem>>[vector<16xi32>], vector<16xf32>,
        %add3A_2908 = arith.constant 6 : i32
        %add3A_2909 = vector.broadcast %add3A_2908 : i32 to vector<16xi32>
        %add3A_2910 = arith.addi %add3A_2753, %add3A_2909 : vector<16xi32>
        %mul3A_2911 = arith.constant 0.457649231 : f32
        %mul3A_2912 = vector.broadcast %mul3A_2911 : f32 to vector<16xf32>
        %mul3A_2913 = arith.mulf %add3A_2750, %mul3A_2912 : vector<16xf32>
        %add3A_2914 = arith.addf %mul3A_2913, %min3A_1981 : vector<16xf32>
        tpu.vector_store_idx %arg7[%add3A_2910], %add3A_2914 : memref<1024xf32, #tpu.memory_space<vmem>>[vector<16xi32>], vector<16xf32>,
        %add3A_2915 = arith.constant 7 : i32
        %add3A_2916 = vector.broadcast %add3A_2915 : i32 to vector<16xi32>
        %add3A_2917 = arith.addi %add3A_2753, %add3A_2916 : vector<16xi32>
        %mul3A_2918 = arith.constant 5.000000e-01 : f32
        %mul3A_2919 = vector.broadcast %mul3A_2918 : f32 to vector<16xf32>
        %mul3A_2920 = arith.mulf %add3A_2750, %mul3A_2919 : vector<16xf32>
        %add3A_2921 = arith.addf %mul3A_2920, %min3A_1981 : vector<16xf32>
        tpu.vector_store_idx %arg7[%add3A_2917], %add3A_2921 : memref<1024xf32, #tpu.memory_space<vmem>>[vector<16xi32>], vector<16xf32>,
        %add3A_2922 = arith.constant 8 : i32
        %add3A_2923 = vector.broadcast %add3A_2922 : i32 to vector<16xi32>
        %add3A_2924 = arith.addi %add3A_2753, %add3A_2923 : vector<16xi32>
        %mul3A_2925 = arith.constant 0.542350769 : f32
        %mul3A_2926 = vector.broadcast %mul3A_2925 : f32 to vector<16xf32>
        %mul3A_2927 = arith.mulf %add3A_2750, %mul3A_2926 : vector<16xf32>
        %add3A_2928 = arith.addf %mul3A_2927, %min3A_1981 : vector<16xf32>
        tpu.vector_store_idx %arg7[%add3A_2924], %add3A_2928 : memref<1024xf32, #tpu.memory_space<vmem>>[vector<16xi32>], vector<16xf32>,
        %add3A_2929 = arith.constant 9 : i32
        %add3A_2930 = vector.broadcast %add3A_2929 : i32 to vector<16xi32>
        %add3A_2931 = arith.addi %add3A_2753, %add3A_2930 : vector<16xi32>
        %mul3A_2932 = arith.constant 0.58581543 : f32
        %mul3A_2933 = vector.broadcast %mul3A_2932 : f32 to vector<16xf32>
        %mul3A_2934 = arith.mulf %add3A_2750, %mul3A_2933 : vector<16xf32>
        %add3A_2935 = arith.addf %mul3A_2934, %min3A_1981 : vector<16xf32>
        tpu.vector_store_idx %arg7[%add3A_2931], %add3A_2935 : memref<1024xf32, #tpu.memory_space<vmem>>[vector<16xi32>], vector<16xf32>,
        %add3A_2936 = arith.constant 10 : i32
        %add3A_2937 = vector.broadcast %add3A_2936 : i32 to vector<16xi32>
        %add3A_2938 = arith.addi %add3A_2753, %add3A_2937 : vector<16xi32>
        %mul3A_2939 = arith.constant 0.631683349 : f32
        %mul3A_2940 = vector.broadcast %mul3A_2939 : f32 to vector<16xf32>
        %mul3A_2941 = arith.mulf %add3A_2750, %mul3A_2940 : vector<16xf32>
        %add3A_2942 = arith.addf %mul3A_2941, %min3A_1981 : vector<16xf32>
        tpu.vector_store_idx %arg7[%add3A_2938], %add3A_2942 : memref<1024xf32, #tpu.memory_space<vmem>>[vector<16xi32>], vector<16xf32>,
        %add3A_2943 = arith.constant 11 : i32
        %add3A_2944 = vector.broadcast %add3A_2943 : i32 to vector<16xi32>
        %add3A_2945 = arith.addi %add3A_2753, %add3A_2944 : vector<16xi32>
        %mul3A_2946 = arith.constant 0.681884765 : f32
        %mul3A_2947 = vector.broadcast %mul3A_2946 : f32 to vector<16xf32>
        %mul3A_2948 = arith.mulf %add3A_2750, %mul3A_2947 : vector<16xf32>
        %add3A_2949 = arith.addf %mul3A_2948, %min3A_1981 : vector<16xf32>
        tpu.vector_store_idx %arg7[%add3A_2945], %add3A_2949 : memref<1024xf32, #tpu.memory_space<vmem>>[vector<16xi32>], vector<16xf32>,
        %add3A_2950 = arith.constant 12 : i32
        %add3A_2951 = vector.broadcast %add3A_2950 : i32 to vector<16xi32>
        %add3A_2952 = arith.addi %add3A_2753, %add3A_2951 : vector<16xi32>
        %mul3A_2953 = arith.constant 0.739685058 : f32
        %mul3A_2954 = vector.broadcast %mul3A_2953 : f32 to vector<16xf32>
        %mul3A_2955 = arith.mulf %add3A_2750, %mul3A_2954 : vector<16xf32>
        %add3A_2956 = arith.addf %mul3A_2955, %min3A_1981 : vector<16xf32>
        tpu.vector_store_idx %arg7[%add3A_2952], %add3A_2956 : memref<1024xf32, #tpu.memory_space<vmem>>[vector<16xi32>], vector<16xf32>,
        %add3A_2957 = arith.constant 13 : i32
        %add3A_2958 = vector.broadcast %add3A_2957 : i32 to vector<16xi32>
        %add3A_2959 = arith.addi %add3A_2753, %add3A_2958 : vector<16xi32>
        %mul3A_2960 = arith.constant 0.81237793 : f32
        %mul3A_2961 = vector.broadcast %mul3A_2960 : f32 to vector<16xf32>
        %mul3A_2962 = arith.mulf %add3A_2750, %mul3A_2961 : vector<16xf32>
        %add3A_2963 = arith.addf %mul3A_2962, %min3A_1981 : vector<16xf32>
        tpu.vector_store_idx %arg7[%add3A_2959], %add3A_2963 : memref<1024xf32, #tpu.memory_space<vmem>>[vector<16xi32>], vector<16xf32>,
        %add3A_2964 = arith.constant 14 : i32
        %add3A_2965 = vector.broadcast %add3A_2964 : i32 to vector<16xi32>
        %add3A_2966 = arith.addi %add3A_2753, %add3A_2965 : vector<16xi32>
        %mul3A_2967 = arith.constant 0.926879882 : f32
        %mul3A_2968 = vector.broadcast %mul3A_2967 : f32 to vector<16xf32>
        %mul3A_2969 = arith.mulf %add3A_2750, %mul3A_2968 : vector<16xf32>
        %add3A_2970 = arith.addf %mul3A_2969, %min3A_1981 : vector<16xf32>
        tpu.vector_store_idx %arg7[%add3A_2966], %add3A_2970 : memref<1024xf32, #tpu.memory_space<vmem>>[vector<16xi32>], vector<16xf32>,
        %parallel_loop3A = arith.constant 0 : i32
        %parallel_loop3A_2971 = arith.constant 64 : i32
        %parallel_loop3A_2972 = arith.constant 1 : i32
        scf.for %parallel_loop3A_2973 = %parallel_loop3A to %parallel_loop3A_2971 step %parallel_loop3A_2972  : i32 {
          %parallel_loop3A_2974 = arith.constant 0 : i32
          %parallel_loop3A_2975 = vector.broadcast %parallel_loop3A_2974 : i32 to vector<16xi32>
          %parallel_loop3A_2976 = arith.constant 16 : i32
          %parallel_loop3A_2977 = arith.muli %parallel_loop3A_2973, %parallel_loop3A_2976 : i32
          %parallel_loop3A_2978 = vector.broadcast %parallel_loop3A_2977 : i32 to vector<16xi32>
          %parallel_loop3A_2979 = arith.addi %parallel_loop3A_2975, %parallel_loop3A_2978 : vector<16xi32>
          %parallel_loop3A_2980 = arith.constant 64 : i32
          %parallel_loop3A_2981 = arith.muli %parallel_loop3A_2973, %parallel_loop3A_2980 : i32
          %parallel_loop3A_2982 = arith.addi %add3A_439, %parallel_loop3A_2981 : i32
          %parallel_loop3A_2983 = arith.constant 0 : i32
          %parallel_loop3A_2984 = arith.addi %parallel_loop3A_2982, %parallel_loop3A_2983 : i32
          %parallel_loop3A_2985 = arith.index_cast %parallel_loop3A_2984 : i32 to index
          %parallel_loop3A_2986 = tpu.vector_load %arg4[%parallel_loop3A_2985] {strides = array<i32>} : memref<40960xf32, #tpu.memory_space<vmem>>, vector<16xf32>,
          %parallel_loop3A_2987 = arith.constant 7 : i32
          %parallel_loop3A_2988 = vector.broadcast %parallel_loop3A_2987 : i32 to vector<16xi32>
          %parallel_loop3A_2989 = arith.addi %parallel_loop3A_2979, %parallel_loop3A_2988 : vector<16xi32>
          %parallel_loop3A_2990 = tpu.vector_load_idx %arg7[%parallel_loop3A_2989] : memref<1024xf32, #tpu.memory_space<vmem>>[vector<16xi32>], vector<16xf32>,
          %parallel_loop3A_2991 = arith.cmpf ogt, %parallel_loop3A_2986, %parallel_loop3A_2990 : vector<16xf32>
          %parallel_loop3A_2992 = arith.constant 8 : i32
          %parallel_loop3A_2993 = vector.broadcast %parallel_loop3A_2992 : i32 to vector<16xi32>
          %parallel_loop3A_2994 = arith.addi %parallel_loop3A_2979, %parallel_loop3A_2993 : vector<16xi32>
          %parallel_loop3A_2995 = arith.select %parallel_loop3A_2991, %parallel_loop3A_2994, %parallel_loop3A_2979 : vector<16xi1>, vector<16xi32>
          %parallel_loop3A_2996 = arith.constant 3 : i32
          %parallel_loop3A_2997 = vector.broadcast %parallel_loop3A_2996 : i32 to vector<16xi32>
          %parallel_loop3A_2998 = arith.addi %parallel_loop3A_2995, %parallel_loop3A_2997 : vector<16xi32>
          %parallel_loop3A_2999 = tpu.vector_load_idx %arg7[%parallel_loop3A_2998] : memref<1024xf32, #tpu.memory_space<vmem>>[vector<16xi32>], vector<16xf32>,
          %parallel_loop3A_3000 = arith.cmpf ogt, %parallel_loop3A_2986, %parallel_loop3A_2999 : vector<16xf32>
          %parallel_loop3A_3001 = arith.constant 4 : i32
          %parallel_loop3A_3002 = vector.broadcast %parallel_loop3A_3001 : i32 to vector<16xi32>
          %parallel_loop3A_3003 = arith.addi %parallel_loop3A_2995, %parallel_loop3A_3002 : vector<16xi32>
          %parallel_loop3A_3004 = arith.select %parallel_loop3A_3000, %parallel_loop3A_3003, %parallel_loop3A_2995 : vector<16xi1>, vector<16xi32>
          %parallel_loop3A_3005 = arith.constant 1 : i32
          %parallel_loop3A_3006 = vector.broadcast %parallel_loop3A_3005 : i32 to vector<16xi32>
          %parallel_loop3A_3007 = arith.addi %parallel_loop3A_3004, %parallel_loop3A_3006 : vector<16xi32>
          %parallel_loop3A_3008 = tpu.vector_load_idx %arg7[%parallel_loop3A_3007] : memref<1024xf32, #tpu.memory_space<vmem>>[vector<16xi32>], vector<16xf32>,
          %parallel_loop3A_3009 = arith.cmpf ogt, %parallel_loop3A_2986, %parallel_loop3A_3008 : vector<16xf32>
          %parallel_loop3A_3010 = arith.constant 2 : i32
          %parallel_loop3A_3011 = vector.broadcast %parallel_loop3A_3010 : i32 to vector<16xi32>
          %parallel_loop3A_3012 = arith.addi %parallel_loop3A_3004, %parallel_loop3A_3011 : vector<16xi32>
          %parallel_loop3A_3013 = arith.select %parallel_loop3A_3009, %parallel_loop3A_3012, %parallel_loop3A_3004 : vector<16xi1>, vector<16xi32>
          %parallel_loop3A_3014 = arith.constant 0 : i32
          %parallel_loop3A_3015 = vector.broadcast %parallel_loop3A_3014 : i32 to vector<16xi32>
          %parallel_loop3A_3016 = arith.addi %parallel_loop3A_3013, %parallel_loop3A_3015 : vector<16xi32>
          %parallel_loop3A_3017 = tpu.vector_load_idx %arg7[%parallel_loop3A_3016] : memref<1024xf32, #tpu.memory_space<vmem>>[vector<16xi32>], vector<16xf32>,
          %parallel_loop3A_3018 = arith.cmpf ogt, %parallel_loop3A_2986, %parallel_loop3A_3017 : vector<16xf32>
          %parallel_loop3A_3019 = arith.constant 1 : i32
          %parallel_loop3A_3020 = vector.broadcast %parallel_loop3A_3019 : i32 to vector<16xi32>
          %parallel_loop3A_3021 = arith.addi %parallel_loop3A_3013, %parallel_loop3A_3020 : vector<16xi32>
          %parallel_loop3A_3022 = arith.select %parallel_loop3A_3018, %parallel_loop3A_3021, %parallel_loop3A_3013 : vector<16xi1>, vector<16xi32>
          %parallel_loop3A_3023 = tpu.vector_load_idx %arg6[%parallel_loop3A_3022] : memref<1024xf32, #tpu.memory_space<vmem>>[vector<16xi32>], vector<16xf32>,
          %parallel_loop3A_3024 = arith.constant 0 : i32
          %parallel_loop3A_3025 = arith.addi %parallel_loop3A_2982, %parallel_loop3A_3024 : i32
          %parallel_loop3A_3026 = arith.index_cast %parallel_loop3A_3025 : i32 to index
          %parallel_loop3A_3027 = tpu.vector_load %arg5[%parallel_loop3A_3026] {strides = array<i32>} : memref<40960xf32, #tpu.memory_space<vmem>>, vector<16xf32>,
          tpu.vector_store %arg5[%parallel_loop3A_3026], %parallel_loop3A_3023 {strides = array<i32>} : memref<40960xf32, #tpu.memory_space<vmem>>, vector<16xf32>,
          %parallel_loop3A_3028 = arith.constant 16 : i32
          %parallel_loop3A_3029 = arith.addi %parallel_loop3A_2982, %parallel_loop3A_3028 : i32
          %parallel_loop3A_3030 = arith.index_cast %parallel_loop3A_3029 : i32 to index
          %parallel_loop3A_3031 = tpu.vector_load %arg4[%parallel_loop3A_3030] {strides = array<i32>} : memref<40960xf32, #tpu.memory_space<vmem>>, vector<16xf32>,
          %parallel_loop3A_3032 = arith.constant 7 : i32
          %parallel_loop3A_3033 = vector.broadcast %parallel_loop3A_3032 : i32 to vector<16xi32>
          %parallel_loop3A_3034 = arith.addi %parallel_loop3A_2979, %parallel_loop3A_3033 : vector<16xi32>
          %parallel_loop3A_3035 = tpu.vector_load_idx %arg7[%parallel_loop3A_3034] : memref<1024xf32, #tpu.memory_space<vmem>>[vector<16xi32>], vector<16xf32>,
          %parallel_loop3A_3036 = arith.cmpf ogt, %parallel_loop3A_3031, %parallel_loop3A_3035 : vector<16xf32>
          %parallel_loop3A_3037 = arith.constant 8 : i32
          %parallel_loop3A_3038 = vector.broadcast %parallel_loop3A_3037 : i32 to vector<16xi32>
          %parallel_loop3A_3039 = arith.addi %parallel_loop3A_2979, %parallel_loop3A_3038 : vector<16xi32>
          %parallel_loop3A_3040 = arith.select %parallel_loop3A_3036, %parallel_loop3A_3039, %parallel_loop3A_2979 : vector<16xi1>, vector<16xi32>
          %parallel_loop3A_3041 = arith.constant 3 : i32
          %parallel_loop3A_3042 = vector.broadcast %parallel_loop3A_3041 : i32 to vector<16xi32>
          %parallel_loop3A_3043 = arith.addi %parallel_loop3A_3040, %parallel_loop3A_3042 : vector<16xi32>
          %parallel_loop3A_3044 = tpu.vector_load_idx %arg7[%parallel_loop3A_3043] : memref<1024xf32, #tpu.memory_space<vmem>>[vector<16xi32>], vector<16xf32>,
          %parallel_loop3A_3045 = arith.cmpf ogt, %parallel_loop3A_3031, %parallel_loop3A_3044 : vector<16xf32>
          %parallel_loop3A_3046 = arith.constant 4 : i32
          %parallel_loop3A_3047 = vector.broadcast %parallel_loop3A_3046 : i32 to vector<16xi32>
          %parallel_loop3A_3048 = arith.addi %parallel_loop3A_3040, %parallel_loop3A_3047 : vector<16xi32>
          %parallel_loop3A_3049 = arith.select %parallel_loop3A_3045, %parallel_loop3A_3048, %parallel_loop3A_3040 : vector<16xi1>, vector<16xi32>
          %parallel_loop3A_3050 = arith.constant 1 : i32
          %parallel_loop3A_3051 = vector.broadcast %parallel_loop3A_3050 : i32 to vector<16xi32>
          %parallel_loop3A_3052 = arith.addi %parallel_loop3A_3049, %parallel_loop3A_3051 : vector<16xi32>
          %parallel_loop3A_3053 = tpu.vector_load_idx %arg7[%parallel_loop3A_3052] : memref<1024xf32, #tpu.memory_space<vmem>>[vector<16xi32>], vector<16xf32>,
          %parallel_loop3A_3054 = arith.cmpf ogt, %parallel_loop3A_3031, %parallel_loop3A_3053 : vector<16xf32>
          %parallel_loop3A_3055 = arith.constant 2 : i32
          %parallel_loop3A_3056 = vector.broadcast %parallel_loop3A_3055 : i32 to vector<16xi32>
          %parallel_loop3A_3057 = arith.addi %parallel_loop3A_3049, %parallel_loop3A_3056 : vector<16xi32>
          %parallel_loop3A_3058 = arith.select %parallel_loop3A_3054, %parallel_loop3A_3057, %parallel_loop3A_3049 : vector<16xi1>, vector<16xi32>
          %parallel_loop3A_3059 = arith.constant 0 : i32
          %parallel_loop3A_3060 = vector.broadcast %parallel_loop3A_3059 : i32 to vector<16xi32>
          %parallel_loop3A_3061 = arith.addi %parallel_loop3A_3058, %parallel_loop3A_3060 : vector<16xi32>
          %parallel_loop3A_3062 = tpu.vector_load_idx %arg7[%parallel_loop3A_3061] : memref<1024xf32, #tpu.memory_space<vmem>>[vector<16xi32>], vector<16xf32>,
          %parallel_loop3A_3063 = arith.cmpf ogt, %parallel_loop3A_3031, %parallel_loop3A_3062 : vector<16xf32>
          %parallel_loop3A_3064 = arith.constant 1 : i32
          %parallel_loop3A_3065 = vector.broadcast %parallel_loop3A_3064 : i32 to vector<16xi32>
          %parallel_loop3A_3066 = arith.addi %parallel_loop3A_3058, %parallel_loop3A_3065 : vector<16xi32>
          %parallel_loop3A_3067 = arith.select %parallel_loop3A_3063, %parallel_loop3A_3066, %parallel_loop3A_3058 : vector<16xi1>, vector<16xi32>
          %parallel_loop3A_3068 = tpu.vector_load_idx %arg6[%parallel_loop3A_3067] : memref<1024xf32, #tpu.memory_space<vmem>>[vector<16xi32>], vector<16xf32>,
          %parallel_loop3A_3069 = arith.constant 16 : i32
          %parallel_loop3A_3070 = arith.addi %parallel_loop3A_2982, %parallel_loop3A_3069 : i32
          %parallel_loop3A_3071 = arith.index_cast %parallel_loop3A_3070 : i32 to index
          %parallel_loop3A_3072 = tpu.vector_load %arg5[%parallel_loop3A_3071] {strides = array<i32>} : memref<40960xf32, #tpu.memory_space<vmem>>, vector<16xf32>,
          tpu.vector_store %arg5[%parallel_loop3A_3071], %parallel_loop3A_3068 {strides = array<i32>} : memref<40960xf32, #tpu.memory_space<vmem>>, vector<16xf32>,
          %parallel_loop3A_3073 = arith.constant 32 : i32
          %parallel_loop3A_3074 = arith.addi %parallel_loop3A_2982, %parallel_loop3A_3073 : i32
          %parallel_loop3A_3075 = arith.index_cast %parallel_loop3A_3074 : i32 to index
          %parallel_loop3A_3076 = tpu.vector_load %arg4[%parallel_loop3A_3075] {strides = array<i32>} : memref<40960xf32, #tpu.memory_space<vmem>>, vector<16xf32>,
          %parallel_loop3A_3077 = arith.constant 7 : i32
          %parallel_loop3A_3078 = vector.broadcast %parallel_loop3A_3077 : i32 to vector<16xi32>
          %parallel_loop3A_3079 = arith.addi %parallel_loop3A_2979, %parallel_loop3A_3078 : vector<16xi32>
          %parallel_loop3A_3080 = tpu.vector_load_idx %arg7[%parallel_loop3A_3079] : memref<1024xf32, #tpu.memory_space<vmem>>[vector<16xi32>], vector<16xf32>,
          %parallel_loop3A_3081 = arith.cmpf ogt, %parallel_loop3A_3076, %parallel_loop3A_3080 : vector<16xf32>
          %parallel_loop3A_3082 = arith.constant 8 : i32
          %parallel_loop3A_3083 = vector.broadcast %parallel_loop3A_3082 : i32 to vector<16xi32>
          %parallel_loop3A_3084 = arith.addi %parallel_loop3A_2979, %parallel_loop3A_3083 : vector<16xi32>
          %parallel_loop3A_3085 = arith.select %parallel_loop3A_3081, %parallel_loop3A_3084, %parallel_loop3A_2979 : vector<16xi1>, vector<16xi32>
          %parallel_loop3A_3086 = arith.constant 3 : i32
          %parallel_loop3A_3087 = vector.broadcast %parallel_loop3A_3086 : i32 to vector<16xi32>
          %parallel_loop3A_3088 = arith.addi %parallel_loop3A_3085, %parallel_loop3A_3087 : vector<16xi32>
          %parallel_loop3A_3089 = tpu.vector_load_idx %arg7[%parallel_loop3A_3088] : memref<1024xf32, #tpu.memory_space<vmem>>[vector<16xi32>], vector<16xf32>,
          %parallel_loop3A_3090 = arith.cmpf ogt, %parallel_loop3A_3076, %parallel_loop3A_3089 : vector<16xf32>
          %parallel_loop3A_3091 = arith.constant 4 : i32
          %parallel_loop3A_3092 = vector.broadcast %parallel_loop3A_3091 : i32 to vector<16xi32>
          %parallel_loop3A_3093 = arith.addi %parallel_loop3A_3085, %parallel_loop3A_3092 : vector<16xi32>
          %parallel_loop3A_3094 = arith.select %parallel_loop3A_3090, %parallel_loop3A_3093, %parallel_loop3A_3085 : vector<16xi1>, vector<16xi32>
          %parallel_loop3A_3095 = arith.constant 1 : i32
          %parallel_loop3A_3096 = vector.broadcast %parallel_loop3A_3095 : i32 to vector<16xi32>
          %parallel_loop3A_3097 = arith.addi %parallel_loop3A_3094, %parallel_loop3A_3096 : vector<16xi32>
          %parallel_loop3A_3098 = tpu.vector_load_idx %arg7[%parallel_loop3A_3097] : memref<1024xf32, #tpu.memory_space<vmem>>[vector<16xi32>], vector<16xf32>,
          %parallel_loop3A_3099 = arith.cmpf ogt, %parallel_loop3A_3076, %parallel_loop3A_3098 : vector<16xf32>
          %parallel_loop3A_3100 = arith.constant 2 : i32
          %parallel_loop3A_3101 = vector.broadcast %parallel_loop3A_3100 : i32 to vector<16xi32>
          %parallel_loop3A_3102 = arith.addi %parallel_loop3A_3094, %parallel_loop3A_3101 : vector<16xi32>
          %parallel_loop3A_3103 = arith.select %parallel_loop3A_3099, %parallel_loop3A_3102, %parallel_loop3A_3094 : vector<16xi1>, vector<16xi32>
          %parallel_loop3A_3104 = arith.constant 0 : i32
          %parallel_loop3A_3105 = vector.broadcast %parallel_loop3A_3104 : i32 to vector<16xi32>
          %parallel_loop3A_3106 = arith.addi %parallel_loop3A_3103, %parallel_loop3A_3105 : vector<16xi32>
          %parallel_loop3A_3107 = tpu.vector_load_idx %arg7[%parallel_loop3A_3106] : memref<1024xf32, #tpu.memory_space<vmem>>[vector<16xi32>], vector<16xf32>,
          %parallel_loop3A_3108 = arith.cmpf ogt, %parallel_loop3A_3076, %parallel_loop3A_3107 : vector<16xf32>
          %parallel_loop3A_3109 = arith.constant 1 : i32
          %parallel_loop3A_3110 = vector.broadcast %parallel_loop3A_3109 : i32 to vector<16xi32>
          %parallel_loop3A_3111 = arith.addi %parallel_loop3A_3103, %parallel_loop3A_3110 : vector<16xi32>
          %parallel_loop3A_3112 = arith.select %parallel_loop3A_3108, %parallel_loop3A_3111, %parallel_loop3A_3103 : vector<16xi1>, vector<16xi32>
          %parallel_loop3A_3113 = tpu.vector_load_idx %arg6[%parallel_loop3A_3112] : memref<1024xf32, #tpu.memory_space<vmem>>[vector<16xi32>], vector<16xf32>,
          %parallel_loop3A_3114 = arith.constant 32 : i32
          %parallel_loop3A_3115 = arith.addi %parallel_loop3A_2982, %parallel_loop3A_3114 : i32
          %parallel_loop3A_3116 = arith.index_cast %parallel_loop3A_3115 : i32 to index
          %parallel_loop3A_3117 = tpu.vector_load %arg5[%parallel_loop3A_3116] {strides = array<i32>} : memref<40960xf32, #tpu.memory_space<vmem>>, vector<16xf32>,
          tpu.vector_store %arg5[%parallel_loop3A_3116], %parallel_loop3A_3113 {strides = array<i32>} : memref<40960xf32, #tpu.memory_space<vmem>>, vector<16xf32>,
          %parallel_loop3A_3118 = arith.constant 48 : i32
          %parallel_loop3A_3119 = arith.addi %parallel_loop3A_2982, %parallel_loop3A_3118 : i32
          %parallel_loop3A_3120 = arith.index_cast %parallel_loop3A_3119 : i32 to index
          %parallel_loop3A_3121 = tpu.vector_load %arg4[%parallel_loop3A_3120] {strides = array<i32>} : memref<40960xf32, #tpu.memory_space<vmem>>, vector<16xf32>,
          %parallel_loop3A_3122 = arith.constant 7 : i32
          %parallel_loop3A_3123 = vector.broadcast %parallel_loop3A_3122 : i32 to vector<16xi32>
          %parallel_loop3A_3124 = arith.addi %parallel_loop3A_2979, %parallel_loop3A_3123 : vector<16xi32>
          %parallel_loop3A_3125 = tpu.vector_load_idx %arg7[%parallel_loop3A_3124] : memref<1024xf32, #tpu.memory_space<vmem>>[vector<16xi32>], vector<16xf32>,
          %parallel_loop3A_3126 = arith.cmpf ogt, %parallel_loop3A_3121, %parallel_loop3A_3125 : vector<16xf32>
          %parallel_loop3A_3127 = arith.constant 8 : i32
          %parallel_loop3A_3128 = vector.broadcast %parallel_loop3A_3127 : i32 to vector<16xi32>
          %parallel_loop3A_3129 = arith.addi %parallel_loop3A_2979, %parallel_loop3A_3128 : vector<16xi32>
          %parallel_loop3A_3130 = arith.select %parallel_loop3A_3126, %parallel_loop3A_3129, %parallel_loop3A_2979 : vector<16xi1>, vector<16xi32>
          %parallel_loop3A_3131 = arith.constant 3 : i32
          %parallel_loop3A_3132 = vector.broadcast %parallel_loop3A_3131 : i32 to vector<16xi32>
          %parallel_loop3A_3133 = arith.addi %parallel_loop3A_3130, %parallel_loop3A_3132 : vector<16xi32>
          %parallel_loop3A_3134 = tpu.vector_load_idx %arg7[%parallel_loop3A_3133] : memref<1024xf32, #tpu.memory_space<vmem>>[vector<16xi32>], vector<16xf32>,
          %parallel_loop3A_3135 = arith.cmpf ogt, %parallel_loop3A_3121, %parallel_loop3A_3134 : vector<16xf32>
          %parallel_loop3A_3136 = arith.constant 4 : i32
          %parallel_loop3A_3137 = vector.broadcast %parallel_loop3A_3136 : i32 to vector<16xi32>
          %parallel_loop3A_3138 = arith.addi %parallel_loop3A_3130, %parallel_loop3A_3137 : vector<16xi32>
          %parallel_loop3A_3139 = arith.select %parallel_loop3A_3135, %parallel_loop3A_3138, %parallel_loop3A_3130 : vector<16xi1>, vector<16xi32>
          %parallel_loop3A_3140 = arith.constant 1 : i32
          %parallel_loop3A_3141 = vector.broadcast %parallel_loop3A_3140 : i32 to vector<16xi32>
          %parallel_loop3A_3142 = arith.addi %parallel_loop3A_3139, %parallel_loop3A_3141 : vector<16xi32>
          %parallel_loop3A_3143 = tpu.vector_load_idx %arg7[%parallel_loop3A_3142] : memref<1024xf32, #tpu.memory_space<vmem>>[vector<16xi32>], vector<16xf32>,
          %parallel_loop3A_3144 = arith.cmpf ogt, %parallel_loop3A_3121, %parallel_loop3A_3143 : vector<16xf32>
          %parallel_loop3A_3145 = arith.constant 2 : i32
          %parallel_loop3A_3146 = vector.broadcast %parallel_loop3A_3145 : i32 to vector<16xi32>
          %parallel_loop3A_3147 = arith.addi %parallel_loop3A_3139, %parallel_loop3A_3146 : vector<16xi32>
          %parallel_loop3A_3148 = arith.select %parallel_loop3A_3144, %parallel_loop3A_3147, %parallel_loop3A_3139 : vector<16xi1>, vector<16xi32>
          %parallel_loop3A_3149 = arith.constant 0 : i32
          %parallel_loop3A_3150 = vector.broadcast %parallel_loop3A_3149 : i32 to vector<16xi32>
          %parallel_loop3A_3151 = arith.addi %parallel_loop3A_3148, %parallel_loop3A_3150 : vector<16xi32>
          %parallel_loop3A_3152 = tpu.vector_load_idx %arg7[%parallel_loop3A_3151] : memref<1024xf32, #tpu.memory_space<vmem>>[vector<16xi32>], vector<16xf32>,
          %parallel_loop3A_3153 = arith.cmpf ogt, %parallel_loop3A_3121, %parallel_loop3A_3152 : vector<16xf32>
          %parallel_loop3A_3154 = arith.constant 1 : i32
          %parallel_loop3A_3155 = vector.broadcast %parallel_loop3A_3154 : i32 to vector<16xi32>
          %parallel_loop3A_3156 = arith.addi %parallel_loop3A_3148, %parallel_loop3A_3155 : vector<16xi32>
          %parallel_loop3A_3157 = arith.select %parallel_loop3A_3153, %parallel_loop3A_3156, %parallel_loop3A_3148 : vector<16xi1>, vector<16xi32>
          %parallel_loop3A_3158 = tpu.vector_load_idx %arg6[%parallel_loop3A_3157] : memref<1024xf32, #tpu.memory_space<vmem>>[vector<16xi32>], vector<16xf32>,
          %parallel_loop3A_3159 = arith.constant 48 : i32
          %parallel_loop3A_3160 = arith.addi %parallel_loop3A_2982, %parallel_loop3A_3159 : i32
          %parallel_loop3A_3161 = arith.index_cast %parallel_loop3A_3160 : i32 to index
          %parallel_loop3A_3162 = tpu.vector_load %arg5[%parallel_loop3A_3161] {strides = array<i32>} : memref<40960xf32, #tpu.memory_space<vmem>>, vector<16xf32>,
          tpu.vector_store %arg5[%parallel_loop3A_3161], %parallel_loop3A_3158 {strides = array<i32>} : memref<40960xf32, #tpu.memory_space<vmem>>, vector<16xf32>,
        } {sc.loop_unroll_factor = 2 : i64, sc.parallel_access}
      }
      %scan3A_350 = arith.constant 5 : i32
      %mul3A_351 = arith.constant 20480 : i32
      %mul3A_352 = arith.muli %rem3A_249, %mul3A_351 : i32
      %add3A_353 = arith.constant 0 : i32
      %add3A_354 = arith.addi %mul3A_352, %add3A_353 : i32
      %mul3A_355 = arith.constant 5 : i32
      %mul3A_356 = arith.muli %scan3A_247, %mul3A_355 : i32
      %add3A_357 = arith.addi %mul3A_8, %mul3A_356 : i32
      %add3A_358 = arith.constant 0 : i32
      %add3A_359 = arith.addi %add3A_357, %add3A_358 : i32
      %dma_start3A_360 = tpu.memref_slice %arg5[%add3A_354] : memref<40960xf32, #tpu.memory_space<vmem>> -> memref<4096xf32, #tpu.memory_space<vmem>>
      %dma_start3A_361 = arith.constant 0 : i32
      %dma_start3A_362 = tpu.memref_slice %arg3[%add3A_359, %dma_start3A_361] : memref<640x4096xf32, #tpu.memory_space<hbm>> -> memref<1x4096xf32, #tpu.memory_space<hbm>>
      %dma_start3A_363 = tpu.memref_squeeze %dma_start3A_362 : memref<1x4096xf32, #tpu.memory_space<hbm>> -> memref<4096xf32, #tpu.memory_space<hbm>>
      %dma_start3A_364 = arith.constant 0 : i32
      %dma_start3A_365 = tpu.memref_slice %arg3[%add3A_359, %dma_start3A_364] : memref<640x4096xf32, #tpu.memory_space<hbm>> -> memref<1x4096xf32, #tpu.memory_space<hbm>>
      %dma_start3A_366 = tpu.memref_squeeze %dma_start3A_365 : memref<1x4096xf32, #tpu.memory_space<hbm>> -> memref<4096xf32, #tpu.memory_space<hbm>>
      %dma_start3A_367 = tpu.memref_slice %arg5[%add3A_354] : memref<40960xf32, #tpu.memory_space<vmem>> -> memref<4096xf32, #tpu.memory_space<vmem>>
      tpu.enqueue_dma source(%dma_start3A_367 : memref<4096xf32, #tpu.memory_space<vmem>>) target(%dma_start3A_366 : memref<4096xf32, #tpu.memory_space<hbm>>) target_semaphore(%arg9 : memref<!tpu.dma_semaphore, #tpu.memory_space<semaphore_mem>>)
      %mul3A_368 = arith.constant 20480 : i32
      %mul3A_369 = arith.muli %rem3A_249, %mul3A_368 : i32
      %add3A_370 = arith.constant 4096 : i32
      %add3A_371 = arith.addi %mul3A_369, %add3A_370 : i32
      %mul3A_372 = arith.constant 5 : i32
      %mul3A_373 = arith.muli %scan3A_247, %mul3A_372 : i32
      %add3A_374 = arith.addi %mul3A_8, %mul3A_373 : i32
      %add3A_375 = arith.constant 1 : i32
      %add3A_376 = arith.addi %add3A_374, %add3A_375 : i32
      %dma_start3A_377 = tpu.memref_slice %arg5[%add3A_371] : memref<40960xf32, #tpu.memory_space<vmem>> -> memref<4096xf32, #tpu.memory_space<vmem>>
      %dma_start3A_378 = arith.constant 0 : i32
      %dma_start3A_379 = tpu.memref_slice %arg3[%add3A_376, %dma_start3A_378] : memref<640x4096xf32, #tpu.memory_space<hbm>> -> memref<1x4096xf32, #tpu.memory_space<hbm>>
      %dma_start3A_380 = tpu.memref_squeeze %dma_start3A_379 : memref<1x4096xf32, #tpu.memory_space<hbm>> -> memref<4096xf32, #tpu.memory_space<hbm>>
      %dma_start3A_381 = arith.constant 0 : i32
      %dma_start3A_382 = tpu.memref_slice %arg3[%add3A_376, %dma_start3A_381] : memref<640x4096xf32, #tpu.memory_space<hbm>> -> memref<1x4096xf32, #tpu.memory_space<hbm>>
      %dma_start3A_383 = tpu.memref_squeeze %dma_start3A_382 : memref<1x4096xf32, #tpu.memory_space<hbm>> -> memref<4096xf32, #tpu.memory_space<hbm>>
      %dma_start3A_384 = tpu.memref_slice %arg5[%add3A_371] : memref<40960xf32, #tpu.memory_space<vmem>> -> memref<4096xf32, #tpu.memory_space<vmem>>
      tpu.enqueue_dma source(%dma_start3A_384 : memref<4096xf32, #tpu.memory_space<vmem>>) target(%dma_start3A_383 : memref<4096xf32, #tpu.memory_space<hbm>>) target_semaphore(%arg9 : memref<!tpu.dma_semaphore, #tpu.memory_space<semaphore_mem>>)
      %mul3A_385 = arith.constant 20480 : i32
      %mul3A_386 = arith.muli %rem3A_249, %mul3A_385 : i32
      %add3A_387 = arith.constant 8192 : i32
      %add3A_388 = arith.addi %mul3A_386, %add3A_387 : i32
      %mul3A_389 = arith.constant 5 : i32
      %mul3A_390 = arith.muli %scan3A_247, %mul3A_389 : i32
      %add3A_391 = arith.addi %mul3A_8, %mul3A_390 : i32
      %add3A_392 = arith.constant 2 : i32
      %add3A_393 = arith.addi %add3A_391, %add3A_392 : i32
      %dma_start3A_394 = tpu.memref_slice %arg5[%add3A_388] : memref<40960xf32, #tpu.memory_space<vmem>> -> memref<4096xf32, #tpu.memory_space<vmem>>
      %dma_start3A_395 = arith.constant 0 : i32
      %dma_start3A_396 = tpu.memref_slice %arg3[%add3A_393, %dma_start3A_395] : memref<640x4096xf32, #tpu.memory_space<hbm>> -> memref<1x4096xf32, #tpu.memory_space<hbm>>
      %dma_start3A_397 = tpu.memref_squeeze %dma_start3A_396 : memref<1x4096xf32, #tpu.memory_space<hbm>> -> memref<4096xf32, #tpu.memory_space<hbm>>
      %dma_start3A_398 = arith.constant 0 : i32
      %dma_start3A_399 = tpu.memref_slice %arg3[%add3A_393, %dma_start3A_398] : memref<640x4096xf32, #tpu.memory_space<hbm>> -> memref<1x4096xf32, #tpu.memory_space<hbm>>
      %dma_start3A_400 = tpu.memref_squeeze %dma_start3A_399 : memref<1x4096xf32, #tpu.memory_space<hbm>> -> memref<4096xf32, #tpu.memory_space<hbm>>
      %dma_start3A_401 = tpu.memref_slice %arg5[%add3A_388] : memref<40960xf32, #tpu.memory_space<vmem>> -> memref<4096xf32, #tpu.memory_space<vmem>>
      tpu.enqueue_dma source(%dma_start3A_401 : memref<4096xf32, #tpu.memory_space<vmem>>) target(%dma_start3A_400 : memref<4096xf32, #tpu.memory_space<hbm>>) target_semaphore(%arg9 : memref<!tpu.dma_semaphore, #tpu.memory_space<semaphore_mem>>)
      %mul3A_402 = arith.constant 20480 : i32
      %mul3A_403 = arith.muli %rem3A_249, %mul3A_402 : i32
      %add3A_404 = arith.constant 12288 : i32
      %add3A_405 = arith.addi %mul3A_403, %add3A_404 : i32
      %mul3A_406 = arith.constant 5 : i32
      %mul3A_407 = arith.muli %scan3A_247, %mul3A_406 : i32
      %add3A_408 = arith.addi %mul3A_8, %mul3A_407 : i32
      %add3A_409 = arith.constant 3 : i32
      %add3A_410 = arith.addi %add3A_408, %add3A_409 : i32
      %dma_start3A_411 = tpu.memref_slice %arg5[%add3A_405] : memref<40960xf32, #tpu.memory_space<vmem>> -> memref<4096xf32, #tpu.memory_space<vmem>>
      %dma_start3A_412 = arith.constant 0 : i32
      %dma_start3A_413 = tpu.memref_slice %arg3[%add3A_410, %dma_start3A_412] : memref<640x4096xf32, #tpu.memory_space<hbm>> -> memref<1x4096xf32, #tpu.memory_space<hbm>>
      %dma_start3A_414 = tpu.memref_squeeze %dma_start3A_413 : memref<1x4096xf32, #tpu.memory_space<hbm>> -> memref<4096xf32, #tpu.memory_space<hbm>>
      %dma_start3A_415 = arith.constant 0 : i32
      %dma_start3A_416 = tpu.memref_slice %arg3[%add3A_410, %dma_start3A_415] : memref<640x4096xf32, #tpu.memory_space<hbm>> -> memref<1x4096xf32, #tpu.memory_space<hbm>>
      %dma_start3A_417 = tpu.memref_squeeze %dma_start3A_416 : memref<1x4096xf32, #tpu.memory_space<hbm>> -> memref<4096xf32, #tpu.memory_space<hbm>>
      %dma_start3A_418 = tpu.memref_slice %arg5[%add3A_405] : memref<40960xf32, #tpu.memory_space<vmem>> -> memref<4096xf32, #tpu.memory_space<vmem>>
      tpu.enqueue_dma source(%dma_start3A_418 : memref<4096xf32, #tpu.memory_space<vmem>>) target(%dma_start3A_417 : memref<4096xf32, #tpu.memory_space<hbm>>) target_semaphore(%arg9 : memref<!tpu.dma_semaphore, #tpu.memory_space<semaphore_mem>>)
      %mul3A_419 = arith.constant 20480 : i32
      %mul3A_420 = arith.muli %rem3A_249, %mul3A_419 : i32
      %add3A_421 = arith.constant 16384 : i32
      %add3A_422 = arith.addi %mul3A_420, %add3A_421 : i32
      %mul3A_423 = arith.constant 5 : i32
      %mul3A_424 = arith.muli %scan3A_247, %mul3A_423 : i32
      %add3A_425 = arith.addi %mul3A_8, %mul3A_424 : i32
      %add3A_426 = arith.constant 4 : i32
      %add3A_427 = arith.addi %add3A_425, %add3A_426 : i32
      %dma_start3A_428 = tpu.memref_slice %arg5[%add3A_422] : memref<40960xf32, #tpu.memory_space<vmem>> -> memref<4096xf32, #tpu.memory_space<vmem>>
      %dma_start3A_429 = arith.constant 0 : i32
      %dma_start3A_430 = tpu.memref_slice %arg3[%add3A_427, %dma_start3A_429] : memref<640x4096xf32, #tpu.memory_space<hbm>> -> memref<1x4096xf32, #tpu.memory_space<hbm>>
      %dma_start3A_431 = tpu.memref_squeeze %dma_start3A_430 : memref<1x4096xf32, #tpu.memory_space<hbm>> -> memref<4096xf32, #tpu.memory_space<hbm>>
      %dma_start3A_432 = arith.constant 0 : i32
      %dma_start3A_433 = tpu.memref_slice %arg3[%add3A_427, %dma_start3A_432] : memref<640x4096xf32, #tpu.memory_space<hbm>> -> memref<1x4096xf32, #tpu.memory_space<hbm>>
      %dma_start3A_434 = tpu.memref_squeeze %dma_start3A_433 : memref<1x4096xf32, #tpu.memory_space<hbm>> -> memref<4096xf32, #tpu.memory_space<hbm>>
      %dma_start3A_435 = tpu.memref_slice %arg5[%add3A_422] : memref<40960xf32, #tpu.memory_space<vmem>> -> memref<4096xf32, #tpu.memory_space<vmem>>
      tpu.enqueue_dma source(%dma_start3A_435 : memref<4096xf32, #tpu.memory_space<vmem>>) target(%dma_start3A_434 : memref<4096xf32, #tpu.memory_space<hbm>>) target_semaphore(%arg9 : memref<!tpu.dma_semaphore, #tpu.memory_space<semaphore_mem>>)
    }
    %scan3A_82 = arith.constant 4 : i32
    %rem3A = arith.constant 2 : i32
    %rem3A_83 = arith.constant 2 : i32
    %rem3A_84 = arith.remsi %rem3A, %rem3A_83 : i32
    %mul3A_85 = arith.constant 20480 : i32
    %mul3A_86 = arith.muli %rem3A_84, %mul3A_85 : i32
    %add3A_87 = arith.constant 0 : i32
    %add3A_88 = arith.addi %mul3A_86, %add3A_87 : i32
    %add3A_89 = arith.constant 10 : i32
    %add3A_90 = arith.addi %mul3A_8, %add3A_89 : i32
    %add3A_91 = arith.constant 0 : i32
    %add3A_92 = arith.addi %add3A_90, %add3A_91 : i32
    %dma_wait3A = tpu.memref_slice %arg5[%add3A_88] : memref<40960xf32, #tpu.memory_space<vmem>> -> memref<4096xf32, #tpu.memory_space<vmem>>
    %dma_wait3A_93 = arith.constant 0 : i32
    %dma_wait3A_94 = tpu.memref_slice %arg3[%add3A_92, %dma_wait3A_93] : memref<640x4096xf32, #tpu.memory_space<hbm>> -> memref<1x4096xf32, #tpu.memory_space<hbm>>
    %dma_wait3A_95 = tpu.memref_squeeze %dma_wait3A_94 : memref<1x4096xf32, #tpu.memory_space<hbm>> -> memref<4096xf32, #tpu.memory_space<hbm>>
    %dma_wait3A_96 = arith.constant 0 : i32
    %dma_wait3A_97 = tpu.memref_slice %arg3[%add3A_92, %dma_wait3A_96] : memref<640x4096xf32, #tpu.memory_space<hbm>> -> memref<1x4096xf32, #tpu.memory_space<hbm>>
    %dma_wait3A_98 = tpu.memref_squeeze %dma_wait3A_97 : memref<1x4096xf32, #tpu.memory_space<hbm>> -> memref<4096xf32, #tpu.memory_space<hbm>>
    %dma_wait3A_99 = tpu.memref_slice %arg5[%add3A_88] : memref<40960xf32, #tpu.memory_space<vmem>> -> memref<4096xf32, #tpu.memory_space<vmem>>
    tpu.wait_dma2 semaphore(%arg9 : memref<!tpu.dma_semaphore, #tpu.memory_space<semaphore_mem>>) src(%dma_wait3A_99 : memref<4096xf32, #tpu.memory_space<vmem>>) dst(%dma_wait3A_98 : memref<4096xf32, #tpu.memory_space<hbm>>)
    %mul3A_100 = arith.constant 20480 : i32
    %mul3A_101 = arith.muli %rem3A_84, %mul3A_100 : i32
    %add3A_102 = arith.constant 4096 : i32
    %add3A_103 = arith.addi %mul3A_101, %add3A_102 : i32
    %add3A_104 = arith.constant 10 : i32
    %add3A_105 = arith.addi %mul3A_8, %add3A_104 : i32
    %add3A_106 = arith.constant 1 : i32
    %add3A_107 = arith.addi %add3A_105, %add3A_106 : i32
    %dma_wait3A_108 = tpu.memref_slice %arg5[%add3A_103] : memref<40960xf32, #tpu.memory_space<vmem>> -> memref<4096xf32, #tpu.memory_space<vmem>>
    %dma_wait3A_109 = arith.constant 0 : i32
    %dma_wait3A_110 = tpu.memref_slice %arg3[%add3A_107, %dma_wait3A_109] : memref<640x4096xf32, #tpu.memory_space<hbm>> -> memref<1x4096xf32, #tpu.memory_space<hbm>>
    %dma_wait3A_111 = tpu.memref_squeeze %dma_wait3A_110 : memref<1x4096xf32, #tpu.memory_space<hbm>> -> memref<4096xf32, #tpu.memory_space<hbm>>
    %dma_wait3A_112 = arith.constant 0 : i32
    %dma_wait3A_113 = tpu.memref_slice %arg3[%add3A_107, %dma_wait3A_112] : memref<640x4096xf32, #tpu.memory_space<hbm>> -> memref<1x4096xf32, #tpu.memory_space<hbm>>
    %dma_wait3A_114 = tpu.memref_squeeze %dma_wait3A_113 : memref<1x4096xf32, #tpu.memory_space<hbm>> -> memref<4096xf32, #tpu.memory_space<hbm>>
    %dma_wait3A_115 = tpu.memref_slice %arg5[%add3A_103] : memref<40960xf32, #tpu.memory_space<vmem>> -> memref<4096xf32, #tpu.memory_space<vmem>>
    tpu.wait_dma2 semaphore(%arg9 : memref<!tpu.dma_semaphore, #tpu.memory_space<semaphore_mem>>) src(%dma_wait3A_115 : memref<4096xf32, #tpu.memory_space<vmem>>) dst(%dma_wait3A_114 : memref<4096xf32, #tpu.memory_space<hbm>>)
    %mul3A_116 = arith.constant 20480 : i32
    %mul3A_117 = arith.muli %rem3A_84, %mul3A_116 : i32
    %add3A_118 = arith.constant 8192 : i32
    %add3A_119 = arith.addi %mul3A_117, %add3A_118 : i32
    %add3A_120 = arith.constant 10 : i32
    %add3A_121 = arith.addi %mul3A_8, %add3A_120 : i32
    %add3A_122 = arith.constant 2 : i32
    %add3A_123 = arith.addi %add3A_121, %add3A_122 : i32
    %dma_wait3A_124 = tpu.memref_slice %arg5[%add3A_119] : memref<40960xf32, #tpu.memory_space<vmem>> -> memref<4096xf32, #tpu.memory_space<vmem>>
    %dma_wait3A_125 = arith.constant 0 : i32
    %dma_wait3A_126 = tpu.memref_slice %arg3[%add3A_123, %dma_wait3A_125] : memref<640x4096xf32, #tpu.memory_space<hbm>> -> memref<1x4096xf32, #tpu.memory_space<hbm>>
    %dma_wait3A_127 = tpu.memref_squeeze %dma_wait3A_126 : memref<1x4096xf32, #tpu.memory_space<hbm>> -> memref<4096xf32, #tpu.memory_space<hbm>>
    %dma_wait3A_128 = arith.constant 0 : i32
    %dma_wait3A_129 = tpu.memref_slice %arg3[%add3A_123, %dma_wait3A_128] : memref<640x4096xf32, #tpu.memory_space<hbm>> -> memref<1x4096xf32, #tpu.memory_space<hbm>>
    %dma_wait3A_130 = tpu.memref_squeeze %dma_wait3A_129 : memref<1x4096xf32, #tpu.memory_space<hbm>> -> memref<4096xf32, #tpu.memory_space<hbm>>
    %dma_wait3A_131 = tpu.memref_slice %arg5[%add3A_119] : memref<40960xf32, #tpu.memory_space<vmem>> -> memref<4096xf32, #tpu.memory_space<vmem>>
    tpu.wait_dma2 semaphore(%arg9 : memref<!tpu.dma_semaphore, #tpu.memory_space<semaphore_mem>>) src(%dma_wait3A_131 : memref<4096xf32, #tpu.memory_space<vmem>>) dst(%dma_wait3A_130 : memref<4096xf32, #tpu.memory_space<hbm>>)
    %mul3A_132 = arith.constant 20480 : i32
    %mul3A_133 = arith.muli %rem3A_84, %mul3A_132 : i32
    %add3A_134 = arith.constant 12288 : i32
    %add3A_135 = arith.addi %mul3A_133, %add3A_134 : i32
    %add3A_136 = arith.constant 10 : i32
    %add3A_137 = arith.addi %mul3A_8, %add3A_136 : i32
    %add3A_138 = arith.constant 3 : i32
    %add3A_139 = arith.addi %add3A_137, %add3A_138 : i32
    %dma_wait3A_140 = tpu.memref_slice %arg5[%add3A_135] : memref<40960xf32, #tpu.memory_space<vmem>> -> memref<4096xf32, #tpu.memory_space<vmem>>
    %dma_wait3A_141 = arith.constant 0 : i32
    %dma_wait3A_142 = tpu.memref_slice %arg3[%add3A_139, %dma_wait3A_141] : memref<640x4096xf32, #tpu.memory_space<hbm>> -> memref<1x4096xf32, #tpu.memory_space<hbm>>
    %dma_wait3A_143 = tpu.memref_squeeze %dma_wait3A_142 : memref<1x4096xf32, #tpu.memory_space<hbm>> -> memref<4096xf32, #tpu.memory_space<hbm>>
    %dma_wait3A_144 = arith.constant 0 : i32
    %dma_wait3A_145 = tpu.memref_slice %arg3[%add3A_139, %dma_wait3A_144] : memref<640x4096xf32, #tpu.memory_space<hbm>> -> memref<1x4096xf32, #tpu.memory_space<hbm>>
    %dma_wait3A_146 = tpu.memref_squeeze %dma_wait3A_145 : memref<1x4096xf32, #tpu.memory_space<hbm>> -> memref<4096xf32, #tpu.memory_space<hbm>>
    %dma_wait3A_147 = tpu.memref_slice %arg5[%add3A_135] : memref<40960xf32, #tpu.memory_space<vmem>> -> memref<4096xf32, #tpu.memory_space<vmem>>
    tpu.wait_dma2 semaphore(%arg9 : memref<!tpu.dma_semaphore, #tpu.memory_space<semaphore_mem>>) src(%dma_wait3A_147 : memref<4096xf32, #tpu.memory_space<vmem>>) dst(%dma_wait3A_146 : memref<4096xf32, #tpu.memory_space<hbm>>)
    %mul3A_148 = arith.constant 20480 : i32
    %mul3A_149 = arith.muli %rem3A_84, %mul3A_148 : i32
    %add3A_150 = arith.constant 16384 : i32
    %add3A_151 = arith.addi %mul3A_149, %add3A_150 : i32
    %add3A_152 = arith.constant 10 : i32
    %add3A_153 = arith.addi %mul3A_8, %add3A_152 : i32
    %add3A_154 = arith.constant 4 : i32
    %add3A_155 = arith.addi %add3A_153, %add3A_154 : i32
    %dma_wait3A_156 = tpu.memref_slice %arg5[%add3A_151] : memref<40960xf32, #tpu.memory_space<vmem>> -> memref<4096xf32, #tpu.memory_space<vmem>>
    %dma_wait3A_157 = arith.constant 0 : i32
    %dma_wait3A_158 = tpu.memref_slice %arg3[%add3A_155, %dma_wait3A_157] : memref<640x4096xf32, #tpu.memory_space<hbm>> -> memref<1x4096xf32, #tpu.memory_space<hbm>>
    %dma_wait3A_159 = tpu.memref_squeeze %dma_wait3A_158 : memref<1x4096xf32, #tpu.memory_space<hbm>> -> memref<4096xf32, #tpu.memory_space<hbm>>
    %dma_wait3A_160 = arith.constant 0 : i32
    %dma_wait3A_161 = tpu.memref_slice %arg3[%add3A_155, %dma_wait3A_160] : memref<640x4096xf32, #tpu.memory_space<hbm>> -> memref<1x4096xf32, #tpu.memory_space<hbm>>
    %dma_wait3A_162 = tpu.memref_squeeze %dma_wait3A_161 : memref<1x4096xf32, #tpu.memory_space<hbm>> -> memref<4096xf32, #tpu.memory_space<hbm>>
    %dma_wait3A_163 = tpu.memref_slice %arg5[%add3A_151] : memref<40960xf32, #tpu.memory_space<vmem>> -> memref<4096xf32, #tpu.memory_space<vmem>>
    tpu.wait_dma2 semaphore(%arg9 : memref<!tpu.dma_semaphore, #tpu.memory_space<semaphore_mem>>) src(%dma_wait3A_163 : memref<4096xf32, #tpu.memory_space<vmem>>) dst(%dma_wait3A_162 : memref<4096xf32, #tpu.memory_space<hbm>>)
    %rem3A_164 = arith.constant 3 : i32
    %rem3A_165 = arith.constant 2 : i32
    %rem3A_166 = arith.remsi %rem3A_164, %rem3A_165 : i32
    %mul3A_167 = arith.constant 20480 : i32
    %mul3A_168 = arith.muli %rem3A_166, %mul3A_167 : i32
    %add3A_169 = arith.constant 0 : i32
    %add3A_170 = arith.addi %mul3A_168, %add3A_169 : i32
    %add3A_171 = arith.constant 15 : i32
    %add3A_172 = arith.addi %mul3A_8, %add3A_171 : i32
    %add3A_173 = arith.constant 0 : i32
    %add3A_174 = arith.addi %add3A_172, %add3A_173 : i32
    %dma_wait3A_175 = tpu.memref_slice %arg5[%add3A_170] : memref<40960xf32, #tpu.memory_space<vmem>> -> memref<4096xf32, #tpu.memory_space<vmem>>
    %dma_wait3A_176 = arith.constant 0 : i32
    %dma_wait3A_177 = tpu.memref_slice %arg3[%add3A_174, %dma_wait3A_176] : memref<640x4096xf32, #tpu.memory_space<hbm>> -> memref<1x4096xf32, #tpu.memory_space<hbm>>
    %dma_wait3A_178 = tpu.memref_squeeze %dma_wait3A_177 : memref<1x4096xf32, #tpu.memory_space<hbm>> -> memref<4096xf32, #tpu.memory_space<hbm>>
    %dma_wait3A_179 = arith.constant 0 : i32
    %dma_wait3A_180 = tpu.memref_slice %arg3[%add3A_174, %dma_wait3A_179] : memref<640x4096xf32, #tpu.memory_space<hbm>> -> memref<1x4096xf32, #tpu.memory_space<hbm>>
    %dma_wait3A_181 = tpu.memref_squeeze %dma_wait3A_180 : memref<1x4096xf32, #tpu.memory_space<hbm>> -> memref<4096xf32, #tpu.memory_space<hbm>>
    %dma_wait3A_182 = tpu.memref_slice %arg5[%add3A_170] : memref<40960xf32, #tpu.memory_space<vmem>> -> memref<4096xf32, #tpu.memory_space<vmem>>
    tpu.wait_dma2 semaphore(%arg9 : memref<!tpu.dma_semaphore, #tpu.memory_space<semaphore_mem>>) src(%dma_wait3A_182 : memref<4096xf32, #tpu.memory_space<vmem>>) dst(%dma_wait3A_181 : memref<4096xf32, #tpu.memory_space<hbm>>)
    %mul3A_183 = arith.constant 20480 : i32
    %mul3A_184 = arith.muli %rem3A_166, %mul3A_183 : i32
    %add3A_185 = arith.constant 4096 : i32
    %add3A_186 = arith.addi %mul3A_184, %add3A_185 : i32
    %add3A_187 = arith.constant 15 : i32
    %add3A_188 = arith.addi %mul3A_8, %add3A_187 : i32
    %add3A_189 = arith.constant 1 : i32
    %add3A_190 = arith.addi %add3A_188, %add3A_189 : i32
    %dma_wait3A_191 = tpu.memref_slice %arg5[%add3A_186] : memref<40960xf32, #tpu.memory_space<vmem>> -> memref<4096xf32, #tpu.memory_space<vmem>>
    %dma_wait3A_192 = arith.constant 0 : i32
    %dma_wait3A_193 = tpu.memref_slice %arg3[%add3A_190, %dma_wait3A_192] : memref<640x4096xf32, #tpu.memory_space<hbm>> -> memref<1x4096xf32, #tpu.memory_space<hbm>>
    %dma_wait3A_194 = tpu.memref_squeeze %dma_wait3A_193 : memref<1x4096xf32, #tpu.memory_space<hbm>> -> memref<4096xf32, #tpu.memory_space<hbm>>
    %dma_wait3A_195 = arith.constant 0 : i32
    %dma_wait3A_196 = tpu.memref_slice %arg3[%add3A_190, %dma_wait3A_195] : memref<640x4096xf32, #tpu.memory_space<hbm>> -> memref<1x4096xf32, #tpu.memory_space<hbm>>
    %dma_wait3A_197 = tpu.memref_squeeze %dma_wait3A_196 : memref<1x4096xf32, #tpu.memory_space<hbm>> -> memref<4096xf32, #tpu.memory_space<hbm>>
    %dma_wait3A_198 = tpu.memref_slice %arg5[%add3A_186] : memref<40960xf32, #tpu.memory_space<vmem>> -> memref<4096xf32, #tpu.memory_space<vmem>>
    tpu.wait_dma2 semaphore(%arg9 : memref<!tpu.dma_semaphore, #tpu.memory_space<semaphore_mem>>) src(%dma_wait3A_198 : memref<4096xf32, #tpu.memory_space<vmem>>) dst(%dma_wait3A_197 : memref<4096xf32, #tpu.memory_space<hbm>>)
    %mul3A_199 = arith.constant 20480 : i32
    %mul3A_200 = arith.muli %rem3A_166, %mul3A_199 : i32
    %add3A_201 = arith.constant 8192 : i32
    %add3A_202 = arith.addi %mul3A_200, %add3A_201 : i32
    %add3A_203 = arith.constant 15 : i32
    %add3A_204 = arith.addi %mul3A_8, %add3A_203 : i32
    %add3A_205 = arith.constant 2 : i32
    %add3A_206 = arith.addi %add3A_204, %add3A_205 : i32
    %dma_wait3A_207 = tpu.memref_slice %arg5[%add3A_202] : memref<40960xf32, #tpu.memory_space<vmem>> -> memref<4096xf32, #tpu.memory_space<vmem>>
    %dma_wait3A_208 = arith.constant 0 : i32
    %dma_wait3A_209 = tpu.memref_slice %arg3[%add3A_206, %dma_wait3A_208] : memref<640x4096xf32, #tpu.memory_space<hbm>> -> memref<1x4096xf32, #tpu.memory_space<hbm>>
    %dma_wait3A_210 = tpu.memref_squeeze %dma_wait3A_209 : memref<1x4096xf32, #tpu.memory_space<hbm>> -> memref<4096xf32, #tpu.memory_space<hbm>>
    %dma_wait3A_211 = arith.constant 0 : i32
    %dma_wait3A_212 = tpu.memref_slice %arg3[%add3A_206, %dma_wait3A_211] : memref<640x4096xf32, #tpu.memory_space<hbm>> -> memref<1x4096xf32, #tpu.memory_space<hbm>>
    %dma_wait3A_213 = tpu.memref_squeeze %dma_wait3A_212 : memref<1x4096xf32, #tpu.memory_space<hbm>> -> memref<4096xf32, #tpu.memory_space<hbm>>
    %dma_wait3A_214 = tpu.memref_slice %arg5[%add3A_202] : memref<40960xf32, #tpu.memory_space<vmem>> -> memref<4096xf32, #tpu.memory_space<vmem>>
    tpu.wait_dma2 semaphore(%arg9 : memref<!tpu.dma_semaphore, #tpu.memory_space<semaphore_mem>>) src(%dma_wait3A_214 : memref<4096xf32, #tpu.memory_space<vmem>>) dst(%dma_wait3A_213 : memref<4096xf32, #tpu.memory_space<hbm>>)
    %mul3A_215 = arith.constant 20480 : i32
    %mul3A_216 = arith.muli %rem3A_166, %mul3A_215 : i32
    %add3A_217 = arith.constant 12288 : i32
    %add3A_218 = arith.addi %mul3A_216, %add3A_217 : i32
    %add3A_219 = arith.constant 15 : i32
    %add3A_220 = arith.addi %mul3A_8, %add3A_219 : i32
    %add3A_221 = arith.constant 3 : i32
    %add3A_222 = arith.addi %add3A_220, %add3A_221 : i32
    %dma_wait3A_223 = tpu.memref_slice %arg5[%add3A_218] : memref<40960xf32, #tpu.memory_space<vmem>> -> memref<4096xf32, #tpu.memory_space<vmem>>
    %dma_wait3A_224 = arith.constant 0 : i32
    %dma_wait3A_225 = tpu.memref_slice %arg3[%add3A_222, %dma_wait3A_224] : memref<640x4096xf32, #tpu.memory_space<hbm>> -> memref<1x4096xf32, #tpu.memory_space<hbm>>
    %dma_wait3A_226 = tpu.memref_squeeze %dma_wait3A_225 : memref<1x4096xf32, #tpu.memory_space<hbm>> -> memref<4096xf32, #tpu.memory_space<hbm>>
    %dma_wait3A_227 = arith.constant 0 : i32
    %dma_wait3A_228 = tpu.memref_slice %arg3[%add3A_222, %dma_wait3A_227] : memref<640x4096xf32, #tpu.memory_space<hbm>> -> memref<1x4096xf32, #tpu.memory_space<hbm>>
    %dma_wait3A_229 = tpu.memref_squeeze %dma_wait3A_228 : memref<1x4096xf32, #tpu.memory_space<hbm>> -> memref<4096xf32, #tpu.memory_space<hbm>>
    %dma_wait3A_230 = tpu.memref_slice %arg5[%add3A_218] : memref<40960xf32, #tpu.memory_space<vmem>> -> memref<4096xf32, #tpu.memory_space<vmem>>
    tpu.wait_dma2 semaphore(%arg9 : memref<!tpu.dma_semaphore, #tpu.memory_space<semaphore_mem>>) src(%dma_wait3A_230 : memref<4096xf32, #tpu.memory_space<vmem>>) dst(%dma_wait3A_229 : memref<4096xf32, #tpu.memory_space<hbm>>)
    %mul3A_231 = arith.constant 20480 : i32
    %mul3A_232 = arith.muli %rem3A_166, %mul3A_231 : i32
    %add3A_233 = arith.constant 16384 : i32
    %add3A_234 = arith.addi %mul3A_232, %add3A_233 : i32
    %add3A_235 = arith.constant 15 : i32
    %add3A_236 = arith.addi %mul3A_8, %add3A_235 : i32
    %add3A_237 = arith.constant 4 : i32
    %add3A_238 = arith.addi %add3A_236, %add3A_237 : i32
    %dma_wait3A_239 = tpu.memref_slice %arg5[%add3A_234] : memref<40960xf32, #tpu.memory_space<vmem>> -> memref<4096xf32, #tpu.memory_space<vmem>>
    %dma_wait3A_240 = arith.constant 0 : i32
    %dma_wait3A_241 = tpu.memref_slice %arg3[%add3A_238, %dma_wait3A_240] : memref<640x4096xf32, #tpu.memory_space<hbm>> -> memref<1x4096xf32, #tpu.memory_space<hbm>>
    %dma_wait3A_242 = tpu.memref_squeeze %dma_wait3A_241 : memref<1x4096xf32, #tpu.memory_space<hbm>> -> memref<4096xf32, #tpu.memory_space<hbm>>
    %dma_wait3A_243 = arith.constant 0 : i32
    %dma_wait3A_244 = tpu.memref_slice %arg3[%add3A_238, %dma_wait3A_243] : memref<640x4096xf32, #tpu.memory_space<hbm>> -> memref<1x4096xf32, #tpu.memory_space<hbm>>
    %dma_wait3A_245 = tpu.memref_squeeze %dma_wait3A_244 : memref<1x4096xf32, #tpu.memory_space<hbm>> -> memref<4096xf32, #tpu.memory_space<hbm>>
    %dma_wait3A_246 = tpu.memref_slice %arg5[%add3A_234] : memref<40960xf32, #tpu.memory_space<vmem>> -> memref<4096xf32, #tpu.memory_space<vmem>>
    tpu.wait_dma2 semaphore(%arg9 : memref<!tpu.dma_semaphore, #tpu.memory_space<semaphore_mem>>) src(%dma_wait3A_246 : memref<4096xf32, #tpu.memory_space<vmem>>) dst(%dma_wait3A_245 : memref<4096xf32, #tpu.memory_space<hbm>>)
    return
  }
}

module attributes {stable_mosaic.version = 14 : i64} {
  func.func @_tc_body(%arg0: i32, %arg1: memref<8x4096xf32, #tpu.memory_space<vmem>>, %arg2: memref<8x4096xf32, #tpu.memory_space<vmem>>) attributes {dimension_semantics = [#tpu.dimension_semantics<arbitrary>], iteration_bounds = array<i64: 48>, scalar_prefetch = 0 : i64, scratch_operands = 0 : i64, tpu.core_type = #tpu.core_type<tc>, window_params = [{transform_indices = @transform_0, window_bounds = array<i64: 8, 4096>}, {transform_indices = @transform_1, window_bounds = array<i64: 8, 4096>}]} {
    %get3A = arith.constant 0 : index
    %get3A_0 = arith.constant 0 : index
    %get3A_1 = vector.load %arg1[%get3A, %get3A_0] : memref<8x4096xf32, #tpu.memory_space<vmem>>, vector<8x4096xf32>
    %reshape3A = vector.shape_cast %get3A_1 : vector<8x4096xf32> to vector<8x64x64xf32>
    %reduce_min3A = arith.constant dense<0x7F800000> : vector<8x64xf32>
    %reduce_min3A_2 = vector.multi_reduction <minimumf>, %reshape3A, %reduce_min3A [2] : vector<8x64x64xf32> to vector<8x64xf32>
    %reduce_max3A = arith.constant dense<0xFF800000> : vector<8x64xf32>
    %reduce_max3A_3 = vector.multi_reduction <maximumf>, %reshape3A, %reduce_max3A [2] : vector<8x64x64xf32> to vector<8x64xf32>
    %sub3A = arith.subf %reduce_max3A_3, %reduce_min3A_2 : vector<8x64xf32>
    %add3A = arith.constant 9.99999993E-9 : f32
    %add3A_4 = vector.broadcast %add3A : f32 to vector<8x64xf32>
    %add3A_5 = arith.addf %sub3A, %add3A_4 : vector<8x64xf32>
    %reduce_min3A_6 = arith.constant dense<0x7F800000> : vector<8xf32>
    %reduce_min3A_7 = vector.multi_reduction <minimumf>, %sub3A, %reduce_min3A_6 [1] : vector<8x64xf32> to vector<8xf32>
    %broadcast_in_dim3A = vector.shape_cast %reduce_min3A_7 : vector<8xf32> to vector<8x1xf32>
    %reduce_max3A_8 = arith.constant dense<0xFF800000> : vector<8xf32>
    %reduce_max3A_9 = vector.multi_reduction <maximumf>, %sub3A, %reduce_max3A_8 [1] : vector<8x64xf32> to vector<8xf32>
    %broadcast_in_dim3A_10 = vector.shape_cast %reduce_max3A_9 : vector<8xf32> to vector<8x1xf32>
    %sub3A_11 = arith.subf %broadcast_in_dim3A_10, %broadcast_in_dim3A : vector<8x1xf32>
    %add3A_12 = arith.constant 9.99999993E-9 : f32
    %add3A_13 = vector.broadcast %add3A_12 : f32 to vector<8x1xf32>
    %add3A_14 = arith.addf %sub3A_11, %add3A_13 : vector<8x1xf32>
    %sub3A_15 = vector.broadcast %broadcast_in_dim3A : vector<8x1xf32> to vector<8x64xf32>
    %sub3A_16 = arith.subf %sub3A, %sub3A_15 : vector<8x64xf32>
    %div3A = vector.broadcast %add3A_14 : vector<8x1xf32> to vector<8x64xf32>
    %div3A_17 = arith.divf %sub3A_16, %div3A : vector<8x64xf32>
    %mul3A = arith.constant 2.550000e+02 : f32
    %mul3A_18 = vector.broadcast %mul3A : f32 to vector<8x64xf32>
    %mul3A_19 = arith.mulf %div3A_17, %mul3A_18 : vector<8x64xf32>
    %round3A = math.roundeven %mul3A_19 : vector<8x64xf32>
    %div3A_20 = arith.constant 2.550000e+02 : f32
    %div3A_21 = vector.broadcast %div3A_20 : f32 to vector<8x64xf32>
    %div3A_22 = arith.divf %round3A, %div3A_21 : vector<8x64xf32>
    %sub3A_23 = arith.subf %broadcast_in_dim3A_10, %broadcast_in_dim3A : vector<8x1xf32>
    %mul3A_24 = vector.broadcast %sub3A_23 : vector<8x1xf32> to vector<8x64xf32>
    %mul3A_25 = arith.mulf %div3A_22, %mul3A_24 : vector<8x64xf32>
    %add3A_26 = vector.broadcast %broadcast_in_dim3A : vector<8x1xf32> to vector<8x64xf32>
    %add3A_27 = arith.addf %add3A_26, %mul3A_25 : vector<8x64xf32>
    %broadcast_in_dim3A_28 = vector.shape_cast %reduce_min3A_2 : vector<8x64xf32> to vector<8x64x1xf32>
    %sub3A_29 = vector.broadcast %broadcast_in_dim3A_28 : vector<8x64x1xf32> to vector<8x64x64xf32>
    %sub3A_30 = arith.subf %reshape3A, %sub3A_29 : vector<8x64x64xf32>
    %broadcast_in_dim3A_31 = arith.constant 0.000000e+00 : f32
    %broadcast_in_dim3A_32 = vector.broadcast %broadcast_in_dim3A_31 : f32 to vector<8x64x64xf32>
    %mul3A_33 = arith.constant 0.0731201171 : f32
    %mul3A_34 = vector.broadcast %mul3A_33 : f32 to vector<8x64xf32>
    %mul3A_35 = arith.mulf %add3A_5, %mul3A_34 : vector<8x64xf32>
    %broadcast_in_dim3A_36 = vector.shape_cast %mul3A_35 : vector<8x64xf32> to vector<8x64x1xf32>
    %gt3A = vector.broadcast %broadcast_in_dim3A_36 : vector<8x64x1xf32> to vector<8x64x64xf32>
    %gt3A_37 = arith.cmpf ogt, %sub3A_30, %gt3A : vector<8x64x64xf32>
    %jit3A = arith.constant 0.146240234 : f32
    %broadcast_in_dim3A_38 = vector.broadcast %jit3A : f32 to vector<8x64x64xf32>
    %select_n3A = arith.select %gt3A_37, %broadcast_in_dim3A_38, %broadcast_in_dim3A_32 : vector<8x64x64xi1>, vector<8x64x64xf32>
    %mul3A_39 = arith.constant 0.18762207 : f32
    %mul3A_40 = vector.broadcast %mul3A_39 : f32 to vector<8x64xf32>
    %mul3A_41 = arith.mulf %add3A_5, %mul3A_40 : vector<8x64xf32>
    %broadcast_in_dim3A_42 = vector.shape_cast %mul3A_41 : vector<8x64xf32> to vector<8x64x1xf32>
    %gt3A_43 = vector.broadcast %broadcast_in_dim3A_42 : vector<8x64x1xf32> to vector<8x64x64xf32>
    %gt3A_44 = arith.cmpf ogt, %sub3A_30, %gt3A_43 : vector<8x64x64xf32>
    %jit3A_45 = arith.constant 0.229003906 : f32
    %broadcast_in_dim3A_46 = vector.broadcast %jit3A_45 : f32 to vector<8x64x64xf32>
    %select_n3A_47 = arith.select %gt3A_44, %broadcast_in_dim3A_46, %select_n3A : vector<8x64x64xi1>, vector<8x64x64xf32>
    %mul3A_48 = arith.constant 0.260314941 : f32
    %mul3A_49 = vector.broadcast %mul3A_48 : f32 to vector<8x64xf32>
    %mul3A_50 = arith.mulf %add3A_5, %mul3A_49 : vector<8x64xf32>
    %broadcast_in_dim3A_51 = vector.shape_cast %mul3A_50 : vector<8x64xf32> to vector<8x64x1xf32>
    %gt3A_52 = vector.broadcast %broadcast_in_dim3A_51 : vector<8x64x1xf32> to vector<8x64x64xf32>
    %gt3A_53 = arith.cmpf ogt, %sub3A_30, %gt3A_52 : vector<8x64x64xf32>
    %jit3A_54 = arith.constant 0.291625977 : f32
    %broadcast_in_dim3A_55 = vector.broadcast %jit3A_54 : f32 to vector<8x64x64xf32>
    %select_n3A_56 = arith.select %gt3A_53, %broadcast_in_dim3A_55, %select_n3A_47 : vector<8x64x64xi1>, vector<8x64x64xf32>
    %mul3A_57 = arith.constant 0.318115234 : f32
    %mul3A_58 = vector.broadcast %mul3A_57 : f32 to vector<8x64xf32>
    %mul3A_59 = arith.mulf %add3A_5, %mul3A_58 : vector<8x64xf32>
    %broadcast_in_dim3A_60 = vector.shape_cast %mul3A_59 : vector<8x64xf32> to vector<8x64x1xf32>
    %gt3A_61 = vector.broadcast %broadcast_in_dim3A_60 : vector<8x64x1xf32> to vector<8x64x64xf32>
    %gt3A_62 = arith.cmpf ogt, %sub3A_30, %gt3A_61 : vector<8x64x64xf32>
    %jit3A_63 = arith.constant 0.344604492 : f32
    %broadcast_in_dim3A_64 = vector.broadcast %jit3A_63 : f32 to vector<8x64x64xf32>
    %select_n3A_65 = arith.select %gt3A_62, %broadcast_in_dim3A_64, %select_n3A_56 : vector<8x64x64xi1>, vector<8x64x64xf32>
    %mul3A_66 = arith.constant 0.36831665 : f32
    %mul3A_67 = vector.broadcast %mul3A_66 : f32 to vector<8x64xf32>
    %mul3A_68 = arith.mulf %add3A_5, %mul3A_67 : vector<8x64xf32>
    %broadcast_in_dim3A_69 = vector.shape_cast %mul3A_68 : vector<8x64xf32> to vector<8x64x1xf32>
    %gt3A_70 = vector.broadcast %broadcast_in_dim3A_69 : vector<8x64x1xf32> to vector<8x64x64xf32>
    %gt3A_71 = arith.cmpf ogt, %sub3A_30, %gt3A_70 : vector<8x64x64xf32>
    %jit3A_72 = arith.constant 0.392028809 : f32
    %broadcast_in_dim3A_73 = vector.broadcast %jit3A_72 : f32 to vector<8x64x64xf32>
    %select_n3A_74 = arith.select %gt3A_71, %broadcast_in_dim3A_73, %select_n3A_65 : vector<8x64x64xi1>, vector<8x64x64xf32>
    %mul3A_75 = arith.constant 0.41418457 : f32
    %mul3A_76 = vector.broadcast %mul3A_75 : f32 to vector<8x64xf32>
    %mul3A_77 = arith.mulf %add3A_5, %mul3A_76 : vector<8x64xf32>
    %broadcast_in_dim3A_78 = vector.shape_cast %mul3A_77 : vector<8x64xf32> to vector<8x64x1xf32>
    %gt3A_79 = vector.broadcast %broadcast_in_dim3A_78 : vector<8x64x1xf32> to vector<8x64x64xf32>
    %gt3A_80 = arith.cmpf ogt, %sub3A_30, %gt3A_79 : vector<8x64x64xf32>
    %jit3A_81 = arith.constant 0.436340332 : f32
    %broadcast_in_dim3A_82 = vector.broadcast %jit3A_81 : f32 to vector<8x64x64xf32>
    %select_n3A_83 = arith.select %gt3A_80, %broadcast_in_dim3A_82, %select_n3A_74 : vector<8x64x64xi1>, vector<8x64x64xf32>
    %mul3A_84 = arith.constant 0.457649231 : f32
    %mul3A_85 = vector.broadcast %mul3A_84 : f32 to vector<8x64xf32>
    %mul3A_86 = arith.mulf %add3A_5, %mul3A_85 : vector<8x64xf32>
    %broadcast_in_dim3A_87 = vector.shape_cast %mul3A_86 : vector<8x64xf32> to vector<8x64x1xf32>
    %gt3A_88 = vector.broadcast %broadcast_in_dim3A_87 : vector<8x64x1xf32> to vector<8x64x64xf32>
    %gt3A_89 = arith.cmpf ogt, %sub3A_30, %gt3A_88 : vector<8x64x64xf32>
    %jit3A_90 = arith.constant 0.47895813 : f32
    %broadcast_in_dim3A_91 = vector.broadcast %jit3A_90 : f32 to vector<8x64x64xf32>
    %select_n3A_92 = arith.select %gt3A_89, %broadcast_in_dim3A_91, %select_n3A_83 : vector<8x64x64xi1>, vector<8x64x64xf32>
    %mul3A_93 = arith.constant 5.000000e-01 : f32
    %mul3A_94 = vector.broadcast %mul3A_93 : f32 to vector<8x64xf32>
    %mul3A_95 = arith.mulf %add3A_5, %mul3A_94 : vector<8x64xf32>
    %broadcast_in_dim3A_96 = vector.shape_cast %mul3A_95 : vector<8x64xf32> to vector<8x64x1xf32>
    %gt3A_97 = vector.broadcast %broadcast_in_dim3A_96 : vector<8x64x1xf32> to vector<8x64x64xf32>
    %gt3A_98 = arith.cmpf ogt, %sub3A_30, %gt3A_97 : vector<8x64x64xf32>
    %jit3A_99 = arith.constant 0.52104187 : f32
    %broadcast_in_dim3A_100 = vector.broadcast %jit3A_99 : f32 to vector<8x64x64xf32>
    %select_n3A_101 = arith.select %gt3A_98, %broadcast_in_dim3A_100, %select_n3A_92 : vector<8x64x64xi1>, vector<8x64x64xf32>
    %mul3A_102 = arith.constant 0.542350769 : f32
    %mul3A_103 = vector.broadcast %mul3A_102 : f32 to vector<8x64xf32>
    %mul3A_104 = arith.mulf %add3A_5, %mul3A_103 : vector<8x64xf32>
    %broadcast_in_dim3A_105 = vector.shape_cast %mul3A_104 : vector<8x64xf32> to vector<8x64x1xf32>
    %gt3A_106 = vector.broadcast %broadcast_in_dim3A_105 : vector<8x64x1xf32> to vector<8x64x64xf32>
    %gt3A_107 = arith.cmpf ogt, %sub3A_30, %gt3A_106 : vector<8x64x64xf32>
    %jit3A_108 = arith.constant 0.563659668 : f32
    %broadcast_in_dim3A_109 = vector.broadcast %jit3A_108 : f32 to vector<8x64x64xf32>
    %select_n3A_110 = arith.select %gt3A_107, %broadcast_in_dim3A_109, %select_n3A_101 : vector<8x64x64xi1>, vector<8x64x64xf32>
    %mul3A_111 = arith.constant 0.58581543 : f32
    %mul3A_112 = vector.broadcast %mul3A_111 : f32 to vector<8x64xf32>
    %mul3A_113 = arith.mulf %add3A_5, %mul3A_112 : vector<8x64xf32>
    %broadcast_in_dim3A_114 = vector.shape_cast %mul3A_113 : vector<8x64xf32> to vector<8x64x1xf32>
    %gt3A_115 = vector.broadcast %broadcast_in_dim3A_114 : vector<8x64x1xf32> to vector<8x64x64xf32>
    %gt3A_116 = arith.cmpf ogt, %sub3A_30, %gt3A_115 : vector<8x64x64xf32>
    %jit3A_117 = arith.constant 0.607971191 : f32
    %broadcast_in_dim3A_118 = vector.broadcast %jit3A_117 : f32 to vector<8x64x64xf32>
    %select_n3A_119 = arith.select %gt3A_116, %broadcast_in_dim3A_118, %select_n3A_110 : vector<8x64x64xi1>, vector<8x64x64xf32>
    %mul3A_120 = arith.constant 0.631683349 : f32
    %mul3A_121 = vector.broadcast %mul3A_120 : f32 to vector<8x64xf32>
    %mul3A_122 = arith.mulf %add3A_5, %mul3A_121 : vector<8x64xf32>
    %broadcast_in_dim3A_123 = vector.shape_cast %mul3A_122 : vector<8x64xf32> to vector<8x64x1xf32>
    %gt3A_124 = vector.broadcast %broadcast_in_dim3A_123 : vector<8x64x1xf32> to vector<8x64x64xf32>
    %gt3A_125 = arith.cmpf ogt, %sub3A_30, %gt3A_124 : vector<8x64x64xf32>
    %jit3A_126 = arith.constant 0.655395508 : f32
    %broadcast_in_dim3A_127 = vector.broadcast %jit3A_126 : f32 to vector<8x64x64xf32>
    %select_n3A_128 = arith.select %gt3A_125, %broadcast_in_dim3A_127, %select_n3A_119 : vector<8x64x64xi1>, vector<8x64x64xf32>
    %mul3A_129 = arith.constant 0.681884765 : f32
    %mul3A_130 = vector.broadcast %mul3A_129 : f32 to vector<8x64xf32>
    %mul3A_131 = arith.mulf %add3A_5, %mul3A_130 : vector<8x64xf32>
    %broadcast_in_dim3A_132 = vector.shape_cast %mul3A_131 : vector<8x64xf32> to vector<8x64x1xf32>
    %gt3A_133 = vector.broadcast %broadcast_in_dim3A_132 : vector<8x64x1xf32> to vector<8x64x64xf32>
    %gt3A_134 = arith.cmpf ogt, %sub3A_30, %gt3A_133 : vector<8x64x64xf32>
    %jit3A_135 = arith.constant 7.083740e-01 : f32
    %broadcast_in_dim3A_136 = vector.broadcast %jit3A_135 : f32 to vector<8x64x64xf32>
    %select_n3A_137 = arith.select %gt3A_134, %broadcast_in_dim3A_136, %select_n3A_128 : vector<8x64x64xi1>, vector<8x64x64xf32>
    %mul3A_138 = arith.constant 0.739685058 : f32
    %mul3A_139 = vector.broadcast %mul3A_138 : f32 to vector<8x64xf32>
    %mul3A_140 = arith.mulf %add3A_5, %mul3A_139 : vector<8x64xf32>
    %broadcast_in_dim3A_141 = vector.shape_cast %mul3A_140 : vector<8x64xf32> to vector<8x64x1xf32>
    %gt3A_142 = vector.broadcast %broadcast_in_dim3A_141 : vector<8x64x1xf32> to vector<8x64x64xf32>
    %gt3A_143 = arith.cmpf ogt, %sub3A_30, %gt3A_142 : vector<8x64x64xf32>
    %jit3A_144 = arith.constant 0.770996093 : f32
    %broadcast_in_dim3A_145 = vector.broadcast %jit3A_144 : f32 to vector<8x64x64xf32>
    %select_n3A_146 = arith.select %gt3A_143, %broadcast_in_dim3A_145, %select_n3A_137 : vector<8x64x64xi1>, vector<8x64x64xf32>
    %mul3A_147 = arith.constant 0.81237793 : f32
    %mul3A_148 = vector.broadcast %mul3A_147 : f32 to vector<8x64xf32>
    %mul3A_149 = arith.mulf %add3A_5, %mul3A_148 : vector<8x64xf32>
    %broadcast_in_dim3A_150 = vector.shape_cast %mul3A_149 : vector<8x64xf32> to vector<8x64x1xf32>
    %gt3A_151 = vector.broadcast %broadcast_in_dim3A_150 : vector<8x64x1xf32> to vector<8x64x64xf32>
    %gt3A_152 = arith.cmpf ogt, %sub3A_30, %gt3A_151 : vector<8x64x64xf32>
    %jit3A_153 = arith.constant 0.853759765 : f32
    %broadcast_in_dim3A_154 = vector.broadcast %jit3A_153 : f32 to vector<8x64x64xf32>
    %select_n3A_155 = arith.select %gt3A_152, %broadcast_in_dim3A_154, %select_n3A_146 : vector<8x64x64xi1>, vector<8x64x64xf32>
    %mul3A_156 = arith.constant 0.926879882 : f32
    %mul3A_157 = vector.broadcast %mul3A_156 : f32 to vector<8x64xf32>
    %mul3A_158 = arith.mulf %add3A_5, %mul3A_157 : vector<8x64xf32>
    %broadcast_in_dim3A_159 = vector.shape_cast %mul3A_158 : vector<8x64xf32> to vector<8x64x1xf32>
    %gt3A_160 = vector.broadcast %broadcast_in_dim3A_159 : vector<8x64x1xf32> to vector<8x64x64xf32>
    %gt3A_161 = arith.cmpf ogt, %sub3A_30, %gt3A_160 : vector<8x64x64xf32>
    %jit3A_162 = arith.constant 1.000000e+00 : f32
    %broadcast_in_dim3A_163 = vector.broadcast %jit3A_162 : f32 to vector<8x64x64xf32>
    %select_n3A_164 = arith.select %gt3A_161, %broadcast_in_dim3A_163, %select_n3A_155 : vector<8x64x64xi1>, vector<8x64x64xf32>
    %broadcast_in_dim3A_165 = vector.shape_cast %add3A_27 : vector<8x64xf32> to vector<8x64x1xf32>
    %mul3A_166 = vector.broadcast %broadcast_in_dim3A_165 : vector<8x64x1xf32> to vector<8x64x64xf32>
    %mul3A_167 = arith.mulf %select_n3A_164, %mul3A_166 : vector<8x64x64xf32>
    %broadcast_in_dim3A_168 = vector.shape_cast %reduce_min3A_2 : vector<8x64xf32> to vector<8x64x1xf32>
    %add3A_169 = vector.broadcast %broadcast_in_dim3A_168 : vector<8x64x1xf32> to vector<8x64x64xf32>
    %add3A_170 = arith.addf %mul3A_167, %add3A_169 : vector<8x64x64xf32>
    %reshape3A_171 = vector.shape_cast %add3A_170 : vector<8x64x64xf32> to vector<8x4096xf32>
    %swap3A = arith.constant 0 : index
    %swap3A_172 = arith.constant 0 : index
    %swap3A_173 = vector.load %arg2[%swap3A, %swap3A_172] : memref<8x4096xf32, #tpu.memory_space<vmem>>, vector<8x4096xf32>
    tpu.vector_store %arg2[%swap3A, %swap3A_172], %reshape3A_171 {strides = array<i32>} : memref<8x4096xf32, #tpu.memory_space<vmem>>, vector<8x4096xf32>,
    return
  }
  func.func @transform_0(%arg0: i32) -> (i32, i32) {
    %add3A = arith.constant 80 : i32
    %add3A_0 = arith.addi %arg0, %add3A : i32
    %c0_i32 = arith.constant 0 : i32
    %c0_i32_1 = arith.constant 0 : i32
    return %add3A_0, %c0_i32 : i32, i32
  }
  func.func @transform_1(%arg0: i32) -> (i32, i32) {
    %c0_i32 = arith.constant 0 : i32
    %c0_i32_0 = arith.constant 0 : i32
    return %arg0, %c0_i32 : i32, i32
  }
}

</mosaic_0001>

<sc_bundles>
// kernel: kernel.4.cloned.1.call-start
scs
__scs_entry_jumppad:
0x0: {  	(pc) =	sbr.rel $0x88, $3  }
0x1: {  	(tag) =	ssettag $0x0;
	lr =	simm.s32 $0x1  }
0x2: {  	[smem:$0x3FA0] =	sst lr;
	_ =	strace $0xD0000000  }
0x3: {  	_ = 	snop  }
0x4: {  	_ = 	snop  }
0x5: {  	_ = 	snop  }
0x6: {  	_ = 	snop  }
0x7: {  	_ = 	snop  }
__scs_overlays_trampoline_lowered:
0x8: {  	[smem:$0x3FAF] =	sst s0  }
0x9: {  	[smem:$0x3FB0] =	sst s1  }
0xa: {  	[smem:$0x3FB1] =	sst s2  }
0xb: {  	[smem:$0x3FB2] =	sst s3  }
0xc: {  	[smem:$0x3FB3] =	sst s4  }
0xd: {  	[smem:$0x3FB4] =	sst s5  }
0xe: {  	[smem:$0x3FB5] =	sst s6  }
0xf: {  	[smem:$0x3FB6] =	sst s7  }
0x10: {  	[smem:$0x3FB7] =	sst s8  }
0x11: {  	[smem:$0x3FB8] =	sst s9;
	s0 =	simm.s32 @!p0 $0x0  }
0x12: {  	s1 =	sld [smem:$0x3F9E];
	s0 =	simm.s32 @p0 $0x1  }
0x13: {  	[smem:$0x3FB9] =	sst s0;
	s0 =	simm.s32 @!p1 $0x0  }
0x14: {  	s2 =	sld [smem:$0x3F9D];
	s0 =	simm.s32 @p1 $0x1  }
0x15: {  	[smem:$0x3FBA] =	sst s0;
	s0 =	simm.s32 @!p2 $0x0  }
0x16: {  	s3 =	sld [smem:$0x3FDB];
	s0 =	simm.s32 @p2 $0x1  }
0x17: {  	s4 =	simm.s32 $0x1BF5;
	[smem:$0x3FBC] =	sst s0  }
0x18: {  	s0 =	sld [smem:$0x3F9F];
	_ =	swait.ge [sflag:s4], $0x0  }
0x19: {  	s7 =	sld [smem:$0x3FA0]  }
0x1a: {  	s8 =	sadd.s32 $0xFFFFE003, lr  }
0x1b: {  	s9 =	sadd.s32 $0xFFFFFEF7, lr;
	s5 =	simm.s32 $0xFFFFFFFF;
	p2 =	slt.u32 s8, $0xFFFFF086  }
0x1c: {  	p1 =	slt.u32 s9, $0xF7A;
	s5 =	simm.s32 @!p2 $0x0  }
0x1d: {  	s5 =	simm.s32 @p1 $0x1;
	p0 =	seq.s32 s7, s2  }
0x1e: {  	s7 =	smul.u32 @!p0 $0xF7A, s2;
	p2 =	seq.s32 @!p0 s5, $0x0  }
0x1f: {  	s9 =	smul.u32 $0xF7A, s1;
	s8 =	simm.s32 @!p0 $0x1BF5;
	p2 =	por !p2, p0  }
0x20: {  	[sflag:s8] =	ssyncset.s32 @!p0 $0xFFFFF086;
	s6 =	sadd.s32 @!p0 s3, s7;
	s7 =	simm.s32 @!p0 $0x108  }
0x21: {  	s3 =	sadd.s32 s3, s9;
	s6 =	sadd.s32 @!p0 $0x88, s6;
	s7 =	simm.s32 @p2 $0x1082  }
0x22: {  	[simem:s7], [sflag:s8] =	dma.local @!p0 [hbm:s6], $0xF7A  }
0x23: {  	s9 =	sor.u32 $0xD0000000, s2;
	s6 =	simm.s32 $0x108;
	_ =	swait.ge @!p0 [sflag:s8], $0x0  }
0x24: {  	s3 =	sadd.s32 $0x88, s3;
	s6 =	simm.s32 @!p1 $0x1082;
	[sflag:s4] =	ssyncset.s32 $0xFFFFF086  }
0x25: {  	[simem:s6], [sflag:s4] =	dma.local [hbm:s3], $0xF7A  }
0x26: {  	[smem:$0x3FA0] =	sst s1;
	(tag) =	ssettag s2;
	_ =	strace s9  }
0x27: {  	s1 =	sld [smem:$0x3FB0]  }
0x28: {  	s2 =	sld [smem:$0x3FB1]  }
0x29: {  	s4 =	sld [smem:$0x3FB3]  }
0x2a: {  	p0 =	seq.s32 s5, $0x0;
	s5 =	sld [smem:$0x3FB4]  }
0x2b: {  	s6 =	sld [smem:$0x3FB5]  }
0x2c: {  	s7 =	sld [smem:$0x3FB6]  }
0x2d: {  	s3 =	simm.s32 $0x108;
	s8 =	sld [smem:$0x3FB7]  }
0x2e: {  	s3 =	simm.s32 @!p0 $0x1082;
	s9 =	sld [smem:$0x3FB8]  }
0x2f: {  	lr =	sadd.s32 s0, s3;
	s0 =	sld [smem:$0x3FAF]  }
0x30: {  	s3 =	sld [smem:$0x3FB2]  }
0x31: {  	[smem:$0x3FBB] =	sst s10  }
0x32: {  	s10 =	sld [smem:$0x3FB9];
	_ =	sdelay $0x3  }
0x33: {  	p0 =	seq.s32 s10, $0x1;
	s10 =	sld [smem:$0x3FBB];
	_ =	sdelay $0x3  }
0x34: {  	[smem:$0x3FBB] =	sst s10  }
0x35: {  	s10 =	sld [smem:$0x3FBA];
	_ =	sdelay $0x3  }
0x36: {  	p1 =	seq.s32 s10, $0x1;
	s10 =	sld [smem:$0x3FBB];
	_ =	sdelay $0x3  }
0x37: {  	[smem:$0x3FBB] =	sst s10  }
0x38: {  	s10 =	sld [smem:$0x3FBC]  }
0x39: {  	_ = 	snop;
	(pc) =	sbr.ind lr, $3  }
0x3a: {  	_ = 	snop  }
0x3b: {  	_ = 	snop  }
0x3c: {  	p2 =	seq.s32 s10, $0x1;
	s10 =	sld [smem:$0x3FBB]  }
0x3d: {  	_ =	shalt  }
0x3e: {  	_ =	shalt  }
0x3f: {  	_ =	shalt  }
0x40: {  	_ =	shalt  }
0x41: {  	_ =	shalt  }
0x42: {  	_ =	shalt  }
0x43: {  	_ =	shalt  }
0x44: {  	_ =	shalt  }
0x45: {  	_ =	shalt  }
0x46: {  	_ =	shalt  }
0x47: {  	_ =	shalt  }
0x48: {  	_ =	shalt  }
0x49: {  	_ =	shalt  }
0x4a: {  	_ =	shalt  }
0x4b: {  	_ =	shalt  }
0x4c: {  	_ =	shalt  }
0x4d: {  	_ =	shalt  }
0x4e: {  	_ =	shalt  }
0x4f: {  	_ =	shalt  }
0x50: {  	_ =	shalt  }
0x51: {  	_ =	shalt  }
0x52: {  	_ =	shalt  }
0x53: {  	_ =	shalt  }
0x54: {  	_ =	shalt  }
0x55: {  	_ =	shalt  }
0x56: {  	_ =	shalt  }
0x57: {  	_ =	shalt  }
0x58: {  	_ =	shalt  }
0x59: {  	_ =	shalt  }
0x5a: {  	_ =	shalt  }
0x5b: {  	_ =	shalt  }
0x5c: {  	_ =	shalt  }
0x5d: {  	_ =	shalt  }
0x5e: {  	_ =	shalt  }
0x5f: {  	_ =	shalt  }
0x60: {  	_ =	shalt  }
0x61: {  	_ =	shalt  }
0x62: {  	_ =	shalt  }
0x63: {  	_ =	shalt  }
0x64: {  	_ =	shalt  }
0x65: {  	_ =	shalt  }
0x66: {  	_ =	shalt  }
0x67: {  	_ =	shalt  }
0x68: {  	_ =	shalt  }
0x69: {  	_ =	shalt  }
0x6a: {  	_ =	shalt  }
0x6b: {  	_ =	shalt  }
0x6c: {  	_ =	shalt  }
0x6d: {  	_ =	shalt  }
0x6e: {  	_ =	shalt  }
0x6f: {  	_ =	shalt  }
0x70: {  	_ =	shalt  }
0x71: {  	_ =	shalt  }
0x72: {  	_ =	shalt  }
0x73: {  	_ =	shalt  }
0x74: {  	_ =	shalt  }
0x75: {  	_ =	shalt  }
0x76: {  	_ =	shalt  }
0x77: {  	_ =	shalt  }
0x78: {  	_ =	shalt  }
0x79: {  	_ =	shalt  }
0x7a: {  	_ =	shalt  }
0x7b: {  	_ =	shalt  }
0x7c: {  	_ =	shalt  }
0x7d: {  	_ =	shalt  }
0x7e: {  	_ =	shalt  }
0x7f: {  	_ =	shalt  }
0x80: {  	_ =	shalt  }
0x81: {  	_ =	shalt  }
0x82: {  	_ =	shalt  }
0x83: {  	_ =	shalt  }
0x84: {  	_ =	shalt  }
0x85: {  	_ =	shalt  }
0x86: {  	_ =	shalt  }
0x87: {  	_ =	shalt  }
.Lfunc_end0:
.L_simem_size_0:
called_computation_lowered:
.L_overlay_start_0:
0x88: {  	s2 =	sld [smem:$0x3FD9]  }
0x89: {  	s3 =	sld [smem:$0x3FFE];
	_ =	sdelay $0x1  }
0x8a: {  	s1 =	srdreg.scid  }
0x8b: {  	s0 =	sand.u32 $0x1, s1  }
0x8c: {  	s17 =	sshll.u32 s0, $0xA;
	s2 =	sadd.s32 s3, s2  }
0x8d: {  	s2 =	sadd.s32 s2, s17  }
0x8e: {  	[smem:$0x3FC7] =	sst s2  }
0x8f: {  	_ = 	snop  }
0x90: {  	s2 =	sld [smem:$0x3FC9];
	(tm) =	ssettm $0x1  }
0x91: {  	s18 =	sld [smem:$0x3FFB];
	_ =	sdelay $0x3  }
0x92: {  	_ =	strace s18  }
0x93: {  	s3 =	sld [smem:$0x3FFC];
	_ =	sdelay $0x3  }
0x94: {  	_ =	strace s3  }
0x95: {  	s3 =	sld [smem:$0x3FFD];
	_ =	sdelay $0x3  }
0x96: {  	_ =	strace s3  }
0x97: {  	_ =	strace $0x8FFFFFFF  }
0x98: {  	s19 =	sld [smem:$0x3FDB];
	_ =	sdelay $0x1  }
0x99: {  	s4 =	simm.s32 $_scs_section_size  }
0x9a: {  	s5 =	simm.s32 $_size__tile_overlayer_lowered;
	s6 =	simm.s32 $_tile_overlayer_lowered  }
0x9b: {  	s22 =	simm.s32 $0x1BFF;
	s21 =	sshll.u32 s6, $0x1;
	s3 =	sadd.s32 s4, s19  }
0x9c: {  	s7 =	simm.s32 $0x0;
	s20 =	sshll.u32 s5, $0x1;
	s5 =	sadd.s32 s21, s3  }
0x9d: {  	[timem:s7], [sflag:s22] =	dma.local [hbm:s5], s20  }
0x9e: {  	_ =	swait.ge [sflag:s22], s20  }
0x9f: {  	s4 =	ssub.s32 $0x0, s20;
	[sflag:s22] =	ssyncset.done $0x0  }
0xa0: {  	[sflag:s22] =	ssyncadd.s32 s4;
	_ =	sdelay $0x1  }
0xa1: {  	s23 =	simm.s32 $0x1B8B  }
0xa2: {  	_ =	swait.ge [sflag:s23], $0x1  }
0xa3: {  	[sflag:s23] =	ssyncset.done $0x0  }
0xa4: {  	s25 =	simm.s32 $0x1B8E;
	s24 =	sld [smem:$0x3FFE];
	[sflag:s23] =	ssyncadd.s32 $0xFFFFFFFF  }
0xa5: {  	s26 =	simm.s32 $execute0_lowered;
	[smem:$0x3FD2] =	sst s25  }
0xa6: {  	s5 =	sshll.u32 s26, $0x1;
	_ =	strace $0x80000046;
	[dreg:$0x1] =	wrdreg $0xFFFFFFFF  }
0xa7: {  	s28 =	simm.s32 $_size_execute0_lowered;
	s3 =	sadd.s32 s3, s5;
	[dreg:$0x0] =	wrdreg $0x0  }
0xa8: {  	s5 =	sshll.u32 s28, $0x1;
	[dreg:$0x2] =	wrdreg s3  }
0xa9: {  	[dreg:$0x3] =	wrdreg s5  }
0xaa: {  	[dreg:$0x4] =	wrdreg $0xC0  }
0xab: {  	_ =	task [dreg:s7], $0x5FFFF  }
0xac: {  	[dreg:$0x1] =	wrdreg $0xFFFFFFFF  }
0xad: {  	[dreg:$0x0] =	wrdreg $0x60  }
0xae: {  	[dreg:$0x2] =	wrdreg s2  }
0xaf: {  	[dreg:$0x3] =	wrdreg s24  }
0xb0: {  	[dreg:$0x4] =	wrdreg $0x9  }
0xb1: {  	_ =	task.clear_ibuf [dreg:s7], $0x5FFFF;
	_ =	strace $0x90000046  }
0xb2: {  	s29 =	simm.s32 $0x9;
	_ =	strace $0x80000048  }
0xb3: {  	_ =	swait.ge [sflag:s29], $0x1  }
0xb4: {  	[sflag:s29] =	ssyncadd.s32 $0xFFFFFFFF  }
0xb5: {  	_ =	strace $0x90000048  }
0xb6: {  	_ =	sfence  }
0xb7: {  	s30 =	sld [smem:$0x0];
	_ =	sdelay $0x2  }
0xb8: {  	s31 =	sshll.u32 s1, $0xD;
	s1 =	sshrl.u32 s1, $0x2  }
0xb9: {  	s3 =	sand.u32 $0x4000, s31;
	s1 =	sadd.s32 s1, s30  }
0xba: {  	s0 =	sor.u32 s3, s0;
	s1 =	sshll.u32 s1, $0x11  }
0xbb: {  	s0 =	sor.u32 s1, s0  }
0xbc: {  	s0 =	sadd.s32 $0x8F2B, s0  }
0xbd: {  	[sflag:s0] =	ssyncadd.remote.s32 $0x1  }
0xbe: {  	_ =	sfence.sel $0xFFFF  }
0xbf: {  	[dreg:$0x0] =	wrdreg $0xFFFFFFFF;
	(pc) =	sbr.abs _section_cstart, $3  }
0xc0: {  	[dreg:$0x1] =	wrdreg $0xFFFFFFFF  }
0xc1: {  	_ =	task.clear_ibuf [dreg:s7], $0x2FFFF;
	_ =	strace $0x9FFFFFFF  }
0xc2: {  	(tm) =	ssettm $0x7FFFFFFF  }
0xc3: {  	_ =	shalt  }
tec
execute0_lowered:
.L_overlay_start_1:
0x0: {  	(tag) =	ssettag $0x1  }
0x1: {  	v1 =	vlaneseq.u32  }
0x2: {  	s4 =	rddreg [dreg:$0x0];
	s1 =	simm.s32 $0x0;
	v0 =	vand.u32 $0x1, v1  }
0x3: {  	[smem:$0x7FF] =	sst s1;
	v3 =	vmul.u32 $0x40, v0  }
0x4: {  	s0 =	rddreg [dreg:$0x1];
	v1 =	vmul.u32 $0x40, v1;
	_ =	strace $0x80000047;
	v0 =	vimm.f32 $2.550000000e+02  }
0x5: {  	(erf) = vrcp.f32 v0;
	v0 =	vor.u32 $0xFFFFF380, v3  }
0x6: {  	[tilespmem:$0x1FC20] =	vst v0;
	v0 =	vor.u32 $0x1, v1  }
0x7: {  	[tilespmem:$0x1FC30] =	vst v0;
	v0 =	vor.u32 $0x2, v1  }
0x8: {  	[tilespmem:$0x1FC40] =	vst v0;
	v0 =	vor.u32 $0x3, v1  }
0x9: {  	[tilespmem:$0x1FC50] =	vst v0;
	v0 =	vor.u32 $0x4, v1  }
0xa: {  	[tilespmem:$0x1FC60] =	vst v0;
	v0 =	vor.u32 $0x5, v1  }
0xb: {  	[tilespmem:$0x1FC70] =	vst v0;
	v0 =	vor.u32 $0x6, v1  }
0xc: {  	[tilespmem:$0x1FC80] =	vst v0;
	v0 =	vor.u32 $0x7, v1  }
0xd: {  	[tilespmem:$0x1FC90] =	vst v0;
	v0 =	vor.u32 $0x8, v1  }
0xe: {  	[tilespmem:$0x1FCA0] =	vst v0;
	v0 =	vor.u32 $0x9, v1  }
0xf: {  	[tilespmem:$0x1FCB0] =	vst v0;
	v0 =	vor.u32 $0xA, v1  }
0x10: {  	[tilespmem:$0x1FCC0] =	vst v0;
	v0 =	vor.u32 $0xB, v1  }
0x11: {  	[tilespmem:$0x1FCD0] =	vst v0;
	v0 =	vor.u32 $0xC, v1  }
0x12: {  	[tilespmem:$0x1FCE0] =	vst v0;
	v0 =	vor.u32 $0xD, v1  }
0x13: {  	[tilespmem:$0x1FCF0] =	vst v0;
	v0 =	vor.u32 $0xE, v1  }
0x14: {  	[tilespmem:$0x1FD00] =	vst v0;
	v0 =	vor.u32 $0xF, v1  }
0x15: {  	[tilespmem:$0x1FD10] =	vst v0;
	v0 =	vor.u32 $0x10, v1  }
0x16: {  	[tilespmem:$0x1FD20] =	vst v0;
	v0 =	vor.u32 $0x11, v1  }
0x17: {  	[tilespmem:$0x1FD30] =	vst v0;
	v0 =	vor.u32 $0x12, v1  }
0x18: {  	[tilespmem:$0x1FD40] =	vst v0;
	v0 =	vor.u32 $0x13, v1  }
0x19: {  	[tilespmem:$0x1FD50] =	vst v0;
	v0 =	vor.u32 $0x14, v1  }
0x1a: {  	[tilespmem:$0x1FD60] =	vst v0;
	v0 =	vor.u32 $0x15, v1  }
0x1b: {  	[tilespmem:$0x1FD70] =	vst v0;
	v0 =	vor.u32 $0x16, v1  }
0x1c: {  	[tilespmem:$0x1FD80] =	vst v0;
	v0 =	vor.u32 $0x17, v1  }
0x1d: {  	[tilespmem:$0x1FD90] =	vst v0;
	v0 =	vor.u32 $0x18, v1  }
0x1e: {  	[tilespmem:$0x1FDA0] =	vst v0;
	v0 =	vor.u32 $0x19, v1  }
0x1f: {  	[tilespmem:$0x1FDB0] =	vst v0;
	v0 =	vor.u32 $0x1A, v1  }
0x20: {  	[tilespmem:$0x1FDC0] =	vst v0;
	v0 =	vor.u32 $0x1B, v1  }
0x21: {  	[tilespmem:$0x1FDD0] =	vst v0;
	v0 =	vor.u32 $0x1C, v1  }
0x22: {  	[tilespmem:$0x1FDE0] =	vst v0;
	v0 =	vor.u32 $0x1D, v1  }
0x23: {  	[tilespmem:$0x1FDF0] =	vst v0;
	v0 =	vor.u32 $0x1E, v1  }
0x24: {  	[tilespmem:$0x1FE00] =	vst v0;
	v0 =	vor.u32 $0x1F, v1  }
0x25: {  	[tilespmem:$0x1FE10] =	vst v0;
	v0 =	vor.u32 $0x20, v1  }
0x26: {  	[tilespmem:$0x1FE20] =	vst v0;
	v0 =	vor.u32 $0x21, v1  }
0x27: {  	[tilespmem:$0x1FE30] =	vst v0;
	v0 =	vor.u32 $0x22, v1  }
0x28: {  	[tilespmem:$0x1FE40] =	vst v0;
	v0 =	vor.u32 $0x23, v1  }
0x29: {  	[tilespmem:$0x1FE50] =	vst v0;
	v0 =	vor.u32 $0x24, v1  }
0x2a: {  	[tilespmem:$0x1FE60] =	vst v0;
	v0 =	vor.u32 $0x25, v1  }
0x2b: {  	[tilespmem:$0x1FE70] =	vst v0;
	v0 =	vor.u32 $0x26, v1  }
0x2c: {  	[tilespmem:$0x1FE80] =	vst v0;
	v0 =	vor.u32 $0x27, v1  }
0x2d: {  	[tilespmem:$0x1FE90] =	vst v0;
	v0 =	vor.u32 $0x28, v1  }
0x2e: {  	[tilespmem:$0x1FEA0] =	vst v0;
	v0 =	vor.u32 $0x29, v1  }
0x2f: {  	[tilespmem:$0x1FEB0] =	vst v0;
	v0 =	vor.u32 $0x2A, v1  }
0x30: {  	[tilespmem:$0x1FEC0] =	vst v0;
	v0 =	vor.u32 $0x2B, v1  }
0x31: {  	[tilespmem:$0x1FED0] =	vst v0;
	v0 =	vor.u32 $0x2C, v1  }
0x32: {  	[tilespmem:$0x1FEE0] =	vst v0;
	v0 =	vor.u32 $0x2D, v1  }
0x33: {  	[tilespmem:$0x1FEF0] =	vst v0;
	v0 =	vor.u32 $0x2E, v1  }
0x34: {  	[tilespmem:$0x1FF00] =	vst v0;
	v0 =	vor.u32 $0x2F, v1  }
0x35: {  	[tilespmem:$0x1FF10] =	vst v0;
	v0 =	vor.u32 $0x30, v1  }
0x36: {  	[tilespmem:$0x1FF20] =	vst v0;
	v0 =	vor.u32 $0x31, v1  }
0x37: {  	s20 =	srdreg.scid;
	s2 =	stileid.u32;
	[tilespmem:$0x1FF30] =	vst v0;
	v0 =	vor.u32 $0x32, v1  }
0x38: {  	s1 =	sand.u32 $0x1, s20;
	s2 =	sshll.u32 s2, $0x1;
	[tilespmem:$0x1FF40] =	vst v0;
	v0 =	vor.u32 $0x33, v1  }
0x39: {  	s2 =	sor.u32 s1, s2;
	[tilespmem:$0x1FF50] =	vst v0;
	v0 =	vor.u32 $0x34, v1  }
0x3a: {  	s0 =	sadd.s32 $0x400, s0;
	s21 =	ssub.s32 $0x2, s1;
	s3 =	smul.u32 $0x14000, s2;
	[tilespmem:$0x1FF60] =	vst v0;
	v0 =	vor.u32 $0x35, v1  }
0x3b: {  	[dreg:$0x3] =	wrdreg s0;
	s10 =	smul.u32 $0x14, s2;
	s23 =	sshrl.u32 s21, $0x1;
	[tilespmem:$0x1FF70] =	vst v0;
	v0 =	vor.u32 $0x36, v1  }
0x3c: {  	s1 =	sshll.u32 s1, $0x9;
	s0 =	ssub.s32 s21, s23;
	s22 =	sand.u32 $0x3F8000, s3;
	[tilespmem:$0x1FF80] =	vst v0;
	v0 =	vor.u32 $0x37, v1  }
0x3d: {  	s24 =	sadd.s32 $0x4, s10;
	s0 =	smax.u32 s0, $0x1;
	s1 =	sor.u32 s1, s22;
	[tilespmem:$0x1FF90] =	vst v0;
	v0 =	vor.u32 $0x38, v1  }
0x3e: {  	[dreg:$0x4] =	wrdreg s10;
	s25 =	sshll.u32 s24, $0x4;
	s1 =	sshrl.u32 s1, $0x3;
	[tilespmem:$0x1FFA0] =	vst v0;
	v0 =	vor.u32 $0x39, v1  }
0x3f: {  	[tilespmem:$0x1FFE0] =	vst v1;
	s26 =	sshll.u32 s24, $0x9;
	[dreg:$0xa] =	wrdreg s0;
	s5 =	sadd.s32 s4, s1  }
0x40: {  	[tilespmem:$0x1FC10] =	vst v3;
	s28 =	sand.u32 $0x40, s25;
	s29 =	sadd.s32 $0x10, s5;
	[dreg:$0x5] =	wrdreg s5  }
0x41: {  	s1 =	sand.u32 $0xFF000, s26;
	s30 =	sadd.s32 $0x20, s5;
	[dreg:$0x6] =	wrdreg s29;
	[tilespmem:$0x1FFB0] =	vst v0;
	v0 =	vpop (erf)  }
0x42: {  	s2 =	sadd.s32 s4, s28;
	s31 =	sadd.s32 $0x30, s5;
	[dreg:$0x7] =	wrdreg s30;
	[tilespmem:$0x1FFC0] =	vst v0;
	v0 =	vor.u32 $0x3A, v1  }
0x43: {  	s20 =	simm.s32 $0x14000;
	s1 =	sadd.s32 s1, s2;
	[dreg:$0x8] =	wrdreg s31;
	[tilespmem:$0x1FFD0] =	vst v0;
	v0 =	vor.u32 $0x3B, v1  }
0x44: {  	s21 =	simm.s32 $0x14400;
	s2 =	simm.s32 $0x0;
	[dreg:$0x9] =	wrdreg s1;
	[tilespmem:$0x1FFF0] =	vst v0;
	v0 =	vimm.s32 $0x0  }
.LBB2_1:
0x45: {  	[dreg:$0xb] =	wrdreg s2  }
0x46: {  	s0 =	simm.s32 $0x0;
	s1 =	rddreg [dreg:$0x5]  }
0x47: {  	s22 =	simm.s32 $0x80;
	s3 =	simm.s32 $0x400;
	s23 =	rddreg [dreg:$0x6]  }
0x48: {  	[tilespmem:s0], [sflag:$0x1] =	stream.strided.gather [hbm4b:s1+s22], $0x1000, s3, s22, $0x38;
	[tilespmem:$0x14800] =	vst v63  }
0x49: {  	s24 =	simm.s32 $0x1000;
	s25 =	rddreg [dreg:$0x7]  }
0x4a: {  	[tilespmem:s24], [sflag:$0x1] =	stream.strided.gather [hbm4b:s23+s22], $0x1000, s3, s22, $0x38;
	[tilespmem:$0x14800] =	vst v63  }
0x4b: {  	s26 =	simm.s32 $0x2000;
	s28 =	rddreg [dreg:$0x8]  }
0x4c: {  	[tilespmem:s26], [sflag:$0x1] =	stream.strided.gather [hbm4b:s25+s22], $0x1000, s3, s22, $0x38;
	[tilespmem:$0x14800] =	vst v63  }
0x4d: {  	s29 =	simm.s32 $0x3000;
	s30 =	rddreg [dreg:$0x9]  }
0x4e: {  	[tilespmem:s29], [sflag:$0x1] =	stream.strided.gather [hbm4b:s28+s22], $0x1000, s3, s22, $0x38;
	[tilespmem:$0x14800] =	vst v63  }
0x4f: {  	s31 =	simm.s32 $0x4000;
	p0 =	por $0x0, $0x0;
	s0 =	simm.s32 $0x0  }
0x50: {  	[tilespmem:s31], [sflag:$0x1] =	stream.strided.gather [hbm4b:s30+s22], $0x1000, s3, s22, $0x38;
	[tilespmem:$0x14800] =	vst v63  }
.LBB2_2:
0x51: {  	s5 =	simm.s32 $0x1  }
0x52: {  	_ =	swait.ge [sflag:s5], $0x1000  }
0x53: {  	[sflag:s5] =	ssyncset.done $0x0  }
0x54: {  	[sflag:s5] =	ssyncadd.s32 $0xFFFFF000  }
0x55: {  	_ =	swait.ge [sflag:s5], $0x1000  }
0x56: {  	[sflag:s5] =	ssyncset.done $0x0  }
0x57: {  	[sflag:s5] =	ssyncadd.s32 $0xFFFFF000  }
0x58: {  	_ =	swait.ge [sflag:s5], $0x1000  }
0x59: {  	[sflag:s5] =	ssyncset.done $0x0  }
0x5a: {  	[sflag:s5] =	ssyncadd.s32 $0xFFFFF000  }
0x5b: {  	s1 =	sadd.s32 $0x1, s0;
	p1 =	seq.s32 s0, $0x3;
	_ =	swait.ge [sflag:s5], $0x1000  }
0x5c: {  	s2 =	smul.u32 @!p1 $0x5, s1;
	[sflag:s5] =	ssyncset.done $0x0  }
0x5d: {  	[dreg:$0xc] =	wrdreg s1;
	[sflag:s5] =	ssyncadd.s32 $0xFFFFF000  }
0x5e: {  	s2 =	sadd.s32 @!p1 s10, s2;
	_ =	swait.ge [sflag:s5], $0x1000  }
0x5f: {  	s4 =	sshll.u32 @!p1 s2, $0x4;
	s1 =	sand.u32 $0x1, s0;
	[sflag:s5] =	ssyncset.done $0x0  }
0x60: {  	s4 =	sand.u32 @!p1 $0x70, s4;
	s3 =	sxor.u32 @!p1 $0x1, s1;
	[sflag:s5] =	ssyncadd.s32 $0xFFFFF000  }
0x61: {  	s3 =	smul.u32 @!p1 $0x14000, s3;
	s5 =	sshll.u32 @!p1 s2, $0x9;
	s9 =	rddreg [dreg:$0x0]  }
0x62: {  	s6 =	simm.s32 @!p1 $0x400;
	s5 =	sand.u32 @!p1 $0xFFFF000, s5;
	s4 =	sadd.s32 @!p1 s9, s4  }
0x63: {  	s3 =	sshrl.u32 @!p1 s3, $0x2;
	s4 =	sadd.s32 @!p1 s5, s4;
	s5 =	simm.s32 @!p1 $0x80  }
0x64: {  	[tilespmem:s3], [sflag:$0x1] =	stream.strided.gather @!p1 [hbm4b:s4+s5], $0x1000, s6, s5, $0x38;
	[tilespmem:$0x14800] =	vst v63  }
0x65: {  	s4 =	sadd.s32 @!p1 $0x1, s2  }
0x66: {  	s7 =	sshll.u32 @!p1 s4, $0x4  }
0x67: {  	s4 =	sshll.u32 @!p1 s4, $0x9;
	s7 =	sand.u32 @!p1 $0x70, s7  }
0x68: {  	s4 =	sand.u32 @!p1 $0xFFFF000, s4;
	s7 =	sadd.s32 @!p1 s9, s7  }
0x69: {  	s8 =	sadd.s32 @!p1 $0x1000, s3;
	s4 =	sadd.s32 @!p1 s4, s7  }
0x6a: {  	[tilespmem:s8], [sflag:$0x1] =	stream.strided.gather @!p1 [hbm4b:s4+s5], $0x1000, s6, s5, $0x38;
	[tilespmem:$0x14800] =	vst v63  }
0x6b: {  	s4 =	sadd.s32 @!p1 $0x2, s2  }
0x6c: {  	s7 =	sshll.u32 @!p1 s4, $0x4  }
0x6d: {  	s4 =	sshll.u32 @!p1 s4, $0x9;
	s7 =	sand.u32 @!p1 $0x70, s7  }
0x6e: {  	s4 =	sand.u32 @!p1 $0xFFFF000, s4;
	s7 =	sadd.s32 @!p1 s9, s7  }
0x6f: {  	s8 =	sadd.s32 @!p1 $0x2000, s3;
	s4 =	sadd.s32 @!p1 s4, s7  }
0x70: {  	[tilespmem:s8], [sflag:$0x1] =	stream.strided.gather @!p1 [hbm4b:s4+s5], $0x1000, s6, s5, $0x38;
	[tilespmem:$0x14800] =	vst v63  }
0x71: {  	s4 =	sadd.s32 @!p1 $0x3, s2  }
0x72: {  	s7 =	sshll.u32 @!p1 s4, $0x4  }
0x73: {  	s4 =	sshll.u32 @!p1 s4, $0x9;
	s7 =	sand.u32 @!p1 $0x70, s7  }
0x74: {  	s4 =	sand.u32 @!p1 $0xFFFF000, s4;
	s7 =	sadd.s32 @!p1 s9, s7  }
0x75: {  	s8 =	sadd.s32 @!p1 $0x3000, s3;
	s2 =	sadd.s32 @!p1 $0x4, s2;
	s4 =	sadd.s32 @!p1 s4, s7  }
0x76: {  	[tilespmem:s8], [sflag:$0x1] =	stream.strided.gather @!p1 [hbm4b:s4+s5], $0x1000, s6, s5, $0x38;
	[tilespmem:$0x14800] =	vst v63  }
0x77: {  	s4 =	sshll.u32 @!p1 s2, $0x4  }
0x78: {  	s2 =	sshll.u32 @!p1 s2, $0x9;
	s4 =	sand.u32 @!p1 $0x70, s4  }
0x79: {  	s2 =	sand.u32 @!p1 $0xFFFF000, s2;
	s4 =	sadd.s32 @!p1 s9, s4  }
0x7a: {  	p2 =	slt.u32 @!p1 s0, $0x2;
	s3 =	sadd.s32 @!p1 $0x4000, s3;
	s2 =	sadd.s32 @!p1 s2, s4  }
0x7b: {  	[tilespmem:s3], [sflag:$0x1] =	stream.strided.gather @!p1 [hbm4b:s2+s5], $0x1000, s6, s5, $0x38;
	[tilespmem:$0x14800] =	vst v63  }
0x7c: {  	p1 =	por p1, !p2  }
0x7d: {  	s2 =	simm.s32 @p1 $0x2  }
0x7e: {  	_ =	swait.ge @p1 [sflag:s2], $0x1000  }
0x7f: {  	[sflag:s2] =	ssyncset.done @p1 $0x0  }
0x80: {  	s14 =	smul.u32 $0x5, s0;
	[sflag:s2] =	ssyncadd.s32 @p1 $0xFFFFF000  }
0x81: {  	_ =	swait.ge @p1 [sflag:s2], $0x1000  }
0x82: {  	s0 =	sadd.s32 s10, s14;
	s1 =	smul.u32 $0x5000, s1;
	[sflag:s2] =	ssyncset.done @p1 $0x0  }
0x83: {  	s15 =	sshll.u32 s0, $0x9;
	s16 =	sshll.u32 s0, $0x4;
	[sflag:s2] =	ssyncadd.s32 @p1 $0xFFFFF000  }
0x84: {  	s19 =	sadd.s32 $0x1, s0;
	s23 =	sadd.s32 $0x2, s0;
	_ =	swait.ge @p1 [sflag:s2], $0x1000  }
0x85: {  	s26 =	sadd.s32 $0x3, s0;
	s0 =	sadd.s32 $0x4, s0;
	[sflag:s2] =	ssyncset.done @p1 $0x0  }
0x86: {  	s18 =	sand.u32 $0x70, s16;
	s22 =	sshll.u32 s19, $0x9;
	[sflag:s2] =	ssyncadd.s32 @p1 $0xFFFFF000  }
0x87: {  	s24 =	sshll.u32 s23, $0x9;
	s25 =	sshll.u32 s23, $0x4;
	_ =	swait.ge @p1 [sflag:s2], $0x1000  }
0x88: {  	s28 =	sshll.u32 s26, $0x9;
	s30 =	sshll.u32 s0, $0x9;
	[sflag:s2] =	ssyncset.done @p1 $0x0  }
0x89: {  	s0 =	sshll.u32 s0, $0x4;
	s31 =	sand.u32 $0xFFFF000, s30;
	[sflag:s2] =	ssyncadd.s32 @p1 $0xFFFFF000  }
0x8a: {  	s0 =	sand.u32 $0x70, s0;
	_ =	swait.ge @p1 [sflag:s2], $0x1000;
	[dreg:$0xd] =	wrdreg s1  }
0x8b: {  	s1 =	sand.u32 $0xFFFF000, s15;
	[dreg:$0x13] =	wrdreg s18;
	[sflag:s2] =	ssyncset.done @p1 $0x0  }
0x8c: {  	[dreg:$0x16] =	wrdreg s31;
	[sflag:s2] =	ssyncadd.s32 @p1 $0xFFFFF000;
	s2 =	simm.s32 $0x1  }
0x8d: {  	[dreg:$0x11] =	wrdreg s1;
	s1 =	sshll.u32 s19, $0x4;
	s2 =	simm.s32 @!p0 $0x0  }
0x8e: {  	[dreg:$0x19] =	wrdreg s0;
	s1 =	sand.u32 $0x70, s1;
	s13 =	smul.u32 $0x5000, s2  }
0x8f: {  	[dreg:$0x17] =	wrdreg s1;
	s1 =	sand.u32 $0xFFFF000, s24;
	s2 =	smul.u32 $0x14000, s2  }
0x90: {  	s29 =	sshll.u32 s26, $0x4;
	[dreg:$0x12] =	wrdreg s1;
	s1 =	sand.u32 $0x70, s25  }
0x91: {  	[dreg:$0x18] =	wrdreg s1;
	s1 =	sand.u32 $0xFFFF000, s28;
	s2 =	sshrl.u32 s2, $0x2  }
0x92: {  	[dreg:$0x15] =	wrdreg s1;
	s1 =	sand.u32 $0x70, s29;
	s7 =	sadd.s32 $0xA020, s2  }
0x93: {  	s17 =	sor.u32 $0x20, s2;
	s2 =	sand.u32 $0xFFFF000, s22;
	[dreg:$0x1a] =	wrdreg s1  }
0x94: {  	s0 =	simm.s32 $0x0;
	s13 =	sor.u32 $0x40, s13;
	[dreg:$0x14] =	wrdreg s2  }
.LBB2_3:
0x95: {  	v40 =	vld [tilespmem:$0x1FFE0]  }
0x96: {  	v3 =	vld [tilespmem:$0x1FC20]  }
0x97: {  	v36 =	vld [tilespmem:$0x1FC30]  }
0x98: {  	v37 =	vld [tilespmem:$0x1FC40]  }
0x99: {  	v38 =	vld [tilespmem:$0x1FC50]  }
0x9a: {  	v39 =	vld [tilespmem:$0x1FC60]  }
0x9b: {  	v41 =	vld [tilespmem:$0x1FC70]  }
0x9c: {  	v42 =	vld [tilespmem:$0x1FC80]  }
0x9d: {  	v43 =	vld [tilespmem:$0x1FC90]  }
0x9e: {  	v44 =	vld [tilespmem:$0x1FCA0]  }
0x9f: {  	v45 =	vld [tilespmem:$0x1FCB0]  }
0xa0: {  	v46 =	vld [tilespmem:$0x1FCC0]  }
0xa1: {  	v47 =	vld [tilespmem:$0x1FCD0]  }
0xa2: {  	v48 =	vld [tilespmem:$0x1FCE0]  }
0xa3: {  	v49 =	vld [tilespmem:$0x1FCF0]  }
0xa4: {  	v50 =	vld [tilespmem:$0x1FD00]  }
0xa5: {  	v51 =	vld [tilespmem:$0x1FD10]  }
0xa6: {  	v52 =	vld [tilespmem:$0x1FD20]  }
0xa7: {  	v53 =	vld [tilespmem:$0x1FD30]  }
0xa8: {  	v55 =	vld [tilespmem:$0x1FD40]  }
0xa9: {  	v56 =	vld [tilespmem:$0x1FD50]  }
0xaa: {  	v58 =	vld [tilespmem:$0x1FD60]  }
0xab: {  	v59 =	vld [tilespmem:$0x1FD70]  }
0xac: {  	v54 =	vld [tilespmem:$0x1FD80]  }
0xad: {  	s18 =	sshll.u32 s0, $0xC;
	s1 =	rddreg [dreg:$0xd];
	v2 =	vld [tilespmem:$0x1FD90]  }
0xae: {  	[dreg:$0x1b] =	wrdreg s0;
	v57 =	vld [tilespmem:$0x1FDA0];
	s0 =	sadd.s32 s1, s18  }
0xaf: {  	v27 =	vld [tilespmem:$0x1FDD0];
	v4 =	vor.u32 s0, v37  }
0xb0: {  	v60 =	vld [tilespmem:$0x1FEF0];
	v5 =	vor.u32 s0, v38  }
0xb1: {  	v61 =	vld [tilespmem:$0x1FF00];
	v6 =	vor.u32 s0, v39  }
0xb2: {  	v62 =	vld [tilespmem:$0x1FF10];
	v7 =	vor.u32 s0, v41  }
0xb3: {  	v63 =	vld [tilespmem:$0x1FF20];
	s18 =	simm.s32 $0x0;
	v8 =	vor.u32 s0, v42  }
0xb4: {  	v9 =	vor.u32 s0, v43;
	v4 =	vld.idx.msk [tilespmem:v4+s18+$0x0], $0xffff  }
0xb5: {  	v10 =	vor.u32 s0, v44;
	v5 =	vld.idx.msk [tilespmem:v5+s18+$0x0], $0xffff  }
0xb6: {  	v11 =	vor.u32 s0, v45;
	v6 =	vld.idx.msk [tilespmem:v6+s18+$0x0], $0xffff  }
0xb7: {  	v12 =	vor.u32 s0, v46;
	v7 =	vld.idx.msk [tilespmem:v7+s18+$0x0], $0xffff  }
0xb8: {  	v13 =	vor.u32 s0, v47;
	v8 =	vld.idx.msk [tilespmem:v8+s18+$0x0], $0xffff  }
0xb9: {  	v14 =	vor.u32 s0, v48;
	v9 =	vld.idx.msk [tilespmem:v9+s18+$0x0], $0xffff  }
0xba: {  	v1 =	vor.u32 s0, v40;
	v15 =	vor.u32 s0, v49;
	v10 =	vld.idx.msk [tilespmem:v10+s18+$0x0], $0xffff  }
0xbb: {  	v1 =	vand.u32 v3, v1;
	v11 =	vld.idx.msk [tilespmem:v11+s18+$0x0], $0xffff  }
0xbc: {  	v3 =	vor.u32 s0, v36;
	v12 =	vld.idx.msk [tilespmem:v12+s18+$0x0], $0xffff  }
0xbd: {  	v16 =	vor.u32 s0, v50;
	v13 =	vld.idx.msk [tilespmem:v13+s18+$0x0], $0xffff  }
0xbe: {  	v17 =	vor.u32 s0, v51;
	v14 =	vld.idx.msk [tilespmem:v14+s18+$0x0], $0xffff  }
0xbf: {  	v18 =	vor.u32 s0, v52;
	v15 =	vld.idx.msk [tilespmem:v15+s18+$0x0], $0xffff  }
0xc0: {  	v20 =	vor.u32 s0, v55;
	v1 =	vld.idx.msk [tilespmem:v1+s18+$0x0], $0xffff  }
0xc1: {  	v3 =	vld.idx.msk [tilespmem:v3+s18+$0x0], $0xffff  }
0xc2: {  	v19 =	vor.u32 s0, v53;
	v16 =	vld.idx.msk [tilespmem:v16+s18+$0x0], $0xffff  }
0xc3: {  	v23 =	vor.u32 s0, v56;
	v26 =	vor.u32 s0, v58;
	v17 =	vld.idx.msk [tilespmem:v17+s18+$0x0], $0xffff  }
0xc4: {  	v27 =	vor.u32 s0, v27;
	v18 =	vld.idx.msk [tilespmem:v18+s18+$0x0], $0xffff;
	v22 =	vmin.f32 v4, v5;
	v24 =	vmin.f32 v6, v7  }
0xc5: {  	v25 =	vmin.f32 v8, v9;
	v6 =	vmax.f32 v6, v7;
	v7 =	vmax.f32 v8, v9;
	v8 =	vld.idx.msk [tilespmem:v20+s18+$0x0], $0xffff  }
0xc6: {  	v9 =	vor.u32 s0, v2;
	v20 =	vld [tilespmem:$0x1FDB0];
	v21 =	vmin.f32 v1, v3;
	v1 =	vmax.f32 v1, v3  }
0xc7: {  	v3 =	vmax.f32 v4, v5;
	v4 =	vld.idx.msk [tilespmem:v19+s18+$0x0], $0xffff;
	v21 =	vmin.f32 v21, v22;
	v22 =	vmin.f32 v24, v25  }
0xc8: {  	v1 =	vmax.f32 v1, v3;
	v3 =	vmax.f32 v6, v7;
	v6 =	vld.idx.msk [tilespmem:v23+s18+$0x0], $0xffff;
	v25 =	vmin.f32 v14, v15  }
0xc9: {  	v19 =	vmin.f32 v21, v22;
	v1 =	vmax.f32 v1, v3;
	v3 =	vld.idx.msk [tilespmem:v26+s18+$0x0], $0xffff;
	v21 =	vmin.f32 v10, v11  }
0xca: {  	v22 =	vmin.f32 v12, v13;
	v10 =	vmax.f32 v10, v11;
	v11 =	vmax.f32 v12, v13;
	v12 =	vld [tilespmem:$0x1FDF0]  }
0xcb: {  	v26 =	vmin.f32 v16, v17;
	v13 =	vmax.f32 v14, v15;
	v14 =	vmax.f32 v16, v17;
	v16 =	vld [tilespmem:$0x1FE00]  }
0xcc: {  	v5 =	vor.u32 s0, v54;
	v21 =	vmin.f32 v21, v22;
	v22 =	vmin.f32 v25, v26;
	v25 =	vld [tilespmem:$0x1FDE0]  }
0xcd: {  	v10 =	vmax.f32 v10, v11;
	v11 =	vmax.f32 v13, v14;
	v14 =	vld [tilespmem:$0x1FE10]  }
0xce: {  	v9 =	vld.idx.msk [tilespmem:v9+s18+$0x0], $0xffff  }
0xcf: {  	v24 =	vor.u32 s0, v59;
	v10 =	vmax.f32 v10, v11;
	v11 =	vld.idx.msk [tilespmem:v27+s18+$0x0], $0xffff  }
0xd0: {  	v27 =	vld [tilespmem:$0x1FE50]  }
0xd1: {  	v7 =	vor.u32 s0, v57;
	v17 =	vmin.f32 v21, v22;
	v5 =	vld.idx.msk [tilespmem:v5+s18+$0x0], $0xffff  }
0xd2: {  	v17 =	vmin.f32 v19, v17;
	v19 =	vld [tilespmem:$0x1FE30]  }
0xd3: {  	v20 =	vor.u32 s0, v20;
	v21 =	vmin.f32 v18, v4;
	v4 =	vmax.f32 v18, v4;
	v18 =	vld [tilespmem:$0x1FE70]  }
0xd4: {  	v23 =	vld.idx.msk [tilespmem:v24+s18+$0x0], $0xffff  }
0xd5: {  	v24 =	vld [tilespmem:$0x1FDC0];
	v12 =	vor.u32 s0, v12  }
0xd6: {  	v7 =	vld.idx.msk [tilespmem:v7+s18+$0x0], $0xffff;
	v22 =	vmin.f32 v8, v6;
	v6 =	vmax.f32 v8, v6;
	v16 =	vor.u32 s0, v16  }
0xd7: {  	v4 =	vmax.f32 v4, v6;
	v6 =	vld [tilespmem:$0x1FE90];
	v25 =	vor.u32 s0, v25  }
0xd8: {  	v14 =	vor.u32 s0, v14;
	v15 =	vld.idx.msk [tilespmem:v20+s18+$0x0], $0xffff  }
0xd9: {  	v20 =	vld [tilespmem:$0x1FE20]  }
0xda: {  	v19 =	vor.u32 s0, v19;
	v12 =	vld.idx.msk [tilespmem:v12+s18+$0x0], $0xffff  }
0xdb: {  	v16 =	vld.idx.msk [tilespmem:v16+s18+$0x0], $0xffff  }
0xdc: {  	v1 =	vmax.f32 v1, v10;
	v27 =	vor.u32 s0, v27;
	v10 =	vld.idx.msk [tilespmem:v25+s18+$0x0], $0xffff  }
0xdd: {  	v26 =	vmin.f32 v5, v9;
	v18 =	vor.u32 s0, v18;
	v25 =	vmin.f32 v3, v23;
	v14 =	vld.idx.msk [tilespmem:v14+s18+$0x0], $0xffff  }
0xde: {  	v21 =	vmin.f32 v21, v22;
	v24 =	vor.u32 s0, v24;
	v22 =	vmin.f32 v25, v26;
	v25 =	vld [tilespmem:$0x1FE60]  }
0xdf: {  	v5 =	vmax.f32 v5, v9;
	v3 =	vmax.f32 v3, v23;
	v9 =	vld.idx.msk [tilespmem:v19+s18+$0x0], $0xffff  }
0xe0: {  	v20 =	vor.u32 s0, v20;
	v3 =	vmax.f32 v3, v5;
	v19 =	vld [tilespmem:$0x1FE80]  }
0xe1: {  	v3 =	vmax.f32 v4, v3;
	v4 =	vld.idx.msk [tilespmem:v27+s18+$0x0], $0xffff  }
0xe2: {  	v6 =	vor.u32 s0, v6;
	v18 =	vld.idx.msk [tilespmem:v18+s18+$0x0], $0xffff  }
0xe3: {  	v13 =	vld.idx.msk [tilespmem:v24+s18+$0x0], $0xffff  }
0xe4: {  	v24 =	vld [tilespmem:$0x1FE40]  }
0xe5: {  	v25 =	vor.u32 s0, v25;
	v8 =	vld.idx.msk [tilespmem:v20+s18+$0x0], $0xffff;
	v20 =	vmin.f32 v21, v22  }
0xe6: {  	v27 =	vld [tilespmem:$0x1FED0];
	v22 =	vmin.f32 v7, v15;
	v7 =	vmax.f32 v7, v15;
	v15 =	vor.u32 s0, v60  }
0xe7: {  	v6 =	vld.idx.msk [tilespmem:v6+s18+$0x0], $0xffff;
	v19 =	vor.u32 s0, v19  }
0xe8: {  	v21 =	vld [tilespmem:$0x1FEA0]  }
0xe9: {  	v17 =	vmin.f32 v17, v20;
	v20 =	vld [tilespmem:$0x1FEB0];
	v24 =	vor.u32 s0, v24  }
0xea: {  	v1 =	vmax.f32 v1, v3;
	v3 =	vld.idx.msk [tilespmem:v25+s18+$0x0], $0xffff  }
0xeb: {  	v26 =	vmin.f32 v16, v14;
	v27 =	vor.u32 s0, v27;
	v15 =	vld.idx.msk [tilespmem:v15+s18+$0x0], $0xffff  }
0xec: {  	v23 =	vmin.f32 v13, v11;
	v11 =	vmax.f32 v13, v11;
	v25 =	vmin.f32 v10, v12;
	v19 =	vld.idx.msk [tilespmem:v19+s18+$0x0], $0xffff  }
0xed: {  	v22 =	vmin.f32 v22, v23;
	v21 =	vor.u32 s0, v21;
	v23 =	vmin.f32 v25, v26;
	v25 =	vld [tilespmem:$0x1FEE0]  }
0xee: {  	v10 =	vmax.f32 v10, v12;
	v12 =	vmax.f32 v16, v14;
	v16 =	vor.u32 s0, v61;
	v5 =	vld.idx.msk [tilespmem:v24+s18+$0x0], $0xffff  }
0xef: {  	v7 =	vmax.f32 v7, v11;
	v20 =	vor.u32 s0, v20;
	v10 =	vmax.f32 v10, v12;
	v24 =	vld [tilespmem:$0x1FEC0]  }
0xf0: {  	v12 =	vor.u32 s0, v62;
	v7 =	vmax.f32 v7, v10;
	v10 =	vld.idx.msk [tilespmem:v27+s18+$0x0], $0xffff  }
0xf1: {  	v27 =	vld [tilespmem:$0x1FF50]  }
0xf2: {  	v13 =	vld.idx.msk [tilespmem:v21+s18+$0x0], $0xffff  }
0xf3: {  	v16 =	vld.idx.msk [tilespmem:v16+s18+$0x0], $0xffff  }
0xf4: {  	v25 =	vor.u32 s0, v25;
	v14 =	vld.idx.msk [tilespmem:v20+s18+$0x0], $0xffff  }
0xf5: {  	v12 =	vld.idx.msk [tilespmem:v12+s18+$0x0], $0xffff;
	v24 =	vor.u32 s0, v24  }
0xf6: {  	v20 =	vmin.f32 v22, v23;
	v26 =	vmin.f32 v19, v6;
	v6 =	vmax.f32 v19, v6;
	v19 =	vld [tilespmem:$0x1FF80]  }
0xf7: {  	v17 =	vmin.f32 v17, v20;
	v20 =	vld [tilespmem:$0x1FF30]  }
0xf8: {  	v23 =	vmin.f32 v5, v4;
	v4 =	vmax.f32 v5, v4;
	v5 =	vld [tilespmem:$0x1FF70]  }
0xf9: {  	v1 =	vmax.f32 v1, v7;
	v21 =	vor.u32 s0, v63;
	v7 =	vld.idx.msk [tilespmem:v25+s18+$0x0], $0xffff  }
0xfa: {  	v22 =	vmin.f32 v8, v9;
	v8 =	vmax.f32 v8, v9;
	v27 =	vor.u32 s0, v27;
	v11 =	vld.idx.msk [tilespmem:v24+s18+$0x0], $0xffff  }
0xfb: {  	v22 =	vmin.f32 v22, v23;
	v25 =	vmin.f32 v3, v18;
	v3 =	vmax.f32 v3, v18;
	v24 =	vld [tilespmem:$0x1FF40]  }
0xfc: {  	v4 =	vmax.f32 v8, v4;
	v23 =	vmin.f32 v25, v26;
	v25 =	vld [tilespmem:$0x1FF60];
	v3 =	vmax.f32 v3, v6  }
0xfd: {  	v20 =	vor.u32 s0, v20;
	v3 =	vmax.f32 v4, v3;
	v4 =	vld [tilespmem:$0x1FFA0]  }
0xfe: {  	v19 =	vor.u32 s0, v19;
	v1 =	vmax.f32 v1, v3;
	v3 =	vld [tilespmem:$0x1FFB0]  }
0xff: {  	v9 =	vld.idx.msk [tilespmem:v21+s18+$0x0], $0xffff  }
0x100: {  	v6 =	vld [tilespmem:$0x1FF90]  }
0x101: {  	v5 =	vor.u32 s0, v5;
	v21 =	vld.idx.msk [tilespmem:v27+s18+$0x0], $0xffff;
	v24 =	vor.u32 s0, v24  }
0x102: {  	v25 =	vor.u32 s0, v25;
	v18 =	vld.idx.msk [tilespmem:v20+s18+$0x0], $0xffff;
	v20 =	vmin.f32 v22, v23;
	v22 =	vor.u32 s0, v4  }
0x103: {  	v19 =	vld.idx.msk [tilespmem:v19+s18+$0x0], $0xffff;
	v4 =	vmin.f32 v11, v10;
	v23 =	vor.u32 s0, v3;
	v3 =	vmin.f32 v13, v14  }
0x104: {  	v26 =	vmin.f32 v3, v4;
	v3 =	vld [tilespmem:$0x1FFF0]  }
0x105: {  	v6 =	vor.u32 s0, v6;
	v4 =	vld [tilespmem:$0x1FF50]  }
0x106: {  	v8 =	vld.idx.msk [tilespmem:v24+s18+$0x0], $0xffff  }
0x107: {  	v17 =	vmin.f32 v17, v20;
	v20 =	vld.idx.msk [tilespmem:v25+s18+$0x0], $0xffff  }
0x108: {  	s1 =	sor.u32 $0x400, s0;
	v10 =	vmax.f32 v11, v10;
	v13 =	vmax.f32 v13, v14;
	v24 =	vld.idx.msk [tilespmem:v5+s18+$0x0], $0xffff  }
0x109: {  	v28 =	vmin.f32 v7, v15;
	v10 =	vmax.f32 v13, v10;
	v13 =	vor.u32 s1, v37;
	v5 =	vld [tilespmem:$0x1FFD0]  }
0x10a: {  	v29 =	vld.idx.msk [tilespmem:v6+s18+$0x0], $0xffff;
	v6 =	vmin.f32 v16, v12;
	v12 =	vmax.f32 v16, v12;
	v16 =	vor.u32 s1, v36  }
0x10b: {  	v22 =	vld.idx.msk [tilespmem:v22+s18+$0x0], $0xffff;
	v28 =	vmin.f32 v28, v6  }
0x10c: {  	v6 =	vld [tilespmem:$0x1FF70];
	v26 =	vmin.f32 v26, v28  }
0x10d: {  	v23 =	vld.idx.msk [tilespmem:v23+s18+$0x0], $0xffff;
	v27 =	vor.u32 s0, v3;
	v3 =	vor.u32 $0x3C, v40;
	v17 =	vmin.f32 v17, v26  }
0x10e: {  	v26 =	vor.u32 s1, v39;
	v13 =	vld.idx.msk [tilespmem:v13+s18+$0x0], $0xffff;
	[tilespmem:$0x1FBB0] =	vst v3;
	v30 =	vor.u32 s0, v3;
	v3 =	vor.u32 $0x3D, v40  }
0x10f: {  	[tilespmem:$0x1FBC0] =	vst v3;
	v31 =	vor.u32 s0, v3;
	v3 =	vor.u32 $0x3E, v40;
	v16 =	vld.idx.msk [tilespmem:v16+s18+$0x0], $0xffff  }
0x110: {  	v25 =	vor.u32 s0, v5;
	v5 =	vld [tilespmem:$0x1FF60];
	[tilespmem:$0x1FBD0] =	vst v3;
	v32 =	vor.u32 s0, v3;
	v3 =	vor.u32 $0x3F, v40  }
0x111: {  	[tilespmem:$0x1FBE0] =	vst v3;
	v33 =	vor.u32 s0, v3;
	v3 =	vld [tilespmem:$0x1FC10]  }
0x112: {  	v11 =	vld.idx.msk [tilespmem:v27+s18+$0x0], $0xffff  }
0x113: {  	v39 =	vmin.f32 v20, v24;
	v20 =	vmax.f32 v20, v24;
	v24 =	vld.idx.msk [tilespmem:v26+s18+$0x0], $0xffff  }
0x114: {  	v7 =	vmax.f32 v7, v15;
	v27 =	vor.u32 s1, v38;
	v38 =	vld [tilespmem:$0x1FDC0]  }
0x115: {  	v7 =	vmax.f32 v7, v12;
	v15 =	vld.idx.msk [tilespmem:v30+s18+$0x0], $0xffff  }
0x116: {  	v42 =	vor.u32 s1, v42;
	v7 =	vmax.f32 v10, v7;
	v28 =	vmin.f32 v9, v18;
	v25 =	vld.idx.msk [tilespmem:v25+s18+$0x0], $0xffff  }
0x117: {  	v9 =	vmax.f32 v9, v18;
	v26 =	vor.u32 s1, v45;
	v30 =	vmin.f32 v8, v21;
	v12 =	vld.idx.msk [tilespmem:v31+s18+$0x0], $0xffff  }
0x118: {  	v8 =	vmax.f32 v8, v21;
	v31 =	vor.u32 s1, v41;
	v41 =	vmin.f32 v19, v29;
	v10 =	vld.idx.msk [tilespmem:v32+s18+$0x0], $0xffff  }
0x119: {  	v28 =	vmin.f32 v28, v30;
	v19 =	vmax.f32 v19, v29;
	v30 =	vmin.f32 v39, v41;
	v39 =	vld [tilespmem:$0x1FDB0]  }
0x11a: {  	v1 =	vmax.f32 v1, v7;
	v8 =	vmax.f32 v9, v8;
	v9 =	vmax.f32 v20, v19;
	v7 =	vld.idx.msk [tilespmem:v33+s18+$0x0], $0xffff  }
0x11b: {  	v43 =	vor.u32 s1, v43;
	v8 =	vmax.f32 v8, v9;
	v9 =	vld.idx.msk [tilespmem:v42+s18+$0x0], $0xffff  }
0x11c: {  	v21 =	vor.u32 s1, v44;
	v42 =	vld [tilespmem:$0x1FDD0]  }
0x11d: {  	v34 =	vor.u32 s1, v40;
	v18 =	vld.idx.msk [tilespmem:v27+s18+$0x0], $0xffff  }
0x11e: {  	v20 =	vor.u32 s1, v46;
	v35 =	vor.u32 $0xFFFFF780, v3;
	v27 =	vmin.f32 v28, v30;
	v26 =	vld.idx.msk [tilespmem:v26+s18+$0x0], $0xffff  }
0x11f: {  	v28 =	vor.u32 s1, v47;
	v47 =	vor.u32 s1, v51;
	v51 =	vor.u32 s1, v2;
	v2 =	vld [tilespmem:$0x1FF30]  }
0x120: {  	v14 =	vand.u32 v35, v34;
	v17 =	vmin.f32 v17, v27;
	v27 =	vld.idx.msk [tilespmem:v43+s18+$0x0], $0xffff  }
0x121: {  	v21 =	vld.idx.msk [tilespmem:v21+s18+$0x0], $0xffff  }
0x122: {  	v8 =	vmax.f32 v1, v8;
	v1 =	vor.u32 s1, v48;
	v43 =	vld [tilespmem:$0x1FDE0]  }
0x123: {  	v46 =	vor.u32 s1, v50;
	v19 =	vld.idx.msk [tilespmem:v31+s18+$0x0], $0xffff  }
0x124: {  	v20 =	vld.idx.msk [tilespmem:v20+s18+$0x0], $0xffff  }
0x125: {  	v14 =	vld.idx.msk [tilespmem:v14+s18+$0x0], $0xffff  }
0x126: {  	v29 =	vmin.f32 v22, v23;
	v22 =	vmax.f32 v22, v23;
	v23 =	vld.idx.msk [tilespmem:v28+s18+$0x0], $0xffff  }
0x127: {  	v31 =	vor.u32 s1, v49;
	v45 =	vmin.f32 v10, v7;
	v7 =	vmax.f32 v10, v7;
	v10 =	vld.idx.msk [tilespmem:v1+s18+$0x0], $0xffff  }
0x128: {  	v30 =	vmin.f32 v25, v11;
	v44 =	vmin.f32 v15, v12;
	v11 =	vmax.f32 v25, v11;
	v28 =	vld.idx.msk [tilespmem:v46+s18+$0x0], $0xffff  }
0x129: {  	v25 =	vor.u32 s1, v52;
	v29 =	vmin.f32 v29, v30;
	v30 =	vmin.f32 v44, v45;
	v44 =	vld [tilespmem:$0x1FDF0]  }
0x12a: {  	v12 =	vmax.f32 v15, v12;
	v15 =	vor.u32 s1, v53;
	v45 =	vld [tilespmem:$0x1FE00]  }
0x12b: {  	v1 =	vmax.f32 v22, v11;
	v7 =	vmax.f32 v12, v7;
	v46 =	vld [tilespmem:$0x1FE10]  }
0x12c: {  	v7 =	vmax.f32 v1, v7;
	v11 =	vld.idx.msk [tilespmem:v31+s18+$0x0], $0xffff  }
0x12d: {  	v3 =	vmax.f32 v8, v7;
	v7 =	vld.idx.msk [tilespmem:v47+s18+$0x0], $0xffff  }
0x12e: {  	v12 =	vor.u32 s1, v55;
	v25 =	vld.idx.msk [tilespmem:v25+s18+$0x0], $0xffff  }
0x12f: {  	v22 =	vmin.f32 v29, v30;
	v29 =	vor.u32 s1, v56;
	v15 =	vld.idx.msk [tilespmem:v15+s18+$0x0], $0xffff  }
0x130: {  	v30 =	vmin.f32 v13, v18;
	v13 =	vmax.f32 v13, v18;
	v18 =	vor.u32 s1, v57;
	v47 =	vld [tilespmem:$0x1FE20]  }
0x131: {  	v8 =	vld [tilespmem:$0x1FF80]  }
0x132: {  	[tilespmem:$0x1FBA0] =	vst v3;
	v3 =	vld [tilespmem:$0x1FF40]  }
0x133: {  	v1 =	vmin.f32 v17, v22;
	v17 =	vor.u32 s1, v58;
	v12 =	vld.idx.msk [tilespmem:v12+s18+$0x0], $0xffff  }
0x134: {  	v31 =	vor.u32 s1, v59;
	v22 =	vmin.f32 v14, v16;
	v14 =	vmax.f32 v14, v16;
	v16 =	vld.idx.msk [tilespmem:v29+s18+$0x0], $0xffff  }
0x135: {  	v50 =	vor.u32 s1, v54;
	v49 =	vmin.f32 v9, v27;
	v48 =	vmin.f32 v24, v19;
	v18 =	vld.idx.msk [tilespmem:v18+s18+$0x0], $0xffff  }
0x136: {  	v22 =	vmin.f32 v22, v30;
	v30 =	vmin.f32 v48, v49;
	v48 =	vld [tilespmem:$0x1FE30]  }
0x137: {  	v19 =	vmax.f32 v24, v19;
	v24 =	vor.u32 s1, v39;
	v49 =	vld [tilespmem:$0x1FE40]  }
0x138: {  	v9 =	vmax.f32 v9, v27;
	v27 =	vor.u32 s1, v42;
	v17 =	vld.idx.msk [tilespmem:v17+s18+$0x0], $0xffff  }
0x139: {  	v9 =	vmax.f32 v19, v9;
	v13 =	vmax.f32 v14, v13;
	v14 =	vld.idx.msk [tilespmem:v31+s18+$0x0], $0xffff  }
0x13a: {  	v9 =	vmax.f32 v13, v9;
	v13 =	vld.idx.msk [tilespmem:v50+s18+$0x0], $0xffff  }
0x13b: {  	v19 =	vor.u32 s1, v38;
	v31 =	vld.idx.msk [tilespmem:v51+s18+$0x0], $0xffff  }
0x13c: {  	v52 =	vor.u32 s1, v43;
	v24 =	vld.idx.msk [tilespmem:v24+s18+$0x0], $0xffff  }
0x13d: {  	v53 =	vmin.f32 v10, v11;
	v10 =	vmax.f32 v10, v11;
	v11 =	vld.idx.msk [tilespmem:v27+s18+$0x0], $0xffff  }
0x13e: {  	v50 =	vld [tilespmem:$0x1FE50]  }
0x13f: {  	v51 =	vld [tilespmem:$0x1FE60]  }
0x140: {  	v55 =	vor.u32 s1, v44;
	v54 =	vmin.f32 v28, v7;
	v7 =	vmax.f32 v28, v7;
	v19 =	vld.idx.msk [tilespmem:v19+s18+$0x0], $0xffff  }
0x141: {  	v56 =	vor.u32 s1, v45;
	v29 =	vmin.f32 v21, v26;
	v7 =	vmax.f32 v10, v7;
	v10 =	vld.idx.msk [tilespmem:v52+s18+$0x0], $0xffff  }
0x142: {  	v21 =	vmax.f32 v21, v26;
	v22 =	vmin.f32 v22, v30;
	v30 =	vmin.f32 v20, v23;
	v52 =	vld [tilespmem:$0x1FE70]  }
0x143: {  	v20 =	vmax.f32 v20, v23;
	v29 =	vmin.f32 v29, v30;
	v30 =	vmin.f32 v53, v54;
	v53 =	vld [tilespmem:$0x1FE80]  }
0x144: {  	v23 =	vor.u32 s1, v46;
	v20 =	vmax.f32 v21, v20;
	v54 =	vld [tilespmem:$0x1FE90]  }
0x145: {  	v26 =	vor.u32 s1, v47;
	v7 =	vmax.f32 v20, v7;
	v20 =	vld.idx.msk [tilespmem:v55+s18+$0x0], $0xffff  }
0x146: {  	v7 =	vmax.f32 v9, v7;
	v9 =	vld.idx.msk [tilespmem:v56+s18+$0x0], $0xffff  }
0x147: {  	v55 =	vld [tilespmem:$0x1FEA0]  }
0x148: {  	v27 =	vmin.f32 v29, v30;
	v29 =	vmin.f32 v25, v15;
	v56 =	vld [tilespmem:$0x1FEB0];
	v21 =	vor.u32 s1, v48  }
0x149: {  	v22 =	vmin.f32 v22, v27;
	v28 =	vor.u32 s1, v49;
	v30 =	vmin.f32 v12, v16;
	v23 =	vld.idx.msk [tilespmem:v23+s18+$0x0], $0xffff  }
0x14a: {  	v27 =	vor.u32 s1, v50;
	v58 =	vmin.f32 v17, v14;
	v59 =	vmin.f32 v13, v31;
	v26 =	vld.idx.msk [tilespmem:v26+s18+$0x0], $0xffff  }
0x14b: {  	v57 =	vor.u32 s1, v51;
	v29 =	vmin.f32 v29, v30;
	v30 =	vmin.f32 v58, v59;
	v58 =	vld [tilespmem:$0x1FED0]  }
0x14c: {  	v59 =	vld [tilespmem:$0x1FEE0]  }
0x14d: {  	v15 =	vmax.f32 v25, v15;
	v12 =	vmax.f32 v12, v16;
	v36 =	vor.u32 s1, v52;
	v21 =	vld.idx.msk [tilespmem:v21+s18+$0x0], $0xffff  }
0x14e: {  	v14 =	vmax.f32 v17, v14;
	v13 =	vmax.f32 v13, v31;
	v37 =	vor.u32 s1, v53;
	v16 =	vld.idx.msk [tilespmem:v28+s18+$0x0], $0xffff  }
0x14f: {  	v12 =	vmax.f32 v15, v12;
	v25 =	vor.u32 s1, v54;
	v13 =	vmax.f32 v14, v13;
	v17 =	vld.idx.msk [tilespmem:v27+s18+$0x0], $0xffff  }
0x150: {  	v31 =	vmin.f32 v19, v11;
	v15 =	vor.u32 s1, v56;
	v28 =	vmin.f32 v29, v30;
	v14 =	vld.idx.msk [tilespmem:v57+s18+$0x0], $0xffff  }
0x151: {  	v30 =	vmin.f32 v18, v24;
	v18 =	vmax.f32 v18, v24;
	v24 =	vor.u32 s1, v62;
	v57 =	vld [tilespmem:$0x1FEC0]  }
0x152: {  	v11 =	vmax.f32 v19, v11;
	v12 =	vmax.f32 v12, v13;
	v27 =	vor.u32 s1, v55;
	v13 =	vld.idx.msk [tilespmem:v36+s18+$0x0], $0xffff  }
0x153: {  	v7 =	vmax.f32 v7, v12;
	v11 =	vmax.f32 v18, v11;
	v18 =	vor.u32 s1, v2;
	v12 =	vld.idx.msk [tilespmem:v37+s18+$0x0], $0xffff  }
0x154: {  	v41 =	vmin.f32 v10, v20;
	v22 =	vmin.f32 v22, v28;
	v28 =	vor.u32 s1, v58;
	v25 =	vld.idx.msk [tilespmem:v25+s18+$0x0], $0xffff  }
0x155: {  	v10 =	vmax.f32 v10, v20;
	v30 =	vmin.f32 v30, v31;
	v32 =	vor.u32 s1, v59;
	v15 =	vld.idx.msk [tilespmem:v15+s18+$0x0], $0xffff  }
0x156: {  	v36 =	vmin.f32 v9, v23;
	v37 =	vor.u32 s1, v60;
	v9 =	vmax.f32 v9, v23;
	v24 =	vld.idx.msk [tilespmem:v24+s18+$0x0], $0xffff  }
0x157: {  	v31 =	vmin.f32 v41, v36;
	v41 =	vor.u32 s1, v61;
	v9 =	vmax.f32 v10, v9;
	v27 =	vld.idx.msk [tilespmem:v27+s18+$0x0], $0xffff  }
0x158: {  	v9 =	vmax.f32 v11, v9;
	v29 =	vor.u32 s1, v57;
	v18 =	vld.idx.msk [tilespmem:v18+s18+$0x0], $0xffff  }
0x159: {  	v7 =	vmax.f32 v7, v9;
	v20 =	vld.idx.msk [tilespmem:v28+s18+$0x0], $0xffff  }
0x15a: {  	v10 =	vld.idx.msk [tilespmem:v32+s18+$0x0], $0xffff;
	v28 =	vmin.f32 v30, v31;
	v30 =	vmin.f32 v26, v21;
	v31 =	vmin.f32 v16, v17  }
0x15b: {  	v11 =	vld.idx.msk [tilespmem:v37+s18+$0x0], $0xffff;
	v36 =	vmin.f32 v14, v13;
	v22 =	vmin.f32 v22, v28;
	v28 =	vor.u32 s1, v4  }
0x15c: {  	v37 =	vmin.f32 v12, v25;
	v21 =	vmax.f32 v26, v21;
	v9 =	vld.idx.msk [tilespmem:v41+s18+$0x0], $0xffff;
	v41 =	vor.u32 s1, v6  }
0x15d: {  	v30 =	vmin.f32 v30, v31;
	v31 =	vmin.f32 v36, v37;
	v36 =	vor.u32 s1, v8;
	v19 =	vld.idx.msk [tilespmem:v29+s18+$0x0], $0xffff  }
0x15e: {  	v16 =	vmax.f32 v16, v17;
	v26 =	vld [tilespmem:$0x1FF90];
	v13 =	vmax.f32 v14, v13;
	v12 =	vmax.f32 v12, v25  }
0x15f: {  	v16 =	vmax.f32 v21, v16;
	v12 =	vmax.f32 v13, v12;
	v37 =	vld [tilespmem:$0x1FBB0]  }
0x160: {  	v32 =	vor.u32 s1, v5;
	v12 =	vmax.f32 v16, v12;
	v14 =	vld.idx.msk [tilespmem:v28+s18+$0x0], $0xffff  }
0x161: {  	v7 =	vmax.f32 v7, v12;
	v28 =	vmin.f32 v30, v31;
	v16 =	vld.idx.msk [tilespmem:v41+s18+$0x0], $0xffff;
	v30 =	vmin.f32 v27, v15  }
0x162: {  	v12 =	vld.idx.msk [tilespmem:v36+s18+$0x0], $0xffff;
	v41 =	vmin.f32 v10, v11;
	v36 =	vmin.f32 v9, v24;
	v31 =	vmin.f32 v19, v20  }
0x163: {  	v30 =	vmin.f32 v30, v31;
	v31 =	vmin.f32 v41, v36;
	v41 =	vld [tilespmem:$0x1FBD0]  }
0x164: {  	v25 =	vld [tilespmem:$0x1FFA0];
	v29 =	vor.u32 s1, v3  }
0x165: {  	v26 =	vor.u32 s1, v26;
	v13 =	vld.idx.msk [tilespmem:v32+s18+$0x0], $0xffff  }
0x166: {  	v32 =	vor.u32 s1, v37;
	v37 =	vld [tilespmem:$0x1FBC0]  }
0x167: {  	v23 =	vor.u32 s1, v63;
	v22 =	vmin.f32 v22, v28;
	v28 =	vld [tilespmem:$0x1FFF0]  }
0x168: {  	v33 =	vor.u32 s1, v41;
	v41 =	vld [tilespmem:$0x1FBE0]  }
0x169: {  	v17 =	vld.idx.msk [tilespmem:v29+s18+$0x0], $0xffff  }
0x16a: {  	v26 =	vld.idx.msk [tilespmem:v26+s18+$0x0], $0xffff  }
0x16b: {  	v15 =	vmax.f32 v27, v15;
	v10 =	vmax.f32 v10, v11;
	v35 =	vor.u32 s1, v37;
	v37 =	vld [tilespmem:$0x1FC10]  }
0x16c: {  	v23 =	vld.idx.msk [tilespmem:v23+s18+$0x0], $0xffff;
	v9 =	vmax.f32 v9, v24;
	v19 =	vmax.f32 v19, v20;
	v28 =	vor.u32 s1, v28  }
0x16d: {  	v21 =	vld [tilespmem:$0x1FFB0];
	v9 =	vmax.f32 v10, v9;
	v15 =	vmax.f32 v15, v19;
	v34 =	vor.u32 s1, v41  }
0x16e: {  	s2 =	sor.u32 $0x800, s0;
	v25 =	vor.u32 s1, v25;
	v29 =	vld [tilespmem:$0x1FFD0];
	v9 =	vmax.f32 v15, v9  }
0x16f: {  	v36 =	vor.u32 s2, v40;
	v11 =	vld.idx.msk [tilespmem:v32+s18+$0x0], $0xffff;
	v7 =	vmax.f32 v7, v9;
	v32 =	vmin.f32 v17, v14  }
0x170: {  	v14 =	vmax.f32 v17, v14;
	v37 =	vor.u32 $0xFFFFFB80, v37;
	v10 =	vld.idx.msk [tilespmem:v35+s18+$0x0], $0xffff;
	v35 =	vmin.f32 v12, v26  }
0x171: {  	v12 =	vmax.f32 v12, v26;
	v20 =	vld.idx.msk [tilespmem:v28+s18+$0x0], $0xffff;
	v28 =	vmin.f32 v30, v31;
	v31 =	vmin.f32 v23, v18  }
0x172: {  	v18 =	vmax.f32 v23, v18;
	v9 =	vld.idx.msk [tilespmem:v34+s18+$0x0], $0xffff;
	v34 =	vmin.f32 v13, v16;
	v13 =	vmax.f32 v13, v16  }
0x173: {  	v22 =	vmin.f32 v22, v28;
	v28 =	vld [tilespmem:$0x1FC60];
	v14 =	vmax.f32 v18, v14;
	v12 =	vmax.f32 v13, v12  }
0x174: {  	v21 =	vor.u32 s1, v21;
	v27 =	vand.u32 v37, v36;
	v37 =	vld [tilespmem:$0x1FC90];
	v12 =	vmax.f32 v14, v12  }
0x175: {  	v12 =	vmax.f32 v7, v12;
	v7 =	vld [tilespmem:$0x1FCE0]  }
0x176: {  	v24 =	vld [tilespmem:$0x1FC30];
	v29 =	vor.u32 s1, v29  }
0x177: {  	v25 =	vld.idx.msk [tilespmem:v25+s18+$0x0], $0xffff  }
0x178: {  	v19 =	vld [tilespmem:$0x1FC40];
	v28 =	vor.u32 s2, v28  }
0x179: {  	v21 =	vld.idx.msk [tilespmem:v21+s18+$0x0], $0xffff;
	v31 =	vmin.f32 v31, v32;
	v32 =	vmin.f32 v34, v35;
	v34 =	vor.u32 s2, v37  }
0x17a: {  	v36 =	vld [tilespmem:$0x1FC70];
	v7 =	vor.u32 s2, v7  }
0x17b: {  	v29 =	vld.idx.msk [tilespmem:v29+s18+$0x0], $0xffff  }
0x17c: {  	v24 =	vor.u32 s2, v24;
	v15 =	vld.idx.msk [tilespmem:v33+s18+$0x0], $0xffff  }
0x17d: {  	v16 =	vld.idx.msk [tilespmem:v28+s18+$0x0], $0xffff;
	v28 =	vmin.f32 v31, v32  }
0x17e: {  	v22 =	vmin.f32 v22, v28;
	v28 =	vld.idx.msk [tilespmem:v34+s18+$0x0], $0xffff  }
0x17f: {  	v34 =	vmin.f32 v11, v10;
	v10 =	vmax.f32 v11, v10;
	v11 =	vld.idx.msk [tilespmem:v7+s18+$0x0], $0xffff  }
0x180: {  	v7 =	vld [tilespmem:$0x1FD30]  }
0x181: {  	v24 =	vld.idx.msk [tilespmem:v24+s18+$0x0], $0xffff  }
0x182: {  	v19 =	vor.u32 s2, v19;
	v30 =	vld [tilespmem:$0x1FC50];
	v33 =	vor.u32 s2, v36  }
0x183: {  	v26 =	vld [tilespmem:$0x1FCB0];
	v31 =	vmin.f32 v25, v21;
	v32 =	vmin.f32 v29, v20;
	v21 =	vmax.f32 v25, v21  }
0x184: {  	v36 =	vld [tilespmem:$0x1FC80];
	v20 =	vmax.f32 v29, v20;
	v35 =	vmin.f32 v15, v9;
	v9 =	vmax.f32 v15, v9  }
0x185: {  	v9 =	vmax.f32 v10, v9;
	v10 =	vld [tilespmem:$0x1FD40];
	v15 =	vor.u32 s2, v7;
	v7 =	vmax.f32 v21, v20  }
0x186: {  	v9 =	vmax.f32 v7, v9;
	v7 =	vld [tilespmem:$0x1FD50]  }
0x187: {  	v23 =	vld [tilespmem:$0x1FCA0];
	v30 =	vor.u32 s2, v30  }
0x188: {  	v18 =	vld [tilespmem:$0x1FCC0]  }
0x189: {  	v19 =	vld.idx.msk [tilespmem:v19+s18+$0x0], $0xffff;
	v36 =	vor.u32 s2, v36;
	v31 =	vmin.f32 v31, v32;
	v32 =	vmin.f32 v34, v35  }
0x18a: {  	v27 =	vld.idx.msk [tilespmem:v27+s18+$0x0], $0xffff;
	v21 =	vor.u32 s2, v10;
	v10 =	vmin.f32 v31, v32  }
0x18b: {  	v31 =	vor.u32 s2, v7;
	v7 =	vmin.f32 v22, v10;
	v10 =	vld [tilespmem:$0x1FD60]  }
0x18c: {  	v17 =	vld.idx.msk [tilespmem:v30+s18+$0x0], $0xffff  }
0x18d: {  	v30 =	vld [tilespmem:$0x1FCD0]  }
0x18e: {  	v14 =	vld.idx.msk [tilespmem:v36+s18+$0x0], $0xffff  }
0x18f: {  	v36 =	vld [tilespmem:$0x1FCF0]  }
0x190: {  	v26 =	vor.u32 s2, v26;
	v22 =	vor.u32 s2, v10;
	v10 =	vld [tilespmem:$0x1FBA0]  }
0x191: {  	v23 =	vor.u32 s2, v23;
	v29 =	vld [tilespmem:$0x1FD20]  }
0x192: {  	v37 =	vld [tilespmem:$0x1FD10]  }
0x193: {  	v18 =	vor.u32 s2, v18;
	v13 =	vld.idx.msk [tilespmem:v33+s18+$0x0], $0xffff  }
0x194: {  	v30 =	vor.u32 s2, v30;
	v33 =	vor.u32 s2, v36;
	v36 =	vld [tilespmem:$0x1FD00]  }
0x195: {  	v26 =	vld.idx.msk [tilespmem:v26+s18+$0x0], $0xffff;
	v10 =	vsub.f32 v10, v1  }
0x196: {  	v23 =	vld.idx.msk [tilespmem:v23+s18+$0x0], $0xffff;
	v29 =	vor.u32 s2, v29  }
0x197: {  	[tilespmem:$0x1FC00] =	vst v10;
	v10 =	vld [tilespmem:$0x1FD70]  }
0x198: {  	v18 =	vld.idx.msk [tilespmem:v18+s18+$0x0], $0xffff;
	v34 =	vor.u32 s2, v37;
	v9 =	vmax.f32 v12, v9  }
0x199: {  	v25 =	vld.idx.msk [tilespmem:v30+s18+$0x0], $0xffff;
	v36 =	vor.u32 s2, v36;
	v9 =	vsub.f32 v9, v7  }
0x19a: {  	v20 =	vld.idx.msk [tilespmem:v33+s18+$0x0], $0xffff  }
0x19b: {  	[tilespmem:$0x1FBF0] =	vst v9;
	v9 =	vld.idx.msk [tilespmem:v29+s18+$0x0], $0xffff  }
0x19c: {  	v29 =	vor.u32 s2, v10;
	v10 =	vld [tilespmem:$0x1FD80]  }
0x19d: {  	v35 =	vmin.f32 v16, v13;
	v32 =	vmin.f32 v27, v24;
	v12 =	vld.idx.msk [tilespmem:v34+s18+$0x0], $0xffff  }
0x19e: {  	v33 =	vmin.f32 v19, v17;
	v24 =	vmax.f32 v27, v24;
	v17 =	vmax.f32 v19, v17;
	v30 =	vld.idx.msk [tilespmem:v36+s18+$0x0], $0xffff  }
0x19f: {  	v27 =	vor.u32 s2, v38;
	v32 =	vmin.f32 v32, v33;
	v36 =	vmin.f32 v14, v28;
	v15 =	vld.idx.msk [tilespmem:v15+s18+$0x0], $0xffff  }
0x1a0: {  	v17 =	vmax.f32 v24, v17;
	v24 =	vor.u32 s2, v42;
	v21 =	vld.idx.msk [tilespmem:v21+s18+$0x0], $0xffff;
	v33 =	vmin.f32 v35, v36  }
0x1a1: {  	v14 =	vmax.f32 v14, v28;
	v28 =	vmin.f32 v32, v33;
	v34 =	vor.u32 s2, v10;
	v10 =	vld [tilespmem:$0x1FD90]  }
0x1a2: {  	v33 =	vmin.f32 v18, v25;
	v18 =	vmax.f32 v18, v25;
	v25 =	vor.u32 s2, v47;
	v31 =	vld.idx.msk [tilespmem:v31+s18+$0x0], $0xffff  }
0x1a3: {  	v32 =	vmin.f32 v23, v26;
	v23 =	vmax.f32 v23, v26;
	v26 =	vor.u32 s2, v48;
	v19 =	vld.idx.msk [tilespmem:v22+s18+$0x0], $0xffff  }
0x1a4: {  	v13 =	vmax.f32 v16, v13;
	v18 =	vmax.f32 v23, v18;
	v23 =	vor.u32 s2, v49;
	v16 =	vld.idx.msk [tilespmem:v29+s18+$0x0], $0xffff  }
0x1a5: {  	v27 =	vld.idx.msk [tilespmem:v27+s18+$0x0], $0xffff  }
0x1a6: {  	v35 =	vor.u32 s2, v44;
	v24 =	vld.idx.msk [tilespmem:v24+s18+$0x0], $0xffff  }
0x1a7: {  	v38 =	vor.u32 s2, v45;
	v25 =	vld.idx.msk [tilespmem:v25+s18+$0x0], $0xffff  }
0x1a8: {  	v42 =	vmin.f32 v30, v12;
	v26 =	vld.idx.msk [tilespmem:v26+s18+$0x0], $0xffff  }
0x1a9: {  	v12 =	vmax.f32 v30, v12;
	v22 =	vor.u32 s2, v39;
	v29 =	vor.u32 s2, v43;
	v23 =	vld.idx.msk [tilespmem:v23+s18+$0x0], $0xffff  }
0x1aa: {  	v43 =	vmin.f32 v11, v20;
	v11 =	vmax.f32 v11, v20;
	v39 =	vor.u32 s2, v41;
	v41 =	vld [tilespmem:$0x1FC10]  }
0x1ab: {  	v11 =	vmax.f32 v11, v12;
	v12 =	vld.idx.msk [tilespmem:v35+s18+$0x0], $0xffff  }
0x1ac: {  	v30 =	vor.u32 s2, v50;
	v11 =	vmax.f32 v18, v11;
	v18 =	vld.idx.msk [tilespmem:v38+s18+$0x0], $0xffff  }
0x1ad: {  	s0 =	sor.u32 $0xC00, s0;
	v43 =	vmin.f32 v43, v42;
	v42 =	vor.u32 s2, v46;
	v37 =	vor.u32 s2, v10;
	v10 =	vld [tilespmem:$0x1FDA0]  }
0x1ae: {  	v40 =	vor.u32 s0, v40;
	v13 =	vmax.f32 v13, v14;
	v14 =	vld.idx.msk [tilespmem:v34+s18+$0x0], $0xffff  }
0x1af: {  	v13 =	vmax.f32 v17, v13;
	v32 =	vmin.f32 v32, v33;
	v35 =	vor.u32 s2, v52;
	v22 =	vld.idx.msk [tilespmem:v22+s18+$0x0], $0xffff  }
0x1b0: {  	v20 =	vld.idx.msk [tilespmem:v29+s18+$0x0], $0xffff;
	v29 =	vmin.f32 v32, v43;
	v32 =	vmin.f32 v9, v15;
	v33 =	vmin.f32 v21, v31  }
0x1b1: {  	v9 =	vmax.f32 v9, v15;
	v15 =	vmax.f32 v21, v31;
	v21 =	vld.idx.msk [tilespmem:v30+s18+$0x0], $0xffff;
	v31 =	vor.u32 s2, v58  }
0x1b2: {  	v11 =	vmax.f32 v13, v11;
	v43 =	vmin.f32 v19, v16;
	v30 =	vor.u32 s2, v55;
	v13 =	vld.idx.msk [tilespmem:v42+s18+$0x0], $0xffff  }
0x1b3: {  	v16 =	vmax.f32 v19, v16;
	v19 =	vor.u32 s2, v56;
	v41 =	vor.u32 $0xFFFFFF80, v41;
	v17 =	vld.idx.msk [tilespmem:v37+s18+$0x0], $0xffff  }
0x1b4: {  	v28 =	vmin.f32 v28, v29;
	v9 =	vmax.f32 v9, v15;
	v15 =	vld.idx.msk [tilespmem:v35+s18+$0x0], $0xffff;
	v36 =	vor.u32 s2, v10  }
0x1b5: {  	v29 =	vor.u32 s2, v51;
	v32 =	vmin.f32 v32, v33;
	v41 =	vand.u32 v41, v40;
	v40 =	vld [tilespmem:$0x1FC60]  }
0x1b6: {  	v33 =	vmin.f32 v27, v24;
	v24 =	vmax.f32 v27, v24;
	v27 =	vld.idx.msk [tilespmem:v31+s18+$0x0], $0xffff;
	v31 =	vor.u32 s2, v63  }
0x1b7: {  	v38 =	vor.u32 s2, v53;
	v30 =	vld.idx.msk [tilespmem:v30+s18+$0x0], $0xffff  }
0x1b8: {  	v19 =	vld.idx.msk [tilespmem:v19+s18+$0x0], $0xffff;
	v42 =	vmin.f32 v14, v17  }
0x1b9: {  	v34 =	vld.idx.msk [tilespmem:v36+s18+$0x0], $0xffff;
	v14 =	vmax.f32 v14, v17;
	v43 =	vmin.f32 v43, v42;
	v42 =	vor.u32 s2, v54  }
0x1ba: {  	v17 =	vld.idx.msk [tilespmem:v29+s18+$0x0], $0xffff;
	v14 =	vmax.f32 v16, v14;
	v16 =	vor.u32 s2, v57  }
0x1bb: {  	v35 =	vor.u32 s2, v60;
	v31 =	vld.idx.msk [tilespmem:v31+s18+$0x0], $0xffff  }
0x1bc: {  	v29 =	vmin.f32 v32, v43;
	v9 =	vmax.f32 v9, v14;
	v14 =	vld.idx.msk [tilespmem:v38+s18+$0x0], $0xffff;
	v43 =	vmin.f32 v20, v12  }
0x1bd: {  	v38 =	vor.u32 s2, v61;
	v12 =	vmax.f32 v20, v12;
	v20 =	vor.u32 s2, v2;
	v2 =	vld [tilespmem:$0x1FF90]  }
0x1be: {  	v28 =	vmin.f32 v28, v29;
	v9 =	vmax.f32 v11, v9;
	v29 =	vor.u32 s2, v59;
	v11 =	vld.idx.msk [tilespmem:v42+s18+$0x0], $0xffff  }
0x1bf: {  	v32 =	vmin.f32 v34, v22;
	v22 =	vmax.f32 v34, v22;
	v42 =	vmin.f32 v18, v13;
	v16 =	vld.idx.msk [tilespmem:v16+s18+$0x0], $0xffff  }
0x1c0: {  	v13 =	vmax.f32 v18, v13;
	v22 =	vmax.f32 v22, v24;
	v24 =	vor.u32 s2, v3;
	v3 =	vld [tilespmem:$0x1FFA0]  }
0x1c1: {  	v12 =	vmax.f32 v12, v13;
	v13 =	vld.idx.msk [tilespmem:v35+s18+$0x0], $0xffff  }
0x1c2: {  	v20 =	vld.idx.msk [tilespmem:v20+s18+$0x0], $0xffff  }
0x1c3: {  	v35 =	vor.u32 s2, v6;
	v6 =	vld [tilespmem:$0x1FBB0]  }
0x1c4: {  	v43 =	vmin.f32 v43, v42;
	v42 =	vor.u32 s2, v62;
	v18 =	vld.idx.msk [tilespmem:v29+s18+$0x0], $0xffff  }
0x1c5: {  	v32 =	vmin.f32 v32, v33;
	v12 =	vmax.f32 v22, v12;
	v22 =	vld.idx.msk [tilespmem:v38+s18+$0x0], $0xffff  }
0x1c6: {  	v29 =	vmin.f32 v32, v43;
	v32 =	vor.u32 s2, v4;
	v4 =	vld [tilespmem:$0x1FFB0]  }
0x1c7: {  	v28 =	vmin.f32 v28, v29;
	v29 =	vor.u32 s2, v5;
	v5 =	vld [tilespmem:$0x1FFD0]  }
0x1c8: {  	v36 =	vmin.f32 v17, v15;
	v15 =	vmax.f32 v17, v15;
	v24 =	vld.idx.msk [tilespmem:v24+s18+$0x0], $0xffff  }
0x1c9: {  	v9 =	vmax.f32 v9, v12;
	v43 =	vmin.f32 v14, v11;
	v11 =	vmax.f32 v14, v11;
	v12 =	vld.idx.msk [tilespmem:v42+s18+$0x0], $0xffff  }
0x1ca: {  	v34 =	vmin.f32 v23, v21;
	v33 =	vmin.f32 v25, v26;
	v11 =	vmax.f32 v15, v11;
	v15 =	vld.idx.msk [tilespmem:v35+s18+$0x0], $0xffff  }
0x1cb: {  	v25 =	vmax.f32 v25, v26;
	v26 =	vor.u32 s2, v3;
	v42 =	vor.u32 s2, v8;
	v8 =	vld [tilespmem:$0x1FBD0]  }
0x1cc: {  	v21 =	vmax.f32 v23, v21;
	v33 =	vmin.f32 v33, v34;
	v34 =	vmin.f32 v16, v27;
	v23 =	vld.idx.msk [tilespmem:v32+s18+$0x0], $0xffff  }
0x1cd: {  	v16 =	vmax.f32 v16, v27;
	v43 =	vmin.f32 v36, v43;
	v36 =	vor.u32 s2, v2;
	v14 =	vld.idx.msk [tilespmem:v29+s18+$0x0], $0xffff  }
0x1ce: {  	v29 =	vmin.f32 v33, v43;
	v33 =	vmin.f32 v30, v19;
	v43 =	vld [tilespmem:$0x1FBC0];
	v19 =	vmax.f32 v30, v19  }
0x1cf: {  	v16 =	vmax.f32 v19, v16;
	v19 =	vld [tilespmem:$0x1FC50]  }
0x1d0: {  	v21 =	vmax.f32 v25, v21;
	v17 =	vor.u32 s2, v4;
	v26 =	vld.idx.msk [tilespmem:v26+s18+$0x0], $0xffff  }
0x1d1: {  	v11 =	vmax.f32 v21, v11;
	v25 =	vor.u32 s2, v5;
	v21 =	vld.idx.msk [tilespmem:v42+s18+$0x0], $0xffff  }
0x1d2: {  	v42 =	vld [tilespmem:$0x1FFF0]  }
0x1d3: {  	v9 =	vmax.f32 v9, v11;
	v11 =	vld.idx.msk [tilespmem:v36+s18+$0x0], $0xffff  }
0x1d4: {  	v28 =	vmin.f32 v28, v29;
	v37 =	vmin.f32 v22, v12;
	v12 =	vmax.f32 v22, v12;
	v22 =	vld [tilespmem:$0x1FC40]  }
0x1d5: {  	v29 =	vor.u32 s2, v6;
	v36 =	vmin.f32 v18, v13;
	v13 =	vmax.f32 v18, v13;
	v17 =	vld.idx.msk [tilespmem:v17+s18+$0x0], $0xffff  }
0x1d6: {  	v12 =	vmax.f32 v13, v12;
	v25 =	vld.idx.msk [tilespmem:v25+s18+$0x0], $0xffff  }
0x1d7: {  	v12 =	vmax.f32 v16, v12;
	v16 =	vld.idx.msk [tilespmem:v39+s18+$0x0], $0xffff  }
0x1d8: {  	v33 =	vmin.f32 v33, v34;
	v34 =	vmin.f32 v36, v37;
	v39 =	vld [tilespmem:$0x1FC90]  }
0x1d9: {  	v30 =	vmin.f32 v33, v34;
	v34 =	vmin.f32 v31, v20;
	v20 =	vmax.f32 v31, v20;
	v31 =	vld [tilespmem:$0x1FCB0]  }
0x1da: {  	v38 =	vor.u32 s2, v8;
	v27 =	vld.idx.msk [tilespmem:v29+s18+$0x0], $0xffff  }
0x1db: {  	v35 =	vor.u32 s2, v43;
	v29 =	vld [tilespmem:$0x1FC30]  }
0x1dc: {  	v33 =	vor.u32 s0, v40;
	v28 =	vmin.f32 v28, v30;
	v30 =	vld.idx.msk [tilespmem:v41+s18+$0x0], $0xffff  }
0x1dd: {  	v19 =	vor.u32 s0, v19;
	v9 =	vmax.f32 v9, v12;
	v12 =	vld [tilespmem:$0x1FC70]  }
0x1de: {  	v41 =	vld [tilespmem:$0x1FC80]  }
0x1df: {  	v37 =	vmin.f32 v14, v15;
	v13 =	vld.idx.msk [tilespmem:v38+s18+$0x0], $0xffff  }
0x1e0: {  	v14 =	vmax.f32 v14, v15;
	v32 =	vor.u32 s2, v42;
	v38 =	vmin.f32 v21, v11;
	v18 =	vld.idx.msk [tilespmem:v35+s18+$0x0], $0xffff  }
0x1e1: {  	v11 =	vmax.f32 v21, v11;
	v35 =	vmin.f32 v24, v23;
	v23 =	vmax.f32 v24, v23;
	v24 =	vld.idx.msk [tilespmem:v33+s18+$0x0], $0xffff  }
0x1e2: {  	v40 =	vmin.f32 v37, v38;
	v11 =	vmax.f32 v14, v11;
	v12 =	vor.u32 s0, v12;
	v19 =	vld.idx.msk [tilespmem:v19+s18+$0x0], $0xffff  }
0x1e3: {  	v36 =	vor.u32 s0, v41;
	v34 =	vmin.f32 v34, v35;
	v41 =	vld [tilespmem:$0x1FCA0];
	v20 =	vmax.f32 v20, v23  }
0x1e4: {  	v22 =	vor.u32 s0, v22;
	v23 =	vmin.f32 v34, v40;
	v11 =	vmax.f32 v20, v11;
	v40 =	vld [tilespmem:$0x1FD00]  }
0x1e5: {  	v39 =	vor.u32 s0, v39;
	v11 =	vmax.f32 v9, v11;
	v9 =	vld [tilespmem:$0x1FCF0]  }
0x1e6: {  	v32 =	vld.idx.msk [tilespmem:v32+s18+$0x0], $0xffff  }
0x1e7: {  	v29 =	vor.u32 s0, v29;
	v15 =	vld.idx.msk [tilespmem:v12+s18+$0x0], $0xffff  }
0x1e8: {  	v12 =	vld [tilespmem:$0x1FCC0]  }
0x1e9: {  	v22 =	vld.idx.msk [tilespmem:v22+s18+$0x0], $0xffff;
	v37 =	vor.u32 s0, v41  }
0x1ea: {  	v20 =	vld.idx.msk [tilespmem:v39+s18+$0x0], $0xffff;
	v9 =	vor.u32 s0, v9  }
0x1eb: {  	v39 =	vld [tilespmem:$0x1FCE0]  }
0x1ec: {  	v29 =	vld.idx.msk [tilespmem:v29+s18+$0x0], $0xffff  }
0x1ed: {  	v14 =	vld.idx.msk [tilespmem:v36+s18+$0x0], $0xffff;
	v12 =	vor.u32 s0, v12  }
0x1ee: {  	v23 =	vmin.f32 v28, v23;
	v28 =	vld.idx.msk [tilespmem:v37+s18+$0x0], $0xffff  }
0x1ef: {  	v38 =	vmin.f32 v13, v16;
	v13 =	vmax.f32 v13, v16;
	v16 =	vld.idx.msk [tilespmem:v9+s18+$0x0], $0xffff  }
0x1f0: {  	v37 =	vmin.f32 v27, v18;
	v9 =	vld [tilespmem:$0x1FD40]  }
0x1f1: {  	v41 =	vmin.f32 v37, v38;
	v38 =	vld [tilespmem:$0x1FD30]  }
0x1f2: {  	v33 =	vor.u32 s0, v39;
	v39 =	vld.idx.msk [tilespmem:v12+s18+$0x0], $0xffff  }
0x1f3: {  	v12 =	vld [tilespmem:$0x1FD10]  }
0x1f4: {  	v37 =	vld [tilespmem:$0x1FD20]  }
0x1f5: {  	v21 =	vld [tilespmem:$0x1FCD0];
	v31 =	vor.u32 s0, v31;
	v34 =	vmin.f32 v26, v17;
	v9 =	vor.u32 s0, v9  }
0x1f6: {  	v17 =	vmax.f32 v26, v17;
	v36 =	vor.u32 s0, v40;
	v35 =	vmin.f32 v25, v32  }
0x1f7: {  	v25 =	vmax.f32 v25, v32;
	v26 =	vld.idx.msk [tilespmem:v33+s18+$0x0], $0xffff;
	v33 =	vmin.f32 v30, v29;
	v32 =	vor.u32 s0, v38  }
0x1f8: {  	v38 =	vmin.f32 v14, v20;
	v40 =	vor.u32 s0, v12;
	v12 =	vmin.f32 v34, v35  }
0x1f9: {  	v35 =	vor.u32 s0, v37;
	v34 =	vmin.f32 v22, v19;
	v37 =	vmin.f32 v24, v15  }
0x1fa: {  	v21 =	vor.u32 s0, v21;
	v33 =	vmin.f32 v33, v34;
	v34 =	vmin.f32 v37, v38;
	v37 =	vld.idx.msk [tilespmem:v9+s18+$0x0], $0xffff  }
0x1fb: {  	v9 =	vld [tilespmem:$0x1FD90]  }
0x1fc: {  	v17 =	vmax.f32 v17, v25;
	v25 =	vld [tilespmem:$0x1FD50]  }
0x1fd: {  	v31 =	vld.idx.msk [tilespmem:v31+s18+$0x0], $0xffff  }
0x1fe: {  	v18 =	vmax.f32 v27, v18  }
0x1ff: {  	v21 =	vld.idx.msk [tilespmem:v21+s18+$0x0], $0xffff;
	v13 =	vmax.f32 v18, v13;
	v27 =	vmin.f32 v12, v41  }
0x200: {  	v41 =	vor.u32 s0, v9;
	v9 =	vmin.f32 v23, v27;
	v27 =	vor.u32 s0, v10;
	v10 =	vld [tilespmem:$0x1FDB0]  }
0x201: {  	v25 =	vor.u32 s0, v25;
	v29 =	vmax.f32 v30, v29;
	v12 =	vmax.f32 v17, v13;
	v17 =	vld [tilespmem:$0x1FD60]  }
0x202: {  	v30 =	vmin.f32 v28, v31;
	v28 =	vmax.f32 v28, v31;
	v31 =	vor.u32 s0, v47;
	v13 =	vld.idx.msk [tilespmem:v40+s18+$0x0], $0xffff  }
0x203: {  	v40 =	vld [tilespmem:$0x1FD70]  }
0x204: {  	v18 =	vld.idx.msk [tilespmem:v36+s18+$0x0], $0xffff  }
0x205: {  	v19 =	vmax.f32 v22, v19;
	v22 =	vor.u32 s0, v10;
	v10 =	vld [tilespmem:$0x1FDC0]  }
0x206: {  	v25 =	vld.idx.msk [tilespmem:v25+s18+$0x0], $0xffff  }
0x207: {  	v31 =	vld.idx.msk [tilespmem:v31+s18+$0x0], $0xffff;
	v38 =	vmin.f32 v26, v16;
	v16 =	vmax.f32 v26, v16;
	v26 =	vor.u32 s0, v48  }
0x208: {  	v17 =	vor.u32 s0, v17;
	v36 =	vor.u32 s0, v40;
	v40 =	vld [tilespmem:$0x1FD80]  }
0x209: {  	v32 =	vld.idx.msk [tilespmem:v32+s18+$0x0], $0xffff  }
0x20a: {  	v15 =	vmax.f32 v24, v15;
	v24 =	vor.u32 s0, v10;
	v10 =	vld [tilespmem:$0x1FDD0]  }
0x20b: {  	v35 =	vld.idx.msk [tilespmem:v35+s18+$0x0], $0xffff  }
0x20c: {  	v26 =	vld.idx.msk [tilespmem:v26+s18+$0x0], $0xffff  }
0x20d: {  	v17 =	vld.idx.msk [tilespmem:v17+s18+$0x0], $0xffff;
	v40 =	vor.u32 s0, v40  }
0x20e: {  	v14 =	vmax.f32 v14, v20;
	v23 =	vmin.f32 v33, v34;
	v34 =	vld.idx.msk [tilespmem:v41+s18+$0x0], $0xffff  }
0x20f: {  	v19 =	vmax.f32 v29, v19;
	v14 =	vmax.f32 v15, v14;
	v27 =	vld.idx.msk [tilespmem:v27+s18+$0x0], $0xffff;
	v29 =	vor.u32 s0, v10  }
0x210: {  	v33 =	vmin.f32 v39, v21;
	v21 =	vmax.f32 v39, v21;
	v48 =	vmin.f32 v37, v25;
	v10 =	vld [tilespmem:$0x1FDE0]  }
0x211: {  	v21 =	vmax.f32 v28, v21;
	v28 =	vor.u32 s0, v49;
	v47 =	vmin.f32 v35, v32;
	v20 =	vld.idx.msk [tilespmem:v36+s18+$0x0], $0xffff  }
0x212: {  	v30 =	vmin.f32 v30, v33;
	v33 =	vmin.f32 v47, v48;
	v47 =	vor.u32 s0, v55;
	v15 =	vld.idx.msk [tilespmem:v40+s18+$0x0], $0xffff  }
0x213: {  	v24 =	vld.idx.msk [tilespmem:v24+s18+$0x0], $0xffff  }
0x214: {  	v45 =	vor.u32 s0, v45;
	v41 =	vor.u32 s0, v44;
	v40 =	vmin.f32 v18, v13;
	v29 =	vld.idx.msk [tilespmem:v29+s18+$0x0], $0xffff  }
0x215: {  	v14 =	vmax.f32 v19, v14;
	v44 =	vmin.f32 v38, v40;
	v36 =	vor.u32 s0, v10;
	v10 =	vld [tilespmem:$0x1FF30]  }
0x216: {  	v49 =	vor.u32 s0, v51;
	v32 =	vmax.f32 v35, v32;
	v28 =	vld.idx.msk [tilespmem:v28+s18+$0x0], $0xffff;
	v19 =	vmin.f32 v30, v44  }
0x217: {  	v35 =	vld.idx.msk [tilespmem:v47+s18+$0x0], $0xffff;
	v13 =	vmax.f32 v18, v13;
	v30 =	vor.u32 s0, v46;
	v19 =	vmin.f32 v23, v19  }
0x218: {  	v22 =	vld.idx.msk [tilespmem:v22+s18+$0x0], $0xffff;
	v23 =	vor.u32 s0, v50;
	v50 =	vmin.f32 v17, v20;
	v51 =	vmin.f32 v15, v34  }
0x219: {  	v13 =	vmax.f32 v16, v13;
	v16 =	vld.idx.msk [tilespmem:v41+s18+$0x0], $0xffff;
	v44 =	vmin.f32 v50, v51  }
0x21a: {  	v51 =	vmin.f32 v24, v29;
	v24 =	vmax.f32 v24, v29;
	v29 =	vor.u32 s0, v10;
	v10 =	vld [tilespmem:$0x1FF40]  }
0x21b: {  	v48 =	vor.u32 s0, v56;
	v13 =	vmax.f32 v21, v13;
	v21 =	vld.idx.msk [tilespmem:v45+s18+$0x0], $0xffff  }
0x21c: {  	v52 =	vor.u32 s0, v52;
	v25 =	vmax.f32 v37, v25;
	v30 =	vld.idx.msk [tilespmem:v30+s18+$0x0], $0xffff  }
0x21d: {  	v25 =	vmax.f32 v32, v25;
	v46 =	vor.u32 s0, v54;
	v18 =	vld.idx.msk [tilespmem:v36+s18+$0x0], $0xffff  }
0x21e: {  	v17 =	vmax.f32 v17, v20;
	v20 =	vld.idx.msk [tilespmem:v49+s18+$0x0], $0xffff;
	v50 =	vmin.f32 v27, v22;
	v22 =	vmax.f32 v27, v22  }
0x21f: {  	v45 =	vor.u32 s0, v53;
	v22 =	vmax.f32 v22, v24;
	v24 =	vor.u32 s0, v10;
	v10 =	vld [tilespmem:$0x1FF50]  }
0x220: {  	v13 =	vmax.f32 v14, v13;
	v49 =	vor.u32 s0, v57;
	v15 =	vmax.f32 v15, v34;
	v34 =	vld.idx.msk [tilespmem:v48+s18+$0x0], $0xffff  }
0x221: {  	v15 =	vmax.f32 v17, v15;
	v17 =	vld.idx.msk [tilespmem:v52+s18+$0x0], $0xffff;
	v27 =	vor.u32 s0, v63;
	v14 =	vmin.f32 v33, v44  }
0x222: {  	v33 =	vld.idx.msk [tilespmem:v46+s18+$0x0], $0xffff;
	v53 =	vmin.f32 v18, v16;
	v16 =	vmax.f32 v18, v16;
	v18 =	vmax.f32 v21, v30  }
0x223: {  	v15 =	vmax.f32 v25, v15;
	v25 =	vor.u32 s0, v58;
	v23 =	vld.idx.msk [tilespmem:v23+s18+$0x0], $0xffff;
	v16 =	vmax.f32 v16, v18  }
0x224: {  	v16 =	vmax.f32 v22, v16;
	v22 =	vor.u32 s0, v10;
	v10 =	vld [tilespmem:$0x1FF60]  }
0x225: {  	v52 =	vor.u32 s0, v59;
	v14 =	vmin.f32 v19, v14;
	v19 =	vld.idx.msk [tilespmem:v45+s18+$0x0], $0xffff  }
0x226: {  	v32 =	vld.idx.msk [tilespmem:v49+s18+$0x0], $0xffff  }
0x227: {  	v55 =	vor.u32 s0, v60;
	v27 =	vld.idx.msk [tilespmem:v27+s18+$0x0], $0xffff  }
0x228: {  	v25 =	vld.idx.msk [tilespmem:v25+s18+$0x0], $0xffff;
	v59 =	vmin.f32 v28, v23;
	v23 =	vmax.f32 v28, v23;
	v28 =	vor.u32 s0, v3  }
0x229: {  	v60 =	vor.u32 s0, v10;
	v10 =	vld [tilespmem:$0x1FF70]  }
0x22a: {  	v54 =	vmin.f32 v21, v30;
	v3 =	vor.u32 s0, v6;
	v21 =	vld.idx.msk [tilespmem:v52+s18+$0x0], $0xffff  }
0x22b: {  	v57 =	vor.u32 s0, v61;
	v58 =	vor.u32 s0, v62;
	v29 =	vld.idx.msk [tilespmem:v29+s18+$0x0], $0xffff  }
0x22c: {  	v13 =	vmax.f32 v13, v15;
	v61 =	vmin.f32 v20, v17;
	v62 =	vmin.f32 v19, v33;
	v18 =	vld.idx.msk [tilespmem:v55+s18+$0x0], $0xffff  }
0x22d: {  	v36 =	vmin.f32 v50, v51;
	v44 =	vmin.f32 v61, v62;
	v30 =	vmin.f32 v31, v26;
	v28 =	vld.idx.msk [tilespmem:v28+s18+$0x0], $0xffff  }
0x22e: {  	v56 =	vmin.f32 v53, v54;
	v30 =	vmin.f32 v30, v59;
	v63 =	vor.u32 s0, v10;
	v10 =	vld [tilespmem:$0x1FF80]  }
0x22f: {  	v3 =	vld.idx.msk [tilespmem:v3+s18+$0x0], $0xffff;
	v13 =	vmax.f32 v13, v16;
	v16 =	vmin.f32 v30, v44;
	v30 =	vor.u32 s0, v2  }
0x230: {  	v15 =	vmin.f32 v36, v56;
	v36 =	vld.idx.msk [tilespmem:v58+s18+$0x0], $0xffff  }
0x231: {  	v14 =	vmin.f32 v14, v15;
	v15 =	vld.idx.msk [tilespmem:v57+s18+$0x0], $0xffff  }
0x232: {  	v46 =	vmin.f32 v35, v34;
	v2 =	vld [tilespmem:$0x1FBE0]  }
0x233: {  	v34 =	vmax.f32 v35, v34;
	v17 =	vmax.f32 v20, v17;
	v24 =	vld.idx.msk [tilespmem:v24+s18+$0x0], $0xffff;
	v45 =	vor.u32 s0, v10  }
0x234: {  	v19 =	vmax.f32 v19, v33;
	v26 =	vmax.f32 v31, v26;
	v31 =	vor.u32 s0, v4;
	v30 =	vld.idx.msk [tilespmem:v30+s18+$0x0], $0xffff  }
0x235: {  	v17 =	vmax.f32 v17, v19;
	v4 =	vor.u32 s0, v43;
	v23 =	vmax.f32 v26, v23;
	v22 =	vld.idx.msk [tilespmem:v22+s18+$0x0], $0xffff  }
0x236: {  	v47 =	vmin.f32 v32, v25;
	v17 =	vmax.f32 v23, v17;
	v23 =	vor.u32 s0, v42;
	v20 =	vld.idx.msk [tilespmem:v60+s18+$0x0], $0xffff  }
0x237: {  	v25 =	vmax.f32 v32, v25;
	v26 =	vor.u32 s0, v5;
	v5 =	vor.u32 s0, v8;
	v19 =	vld.idx.msk [tilespmem:v63+s18+$0x0], $0xffff  }
0x238: {  	v14 =	vmin.f32 v14, v16;
	v13 =	vmax.f32 v13, v17;
	v17 =	vmin.f32 v46, v47;
	v16 =	vld.idx.msk [tilespmem:v45+s18+$0x0], $0xffff  }
0x239: {  	v31 =	vld.idx.msk [tilespmem:v31+s18+$0x0], $0xffff;
	v48 =	vmin.f32 v21, v18;
	v49 =	vmin.f32 v15, v36;
	v6 =	vor.u32 s0, v2  }
0x23a: {  	v4 =	vld.idx.msk [tilespmem:v4+s18+$0x0], $0xffff;
	v18 =	vmax.f32 v21, v18;
	v15 =	vmax.f32 v15, v36;
	v33 =	vmin.f32 v48, v49  }
0x23b: {  	v21 =	vld.idx.msk [tilespmem:v23+s18+$0x0], $0xffff;
	v23 =	vmax.f32 v34, v25;
	v15 =	vmax.f32 v18, v15;
	v17 =	vmin.f32 v17, v33  }
0x23c: {  	v26 =	vld.idx.msk [tilespmem:v26+s18+$0x0], $0xffff;
	v15 =	vmax.f32 v23, v15;
	v14 =	vmin.f32 v14, v17;
	v17 =	vmin.f32 v27, v29  }
0x23d: {  	v5 =	vld.idx.msk [tilespmem:v5+s18+$0x0], $0xffff;
	v18 =	vmin.f32 v24, v22;
	v23 =	vmin.f32 v20, v19;
	v25 =	vmin.f32 v16, v30  }
0x23e: {  	v13 =	vmax.f32 v13, v15;
	v6 =	vld.idx.msk [tilespmem:v6+s18+$0x0], $0xffff;
	v15 =	vmin.f32 v17, v18;
	v17 =	vmin.f32 v23, v25  }
0x23f: {  	v18 =	vmax.f32 v24, v22;
	v15 =	vmin.f32 v15, v17;
	v17 =	vmax.f32 v27, v29  }
0x240: {  	v16 =	vmax.f32 v16, v30;
	v17 =	vmax.f32 v17, v18;
	v18 =	vmax.f32 v20, v19  }
0x241: {  	v19 =	vmin.f32 v26, v21;
	v14 =	vmin.f32 v14, v15;
	v16 =	vmax.f32 v18, v16  }
0x242: {  	v20 =	vmax.f32 v26, v21;
	v18 =	vmin.f32 v28, v31;
	v16 =	vmax.f32 v17, v16  }
0x243: {  	v15 =	vmin.f32 v18, v19;
	v17 =	vmin.f32 v3, v4;
	v18 =	vmin.f32 v5, v6  }
0x244: {  	v8 =	vld [tilespmem:$0x1FBF0];
	v19 =	vmax.f32 v28, v31;
	v3 =	vmax.f32 v3, v4;
	v4 =	vmax.f32 v5, v6  }
0x245: {  	v10 =	vld [tilespmem:$0x1FC00];
	v5 =	vmin.f32 v17, v18;
	v6 =	vmax.f32 v19, v20;
	v3 =	vmax.f32 v3, v4  }
0x246: {  	v4 =	vmax.f32 v13, v16;
	v5 =	vmin.f32 v15, v5;
	v6 =	vmax.f32 v6, v3  }
0x247: {  	v11 =	vmax.f32 v11, v12;
	v3 =	vmin.f32 v14, v5;
	v4 =	vmax.f32 v4, v6  }
0x248: {  	v12 =	vsub.f32 v11, v9;
	v5 =	vsub.f32 v4, v3;
	_ =	sdelay $0x1  }
0x249: {  	v4 =	vmin.f32 v10, v8;
	v6 =	vmin.f32 v12, v5  }
0x24a: {  	v11 =	vmax.f32 v12, v5;
	v4 =	vmin.f32 v4, v6;
	v6 =	vmax.f32 v10, v8  }
0x24b: {  	(xrf0) =	vmin.scan.msk.f32 $0xffff, v4;
	v4 =	vmax.f32 v6, v11  }
0x24c: {  	(xrf0) =	vmax.scan.msk.f32 $0xffff, v4;
	_ =	sdelay $0x4  }
0x24d: {  	v4, _, _ =	vpop (xrf0)  }
0x24e: {  	(v2sf) =	vpush v4, $0xF;
	v6, _, _ =	vpop (xrf0)  }
0x24f: {  	(v2sf) =	vpush v6, $0xF;
	_ =	sdelay $0xd  }
0x250: {  	s19 =	spop (v2sf)  }
0x251: {  	s22 =	spop (v2sf)  }
0x252: {  	s0 =	ssub.f32 s22, s19;
	_ =	sdelay $0x1  }
0x253: {  	s1 =	sadd.f32 $9.999999930e-09, s0;
	_ =	sdelay $0x1  }
0x254: {  	v6 =	vmov s1  }
0x255: {  	(erf) = vrcp.f32 v6;
	_ =	sdelay $0x5  }
0x256: {  	v6 =	vbroadcast v4, $0xF;
	_ =	sdelay $0x1  }
0x257: {  	v4 =	vsub.f32 v10, v6  }
0x258: {  	v11 =	vpop (erf)  }
0x259: {  	v4 =	vmul.f32 v11, v4;
	_ =	sdelay $0x1  }
0x25a: {  	v4 =	vmul.f32 $2.550000000e+02, v4  }
0x25b: {  	v2 =	vld [tilespmem:$0x1FFC0]  }
0x25c: {  	v4 =	vadd.f32 $1.258291200e+07, v4;
	_ =	sdelay $0x1  }
0x25d: {  	v4 =	vadd.f32 $-1.258291200e+07, v4;
	_ =	sdelay $0x1  }
0x25e: {  	v4 =	vmul.f32 v4, v2;
	_ =	sdelay $0x1  }
0x25f: {  	v4 =	vmul.f32 s0, v4;
	_ =	sdelay $0x1  }
0x260: {  	v13 =	vadd.f32 v4, v6;
	v4 =	vlaneseq.u32  }
0x261: {  	v4 =	vmul.u32 $0x10, v4;
	_ =	sdelay $0x1  }
0x262: {  	v14 =	vmul.f32 $0.0e+00, v13;
	v15 =	vor.u32 $0x1, v4  }
0x263: {  	v10 =	vadd.f32 $9.999999930e-09, v10;
	v16 =	vmul.f32 $1.462402340e-01, v13;
	v17 =	vor.u32 $0x2, v4  }
0x264: {  	v18 =	vmul.f32 $2.290039060e-01, v13;
	v19 =	vor.u32 $0x3, v4;
	v14 =	vadd.f32 v14, v1  }
0x265: {  	v20 =	vmul.f32 $2.916259770e-01, v13;
	v21 =	vor.u32 $0x4, v4;
	v16 =	vadd.f32 v16, v1  }
0x266: {  	v22 =	vor.u32 $0x5, v4;
	[tilespmem:v4+s20+$0x0] =	vst.idx.msk $0xffff, v14;
	v14 =	vadd.f32 v18, v1;
	v18 =	vmul.f32 $3.446044920e-01, v13  }
0x267: {  	v23 =	vor.u32 $0x6, v4;
	[tilespmem:v15+s20+$0x0] =	vst.idx.msk $0xffff, v16;
	v16 =	vadd.f32 v20, v1;
	v20 =	vmul.f32 $3.920288090e-01, v13  }
0x268: {  	v24 =	vor.u32 $0x7, v4;
	[tilespmem:v17+s20+$0x0] =	vst.idx.msk $0xffff, v14;
	v14 =	vadd.f32 v18, v1;
	v18 =	vmul.f32 $4.363403320e-01, v13  }
0x269: {  	v25 =	vor.u32 $0x8, v4;
	[tilespmem:v19+s20+$0x0] =	vst.idx.msk $0xffff, v16;
	v16 =	vadd.f32 v20, v1;
	v20 =	vmul.f32 $4.789581300e-01, v13  }
0x26a: {  	v26 =	vor.u32 $0x9, v4;
	[tilespmem:v21+s20+$0x0] =	vst.idx.msk $0xffff, v14;
	v14 =	vadd.f32 v18, v1;
	v18 =	vmul.f32 $5.210418700e-01, v13  }
0x26b: {  	v27 =	vor.u32 $0xA, v4;
	[tilespmem:v22+s20+$0x0] =	vst.idx.msk $0xffff, v16;
	v16 =	vadd.f32 v20, v1;
	v20 =	vmul.f32 $5.636596680e-01, v13  }
0x26c: {  	v28 =	vor.u32 $0xB, v4;
	[tilespmem:v23+s20+$0x0] =	vst.idx.msk $0xffff, v14;
	v14 =	vadd.f32 v18, v1;
	v18 =	vmul.f32 $6.079711910e-01, v13  }
0x26d: {  	v29 =	vor.u32 $0xC, v4;
	[tilespmem:v24+s20+$0x0] =	vst.idx.msk $0xffff, v16;
	v16 =	vadd.f32 v20, v1;
	v20 =	vmul.f32 $6.553955080e-01, v13  }
0x26e: {  	v30 =	vor.u32 $0xD, v4;
	[tilespmem:v25+s20+$0x0] =	vst.idx.msk $0xffff, v14;
	v14 =	vadd.f32 v18, v1;
	v18 =	vmul.f32 $7.083740230e-01, v13  }
0x26f: {  	v31 =	vor.u32 $0xE, v4;
	[tilespmem:v26+s20+$0x0] =	vst.idx.msk $0xffff, v16;
	v16 =	vadd.f32 v20, v1;
	v20 =	vmul.f32 $7.709960930e-01, v13  }
0x270: {  	v50 =	vor.u32 $0xF, v4;
	[tilespmem:v27+s20+$0x0] =	vst.idx.msk $0xffff, v14;
	v14 =	vadd.f32 v18, v1;
	v18 =	vmul.f32 $8.537597650e-01, v13  }
0x271: {  	[tilespmem:v28+s20+$0x0] =	vst.idx.msk $0xffff, v16;
	v16 =	vadd.f32 v20, v1;
	v20 =	vsub.f32 v8, v6  }
0x272: {  	[tilespmem:v29+s20+$0x0] =	vst.idx.msk $0xffff, v14;
	v14 =	vadd.f32 v18, v1;
	v18 =	vmul.f32 $7.312011710e-02, v10  }
0x273: {  	v13 =	vadd.f32 v13, v1;
	[tilespmem:v30+s20+$0x0] =	vst.idx.msk $0xffff, v16;
	v16 =	vmul.f32 $1.876220700e-01, v10;
	v20 =	vmul.f32 v11, v20  }
0x274: {  	[tilespmem:v31+s20+$0x0] =	vst.idx.msk $0xffff, v14;
	v14 =	vadd.f32 v18, v1;
	v18 =	vmul.f32 $2.603149410e-01, v10  }
0x275: {  	[tilespmem:v50+s20+$0x0] =	vst.idx.msk $0xffff, v13;
	v13 =	vadd.f32 v16, v1;
	v16 =	vmul.f32 $3.181152340e-01, v10;
	v20 =	vmul.f32 $2.550000000e+02, v20  }
0x276: {  	[tilespmem:v4+s21+$0x0] =	vst.idx.msk $0xffff, v14;
	v14 =	vadd.f32 v18, v1;
	v18 =	vmul.f32 $3.683166500e-01, v10  }
0x277: {  	[tilespmem:v15+s21+$0x0] =	vst.idx.msk $0xffff, v13;
	v13 =	vadd.f32 v16, v1;
	v15 =	vmul.f32 $4.141845700e-01, v10;
	v16 =	vadd.f32 $1.258291200e+07, v20  }
0x278: {  	[tilespmem:v17+s21+$0x0] =	vst.idx.msk $0xffff, v14;
	v14 =	vadd.f32 v18, v1;
	v17 =	vmul.f32 $4.576492310e-01, v10  }
0x279: {  	[tilespmem:v19+s21+$0x0] =	vst.idx.msk $0xffff, v13;
	v13 =	vadd.f32 v15, v1;
	v15 =	vmul.f32 $5.000000000e-01, v10;
	v16 =	vadd.f32 $-1.258291200e+07, v16  }
0x27a: {  	[tilespmem:v21+s21+$0x0] =	vst.idx.msk $0xffff, v14;
	v14 =	vadd.f32 v17, v1;
	v17 =	vmul.f32 $5.423507690e-01, v10  }
0x27b: {  	[tilespmem:v22+s21+$0x0] =	vst.idx.msk $0xffff, v13;
	v13 =	vadd.f32 v15, v1;
	v15 =	vmul.f32 $5.858154300e-01, v10;
	v16 =	vmul.f32 v16, v2  }
0x27c: {  	[tilespmem:v23+s21+$0x0] =	vst.idx.msk $0xffff, v14;
	v14 =	vadd.f32 v17, v1;
	v17 =	vmul.f32 $6.316833490e-01, v10  }
0x27d: {  	[tilespmem:v24+s21+$0x0] =	vst.idx.msk $0xffff, v13;
	v13 =	vadd.f32 v15, v1;
	v15 =	vmul.f32 $6.818847650e-01, v10;
	v16 =	vmul.f32 s0, v16  }
0x27e: {  	v18 =	vmul.f32 $8.123779300e-01, v10;
	[tilespmem:v25+s21+$0x0] =	vst.idx.msk $0xffff, v14;
	v14 =	vadd.f32 v17, v1;
	v17 =	vmul.f32 $7.396850580e-01, v10  }
0x27f: {  	v10 =	vmul.f32 $9.268798820e-01, v10;
	[tilespmem:v26+s21+$0x0] =	vst.idx.msk $0xffff, v13;
	v13 =	vadd.f32 v15, v1;
	v15 =	vadd.f32 v16, v6  }
0x280: {  	v16 =	vadd.f32 v18, v1;
	[tilespmem:v27+s21+$0x0] =	vst.idx.msk $0xffff, v14;
	v14 =	vadd.f32 v17, v1;
	v17 =	vor.u32 $0x100, v4  }
0x281: {  	v1 =	vadd.f32 v10, v1;
	[tilespmem:v28+s21+$0x0] =	vst.idx.msk $0xffff, v13;
	v10 =	vmul.f32 $0.0e+00, v15;
	v13 =	vor.u32 $0x101, v4  }
0x282: {  	v8 =	vadd.f32 $9.999999930e-09, v8;
	v18 =	vor.u32 $0x102, v4;
	[tilespmem:v29+s21+$0x0] =	vst.idx.msk $0xffff, v14;
	v14 =	vmul.f32 $1.462402340e-01, v15  }
0x283: {  	v19 =	vor.u32 $0x103, v4;
	[tilespmem:v30+s21+$0x0] =	vst.idx.msk $0xffff, v16;
	v10 =	vadd.f32 v10, v7;
	v16 =	vmul.f32 $2.290039060e-01, v15  }
0x284: {  	v20 =	vor.u32 $0x104, v4;
	[tilespmem:v31+s21+$0x0] =	vst.idx.msk $0xffff, v1;
	v1 =	vadd.f32 v14, v7;
	v14 =	vmul.f32 $2.916259770e-01, v15  }
0x285: {  	v21 =	vor.u32 $0x105, v4;
	[tilespmem:v17+s20+$0x0] =	vst.idx.msk $0xffff, v10;
	v10 =	vadd.f32 v16, v7;
	v16 =	vmul.f32 $3.446044920e-01, v15  }
0x286: {  	v22 =	vor.u32 $0x106, v4;
	[tilespmem:v13+s20+$0x0] =	vst.idx.msk $0xffff, v1;
	v1 =	vadd.f32 v14, v7;
	v14 =	vmul.f32 $3.920288090e-01, v15  }
0x287: {  	v23 =	vor.u32 $0x107, v4;
	[tilespmem:v18+s20+$0x0] =	vst.idx.msk $0xffff, v10;
	v10 =	vadd.f32 v16, v7;
	v16 =	vmul.f32 $4.363403320e-01, v15  }
0x288: {  	v24 =	vor.u32 $0x108, v4;
	[tilespmem:v19+s20+$0x0] =	vst.idx.msk $0xffff, v1;
	v1 =	vadd.f32 v14, v7;
	v14 =	vmul.f32 $4.789581300e-01, v15  }
0x289: {  	v25 =	vor.u32 $0x109, v4;
	[tilespmem:v20+s20+$0x0] =	vst.idx.msk $0xffff, v10;
	v10 =	vadd.f32 v16, v7;
	v16 =	vmul.f32 $5.210418700e-01, v15  }
0x28a: {  	v26 =	vor.u32 $0x10A, v4;
	[tilespmem:v21+s20+$0x0] =	vst.idx.msk $0xffff, v1;
	v1 =	vadd.f32 v14, v7;
	v14 =	vmul.f32 $5.636596680e-01, v15  }
0x28b: {  	v27 =	vor.u32 $0x10B, v4;
	[tilespmem:v22+s20+$0x0] =	vst.idx.msk $0xffff, v10;
	v10 =	vadd.f32 v16, v7;
	v16 =	vmul.f32 $6.079711910e-01, v15  }
0x28c: {  	v28 =	vor.u32 $0x10C, v4;
	[tilespmem:v23+s20+$0x0] =	vst.idx.msk $0xffff, v1;
	v1 =	vadd.f32 v14, v7;
	v14 =	vmul.f32 $6.553955080e-01, v15  }
0x28d: {  	v29 =	vor.u32 $0x10D, v4;
	[tilespmem:v24+s20+$0x0] =	vst.idx.msk $0xffff, v10;
	v10 =	vadd.f32 v16, v7;
	v16 =	vmul.f32 $7.083740230e-01, v15  }
0x28e: {  	v30 =	vor.u32 $0x10E, v4;
	[tilespmem:v25+s20+$0x0] =	vst.idx.msk $0xffff, v1;
	v1 =	vadd.f32 v14, v7;
	v14 =	vmul.f32 $7.709960930e-01, v15  }
0x28f: {  	v31 =	vor.u32 $0x10F, v4;
	[tilespmem:v26+s20+$0x0] =	vst.idx.msk $0xffff, v10;
	v10 =	vadd.f32 v16, v7;
	v16 =	vmul.f32 $8.537597650e-01, v15  }
0x290: {  	[tilespmem:v27+s20+$0x0] =	vst.idx.msk $0xffff, v1;
	v1 =	vadd.f32 v14, v7;
	v14 =	vsub.f32 v12, v6  }
0x291: {  	[tilespmem:v28+s20+$0x0] =	vst.idx.msk $0xffff, v10;
	v10 =	vadd.f32 v16, v7;
	v16 =	vmul.f32 $7.312011710e-02, v8  }
0x292: {  	[tilespmem:v29+s20+$0x0] =	vst.idx.msk $0xffff, v1;
	v1 =	vadd.f32 v15, v7;
	v15 =	vmul.f32 $1.876220700e-01, v8;
	v14 =	vmul.f32 v11, v14  }
0x293: {  	[tilespmem:v30+s20+$0x0] =	vst.idx.msk $0xffff, v10;
	v10 =	vadd.f32 v16, v7;
	v16 =	vmul.f32 $2.603149410e-01, v8  }
0x294: {  	[tilespmem:v31+s20+$0x0] =	vst.idx.msk $0xffff, v1;
	v1 =	vadd.f32 v15, v7;
	v15 =	vmul.f32 $3.181152340e-01, v8;
	v14 =	vmul.f32 $2.550000000e+02, v14  }
0x295: {  	[tilespmem:v17+s21+$0x0] =	vst.idx.msk $0xffff, v10;
	v10 =	vadd.f32 v16, v7;
	v16 =	vmul.f32 $3.683166500e-01, v8  }
0x296: {  	[tilespmem:v13+s21+$0x0] =	vst.idx.msk $0xffff, v1;
	v1 =	vadd.f32 v15, v7;
	v13 =	vmul.f32 $4.141845700e-01, v8;
	v14 =	vadd.f32 $1.258291200e+07, v14  }
0x297: {  	v15 =	vmul.f32 $4.576492310e-01, v8;
	[tilespmem:v18+s21+$0x0] =	vst.idx.msk $0xffff, v10;
	v10 =	vadd.f32 v16, v7  }
0x298: {  	[tilespmem:v19+s21+$0x0] =	vst.idx.msk $0xffff, v1;
	v1 =	vadd.f32 v13, v7;
	v13 =	vmul.f32 $5.000000000e-01, v8;
	v14 =	vadd.f32 $-1.258291200e+07, v14  }
0x299: {  	[tilespmem:v20+s21+$0x0] =	vst.idx.msk $0xffff, v10;
	v10 =	vadd.f32 v15, v7;
	v15 =	vmul.f32 $5.423507690e-01, v8  }
0x29a: {  	[tilespmem:v21+s21+$0x0] =	vst.idx.msk $0xffff, v1;
	v1 =	vadd.f32 v13, v7;
	v13 =	vmul.f32 $5.858154300e-01, v8;
	v14 =	vmul.f32 v14, v2  }
0x29b: {  	[tilespmem:v22+s21+$0x0] =	vst.idx.msk $0xffff, v10;
	v10 =	vadd.f32 v15, v7;
	v15 =	vmul.f32 $6.316833490e-01, v8  }
0x29c: {  	[tilespmem:v23+s21+$0x0] =	vst.idx.msk $0xffff, v1;
	v1 =	vadd.f32 v13, v7;
	v13 =	vmul.f32 $6.818847650e-01, v8;
	v14 =	vmul.f32 s0, v14  }
0x29d: {  	v16 =	vmul.f32 $8.123779300e-01, v8;
	[tilespmem:v24+s21+$0x0] =	vst.idx.msk $0xffff, v10;
	v10 =	vadd.f32 v15, v7;
	v15 =	vmul.f32 $7.396850580e-01, v8  }
0x29e: {  	v8 =	vmul.f32 $9.268798820e-01, v8;
	[tilespmem:v25+s21+$0x0] =	vst.idx.msk $0xffff, v1;
	v1 =	vadd.f32 v13, v7;
	v13 =	vadd.f32 v14, v6  }
0x29f: {  	v14 =	vadd.f32 v16, v7;
	[tilespmem:v26+s21+$0x0] =	vst.idx.msk $0xffff, v10;
	v10 =	vadd.f32 v15, v7;
	v15 =	vor.u32 $0x200, v4  }
0x2a0: {  	[tilespmem:v27+s21+$0x0] =	vst.idx.msk $0xffff, v1;
	v1 =	vadd.f32 v8, v7;
	v7 =	vmul.f32 $0.0e+00, v13;
	v8 =	vor.u32 $0x201, v4  }
0x2a1: {  	v16 =	vor.u32 $0x202, v4;
	[tilespmem:v28+s21+$0x0] =	vst.idx.msk $0xffff, v10;
	v10 =	vadd.f32 $9.999999930e-09, v12;
	v12 =	vmul.f32 $1.462402340e-01, v13  }
0x2a2: {  	v17 =	vor.u32 $0x203, v4;
	[tilespmem:v29+s21+$0x0] =	vst.idx.msk $0xffff, v14;
	v7 =	vadd.f32 v7, v9;
	v14 =	vmul.f32 $2.290039060e-01, v13  }
0x2a3: {  	v18 =	vor.u32 $0x204, v4;
	[tilespmem:v30+s21+$0x0] =	vst.idx.msk $0xffff, v1;
	v1 =	vadd.f32 v12, v9;
	v12 =	vmul.f32 $2.916259770e-01, v13  }
0x2a4: {  	v19 =	vor.u32 $0x205, v4;
	[tilespmem:v15+s20+$0x0] =	vst.idx.msk $0xffff, v7;
	v7 =	vadd.f32 v14, v9;
	v14 =	vmul.f32 $3.446044920e-01, v13  }
0x2a5: {  	v20 =	vor.u32 $0x206, v4;
	[tilespmem:v8+s20+$0x0] =	vst.idx.msk $0xffff, v1;
	v1 =	vadd.f32 v12, v9;
	v12 =	vmul.f32 $3.920288090e-01, v13  }
0x2a6: {  	v21 =	vor.u32 $0x207, v4;
	[tilespmem:v16+s20+$0x0] =	vst.idx.msk $0xffff, v7;
	v7 =	vadd.f32 v14, v9;
	v14 =	vmul.f32 $4.363403320e-01, v13  }
0x2a7: {  	v22 =	vor.u32 $0x208, v4;
	[tilespmem:v17+s20+$0x0] =	vst.idx.msk $0xffff, v1;
	v1 =	vadd.f32 v12, v9;
	v12 =	vmul.f32 $4.789581300e-01, v13  }
0x2a8: {  	v23 =	vor.u32 $0x209, v4;
	[tilespmem:v18+s20+$0x0] =	vst.idx.msk $0xffff, v7;
	v7 =	vadd.f32 v14, v9;
	v14 =	vmul.f32 $5.210418700e-01, v13  }
0x2a9: {  	v24 =	vor.u32 $0x20A, v4;
	[tilespmem:v19+s20+$0x0] =	vst.idx.msk $0xffff, v1;
	v1 =	vadd.f32 v12, v9;
	v12 =	vmul.f32 $5.636596680e-01, v13  }
0x2aa: {  	v25 =	vor.u32 $0x20B, v4;
	[tilespmem:v20+s20+$0x0] =	vst.idx.msk $0xffff, v7;
	v7 =	vadd.f32 v14, v9;
	v14 =	vmul.f32 $6.079711910e-01, v13  }
0x2ab: {  	v26 =	vor.u32 $0x20C, v4;
	[tilespmem:v21+s20+$0x0] =	vst.idx.msk $0xffff, v1;
	v1 =	vadd.f32 v12, v9;
	v12 =	vmul.f32 $6.553955080e-01, v13  }
0x2ac: {  	v27 =	vor.u32 $0x20D, v4;
	[tilespmem:v22+s20+$0x0] =	vst.idx.msk $0xffff, v7;
	v7 =	vadd.f32 v14, v9;
	v14 =	vmul.f32 $7.083740230e-01, v13  }
0x2ad: {  	v28 =	vor.u32 $0x20E, v4;
	[tilespmem:v23+s20+$0x0] =	vst.idx.msk $0xffff, v1;
	v1 =	vadd.f32 v12, v9;
	v12 =	vmul.f32 $7.709960930e-01, v13  }
0x2ae: {  	v29 =	vor.u32 $0x20F, v4;
	[tilespmem:v24+s20+$0x0] =	vst.idx.msk $0xffff, v7;
	v7 =	vadd.f32 v14, v9;
	v14 =	vmul.f32 $8.537597650e-01, v13  }
0x2af: {  	[tilespmem:v25+s20+$0x0] =	vst.idx.msk $0xffff, v1;
	v1 =	vadd.f32 v12, v9;
	v12 =	vsub.f32 v5, v6  }
0x2b0: {  	[tilespmem:v26+s20+$0x0] =	vst.idx.msk $0xffff, v7;
	v7 =	vadd.f32 v14, v9;
	v14 =	vmul.f32 $7.312011710e-02, v10  }
0x2b1: {  	[tilespmem:v27+s20+$0x0] =	vst.idx.msk $0xffff, v1;
	v1 =	vadd.f32 v13, v9;
	v13 =	vmul.f32 $1.876220700e-01, v10;
	v11 =	vmul.f32 v11, v12  }
0x2b2: {  	v12 =	vmul.f32 $2.603149410e-01, v10;
	[tilespmem:v28+s20+$0x0] =	vst.idx.msk $0xffff, v7;
	v7 =	vadd.f32 v14, v9  }
0x2b3: {  	[tilespmem:v29+s20+$0x0] =	vst.idx.msk $0xffff, v1;
	v1 =	vadd.f32 v13, v9;
	v13 =	vmul.f32 $3.181152340e-01, v10;
	v11 =	vmul.f32 $2.550000000e+02, v11  }
0x2b4: {  	[tilespmem:v15+s21+$0x0] =	vst.idx.msk $0xffff, v7;
	v7 =	vadd.f32 v12, v9;
	v12 =	vmul.f32 $3.683166500e-01, v10  }
0x2b5: {  	[tilespmem:v8+s21+$0x0] =	vst.idx.msk $0xffff, v1;
	v1 =	vadd.f32 v13, v9;
	v8 =	vmul.f32 $4.141845700e-01, v10;
	v11 =	vadd.f32 $1.258291200e+07, v11  }
0x2b6: {  	[tilespmem:v16+s21+$0x0] =	vst.idx.msk $0xffff, v7;
	v7 =	vadd.f32 v12, v9;
	v12 =	vmul.f32 $4.576492310e-01, v10  }
0x2b7: {  	[tilespmem:v17+s21+$0x0] =	vst.idx.msk $0xffff, v1;
	v1 =	vadd.f32 v8, v9;
	v8 =	vmul.f32 $5.000000000e-01, v10;
	v11 =	vadd.f32 $-1.258291200e+07, v11  }
0x2b8: {  	[tilespmem:v18+s21+$0x0] =	vst.idx.msk $0xffff, v7;
	v7 =	vadd.f32 v12, v9;
	v12 =	vmul.f32 $5.423507690e-01, v10  }
0x2b9: {  	[tilespmem:v19+s21+$0x0] =	vst.idx.msk $0xffff, v1;
	v1 =	vadd.f32 v8, v9;
	v8 =	vmul.f32 $5.858154300e-01, v10;
	v11 =	vmul.f32 v11, v2  }
0x2ba: {  	[tilespmem:v20+s21+$0x0] =	vst.idx.msk $0xffff, v7;
	v7 =	vadd.f32 v12, v9;
	v12 =	vmul.f32 $6.316833490e-01, v10  }
0x2bb: {  	[tilespmem:v21+s21+$0x0] =	vst.idx.msk $0xffff, v1;
	v1 =	vadd.f32 v8, v9;
	v8 =	vmul.f32 $6.818847650e-01, v10;
	v11 =	vmul.f32 s0, v11  }
0x2bc: {  	v13 =	vmul.f32 $8.123779300e-01, v10;
	[tilespmem:v22+s21+$0x0] =	vst.idx.msk $0xffff, v7;
	v7 =	vadd.f32 v12, v9;
	v12 =	vmul.f32 $7.396850580e-01, v10  }
0x2bd: {  	[tilespmem:v23+s21+$0x0] =	vst.idx.msk $0xffff, v1;
	v1 =	vadd.f32 v8, v9;
	v8 =	vmul.f32 $9.268798820e-01, v10;
	v6 =	vadd.f32 v11, v6  }
0x2be: {  	v10 =	vadd.f32 v13, v9;
	v11 =	vor.u32 $0x300, v4;
	[tilespmem:v24+s21+$0x0] =	vst.idx.msk $0xffff, v7;
	v7 =	vadd.f32 v12, v9  }
0x2bf: {  	[tilespmem:v25+s21+$0x0] =	vst.idx.msk $0xffff, v1;
	v1 =	vadd.f32 v8, v9;
	v8 =	vmul.f32 $0.0e+00, v6;
	v9 =	vor.u32 $0x301, v4  }
0x2c0: {  	v5 =	vadd.f32 $9.999999930e-09, v5;
	v12 =	vor.u32 $0x302, v4;
	[tilespmem:v26+s21+$0x0] =	vst.idx.msk $0xffff, v7;
	v7 =	vmul.f32 $1.462402340e-01, v6  }
0x2c1: {  	v13 =	vor.u32 $0x303, v4;
	[tilespmem:v27+s21+$0x0] =	vst.idx.msk $0xffff, v10;
	v8 =	vadd.f32 v8, v3;
	v10 =	vmul.f32 $2.290039060e-01, v6  }
0x2c2: {  	v14 =	vor.u32 $0x304, v4;
	[tilespmem:v28+s21+$0x0] =	vst.idx.msk $0xffff, v1;
	v1 =	vadd.f32 v7, v3;
	v7 =	vmul.f32 $2.916259770e-01, v6  }
0x2c3: {  	v15 =	vor.u32 $0x305, v4;
	[tilespmem:v11+s20+$0x0] =	vst.idx.msk $0xffff, v8;
	v8 =	vadd.f32 v10, v3;
	v10 =	vmul.f32 $3.446044920e-01, v6  }
0x2c4: {  	v16 =	vor.u32 $0x306, v4;
	[tilespmem:v9+s20+$0x0] =	vst.idx.msk $0xffff, v1;
	v1 =	vadd.f32 v7, v3;
	v7 =	vmul.f32 $3.920288090e-01, v6  }
0x2c5: {  	v17 =	vor.u32 $0x307, v4;
	[tilespmem:v12+s20+$0x0] =	vst.idx.msk $0xffff, v8;
	v8 =	vadd.f32 v10, v3;
	v10 =	vmul.f32 $4.363403320e-01, v6  }
0x2c6: {  	v18 =	vor.u32 $0x308, v4;
	[tilespmem:v13+s20+$0x0] =	vst.idx.msk $0xffff, v1;
	v1 =	vadd.f32 v7, v3;
	v7 =	vmul.f32 $4.789581300e-01, v6  }
0x2c7: {  	v19 =	vor.u32 $0x309, v4;
	[tilespmem:v14+s20+$0x0] =	vst.idx.msk $0xffff, v8;
	v8 =	vadd.f32 v10, v3;
	v10 =	vmul.f32 $5.210418700e-01, v6  }
0x2c8: {  	v20 =	vor.u32 $0x30A, v4;
	[tilespmem:v15+s20+$0x0] =	vst.idx.msk $0xffff, v1;
	v1 =	vadd.f32 v7, v3;
	v7 =	vmul.f32 $5.636596680e-01, v6  }
0x2c9: {  	v21 =	vor.u32 $0x30B, v4;
	[tilespmem:v16+s20+$0x0] =	vst.idx.msk $0xffff, v8;
	v8 =	vadd.f32 v10, v3;
	v10 =	vmul.f32 $6.079711910e-01, v6  }
0x2ca: {  	v22 =	vor.u32 $0x30C, v4;
	[tilespmem:v17+s20+$0x0] =	vst.idx.msk $0xffff, v1;
	v1 =	vadd.f32 v7, v3;
	v7 =	vmul.f32 $6.553955080e-01, v6  }
0x2cb: {  	v23 =	vor.u32 $0x30D, v4;
	[tilespmem:v18+s20+$0x0] =	vst.idx.msk $0xffff, v8;
	v8 =	vadd.f32 v10, v3;
	v10 =	vmul.f32 $7.083740230e-01, v6  }
0x2cc: {  	v24 =	vor.u32 $0x30E, v4;
	[tilespmem:v19+s20+$0x0] =	vst.idx.msk $0xffff, v1;
	v1 =	vadd.f32 v7, v3;
	v7 =	vmul.f32 $7.709960930e-01, v6  }
0x2cd: {  	v4 =	vor.u32 $0x30F, v4;
	[tilespmem:v20+s20+$0x0] =	vst.idx.msk $0xffff, v8;
	v8 =	vadd.f32 v10, v3;
	v10 =	vmul.f32 $8.537597650e-01, v6  }
0x2ce: {  	[tilespmem:v21+s20+$0x0] =	vst.idx.msk $0xffff, v1;
	v1 =	vadd.f32 v7, v3  }
0x2cf: {  	[tilespmem:v22+s20+$0x0] =	vst.idx.msk $0xffff, v8;
	v7 =	vadd.f32 v10, v3;
	v8 =	vmul.f32 $7.312011710e-02, v5  }
0x2d0: {  	[tilespmem:v23+s20+$0x0] =	vst.idx.msk $0xffff, v1;
	v1 =	vadd.f32 v6, v3;
	v6 =	vmul.f32 $1.876220700e-01, v5  }
0x2d1: {  	[tilespmem:v24+s20+$0x0] =	vst.idx.msk $0xffff, v7;
	v7 =	vadd.f32 v8, v3;
	v8 =	vmul.f32 $2.603149410e-01, v5  }
0x2d2: {  	[tilespmem:v4+s20+$0x0] =	vst.idx.msk $0xffff, v1;
	v1 =	vadd.f32 v6, v3;
	v4 =	vmul.f32 $3.181152340e-01, v5  }
0x2d3: {  	[tilespmem:v11+s21+$0x0] =	vst.idx.msk $0xffff, v7;
	v6 =	vadd.f32 v8, v3;
	v7 =	vmul.f32 $3.683166500e-01, v5  }
0x2d4: {  	[tilespmem:v9+s21+$0x0] =	vst.idx.msk $0xffff, v1;
	v1 =	vadd.f32 v4, v3;
	v4 =	vmul.f32 $4.141845700e-01, v5  }
0x2d5: {  	[tilespmem:v12+s21+$0x0] =	vst.idx.msk $0xffff, v6;
	v6 =	vadd.f32 v7, v3;
	v7 =	vmul.f32 $4.576492310e-01, v5  }
0x2d6: {  	[tilespmem:v13+s21+$0x0] =	vst.idx.msk $0xffff, v1;
	v1 =	vadd.f32 v4, v3;
	v4 =	vmul.f32 $5.000000000e-01, v5  }
0x2d7: {  	[tilespmem:v14+s21+$0x0] =	vst.idx.msk $0xffff, v6;
	v6 =	vadd.f32 v7, v3;
	v7 =	vmul.f32 $5.423507690e-01, v5  }
0x2d8: {  	[tilespmem:v15+s21+$0x0] =	vst.idx.msk $0xffff, v1;
	v1 =	vadd.f32 v4, v3;
	v4 =	vmul.f32 $5.858154300e-01, v5  }
0x2d9: {  	[tilespmem:v16+s21+$0x0] =	vst.idx.msk $0xffff, v6;
	v6 =	vadd.f32 v7, v3;
	v7 =	vmul.f32 $6.316833490e-01, v5  }
0x2da: {  	[tilespmem:v17+s21+$0x0] =	vst.idx.msk $0xffff, v1;
	v1 =	vadd.f32 v4, v3;
	v4 =	vmul.f32 $6.818847650e-01, v5  }
0x2db: {  	s23 =	simm.s32 $0x10;
	[tilespmem:v18+s21+$0x0] =	vst.idx.msk $0xffff, v6;
	v6 =	vadd.f32 v7, v3;
	v7 =	vmul.f32 $7.396850580e-01, v5  }
0x2dc: {  	v8 =	vmov s23;
	[tilespmem:v19+s21+$0x0] =	vst.idx.msk $0xffff, v1;
	v1 =	vadd.f32 v4, v3;
	v4 =	vmul.f32 $8.123779300e-01, v5  }
0x2dd: {  	v10 =	vor.u32 $0x7, v8;
	v5 =	vmul.f32 $9.268798820e-01, v5;
	[tilespmem:v20+s21+$0x0] =	vst.idx.msk $0xffff, v6;
	v6 =	vadd.f32 v7, v3  }
0x2de: {  	[tilespmem:v21+s21+$0x0] =	vst.idx.msk $0xffff, v1;
	v1 =	vadd.f32 v4, v3  }
0x2df: {  	v3 =	vadd.f32 v5, v3;
	[tilespmem:v22+s21+$0x0] =	vst.idx.msk $0xffff, v6  }
0x2e0: {  	v4 =	vmov s18;
	[tilespmem:v23+s21+$0x0] =	vst.idx.msk $0xffff, v1  }
0x2e1: {  	v18 =	vor.u32 $0x7, v4;
	[tilespmem:v24+s21+$0x0] =	vst.idx.msk $0xffff, v3  }
0x2e2: {  	v1 =	vld.idx.msk [tilespmem:v10+s21+$0x0], $0xffff  }
0x2e3: {  	v3 =	vld [tilespmem:s17+$0x20];
	_ =	sdelay $0x1  }
0x2e4: {  	v6 =	vld [tilespmem:s17+$0xFFFFFFE0]  }
0x2e5: {  	v5 =	vld.idx.msk [tilespmem:v18+s21+$0x0], $0xffff;
	_ =	sdelay $0x1  }
0x2e6: {  	v12 =	vor.u32 $0x8, v8;
	vm0 =	vgt.f32 v3, v1  }
0x2e7: {  	v1 =	vnsel vm0, s23, v12  }
0x2e8: {  	v7 =	vor.u32 $0x3, v1  }
0x2e9: {  	v16 =	vor.u32 $0x8, v4;
	vm8 =	vgt.f32 v6, v5  }
0x2ea: {  	v4 =	vnsel vm8, s18, v16  }
0x2eb: {  	v5 =	vor.u32 $0x3, v4;
	_ =	sdelay $0x1  }
0x2ec: {  	v7 =	vld.idx.msk [tilespmem:v7+s21+$0x0], $0xffff;
	_ =	sdelay $0x2  }
0x2ed: {  	v5 =	vld.idx.msk [tilespmem:v5+s21+$0x0], $0xffff;
	_ =	sdelay $0x1  }
0x2ee: {  	vm9 =	vgt.f32 v3, v7;
	v7 =	vor.u32 $0x4, v1  }
0x2ef: {  	v1 =	vsel vm9, v7, v1  }
0x2f0: {  	v7 =	vor.u32 $0x1, v1  }
0x2f1: {  	v8 =	vor.u32 $0x4, v4;
	vm10 =	vgt.f32 v6, v5  }
0x2f2: {  	v4 =	vsel vm10, v8, v4  }
0x2f3: {  	v5 =	vor.u32 $0x1, v4;
	_ =	sdelay $0x1  }
0x2f4: {  	v7 =	vld.idx.msk [tilespmem:v7+s21+$0x0], $0xffff;
	_ =	sdelay $0x2  }
0x2f5: {  	v5 =	vld.idx.msk [tilespmem:v5+s21+$0x0], $0xffff;
	_ =	sdelay $0x1  }
0x2f6: {  	v8 =	vor.u32 $0x2, v1;
	vm11 =	vgt.f32 v3, v7  }
0x2f7: {  	v1 =	vsel vm11, v8, v1;
	_ =	sdelay $0x1  }
0x2f8: {  	s19 =	simm.s32 $0x30;
	v7 =	vor.u32 $0x2, v4;
	vm12 =	vgt.f32 v6, v5  }
0x2f9: {  	v5 =	vmov s19;
	v4 =	vsel vm12, v7, v4  }
0x2fa: {  	v14 =	vor.u32 $0x7, v5  }
0x2fb: {  	v7 =	vld.idx.msk [tilespmem:v1+s21+$0x0], $0xffff  }
0x2fc: {  	s8 =	simm.s32 $0x20  }
0x2fd: {  	v8 =	vmov s8  }
0x2fe: {  	v15 =	vor.u32 $0x7, v8;
	v9 =	vld.idx.msk [tilespmem:v4+s21+$0x0], $0xffff  }
0x2ff: {  	s26 =	sadd.s32 $0x80, s17;
	v11 =	vld.idx.msk [tilespmem:v14+s21+$0x0], $0xffff  }
0x300: {  	vm13 =	vgt.f32 v3, v7;
	v7 =	vld [tilespmem:s26+$0x20]  }
0x301: {  	v3 =	vsel vm13, $0x1, v0  }
0x302: {  	v19 =	vld [tilespmem:s26+$0xFFFFFFE0];
	v1 =	vadd.s32 v3, v1  }
0x303: {  	v13 =	vld.idx.msk [tilespmem:v15+s21+$0x0], $0xffff;
	vm14 =	vgt.f32 v6, v9  }
0x304: {  	v3 =	vsel vm14, $0x1, v0  }
0x305: {  	v17 =	vor.u32 $0x8, v5;
	v3 =	vadd.s32 v3, v4;
	vm15 =	vgt.f32 v7, v11  }
0x306: {  	v4 =	vnsel vm15, s19, v17  }
0x307: {  	v1 =	vld.idx.msk [tilespmem:v1+s20+$0x0], $0xffff;
	v5 =	vor.u32 $0x3, v4  }
0x308: {  	v20 =	vor.u32 $0x8, v8;
	vm4 =	vgt.f32 v19, v13  }
0x309: {  	v6 =	vnsel vm4, s8, v20  }
0x30a: {  	v8 =	vor.u32 $0x3, v6;
	v3 =	vld.idx.msk [tilespmem:v3+s20+$0x0], $0xffff;
	_ =	sdelay $0x1  }
0x30b: {  	v5 =	vld.idx.msk [tilespmem:v5+s21+$0x0], $0xffff;
	[tilespmem:s7+$0x20] =	vst v1  }
0x30c: {  	s24 =	sor.u32 $0x50, s13;
	v1 =	vld.idx.msk [tilespmem:v10+s21+$0x0], $0xffff  }
0x30d: {  	v9 =	vld [tilespmem:s24+$0x0]  }
0x30e: {  	v8 =	vld.idx.msk [tilespmem:v8+s21+$0x0], $0xffff;
	[tilespmem:s7+$0xFFFFFFE0] =	vst v3  }
0x30f: {  	v3 =	vld.idx.msk [tilespmem:v18+s21+$0x0], $0xffff  }
0x310: {  	v11 =	vld [tilespmem:s17+$0xFFFFFFF0]  }
0x311: {  	vm5 =	vgt.f32 v7, v5;
	v5 =	vor.u32 $0x4, v4  }
0x312: {  	v13 =	vor.u32 $0x4, v6;
	v4 =	vsel vm5, v5, v4;
	vm6 =	vgt.f32 v9, v1  }
0x313: {  	vm7 =	vgt.f32 v19, v8;
	v1 =	vor.u32 $0x1, v4;
	v5 =	vnsel vm6, s23, v12  }
0x314: {  	v6 =	vsel vm7, v13, v6;
	v8 =	vor.u32 $0x3, v5  }
0x315: {  	vm8 =	vgt.f32 v11, v3;
	v3 =	vor.u32 $0x1, v6;
	_ =	sdelay $0x1  }
0x316: {  	v13 =	vnsel vm8, s18, v16  }
0x317: {  	v21 =	vor.u32 $0x3, v13;
	v1 =	vld.idx.msk [tilespmem:v1+s21+$0x0], $0xffff  }
0x318: {  	v8 =	vld.idx.msk [tilespmem:v8+s21+$0x0], $0xffff  }
0x319: {  	v3 =	vld.idx.msk [tilespmem:v3+s21+$0x0], $0xffff;
	_ =	sdelay $0x2  }
0x31a: {  	v22 =	vor.u32 $0x2, v6;
	v21 =	vld.idx.msk [tilespmem:v21+s21+$0x0], $0xffff  }
0x31b: {  	v23 =	vor.u32 $0x2, v4;
	vm9 =	vgt.f32 v7, v1;
	v1 =	vor.u32 $0x4, v5  }
0x31c: {  	vm1 =	vgt.f32 v9, v8;
	v4 =	vsel vm9, v23, v4;
	vm10 =	vgt.f32 v19, v3  }
0x31d: {  	v1 =	vsel vm1, v1, v5;
	v6 =	vsel vm10, v22, v6  }
0x31e: {  	s11 =	simm.s32 $0x50;
	v5 =	vor.u32 $0x1, v1  }
0x31f: {  	v8 =	vor.u32 $0x4, v13;
	vm11 =	vgt.f32 v11, v21;
	v21 =	vmov s11  }
0x320: {  	v8 =	vsel vm11, v8, v13;
	v3 =	vor.u32 $0x7, v21  }
0x321: {  	v13 =	vor.u32 $0x1, v8;
	v22 =	vld.idx.msk [tilespmem:v4+s21+$0x0], $0xffff  }
0x322: {  	s6 =	simm.s32 $0x40;
	v25 =	vld.idx.msk [tilespmem:v6+s21+$0x0], $0xffff  }
0x323: {  	v24 =	vmov s6;
	v23 =	vld.idx.msk [tilespmem:v5+s21+$0x0], $0xffff  }
0x324: {  	v5 =	vor.u32 $0x7, v24  }
0x325: {  	v26 =	vld.idx.msk [tilespmem:v3+s21+$0x0], $0xffff  }
0x326: {  	s22 =	sadd.s32 $0x80, s26;
	v13 =	vld.idx.msk [tilespmem:v13+s21+$0x0], $0xffff;
	vm12 =	vgt.f32 v7, v22  }
0x327: {  	v28 =	vor.u32 $0x2, v1;
	v22 =	vld [tilespmem:s22+$0x20];
	v7 =	vsel vm12, $0x1, v0  }
0x328: {  	vm14 =	vgt.f32 v19, v25;
	v19 =	vld [tilespmem:s22+$0xFFFFFFE0];
	v4 =	vadd.s32 v7, v4;
	vm13 =	vgt.f32 v9, v23  }
0x329: {  	v7 =	vld.idx.msk [tilespmem:v5+s21+$0x0], $0xffff;
	v23 =	vsel vm13, v28, v1  }
0x32a: {  	v1 =	vsel vm14, $0x1, v0  }
0x32b: {  	v27 =	vor.u32 $0x2, v8;
	v6 =	vadd.s32 v1, v6  }
0x32c: {  	vm15 =	vgt.f32 v11, v13;
	v1 =	vor.u32 $0x8, v21;
	vm4 =	vgt.f32 v22, v26  }
0x32d: {  	v8 =	vsel vm15, v27, v8;
	v13 =	vnsel vm4, s11, v1;
	v21 =	vld.idx.msk [tilespmem:v4+s20+$0x0], $0xffff  }
0x32e: {  	v25 =	vor.u32 $0x3, v13;
	vm5 =	vgt.f32 v19, v7;
	v7 =	vld.idx.msk [tilespmem:v23+s21+$0x0], $0xffff;
	_ =	sdelay $0x1  }
0x32f: {  	v4 =	vor.u32 $0x8, v24;
	v6 =	vld.idx.msk [tilespmem:v6+s20+$0x0], $0xffff  }
0x330: {  	v24 =	vnsel vm5, s6, v4  }
0x331: {  	s9 =	sadd.s32 $0x80, s7;
	v26 =	vor.u32 $0x3, v24;
	v27 =	vld.idx.msk [tilespmem:v8+s21+$0x0], $0xffff  }
0x332: {  	s4 =	sadd.s32 $0x80, s13;
	v25 =	vld.idx.msk [tilespmem:v25+s21+$0x0], $0xffff;
	[tilespmem:s9+$0x20] =	vst v21;
	vm6 =	vgt.f32 v9, v7  }
0x333: {  	s25 =	sor.u32 $0x50, s4;
	v21 =	vld.idx.msk [tilespmem:v14+s21+$0x0], $0xffff;
	v7 =	vsel vm6, $0x1, v0  }
0x334: {  	v28 =	vld [tilespmem:s25+$0x0];
	[tilespmem:s9+$0xFFFFFFE0] =	vst v6;
	v6 =	vadd.s32 v7, v23;
	_ =	sdelay $0x1  }
0x335: {  	v9 =	vld.idx.msk [tilespmem:v26+s21+$0x0], $0xffff  }
0x336: {  	v7 =	vld.idx.msk [tilespmem:v15+s21+$0x0], $0xffff;
	vm8 =	vgt.f32 v22, v25;
	v25 =	vor.u32 $0x4, v13  }
0x337: {  	vm7 =	vgt.f32 v11, v27;
	v11 =	vld [tilespmem:s26+$0xFFFFFFF0];
	v13 =	vsel vm8, v25, v13  }
0x338: {  	vm9 =	vgt.f32 v28, v21;
	v21 =	vor.u32 $0x1, v13;
	v6 =	vld.idx.msk [tilespmem:v6+s20+$0x0], $0xffff  }
0x339: {  	v26 =	vor.u32 $0x4, v24;
	v23 =	vsel vm7, $0x1, v0  }
0x33a: {  	v8 =	vadd.s32 v23, v8;
	v23 =	vnsel vm9, s19, v17;
	vm10 =	vgt.f32 v19, v9  }
0x33b: {  	v25 =	vor.u32 $0x3, v23;
	v9 =	vsel vm10, v26, v24  }
0x33c: {  	vm11 =	vgt.f32 v11, v7;
	v7 =	vor.u32 $0x1, v9  }
0x33d: {  	s3 =	sor.u32 $0x60, s13;
	v24 =	vnsel vm11, s8, v20;
	v21 =	vld.idx.msk [tilespmem:v21+s21+$0x0], $0xffff;
	[tilespmem:s24+$0xA000] =	vst v6  }
0x33e: {  	v26 =	vor.u32 $0x3, v24;
	v27 =	vld [tilespmem:s3+$0x0]  }
0x33f: {  	v6 =	vld.idx.msk [tilespmem:v10+s21+$0x0], $0xffff  }
0x340: {  	v25 =	vld.idx.msk [tilespmem:v25+s21+$0x0], $0xffff  }
0x341: {  	v7 =	vld.idx.msk [tilespmem:v7+s21+$0x0], $0xffff  }
0x342: {  	v8 =	vld.idx.msk [tilespmem:v8+s20+$0x0], $0xffff  }
0x343: {  	v30 =	vor.u32 $0x2, v13;
	v26 =	vld.idx.msk [tilespmem:v26+s21+$0x0], $0xffff  }
0x344: {  	vm12 =	vgt.f32 v22, v21;
	v21 =	vor.u32 $0x4, v23;
	vm14 =	vgt.f32 v27, v6  }
0x345: {  	vm13 =	vgt.f32 v28, v25;
	v25 =	vsel vm12, v30, v13;
	v30 =	vnsel vm14, s23, v12  }
0x346: {  	v23 =	vsel vm13, v21, v23;
	vm15 =	vgt.f32 v19, v7;
	v7 =	vor.u32 $0x3, v30  }
0x347: {  	s29 =	simm.s32 $0x70;
	v29 =	vor.u32 $0x2, v9;
	[tilespmem:s7+$0xFFFFFFF0] =	vst v8;
	v6 =	vor.u32 $0x4, v24;
	v21 =	vor.u32 $0x1, v23  }
0x348: {  	v8 =	vld.idx.msk [tilespmem:v18+s21+$0x0], $0xffff;
	vm4 =	vgt.f32 v11, v26;
	v9 =	vsel vm15, v29, v9;
	v29 =	vmov s29  }
0x349: {  	v13 =	vld [tilespmem:s17+$0x0];
	v24 =	vsel vm4, v6, v24;
	v6 =	vor.u32 $0x7, v29  }
0x34a: {  	v26 =	vor.u32 $0x1, v24;
	v31 =	vld.idx.msk [tilespmem:v25+s21+$0x0], $0xffff  }
0x34b: {  	v32 =	vld.idx.msk [tilespmem:v7+s21+$0x0], $0xffff  }
0x34c: {  	v21 =	vld.idx.msk [tilespmem:v21+s21+$0x0], $0xffff  }
0x34d: {  	s5 =	simm.s32 $0x60;
	v52 =	vld.idx.msk [tilespmem:v9+s21+$0x0], $0xffff  }
0x34e: {  	v51 =	vmov s5;
	v53 =	vld.idx.msk [tilespmem:v6+s21+$0x0], $0xffff  }
0x34f: {  	s0 =	sadd.s32 $0x80, s22;
	vm5 =	vgt.f32 v13, v8;
	v7 =	vor.u32 $0x7, v51;
	v8 =	vld.idx.msk [tilespmem:v26+s21+$0x0], $0xffff;
	vm6 =	vgt.f32 v22, v31  }
0x350: {  	v56 =	vor.u32 $0x4, v30;
	v22 =	vld [tilespmem:s0+$0x20];
	v31 =	vsel vm6, $0x1, v0;
	vm7 =	vgt.f32 v27, v32  }
0x351: {  	v54 =	vor.u32 $0x2, v24;
	v25 =	vadd.s32 v31, v25;
	v30 =	vsel vm7, v56, v30  }
0x352: {  	v26 =	vnsel vm5, s18, v16;
	vm9 =	vgt.f32 v19, v52;
	v19 =	vor.u32 $0x1, v30  }
0x353: {  	v55 =	vor.u32 $0x3, v26;
	v31 =	vor.u32 $0x2, v23;
	vm8 =	vgt.f32 v28, v21;
	v21 =	vld [tilespmem:s0+$0xFFFFFFE0]  }
0x354: {  	v57 =	vld.idx.msk [tilespmem:v7+s21+$0x0], $0xffff;
	v23 =	vsel vm8, v31, v23;
	v31 =	vsel vm9, $0x1, v0;
	vm10 =	vgt.f32 v11, v8  }
0x355: {  	v31 =	vadd.s32 v31, v9;
	v9 =	vor.u32 $0x8, v29;
	vm11 =	vgt.f32 v22, v53  }
0x356: {  	v58 =	vsel vm10, v54, v24;
	v35 =	vnsel vm11, s29, v9;
	v24 =	vld.idx.msk [tilespmem:v25+s20+$0x0], $0xffff  }
0x357: {  	v25 =	vor.u32 $0x3, v35;
	v19 =	vld.idx.msk [tilespmem:v19+s21+$0x0], $0xffff  }
0x358: {  	v29 =	vld.idx.msk [tilespmem:v55+s21+$0x0], $0xffff  }
0x359: {  	v8 =	vor.u32 $0x8, v51;
	vm12 =	vgt.f32 v21, v57;
	v59 =	vld.idx.msk [tilespmem:v23+s21+$0x0], $0xffff  }
0x35a: {  	v33 =	vnsel vm12, s5, v8;
	v31 =	vld.idx.msk [tilespmem:v31+s20+$0x0], $0xffff  }
0x35b: {  	s10 =	sadd.s32 $0x80, s9;
	v60 =	vor.u32 $0x3, v33;
	v61 =	vld.idx.msk [tilespmem:v58+s21+$0x0], $0xffff  }
0x35c: {  	s31 =	sadd.s32 $0x80, s4;
	v62 =	vld.idx.msk [tilespmem:v25+s21+$0x0], $0xffff;
	[tilespmem:s10+$0x20] =	vst v24;
	vm13 =	vgt.f32 v27, v19;
	v19 =	vor.u32 $0x2, v30  }
0x35d: {  	s12 =	sor.u32 $0x50, s31;
	v63 =	vld.idx.msk [tilespmem:v3+s21+$0x0], $0xffff;
	v19 =	vsel vm13, v19, v30  }
0x35e: {  	v24 =	vld [tilespmem:s12+$0x0];
	vm14 =	vgt.f32 v28, v59  }
0x35f: {  	vm15 =	vgt.f32 v13, v29;
	v25 =	vor.u32 $0x4, v26;
	v28 =	vsel vm14, $0x1, v0  }
0x360: {  	v29 =	vsel vm15, v25, v26;
	[tilespmem:s10+$0xFFFFFFE0] =	vst v31;
	v26 =	vld.idx.msk [tilespmem:v60+s21+$0x0], $0xffff;
	v23 =	vadd.s32 v28, v23  }
0x361: {  	v31 =	vor.u32 $0x4, v35;
	v25 =	vld [tilespmem:s22+$0xFFFFFFF0];
	vm5 =	vgt.f32 v22, v62  }
0x362: {  	v28 =	vor.u32 $0x1, v29;
	vm4 =	vgt.f32 v11, v61;
	v31 =	vsel vm5, v31, v35;
	v42 =	vld.idx.msk [tilespmem:v19+s21+$0x0], $0xffff  }
0x363: {  	v30 =	vld.idx.msk [tilespmem:v5+s21+$0x0], $0xffff;
	v11 =	vsel vm4, $0x1, v0;
	vm6 =	vgt.f32 v24, v63;
	v43 =	vor.u32 $0x1, v31  }
0x364: {  	v11 =	vadd.s32 v11, v58;
	v44 =	vnsel vm6, s11, v1  }
0x365: {  	v45 =	vor.u32 $0x3, v44;
	v23 =	vld.idx.msk [tilespmem:v23+s20+$0x0], $0xffff  }
0x366: {  	v46 =	vor.u32 $0x4, v33;
	vm7 =	vgt.f32 v21, v26  }
0x367: {  	v28 =	vld.idx.msk [tilespmem:v28+s21+$0x0], $0xffff;
	v33 =	vsel vm7, v46, v33;
	vm9 =	vgt.f32 v27, v42  }
0x368: {  	vm8 =	vgt.f32 v25, v30;
	v30 =	vor.u32 $0x1, v33;
	v48 =	vld.idx.msk [tilespmem:v43+s21+$0x0], $0xffff;
	v26 =	vsel vm9, $0x1, v0  }
0x369: {  	v47 =	vnsel vm8, s6, v4;
	v11 =	vld.idx.msk [tilespmem:v11+s20+$0x0], $0xffff;
	v19 =	vadd.s32 v26, v19  }
0x36a: {  	v49 =	vld.idx.msk [tilespmem:v45+s21+$0x0], $0xffff;
	[tilespmem:s25+$0xA000] =	vst v23;
	v27 =	vor.u32 $0x3, v47  }
0x36b: {  	s15 =	sor.u32 $0x60, s4;
	v23 =	vld.idx.msk [tilespmem:v14+s21+$0x0], $0xffff  }
0x36c: {  	v50 =	vor.u32 $0x2, v29;
	vm10 =	vgt.f32 v13, v28;
	v26 =	vld [tilespmem:s15+$0x0]  }
0x36d: {  	v29 =	vsel vm10, v50, v29;
	v28 =	vld.idx.msk [tilespmem:v30+s21+$0x0], $0xffff;
	v30 =	vor.u32 $0x2, v31;
	vm11 =	vgt.f32 v22, v48  }
0x36e: {  	v30 =	vsel vm11, v30, v31;
	v31 =	vld.idx.msk [tilespmem:v19+s20+$0x0], $0xffff  }
0x36f: {  	v27 =	vld.idx.msk [tilespmem:v27+s21+$0x0], $0xffff  }
0x370: {  	[tilespmem:s9+$0xFFFFFFF0] =	vst v11;
	v11 =	vor.u32 $0x4, v44;
	vm12 =	vgt.f32 v24, v49  }
0x371: {  	v52 =	vld.idx.msk [tilespmem:v15+s21+$0x0], $0xffff;
	v34 =	vsel vm12, v11, v44;
	vm13 =	vgt.f32 v26, v23  }
0x372: {  	v54 =	vld.idx.msk [tilespmem:v29+s21+$0x0], $0xffff;
	v23 =	vor.u32 $0x1, v34;
	v53 =	vnsel vm13, s19, v17  }
0x373: {  	v51 =	vor.u32 $0x2, v33;
	vm14 =	vgt.f32 v21, v28;
	v19 =	vld [tilespmem:s26+$0x0];
	v55 =	vor.u32 $0x3, v53;
	[tilespmem:s3+$0xA000] =	vst v31  }
0x374: {  	s14 =	simm.s32 $0x90;
	v56 =	vld.idx.msk [tilespmem:v30+s21+$0x0], $0xffff;
	vm15 =	vgt.f32 v25, v27;
	v27 =	vsel vm14, v51, v33;
	[dreg:$0xe] =	wrdreg s13  }
0x375: {  	s24 =	sor.u32 $0x70, s13;
	v59 =	vmov s14;
	v11 =	vor.u32 $0x4, v47;
	v58 =	vld.idx.msk [tilespmem:v10+s21+$0x0], $0xffff  }
0x376: {  	v57 =	vsel vm15, v11, v47;
	v11 =	vor.u32 $0x7, v59;
	v28 =	vld [tilespmem:s24+$0x0]  }
0x377: {  	v31 =	vor.u32 $0x1, v57;
	s3 =	simm.s32 $0x80;
	v60 =	vld.idx.msk [tilespmem:v23+s21+$0x0], $0xffff  }
0x378: {  	vm5 =	vgt.f32 v13, v54;
	v51 =	vor.u32 $0x4, v53;
	v61 =	vmov s3;
	v39 =	vld.idx.msk [tilespmem:v55+s21+$0x0], $0xffff  }
0x379: {  	s16 =	sadd.s32 $0x80, s0;
	vm4 =	vgt.f32 v19, v52;
	v10 =	vor.u32 $0x7, v61;
	v23 =	vsel vm5, $0x1, v0;
	v13 =	vld.idx.msk [tilespmem:v27+s21+$0x0], $0xffff  }
0x37a: {  	v38 =	vnsel vm4, s8, v20;
	vm6 =	vgt.f32 v22, v56;
	v29 =	vadd.s32 v23, v29;
	v23 =	vld [tilespmem:s16+$0x20]  }
0x37b: {  	v63 =	vor.u32 $0x3, v38;
	v22 =	vsel vm6, $0x1, v0;
	v48 =	vld.idx.msk [tilespmem:v11+s21+$0x0], $0xffff;
	vm7 =	vgt.f32 v28, v58  }
0x37c: {  	v31 =	vld.idx.msk [tilespmem:v31+s21+$0x0], $0xffff;
	vm8 =	vgt.f32 v24, v60;
	v37 =	vnsel vm7, s23, v12;
	v12 =	vadd.s32 v22, v30  }
0x37d: {  	vm9 =	vgt.f32 v26, v39;
	v30 =	vor.u32 $0x2, v34;
	v49 =	vor.u32 $0x3, v37  }
0x37e: {  	v50 =	vld.idx.msk [tilespmem:v10+s21+$0x0], $0xffff;
	v52 =	vsel vm9, v51, v53;
	v30 =	vsel vm8, v30, v34  }
0x37f: {  	v22 =	vld [tilespmem:s16+$0xFFFFFFE0];
	vm2 =	vgt.f32 v21, v13;
	v21 =	vor.u32 $0x1, v52  }
0x380: {  	v62 =	vor.u32 $0x2, v57;
	v53 =	vld.idx.msk [tilespmem:v63+s21+$0x0], $0xffff;
	v13 =	vsel vm2, $0x1, v0;
	vm11 =	vgt.f32 v23, v48  }
0x381: {  	vm10 =	vgt.f32 v25, v31;
	v27 =	vadd.s32 v13, v27;
	v13 =	vor.u32 $0x8, v59;
	v55 =	vld.idx.msk [tilespmem:v12+s20+$0x0], $0xffff  }
0x382: {  	v31 =	vsel vm10, v62, v57;
	v33 =	vnsel vm11, s14, v13;
	v54 =	vld.idx.msk [tilespmem:v49+s21+$0x0], $0xffff  }
0x383: {  	v56 =	vor.u32 $0x3, v33;
	v57 =	vld.idx.msk [tilespmem:v30+s21+$0x0], $0xffff  }
0x384: {  	v58 =	vld.idx.msk [tilespmem:v21+s21+$0x0], $0xffff  }
0x385: {  	v29 =	vld.idx.msk [tilespmem:v29+s20+$0x0], $0xffff  }
0x386: {  	v12 =	vor.u32 $0x8, v61;
	vm12 =	vgt.f32 v22, v50;
	v27 =	vld.idx.msk [tilespmem:v27+s20+$0x0], $0xffff  }
0x387: {  	s30 =	sadd.s32 $0x80, s10;
	v42 =	vnsel vm12, s3, v12;
	v60 =	vld.idx.msk [tilespmem:v31+s21+$0x0], $0xffff  }
0x388: {  	s2 =	sadd.s32 $0x80, s31;
	v21 =	vor.u32 $0x4, v37;
	v59 =	vor.u32 $0x3, v42;
	v61 =	vld.idx.msk [tilespmem:v56+s21+$0x0], $0xffff;
	[tilespmem:s30+$0x20] =	vst v55;
	vm13 =	vgt.f32 v28, v54  }
0x389: {  	s25 =	sor.u32 $0x50, s2;
	v48 =	vld.idx.msk [tilespmem:v6+s21+$0x0], $0xffff;
	vm14 =	vgt.f32 v24, v57;
	vm15 =	vgt.f32 v26, v58;
	v24 =	vor.u32 $0x2, v52  }
0x38a: {  	v63 =	vor.u32 $0x4, v38;
	[tilespmem:s7+$0x0] =	vst v29;
	v62 =	vsel vm13, v21, v37;
	v21 =	vld [tilespmem:s25+$0x0];
	v24 =	vsel vm15, v24, v52  }
0x38b: {  	vm4 =	vgt.f32 v19, v53;
	v18 =	vld.idx.msk [tilespmem:v18+s21+$0x0], $0xffff;
	v29 =	vsel vm14, $0x1, v0;
	[tilespmem:s30+$0xFFFFFFE0] =	vst v27;
	v49 =	vor.u32 $0x1, v62  }
0x38c: {  	v50 =	vsel vm4, v63, v38;
	v27 =	vadd.s32 v29, v30;
	v30 =	vld.idx.msk [tilespmem:v7+s21+$0x0], $0xffff  }
0x38d: {  	v29 =	vor.u32 $0x1, v50;
	vm5 =	vgt.f32 v25, v60;
	v25 =	vld [tilespmem:s0+$0xFFFFFFF0]  }
0x38e: {  	v53 =	vor.u32 $0x4, v33;
	v51 =	vld.idx.msk [tilespmem:v59+s21+$0x0], $0xffff;
	v52 =	vsel vm5, $0x1, v0;
	vm6 =	vgt.f32 v23, v61  }
0x38f: {  	v31 =	vadd.s32 v52, v31;
	v32 =	vsel vm6, v53, v33;
	vm7 =	vgt.f32 v21, v48;
	v56 =	vld.idx.msk [tilespmem:v24+s21+$0x0], $0xffff  }
0x390: {  	v33 =	vor.u32 $0x1, v32;
	v54 =	vld.idx.msk [tilespmem:v49+s21+$0x0], $0xffff;
	v55 =	vnsel vm7, s29, v9  }
0x391: {  	v58 =	vld.idx.msk [tilespmem:v27+s20+$0x0], $0xffff;
	v57 =	vor.u32 $0x3, v55  }
0x392: {  	v29 =	vld.idx.msk [tilespmem:v29+s21+$0x0], $0xffff;
	[dreg:$0x10] =	wrdreg s17;
	vm10 =	vgt.f32 v25, v30  }
0x393: {  	v59 =	vor.u32 $0x4, v42;
	v27 =	vld [tilespmem:s17+$0x10];
	v63 =	vnsel vm10, s5, v8  }
0x394: {  	v60 =	vor.u32 $0x2, v62;
	vm8 =	vgt.f32 v22, v51;
	v30 =	vld.idx.msk [tilespmem:v31+s20+$0x0], $0xffff;
	v46 =	vor.u32 $0x3, v63  }
0x395: {  	v61 =	vsel vm8, v59, v42;
	v33 =	vld.idx.msk [tilespmem:v33+s21+$0x0], $0xffff;
	vm11 =	vgt.f32 v26, v56;
	vm9 =	vgt.f32 v28, v54  }
0x396: {  	s13 =	sor.u32 $0x60, s31;
	[tilespmem:s12+$0xA000] =	vst v58;
	v47 =	vsel vm11, $0x1, v0;
	v31 =	vsel vm9, v60, v62;
	v62 =	vor.u32 $0x1, v61;
	v40 =	vld.idx.msk [tilespmem:v57+s21+$0x0], $0xffff  }
0x397: {  	v26 =	vld [tilespmem:s13+$0x0];
	v24 =	vadd.s32 v47, v24  }
0x398: {  	vm13 =	vgt.f32 v19, v29;
	vm12 =	vgt.f32 v27, v18;
	v48 =	vld.idx.msk [tilespmem:v3+s21+$0x0], $0xffff;
	v18 =	vor.u32 $0x2, v50  }
0x399: {  	v34 =	vsel vm13, v18, v50;
	v50 =	vld.idx.msk [tilespmem:v46+s21+$0x0], $0xffff;
	[tilespmem:s10+$0xFFFFFFF0] =	vst v30  }
0x39a: {  	v29 =	vnsel vm12, s18, v16;
	v52 =	vld.idx.msk [tilespmem:v5+s21+$0x0], $0xffff  }
0x39b: {  	v18 =	vor.u32 $0x2, v32;
	v49 =	vor.u32 $0x3, v29;
	vm14 =	vgt.f32 v23, v33;
	v35 =	vld.idx.msk [tilespmem:v62+s21+$0x0], $0xffff  }
0x39c: {  	v51 =	vor.u32 $0x4, v55;
	v30 =	vsel vm14, v18, v32;
	vm15 =	vgt.f32 v21, v40;
	v24 =	vld.idx.msk [tilespmem:v24+s20+$0x0], $0xffff  }
0x39d: {  	v16 =	vld.idx.msk [tilespmem:v31+s21+$0x0], $0xffff;
	v32 =	vsel vm15, v51, v55  }
0x39e: {  	v18 =	vld [tilespmem:s22+$0x0];
	vm4 =	vgt.f32 v26, v48;
	v37 =	vor.u32 $0x1, v32  }
0x39f: {  	s1 =	simm.s32 $0xB0;
	v41 =	vnsel vm4, s11, v1;
	v54 =	vld.idx.msk [tilespmem:v34+s21+$0x0], $0xffff  }
0x3a0: {  	v59 =	vmov s1;
	v55 =	vor.u32 $0x3, v41;
	v42 =	vld.idx.msk [tilespmem:v49+s21+$0x0], $0xffff  }
0x3a1: {  	v53 =	vor.u32 $0x2, v61;
	vm7 =	vgt.f32 v25, v50;
	v56 =	vld.idx.msk [tilespmem:v30+s21+$0x0], $0xffff;
	vm6 =	vgt.f32 v22, v35;
	[tilespmem:s15+$0xA000] =	vst v24  }
0x3a2: {  	vm5 =	vgt.f32 v28, v16;
	v16 =	vor.u32 $0x4, v63;
	v38 =	vsel vm6, v53, v61;
	v58 =	vld.idx.msk [tilespmem:v14+s21+$0x0], $0xffff  }
0x3a3: {  	s15 =	sor.u32 $0x70, s4;
	v28 =	vsel vm5, $0x1, v0;
	v36 =	vsel vm7, v16, v63;
	v16 =	vor.u32 $0x7, v59;
	v37 =	vld.idx.msk [tilespmem:v37+s21+$0x0], $0xffff  }
0x3a4: {  	s17 =	simm.s32 $0xA0;
	v57 =	vadd.s32 v28, v31;
	v28 =	vld [tilespmem:s15+$0x0]  }
0x3a5: {  	v40 =	vmov s17;
	s4 =	sadd.s32 $0x80, s16;
	v24 =	vor.u32 $0x1, v36;
	v44 =	vld.idx.msk [tilespmem:v55+s21+$0x0], $0xffff  }
0x3a6: {  	vm9 =	vgt.f32 v19, v54;
	v31 =	vor.u32 $0x7, v40;
	vm11 =	vgt.f32 v23, v56;
	v23 =	vld [tilespmem:s4+$0x20]  }
0x3a7: {  	v19 =	vor.u32 $0x4, v29;
	v60 =	vsel vm9, $0x1, v0;
	vm10 =	vgt.f32 v27, v42;
	v61 =	vld.idx.msk [tilespmem:v38+s21+$0x0], $0xffff  }
0x3a8: {  	vm8 =	vgt.f32 v18, v52;
	v34 =	vadd.s32 v60, v34;
	v29 =	vsel vm10, v19, v29;
	v53 =	vld.idx.msk [tilespmem:v16+s21+$0x0], $0xffff  }
0x3a9: {  	v33 =	vnsel vm8, s6, v4;
	v19 =	vor.u32 $0x1, v29;
	v14 =	vld.idx.msk [tilespmem:v57+s20+$0x0], $0xffff  }
0x3aa: {  	v62 =	vor.u32 $0x3, v33;
	v63 =	vld.idx.msk [tilespmem:v24+s21+$0x0], $0xffff;
	vm12 =	vgt.f32 v28, v58;
	v24 =	vsel vm11, $0x1, v0  }
0x3ab: {  	v52 =	vld.idx.msk [tilespmem:v31+s21+$0x0], $0xffff;
	v45 =	vnsel vm12, s19, v17;
	v17 =	vadd.s32 v24, v30  }
0x3ac: {  	vm13 =	vgt.f32 v21, v37;
	v30 =	vor.u32 $0x2, v32;
	v24 =	vld [tilespmem:s4+$0xFFFFFFE0];
	v54 =	vor.u32 $0x3, v45  }
0x3ad: {  	v55 =	vor.u32 $0x4, v41;
	vm14 =	vgt.f32 v26, v44;
	v34 =	vld.idx.msk [tilespmem:v34+s20+$0x0], $0xffff;
	v30 =	vsel vm13, v30, v32  }
0x3ae: {  	v57 =	vor.u32 $0x2, v36;
	v32 =	vsel vm14, v55, v41;
	v58 =	vld.idx.msk [tilespmem:v19+s21+$0x0], $0xffff;
	vm15 =	vgt.f32 v22, v61  }
0x3af: {  	v19 =	vor.u32 $0x8, v59;
	v41 =	vor.u32 $0x1, v32;
	v22 =	vld.idx.msk [tilespmem:v62+s21+$0x0], $0xffff;
	v56 =	vsel vm15, $0x1, v0  }
0x3b0: {  	vm5 =	vgt.f32 v23, v53;
	vm4 =	vgt.f32 v25, v63;
	v37 =	vadd.s32 v56, v38;
	v60 =	vld.idx.msk [tilespmem:v17+s20+$0x0], $0xffff  }
0x3b1: {  	v39 =	vnsel vm5, s1, v19;
	v36 =	vsel vm4, v57, v36;
	v59 =	vld.idx.msk [tilespmem:v54+s21+$0x0], $0xffff  }
0x3b2: {  	v61 =	vor.u32 $0x3, v39;
	[tilespmem:s9+$0x0] =	vst v34;
	v62 =	vld.idx.msk [tilespmem:v30+s21+$0x0], $0xffff  }
0x3b3: {  	v17 =	vor.u32 $0x8, v40;
	vm6 =	vgt.f32 v24, v52;
	v47 =	vld.idx.msk [tilespmem:v15+s21+$0x0], $0xffff  }
0x3b4: {  	v63 =	vld.idx.msk [tilespmem:v41+s21+$0x0], $0xffff;
	v41 =	vnsel vm6, s17, v17  }
0x3b5: {  	v48 =	vor.u32 $0x3, v41;
	v37 =	vld.idx.msk [tilespmem:v37+s20+$0x0], $0xffff  }
0x3b6: {  	s23 =	sadd.s32 $0x80, s2;
	s12 =	sadd.s32 $0x80, s30;
	vm8 =	vgt.f32 v18, v22;
	v22 =	vor.u32 $0x4, v33;
	v49 =	vld.idx.msk [tilespmem:v36+s21+$0x0], $0xffff  }
0x3b7: {  	s18 =	sor.u32 $0x50, s23;
	v15 =	vor.u32 $0x4, v45;
	v33 =	vsel vm8, v22, v33;
	[tilespmem:s12+$0x20] =	vst v60;
	v50 =	vld.idx.msk [tilespmem:v61+s21+$0x0], $0xffff;
	vm7 =	vgt.f32 v28, v59  }
0x3b8: {  	vm9 =	vgt.f32 v21, v62;
	v21 =	vor.u32 $0x1, v33;
	v22 =	vld [tilespmem:s18+$0x0];
	v51 =	vsel vm7, v15, v45  }
0x3b9: {  	v53 =	vor.u32 $0x2, v32;
	v15 =	vld.idx.msk [tilespmem:v11+s21+$0x0], $0xffff;
	vm10 =	vgt.f32 v26, v63;
	v52 =	vor.u32 $0x1, v51  }
0x3ba: {  	v55 =	vsel vm9, $0x1, v0;
	v54 =	vld.idx.msk [tilespmem:v48+s21+$0x0], $0xffff;
	v32 =	vsel vm10, v53, v32;
	[tilespmem:s12+$0xFFFFFFE0] =	vst v37  }
0x3bb: {  	v57 =	vor.u32 $0x2, v29;
	vm12 =	vgt.f32 v27, v58;
	v30 =	vadd.s32 v55, v30;
	v56 =	vld.idx.msk [tilespmem:v10+s21+$0x0], $0xffff  }
0x3bc: {  	v43 =	vsel vm12, v57, v29;
	vm11 =	vgt.f32 v25, v49;
	v25 =	vld [tilespmem:s16+$0xFFFFFFF0]  }
0x3bd: {  	v59 =	vor.u32 $0x4, v39;
	vm13 =	vgt.f32 v23, v50;
	v58 =	vsel vm11, $0x1, v0;
	v29 =	vld.idx.msk [tilespmem:v21+s21+$0x0], $0xffff  }
0x3be: {  	v34 =	vsel vm13, v59, v39;
	v36 =	vadd.s32 v58, v36;
	vm14 =	vgt.f32 v22, v15;
	v60 =	vld.idx.msk [tilespmem:v52+s21+$0x0], $0xffff  }
0x3bf: {  	v21 =	vor.u32 $0x1, v34;
	v35 =	vnsel vm14, s14, v13;
	v61 =	vld.idx.msk [tilespmem:v32+s21+$0x0], $0xffff  }
0x3c0: {  	v30 =	vld.idx.msk [tilespmem:v30+s20+$0x0], $0xffff;
	v62 =	vor.u32 $0x3, v35  }
0x3c1: {  	v63 =	vor.u32 $0x4, v41;
	v50 =	vld.idx.msk [tilespmem:v43+s21+$0x0], $0xffff;
	vm15 =	vgt.f32 v24, v54  }
0x3c2: {  	v15 =	vld [tilespmem:s26+$0x10];
	v41 =	vsel vm15, v63, v41  }
0x3c3: {  	v49 =	vor.u32 $0x2, v51;
	v48 =	vor.u32 $0x1, v41;
	v36 =	vld.idx.msk [tilespmem:v36+s20+$0x0], $0xffff;
	vm5 =	vgt.f32 v28, v60  }
0x3c4: {  	vm4 =	vgt.f32 v25, v56;
	v53 =	vld.idx.msk [tilespmem:v21+s21+$0x0], $0xffff;
	v51 =	vsel vm5, v49, v51  }
0x3c5: {  	s19 =	sor.u32 $0x60, s2;
	v52 =	vnsel vm4, s3, v12;
	vm6 =	vgt.f32 v26, v61;
	[tilespmem:s25+$0xA000] =	vst v30;
	v39 =	vld.idx.msk [tilespmem:v62+s21+$0x0], $0xffff  }
0x3c6: {  	v54 =	vor.u32 $0x3, v52;
	v26 =	vsel vm6, $0x1, v0;
	v21 =	vld [tilespmem:s19+$0x0]  }
0x3c7: {  	vm7 =	vgt.f32 v15, v47;
	v55 =	vld.idx.msk [tilespmem:v6+s21+$0x0], $0xffff;
	v30 =	vadd.s32 v26, v32  }
0x3c8: {  	v26 =	vnsel vm7, s8, v20;
	v20 =	vld.idx.msk [tilespmem:v48+s21+$0x0], $0xffff  }
0x3c9: {  	v59 =	vor.u32 $0x2, v34;
	v56 =	vor.u32 $0x2, v33;
	vm8 =	vgt.f32 v18, v29;
	v58 =	vld.idx.msk [tilespmem:v51+s21+$0x0], $0xffff  }
0x3ca: {  	vm11 =	vgt.f32 v27, v50;
	v29 =	vsel vm8, v56, v33;
	v61 =	vor.u32 $0x4, v35  }
0x3cb: {  	v57 =	vor.u32 $0x3, v26;
	vm9 =	vgt.f32 v23, v53;
	v60 =	vld.idx.msk [tilespmem:v54+s21+$0x0], $0xffff;
	vm10 =	vgt.f32 v22, v39  }
0x3cc: {  	v27 =	vor.u32 $0x2, v41;
	[tilespmem:s30+$0xFFFFFFF0] =	vst v36;
	v42 =	vsel vm9, v59, v34;
	v37 =	vsel vm10, v61, v35;
	v62 =	vld.idx.msk [tilespmem:v30+s20+$0x0], $0xffff  }
0x3cd: {  	v38 =	vld.idx.msk [tilespmem:v7+s21+$0x0], $0xffff;
	vm14 =	vgt.f32 v21, v55;
	v30 =	vsel vm11, $0x1, v0;
	v63 =	vor.u32 $0x1, v37  }
0x3ce: {  	v34 =	vld [tilespmem:s0+$0x0];
	vm12 =	vgt.f32 v24, v20;
	v33 =	vnsel vm14, s29, v9;
	vm13 =	vgt.f32 v28, v58  }
0x3cf: {  	[tilespmem:s24+$0xA000] =	vst v14;
	v35 =	vld.idx.msk [tilespmem:v29+s21+$0x0], $0xffff;
	v20 =	vadd.s32 v30, v43;
	v43 =	vsel vm12, v27, v41;
	v14 =	vsel vm13, $0x1, v0  }
0x3d0: {  	v27 =	vor.u32 $0x4, v52;
	v30 =	vld.idx.msk [tilespmem:v57+s21+$0x0], $0xffff;
	v39 =	vor.u32 $0x3, v33;
	vm15 =	vgt.f32 v25, v60  }
0x3d1: {  	s28 =	simm.s32 $0xC0;
	s24 =	smov.u32 s4;
	s26 =	smov.u32 s7;
	v45 =	vld.idx.msk [tilespmem:v42+s21+$0x0], $0xffff;
	v41 =	vsel vm15, v27, v52;
	[tilespmem:s13+$0xA000] =	vst v62;
	v27 =	vadd.s32 v14, v51  }
0x3d2: {  	s25 =	simm.s32 $0xA;
	s8 =	smov.u32 s12;
	v28 =	vor.u32 $0x4, v26;
	v44 =	vld.idx.msk [tilespmem:v63+s21+$0x0], $0xffff;
	[dreg:$0xf] =	wrdreg s7;
	v14 =	vmov v31  }
.LBB2_4:
0x3d3: {  	v32 =	vmov s28;
	s7 =	sadd.s32 $0x10, s28;
	v46 =	vor.u32 $0x1, v41;
	v47 =	vor.u32 $0x2, v41;
	s13 =	sor.u32 $0x70, s31;
	v48 =	vld.idx.msk [tilespmem:v3+s21+$0x0], $0xffff;
	v3 =	vmovc v6;
	v6 =	vmovc v11;
	s31 =	smov.u32 s2  }
0x3d4: {  	v11 =	vmovc v16;
	s2 =	smov.u32 s23;
	v40 =	vor.u32 $0x7, v32;
	v36 =	vor.u32 $0x8, v32;
	v49 =	vmov s7;
	v32 =	vld [tilespmem:s13+$0x0]  }
0x3d5: {  	vm0 =	vgt.f32 v34, v38;
	vm1 =	vgt.f32 v18, v35;
	v18 =	vmovc v34;
	v16 =	vor.u32 $0x7, v49;
	v38 =	vld.idx.msk [tilespmem:v39+s21+$0x0], $0xffff  }
0x3d6: {  	v34 =	vnsel vm0, s5, v8;
	v35 =	vsel vm1, $0x1, v0;
	vm0 =	vgt.f32 v15, v30;
	v27 =	vld.idx.msk [tilespmem:v27+s20+$0x0], $0xffff  }
0x3d7: {  	v39 =	vor.u32 $0x3, v34;
	v50 =	vor.u32 $0x4, v34;
	v29 =	vadd.s32 v35, v29;
	v30 =	vld.idx.msk [tilespmem:v43+s21+$0x0], $0xffff  }
0x3d8: {  	v26 =	vsel vm0, v28, v26;
	v35 =	vld.idx.msk [tilespmem:v46+s21+$0x0], $0xffff  }
0x3d9: {  	vm0 =	vgt.f32 v23, v45;
	v45 =	vor.u32 $0x1, v26;
	v28 =	vld.idx.msk [tilespmem:v40+s21+$0x0], $0xffff;
	vm1 =	vgt.f32 v32, v48  }
0x3da: {  	s4 =	sadd.s32 $0x80, s4;
	v52 =	vor.u32 $0x2, v26;
	v48 =	vsel vm0, $0x1, v0;
	v46 =	vld.idx.msk [tilespmem:v16+s21+$0x0], $0xffff;
	v51 =	vnsel vm1, s11, v1;
	v1 =	vmovc v9;
	v9 =	vmovc v13;
	s11 =	smov.u32 s29;
	s29 =	smov.u32 s14  }
0x3db: {  	v42 =	vadd.s32 v48, v42;
	v48 =	vor.u32 $0x2, v37;
	v13 =	vmovc v19;
	s14 =	smov.u32 s1;
	s1 =	smov.u32 s7;
	v23 =	vld [tilespmem:s4+$0x20];
	v53 =	vor.u32 $0x3, v51  }
0x3dc: {  	vm0 =	vgt.f32 v22, v44;
	vm1 =	vgt.f32 v21, v38;
	v19 =	vor.u32 $0x4, v33;
	v54 =	vld [tilespmem:s4+$0xFFFFFFE0];
	[tilespmem:s15+$0xA000] =	vst v27;
	s15 =	smov.u32 s13  }
0x3dd: {  	v33 =	vsel vm1, v19, v33;
	vm2 =	vgt.f32 v24, v30;
	v27 =	vsel vm0, v48, v37;
	v30 =	vld.idx.msk [tilespmem:v39+s21+$0x0], $0xffff  }
0x3de: {  	s25 =	sadd.s32 $0x2, s25;
	v19 =	vsel vm2, $0x1, v0;
	vm0 =	vgt.f32 v25, v35;
	v35 =	vor.u32 $0x1, v33;
	v29 =	vld.idx.msk [tilespmem:v29+s20+$0x0], $0xffff  }
0x3df: {  	p1 =	slt.u32 s25, $0x3E;
	v37 =	vadd.s32 v19, v43;
	v38 =	vsel vm0, v47, v41;
	v39 =	vld.idx.msk [tilespmem:v45+s21+$0x0], $0xffff  }
0x3e0: {  	v19 =	vor.u32 $0x8, v49;
	vm0 =	vgt.f32 v23, v46;
	v41 =	vld.idx.msk [tilespmem:v53+s21+$0x0], $0xffff  }
0x3e1: {  	vm1 =	vgt.f32 v54, v28;
	v28 =	vnsel vm0, s1, v19;
	v42 =	vld.idx.msk [tilespmem:v42+s20+$0x0], $0xffff;
	v24 =	vmov v54  }
0x3e2: {  	v43 =	vnsel vm1, s28, v36;
	v44 =	vor.u32 $0x3, v28;
	v45 =	vld.idx.msk [tilespmem:v27+s21+$0x0], $0xffff  }
0x3e3: {  	vm0 =	vgt.f32 v18, v30;
	v46 =	vor.u32 $0x3, v43;
	v47 =	vor.u32 $0x4, v43;
	v30 =	vld.idx.msk [tilespmem:v35+s21+$0x0], $0xffff  }
0x3e4: {  	v34 =	vsel vm0, v50, v34;
	v35 =	vld.idx.msk [tilespmem:v37+s20+$0x0], $0xffff;
	[tilespmem:s10+$0x0] =	vst v29  }
0x3e5: {  	v37 =	vor.u32 $0x1, v34;
	v48 =	vor.u32 $0x2, v34;
	vm0 =	vgt.f32 v15, v39;
	v29 =	vld.idx.msk [tilespmem:v38+s21+$0x0], $0xffff  }
0x3e6: {  	s12 =	sadd.s32 $0x80, s12;
	vm1 =	vgt.f32 v32, v41;
	v41 =	vor.u32 $0x4, v51;
	v49 =	vsel vm0, v52, v26;
	v39 =	vld.idx.msk [tilespmem:v5+s21+$0x0], $0xffff;
	v5 =	vmovc v7  }
0x3e7: {  	s23 =	sadd.s32 $0x80, s23;
	v41 =	vsel vm1, v41, v51;
	v7 =	vmovc v10;
	v10 =	vmov v31;
	v31 =	vmov v40;
	v26 =	vld.idx.msk [tilespmem:v44+s21+$0x0], $0xffff;
	[tilespmem:s12+$0x20] =	vst v42  }
0x3e8: {  	s13 =	sor.u32 $0x50, s23;
	v44 =	vor.u32 $0x1, v41;
	v42 =	vld.idx.msk [tilespmem:v11+s21+$0x0], $0xffff  }
0x3e9: {  	vm0 =	vgt.f32 v22, v45;
	vm1 =	vgt.f32 v21, v30;
	v30 =	vor.u32 $0x2, v33;
	v22 =	vld [tilespmem:s13+$0x0]  }
0x3ea: {  	v30 =	vsel vm1, v30, v33;
	v45 =	vld.idx.msk [tilespmem:v46+s21+$0x0], $0xffff;
	[tilespmem:s12+$0xFFFFFFE0] =	vst v35;
	v35 =	vsel vm0, $0x1, v0  }
0x3eb: {  	vm0 =	vgt.f32 v25, v29;
	v33 =	vld.idx.msk [tilespmem:v14+s21+$0x0], $0xffff;
	v27 =	vadd.s32 v35, v27;
	v14 =	vmov v40  }
0x3ec: {  	v29 =	vsel vm0, $0x1, v0;
	v25 =	vld [tilespmem:s24+$0xFFFFFFF0]  }
0x3ed: {  	vm0 =	vgt.f32 v23, v26;
	v26 =	vor.u32 $0x4, v28;
	v29 =	vadd.s32 v29, v38;
	v35 =	vld.idx.msk [tilespmem:v44+s21+$0x0], $0xffff  }
0x3ee: {  	v38 =	vsel vm0, v26, v28;
	vm0 =	vgt.f32 v22, v42;
	v26 =	vld.idx.msk [tilespmem:v37+s21+$0x0], $0xffff  }
0x3ef: {  	v28 =	vor.u32 $0x1, v38;
	v37 =	vnsel vm0, s14, v13;
	v40 =	vld.idx.msk [tilespmem:v30+s21+$0x0], $0xffff  }
0x3f0: {  	vm0 =	vgt.f32 v24, v45;
	v42 =	vor.u32 $0x3, v37;
	v27 =	vld.idx.msk [tilespmem:v27+s20+$0x0], $0xffff  }
0x3f1: {  	v43 =	vsel vm0, v47, v43;
	vm0 =	vgt.f32 v25, v33;
	v33 =	vld [tilespmem:s22+$0x10];
	s22 =	smov.u32 s0;
	s0 =	smov.u32 s16;
	s16 =	smov.u32 s24  }
0x3f2: {  	v44 =	vor.u32 $0x1, v43;
	v45 =	vor.u32 $0x2, v43;
	s24 =	smov.u32 s4;
	v46 =	vnsel vm0, s17, v17;
	v47 =	vld.idx.msk [tilespmem:v29+s20+$0x0], $0xffff  }
0x3f3: {  	vm0 =	vgt.f32 v32, v35;
	v29 =	vor.u32 $0x2, v41;
	v50 =	vor.u32 $0x3, v46;
	v35 =	vld.idx.msk [tilespmem:v49+s21+$0x0], $0xffff  }
0x3f4: {  	v52 =	vor.u32 $0x4, v46;
	vm1 =	vgt.f32 v18, v26;
	v41 =	vsel vm0, v29, v41;
	v51 =	vld.idx.msk [tilespmem:v28+s21+$0x0], $0xffff  }
0x3f5: {  	v29 =	vsel vm1, v48, v34;
	vm0 =	vgt.f32 v21, v40;
	v42 =	vld.idx.msk [tilespmem:v42+s21+$0x0], $0xffff  }
0x3f6: {  	s7 =	sor.u32 $0x60, s2;
	v26 =	vsel vm0, $0x1, v0;
	[tilespmem:s18+$0xA000] =	vst v27;
	vm0 =	vgt.f32 v33, v39;
	v27 =	vld.idx.msk [tilespmem:v20+s20+$0x0], $0xffff;
	s18 =	smov.u32 s13  }
0x3f7: {  	v20 =	vadd.s32 v26, v30;
	v21 =	vld [tilespmem:s7+$0x0];
	v26 =	vnsel vm0, s6, v4;
	v4 =	vmovc v8;
	v8 =	vmovc v12;
	v12 =	vmov v17;
	s6 =	smov.u32 s5;
	s5 =	smov.u32 s3;
	s3 =	smov.u32 s17  }
0x3f8: {  	v17 =	vmov v36;
	s17 =	smov.u32 s28;
	[tilespmem:s8+$0xFFFFFFF0] =	vst v47;
	v30 =	vld.idx.msk [tilespmem:v6+s21+$0x0], $0xffff;
	v40 =	vor.u32 $0x3, v26;
	v28 =	vor.u32 $0x4, v26  }
0x3f9: {  	vm0 =	vgt.f32 v15, v35;
	v15 =	vmov v33;
	v36 =	vld.idx.msk [tilespmem:v41+s21+$0x0], $0xffff  }
0x3fa: {  	v33 =	vor.u32 $0x2, v38;
	v34 =	vsel vm0, $0x1, v0;
	v39 =	vld.idx.msk [tilespmem:v44+s21+$0x0], $0xffff  }
0x3fb: {  	v35 =	vor.u32 $0x4, v37;
	vm0 =	vgt.f32 v23, v51;
	vm1 =	vgt.f32 v22, v42;
	v44 =	vld.idx.msk [tilespmem:v50+s21+$0x0], $0xffff  }
0x3fc: {  	v42 =	vsel vm0, v33, v38;
	v37 =	vsel vm1, v35, v37;
	v47 =	vld.idx.msk [tilespmem:v20+s20+$0x0], $0xffff;
	v20 =	vadd.s32 v34, v49  }
0x3fd: {  	v48 =	vor.u32 $0x1, v37;
	v38 =	vld.idx.msk [tilespmem:v7+s21+$0x0], $0xffff;
	[tilespmem:s26+$0x10] =	vst v27;
	s26 =	smov.u32 s9;
	s9 =	smov.u32 s10;
	s10 =	smov.u32 s30  }
.Ltmp0:
0x3fe: {  	vm0 =	vgt.f32 v21, v30;
	s30 =	smov.u32 s8;
	s8 =	smov.u32 s12;
	v34 =	vld [tilespmem:s0+$0x0];
	(pc) =	sbr.rel @p1 .LBB2_4-.Ltmp0, $4  }
0x3ff: {  	v33 =	vnsel vm0, s29, v9;
	vm0 =	vgt.f32 v32, v36;
	v35 =	vld.idx.msk [tilespmem:v29+s21+$0x0], $0xffff  }
0x400: {  	vm1 =	vgt.f32 v24, v39;
	v39 =	vor.u32 $0x3, v33;
	v27 =	vsel vm0, $0x1, v0;
	v30 =	vld.idx.msk [tilespmem:v40+s21+$0x0], $0xffff  }
0x401: {  	v43 =	vsel vm1, v45, v43;
	vm0 =	vgt.f32 v25, v44;
	v27 =	vadd.s32 v27, v41;
	v45 =	vld.idx.msk [tilespmem:v42+s21+$0x0], $0xffff  }
0x402: {  	s28 =	sadd.s32 $0x20, s28;
	v41 =	vsel vm0, v52, v46;
	v44 =	vld.idx.msk [tilespmem:v48+s21+$0x0], $0xffff;
	[tilespmem:s19+$0xA000] =	vst v47;
	s19 =	smov.u32 s7  }
0x403: {  	_ =	sdelay $0x3  }
0x404: {  	v32 =	vld.idx.msk [tilespmem:v43+s21+$0x0], $0xffff  }
0x405: {  	vm0 =	vgt.f32 v23, v45  }
0x406: {  	v23 =	vsel vm0, $0x1, v0  }
0x407: {  	v23 =	vadd.s32 v23, v42;
	_ =	sdelay $0x1  }
0x408: {  	vm5 =	vgt.f32 v24, v32  }
0x409: {  	v24 =	vsel vm5, $0x1, v0  }
0x40a: {  	v24 =	vadd.s32 v24, v43  }
0x40b: {  	v23 =	vld.idx.msk [tilespmem:v23+s20+$0x0], $0xffff;
	_ =	sdelay $0x3  }
0x40c: {  	s4 =	sadd.s32 $0x80, s12;
	v24 =	vld.idx.msk [tilespmem:v24+s20+$0x0], $0xffff  }
0x40d: {  	s28 =	sadd.s32 $0x80, s23;
	[tilespmem:s4+$0x20] =	vst v23  }
0x40e: {  	s25 =	sor.u32 $0x50, s28;
	v23 =	vld.idx.msk [tilespmem:v16+s21+$0x0], $0xffff  }
0x40f: {  	v55 =	vld [tilespmem:s25+$0x0];
	_ =	sdelay $0x1  }
0x410: {  	[tilespmem:s4+$0xFFFFFFE0] =	vst v24  }
0x411: {  	v14 =	vld.idx.msk [tilespmem:v14+s21+$0x0], $0xffff  }
0x412: {  	v36 =	vor.u32 $0x1, v41;
	v24 =	vld [tilespmem:s24+$0xFFFFFFF0]  }
0x413: {  	vm6 =	vgt.f32 v55, v23  }
0x414: {  	v23 =	vnsel vm6, s1, v19  }
0x415: {  	v40 =	vor.u32 $0x3, v23;
	_ =	sdelay $0x1  }
0x416: {  	v36 =	vld.idx.msk [tilespmem:v36+s21+$0x0], $0xffff;
	vm7 =	vgt.f32 v24, v14  }
0x417: {  	v14 =	vnsel vm7, s17, v17  }
0x418: {  	v56 =	vor.u32 $0x3, v14  }
0x419: {  	v40 =	vld.idx.msk [tilespmem:v40+s21+$0x0], $0xffff;
	_ =	sdelay $0x1  }
0x41a: {  	v57 =	vor.u32 $0x2, v41;
	vm8 =	vgt.f32 v25, v36  }
0x41b: {  	v36 =	vsel vm8, v57, v41  }
0x41c: {  	v42 =	vld.idx.msk [tilespmem:v56+s21+$0x0], $0xffff  }
0x41d: {  	v58 =	vor.u32 $0x4, v23;
	vm9 =	vgt.f32 v55, v40  }
0x41e: {  	v23 =	vsel vm9, v58, v23  }
0x41f: {  	v60 =	vor.u32 $0x1, v23  }
0x420: {  	v61 =	vld.idx.msk [tilespmem:v36+s21+$0x0], $0xffff  }
0x421: {  	v59 =	vor.u32 $0x4, v14;
	vm10 =	vgt.f32 v24, v42  }
0x422: {  	v14 =	vsel vm10, v59, v14  }
0x423: {  	v62 =	vor.u32 $0x1, v14  }
0x424: {  	v63 =	vor.u32 $0x2, v37;
	vm11 =	vgt.f32 v22, v44;
	v41 =	vld.idx.msk [tilespmem:v60+s21+$0x0], $0xffff  }
0x425: {  	v37 =	vsel vm11, v63, v37;
	vm1 =	vgt.f32 v25, v61  }
0x426: {  	v40 =	vsel vm1, $0x1, v0  }
0x427: {  	v36 =	vadd.s32 v40, v36  }
0x428: {  	v44 =	vld.idx.msk [tilespmem:v62+s21+$0x0], $0xffff  }
0x429: {  	v45 =	vor.u32 $0x2, v23;
	vm12 =	vgt.f32 v55, v41  }
0x42a: {  	v47 =	vld.idx.msk [tilespmem:v37+s21+$0x0], $0xffff;
	v23 =	vsel vm12, v45, v23;
	_ =	sdelay $0x1  }
0x42b: {  	v36 =	vld.idx.msk [tilespmem:v36+s20+$0x0], $0xffff  }
0x42c: {  	v46 =	vor.u32 $0x2, v14;
	vm13 =	vgt.f32 v24, v44  }
0x42d: {  	v14 =	vsel vm13, v46, v14  }
0x42e: {  	vm14 =	vgt.f32 v22, v47;
	v48 =	vld.idx.msk [tilespmem:v23+s21+$0x0], $0xffff  }
0x42f: {  	v25 =	vsel vm14, $0x1, v0  }
0x430: {  	v25 =	vadd.s32 v25, v37;
	[tilespmem:s8+$0xFFFFFFF0] =	vst v36  }
0x431: {  	v36 =	vld.idx.msk [tilespmem:v10+s21+$0x0], $0xffff  }
0x432: {  	v49 =	vld.idx.msk [tilespmem:v14+s21+$0x0], $0xffff  }
0x433: {  	v37 =	vld [tilespmem:s16+$0x0];
	vm15 =	vgt.f32 v55, v48  }
0x434: {  	v32 =	vsel vm15, $0x1, v0  }
0x435: {  	v25 =	vld.idx.msk [tilespmem:v25+s20+$0x0], $0xffff;
	v50 =	vadd.s32 v32, v23  }
0x436: {  	vm4 =	vgt.f32 v34, v38  }
0x437: {  	v38 =	vnsel vm4, s5, v8;
	vm5 =	vgt.f32 v24, v49  }
0x438: {  	v51 =	vor.u32 $0x3, v38;
	vm6 =	vgt.f32 v37, v36;
	v24 =	vsel vm5, $0x1, v0  }
0x439: {  	v52 =	vnsel vm6, s3, v12;
	v14 =	vadd.s32 v24, v14  }
0x43a: {  	s13 =	sor.u32 $0x60, s23;
	[tilespmem:s18+$0xA000] =	vst v25;
	v53 =	vor.u32 $0x3, v52;
	v22 =	vld.idx.msk [tilespmem:v50+s20+$0x0], $0xffff  }
0x43b: {  	v25 =	vld [tilespmem:s13+$0x0]  }
0x43c: {  	v54 =	vld.idx.msk [tilespmem:v11+s21+$0x0], $0xffff  }
0x43d: {  	v23 =	vld.idx.msk [tilespmem:v51+s21+$0x0], $0xffff  }
0x43e: {  	v14 =	vld.idx.msk [tilespmem:v14+s20+$0x0], $0xffff  }
0x43f: {  	s7 =	sor.u32 $0x60, s28;
	v32 =	vld.idx.msk [tilespmem:v53+s21+$0x0], $0xffff;
	[tilespmem:s25+$0xA000] =	vst v22  }
0x440: {  	v22 =	vld [tilespmem:s7+$0x0]  }
0x441: {  	v55 =	vld.idx.msk [tilespmem:v16+s21+$0x0], $0xffff  }
0x442: {  	vm8 =	vgt.f32 v25, v54  }
0x443: {  	v39 =	vld.idx.msk [tilespmem:v39+s21+$0x0], $0xffff;
	v56 =	vor.u32 $0x4, v38;
	v58 =	vnsel vm8, s14, v13;
	vm7 =	vgt.f32 v34, v23;
	[tilespmem:s4+$0xFFFFFFF0] =	vst v14  }
0x444: {  	v59 =	vor.u32 $0x3, v58;
	v38 =	vsel vm7, v56, v38;
	v57 =	vld.idx.msk [tilespmem:v31+s21+$0x0], $0xffff  }
0x445: {  	v60 =	vor.u32 $0x4, v52;
	vm9 =	vgt.f32 v37, v32;
	v40 =	vor.u32 $0x1, v38;
	v36 =	vld [tilespmem:s24+$0x0]  }
0x446: {  	v24 =	vsel vm9, v60, v52;
	vm10 =	vgt.f32 v22, v55  }
0x447: {  	v61 =	vor.u32 $0x1, v24;
	v62 =	vnsel vm10, s1, v19  }
0x448: {  	v63 =	vor.u32 $0x3, v62  }
0x449: {  	v42 =	vld.idx.msk [tilespmem:v59+s21+$0x0], $0xffff;
	vm12 =	vgt.f32 v21, v39;
	v50 =	vor.u32 $0x4, v33  }
0x44a: {  	v33 =	vsel vm12, v50, v33;
	v48 =	vld.idx.msk [tilespmem:v40+s21+$0x0], $0xffff;
	vm11 =	vgt.f32 v36, v57  }
0x44b: {  	v39 =	vor.u32 $0x1, v33;
	v49 =	vnsel vm11, s17, v17  }
0x44c: {  	v14 =	vld.idx.msk [tilespmem:v61+s21+$0x0], $0xffff;
	v51 =	vor.u32 $0x3, v49  }
0x44d: {  	v43 =	vld.idx.msk [tilespmem:v63+s21+$0x0], $0xffff  }
0x44e: {  	vm14 =	vgt.f32 v25, v42  }
0x44f: {  	v53 =	vor.u32 $0x4, v58;
	v52 =	vor.u32 $0x2, v38;
	vm13 =	vgt.f32 v34, v48  }
0x450: {  	v39 =	vld.idx.msk [tilespmem:v39+s21+$0x0], $0xffff;
	v23 =	vsel vm13, v52, v38;
	v38 =	vsel vm14, v53, v58  }
0x451: {  	v55 =	vor.u32 $0x2, v24;
	v41 =	vor.u32 $0x1, v38;
	v54 =	vld.idx.msk [tilespmem:v51+s21+$0x0], $0xffff  }
0x452: {  	vm15 =	vgt.f32 v37, v14;
	v56 =	vor.u32 $0x4, v62;
	vm4 =	vgt.f32 v22, v43  }
0x453: {  	v14 =	vsel vm15, v55, v24;
	v24 =	vsel vm4, v56, v62  }
0x454: {  	vm7 =	vgt.f32 v18, v35;
	v59 =	vor.u32 $0x1, v24  }
0x455: {  	v60 =	vor.u32 $0x2, v33;
	v18 =	vsel vm7, $0x1, v0;
	vm6 =	vgt.f32 v21, v39  }
0x456: {  	v33 =	vsel vm6, v60, v33;
	v58 =	vor.u32 $0x4, v49;
	v41 =	vld.idx.msk [tilespmem:v41+s21+$0x0], $0xffff;
	vm5 =	vgt.f32 v36, v54  }
0x457: {  	v18 =	vadd.s32 v18, v29;
	v40 =	vsel vm5, v58, v49  }
0x458: {  	v61 =	vor.u32 $0x1, v40  }
0x459: {  	v63 =	vld.idx.msk [tilespmem:v59+s21+$0x0], $0xffff  }
0x45a: {  	v57 =	vld.idx.msk [tilespmem:v23+s21+$0x0], $0xffff  }
0x45b: {  	v45 =	vld.idx.msk [tilespmem:v33+s21+$0x0], $0xffff;
	v43 =	vor.u32 $0x2, v38;
	vm9 =	vgt.f32 v25, v41  }
0x45c: {  	v18 =	vld.idx.msk [tilespmem:v18+s20+$0x0], $0xffff;
	v29 =	vsel vm9, v43, v38  }
0x45d: {  	v44 =	vld.idx.msk [tilespmem:v61+s21+$0x0], $0xffff  }
0x45e: {  	v46 =	vor.u32 $0x2, v24;
	vm11 =	vgt.f32 v22, v63  }
0x45f: {  	vm8 =	vgt.f32 v34, v57;
	v62 =	vld.idx.msk [tilespmem:v14+s21+$0x0], $0xffff;
	v24 =	vsel vm11, v46, v24  }
0x460: {  	vm13 =	vgt.f32 v21, v45;
	v35 =	vsel vm8, $0x1, v0  }
0x461: {  	v21 =	vsel vm13, $0x1, v0;
	v23 =	vadd.s32 v35, v23;
	v48 =	vld.idx.msk [tilespmem:v29+s21+$0x0], $0xffff  }
0x462: {  	[tilespmem:s10+$0x0] =	vst v18;
	v33 =	vadd.s32 v21, v33;
	v47 =	vor.u32 $0x2, v40;
	vm12 =	vgt.f32 v36, v44  }
0x463: {  	v53 =	vld.idx.msk [tilespmem:v5+s21+$0x0], $0xffff;
	v32 =	vsel vm12, v47, v40  }
0x464: {  	vm10 =	vgt.f32 v37, v62;
	v49 =	vld.idx.msk [tilespmem:v24+s21+$0x0], $0xffff  }
0x465: {  	v51 =	vld.idx.msk [tilespmem:v3+s21+$0x0], $0xffff;
	v37 =	vsel vm10, $0x1, v0  }
0x466: {  	v23 =	vld.idx.msk [tilespmem:v23+s20+$0x0], $0xffff;
	v14 =	vadd.s32 v37, v14;
	vm14 =	vgt.f32 v25, v48  }
0x467: {  	v33 =	vld.idx.msk [tilespmem:v33+s20+$0x0], $0xffff;
	v25 =	vsel vm14, $0x1, v0  }
0x468: {  	v25 =	vadd.s32 v25, v29;
	v50 =	vld.idx.msk [tilespmem:v32+s21+$0x0], $0xffff  }
0x469: {  	v21 =	vld [tilespmem:s22+$0x10];
	s22 =	sor.u32 $0x70, s31;
	vm15 =	vgt.f32 v22, v49  }
0x46a: {  	v3 =	vld [tilespmem:s22+$0x0];
	v52 =	vsel vm15, $0x1, v0  }
0x46b: {  	[tilespmem:s30+$0x0] =	vst v23;
	v14 =	vld.idx.msk [tilespmem:v14+s20+$0x0], $0xffff;
	v24 =	vadd.s32 v52, v24  }
0x46c: {  	v18 =	vld [tilespmem:s0+$0x10]  }
0x46d: {  	[tilespmem:s19+$0xA000] =	vst v33;
	v25 =	vld.idx.msk [tilespmem:v25+s20+$0x0], $0xffff;
	vm4 =	vgt.f32 v36, v50  }
0x46e: {  	s2 =	sor.u32 $0x70, s2;
	v55 =	vld.idx.msk [tilespmem:v6+s21+$0x0], $0xffff;
	v54 =	vsel vm4, $0x1, v0  }
0x46f: {  	v6 =	vld [tilespmem:s2+$0x0];
	v5 =	vadd.s32 v54, v32  }
0x470: {  	v24 =	vld.idx.msk [tilespmem:v24+s20+$0x0], $0xffff  }
0x471: {  	v7 =	vld.idx.msk [tilespmem:v7+s21+$0x0], $0xffff;
	[tilespmem:s8+$0x0] =	vst v14  }
0x472: {  	vm5 =	vgt.f32 v3, v51;
	v14 =	vld [tilespmem:s16+$0x10];
	[tilespmem:s13+$0xA000] =	vst v25  }
0x473: {  	v22 =	vnsel vm5, s11, v1;
	v57 =	vld.idx.msk [tilespmem:v11+s21+$0x0], $0xffff  }
0x474: {  	s25 =	sor.u32 $0x70, s23;
	v60 =	vor.u32 $0x3, v22;
	v56 =	vld.idx.msk [tilespmem:v5+s20+$0x0], $0xffff  }
0x475: {  	v5 =	vld [tilespmem:s25+$0x0];
	[tilespmem:s7+$0xA000] =	vst v24  }
0x476: {  	s28 =	sor.u32 $0x70, s28;
	vm6 =	vgt.f32 v21, v53;
	v59 =	vld.idx.msk [tilespmem:v16+s21+$0x0], $0xffff  }
0x477: {  	v23 =	vnsel vm6, s6, v4;
	v4 =	vld [tilespmem:s28+$0x0]  }
0x478: {  	vm7 =	vgt.f32 v6, v55;
	v58 =	vld.idx.msk [tilespmem:v10+s21+$0x0], $0xffff  }
0x479: {  	v61 =	vor.u32 $0x3, v23;
	vm9 =	vgt.f32 v18, v7;
	v9 =	vnsel vm7, s29, v9;
	v35 =	vld.idx.msk [tilespmem:v60+s21+$0x0], $0xffff;
	[tilespmem:s4+$0x0] =	vst v56  }
0x47a: {  	v7 =	vnsel vm9, s5, v8;
	v62 =	vor.u32 $0x3, v9;
	v1 =	vld [tilespmem:s24+$0x10]  }
0x47b: {  	v36 =	vor.u32 $0x3, v7;
	vm8 =	vgt.f32 v5, v57;
	v63 =	vld.idx.msk [tilespmem:v31+s21+$0x0], $0xffff  }
0x47c: {  	v33 =	vnsel vm8, s14, v13;
	vm11 =	vgt.f32 v4, v59  }
0x47d: {  	vm10 =	vgt.f32 v14, v58;
	v34 =	vor.u32 $0x3, v33;
	v16 =	vnsel vm11, s1, v19  }
0x47e: {  	v37 =	vld.idx.msk [tilespmem:v61+s21+$0x0], $0xffff;
	v10 =	vnsel vm10, s3, v12;
	v39 =	vor.u32 $0x3, v16  }
0x47f: {  	v42 =	vor.u32 $0x4, v22;
	v29 =	vld.idx.msk [tilespmem:v62+s21+$0x0], $0xffff;
	v38 =	vor.u32 $0x3, v10;
	vm14 =	vgt.f32 v3, v35  }
0x480: {  	v24 =	vld.idx.msk [tilespmem:v36+s21+$0x0], $0xffff;
	v12 =	vsel vm14, v42, v22;
	vm12 =	vgt.f32 v1, v63  }
0x481: {  	vm13 =	vgt.f32 v15, v30;
	v47 =	vor.u32 $0x1, v12;
	v11 =	vnsel vm12, s17, v17  }
0x482: {  	v43 =	vor.u32 $0x4, v23;
	v40 =	vsel vm13, v28, v26;
	v8 =	vld.idx.msk [tilespmem:v34+s21+$0x0], $0xffff;
	v41 =	vor.u32 $0x3, v11  }
0x483: {  	v28 =	vor.u32 $0x1, v40;
	v45 =	vor.u32 $0x4, v9;
	vm15 =	vgt.f32 v21, v37;
	v46 =	vld.idx.msk [tilespmem:v39+s21+$0x0], $0xffff  }
0x484: {  	v50 =	vor.u32 $0x4, v7;
	vm4 =	vgt.f32 v6, v29;
	v44 =	vld.idx.msk [tilespmem:v38+s21+$0x0], $0xffff;
	v22 =	vsel vm15, v43, v23  }
0x485: {  	v9 =	vsel vm4, v45, v9;
	v48 =	vor.u32 $0x1, v22;
	vm6 =	vgt.f32 v18, v24  }
0x486: {  	v51 =	vor.u32 $0x4, v10;
	v23 =	vor.u32 $0x1, v9;
	v7 =	vsel vm6, v50, v7;
	v53 =	vld.idx.msk [tilespmem:v47+s21+$0x0], $0xffff  }
0x487: {  	v49 =	vor.u32 $0x4, v33;
	v54 =	vor.u32 $0x1, v7;
	vm5 =	vgt.f32 v5, v8;
	v26 =	vld.idx.msk [tilespmem:v41+s21+$0x0], $0xffff  }
0x488: {  	v52 =	vor.u32 $0x4, v16;
	v8 =	vsel vm5, v49, v33;
	vm8 =	vgt.f32 v4, v46  }
0x489: {  	v55 =	vld.idx.msk [tilespmem:v28+s21+$0x0], $0xffff;
	vm7 =	vgt.f32 v14, v44;
	v13 =	vor.u32 $0x1, v8;
	v16 =	vsel vm8, v52, v16  }
0x48a: {  	v10 =	vsel vm7, v51, v10;
	v59 =	vld.idx.msk [tilespmem:v48+s21+$0x0], $0xffff;
	v56 =	vor.u32 $0x1, v16  }
0x48b: {  	v61 =	vor.u32 $0x2, v12;
	v58 =	vor.u32 $0x1, v10  }
0x48c: {  	v57 =	vor.u32 $0x4, v11;
	vm10 =	vgt.f32 v3, v53;
	v29 =	vld.idx.msk [tilespmem:v54+s21+$0x0], $0xffff;
	vm9 =	vgt.f32 v1, v26  }
0x48d: {  	v23 =	vld.idx.msk [tilespmem:v23+s21+$0x0], $0xffff;
	v12 =	vsel vm10, v61, v12;
	v11 =	vsel vm9, v57, v11  }
0x48e: {  	v62 =	vor.u32 $0x2, v40;
	vm11 =	vgt.f32 v15, v55;
	v13 =	vld.idx.msk [tilespmem:v13+s21+$0x0], $0xffff;
	v60 =	vor.u32 $0x1, v11  }
0x48f: {  	v17 =	vsel vm11, v62, v40;
	v34 =	vor.u32 $0x2, v22;
	vm13 =	vgt.f32 v21, v59;
	v63 =	vld.idx.msk [tilespmem:v56+s21+$0x0], $0xffff  }
0x490: {  	v22 =	vsel vm13, v34, v22  }
0x491: {  	v37 =	vor.u32 $0x2, v7;
	v33 =	vld.idx.msk [tilespmem:v58+s21+$0x0], $0xffff;
	vm15 =	vgt.f32 v18, v29  }
0x492: {  	v32 =	vor.u32 $0x2, v9;
	vm12 =	vgt.f32 v6, v23;
	v38 =	vld.idx.msk [tilespmem:v12+s21+$0x0], $0xffff;
	v7 =	vsel vm15, v37, v7  }
0x493: {  	v9 =	vsel vm12, v32, v9;
	v36 =	vor.u32 $0x2, v8;
	vm14 =	vgt.f32 v5, v13;
	v35 =	vld.idx.msk [tilespmem:v60+s21+$0x0], $0xffff  }
0x494: {  	v40 =	vld.idx.msk [tilespmem:v17+s21+$0x0], $0xffff;
	v39 =	vor.u32 $0x2, v16;
	v8 =	vsel vm14, v36, v8;
	vm4 =	vgt.f32 v4, v63  }
0x495: {  	v44 =	vld.idx.msk [tilespmem:v22+s21+$0x0], $0xffff;
	v16 =	vsel vm4, v39, v16;
	_ =	sdelay $0x1  }
0x496: {  	v41 =	vor.u32 $0x2, v10;
	vm5 =	vgt.f32 v14, v33;
	vm7 =	vgt.f32 v3, v38;
	v3 =	vld.idx.msk [tilespmem:v7+s21+$0x0], $0xffff  }
0x497: {  	v42 =	vld.idx.msk [tilespmem:v9+s21+$0x0], $0xffff;
	v10 =	vsel vm5, v41, v10;
	v43 =	vor.u32 $0x2, v11;
	vm6 =	vgt.f32 v1, v35  }
0x498: {  	vm8 =	vgt.f32 v15, v40;
	v45 =	vld.idx.msk [tilespmem:v8+s21+$0x0], $0xffff;
	v11 =	vsel vm6, v43, v11  }
0x499: {  	v25 =	vsel vm8, $0x1, v0;
	vm10 =	vgt.f32 v21, v44;
	v46 =	vld.idx.msk [tilespmem:v16+s21+$0x0], $0xffff  }
0x49a: {  	v48 =	vadd.s32 v25, v17;
	v21 =	vsel vm10, $0x1, v0  }
0x49b: {  	v51 =	vld.idx.msk [tilespmem:v27+s20+$0x0], $0xffff;
	v52 =	vadd.s32 v21, v22;
	v13 =	vsel vm7, $0x1, v0;
	vm12 =	vgt.f32 v18, v3  }
0x49c: {  	vm9 =	vgt.f32 v6, v42;
	v47 =	vld.idx.msk [tilespmem:v10+s21+$0x0], $0xffff;
	v12 =	vadd.s32 v13, v12;
	v54 =	vsel vm12, $0x1, v0  }
0x49d: {  	v49 =	vsel vm9, $0x1, v0;
	v7 =	vadd.s32 v54, v7;
	vm11 =	vgt.f32 v5, v45;
	v50 =	vld.idx.msk [tilespmem:v11+s21+$0x0], $0xffff  }
0x49e: {  	v53 =	vld.idx.msk [tilespmem:v20+s20+$0x0], $0xffff;
	v9 =	vadd.s32 v49, v9;
	v3 =	vsel vm11, $0x1, v0;
	vm13 =	vgt.f32 v4, v46  }
0x49f: {  	v57 =	vld.idx.msk [tilespmem:v48+s20+$0x0], $0xffff;
	v3 =	vadd.s32 v3, v8;
	v56 =	vsel vm13, $0x1, v0  }
0x4a0: {  	v61 =	vld.idx.msk [tilespmem:v52+s20+$0x0], $0xffff;
	v6 =	vadd.s32 v56, v16  }
0x4a1: {  	vm14 =	vgt.f32 v14, v47;
	v55 =	vld.idx.msk [tilespmem:v12+s20+$0x0], $0xffff  }
0x4a2: {  	[tilespmem:s15+$0xA000] =	vst v51;
	v58 =	vsel vm14, $0x1, v0;
	v62 =	vld.idx.msk [tilespmem:v7+s20+$0x0], $0xffff;
	vm15 =	vgt.f32 v1, v50  }
0x4a3: {  	[tilespmem:s26+$0x10] =	vst v53;
	v59 =	vadd.s32 v58, v10;
	v1 =	vld.idx.msk [tilespmem:v9+s20+$0x0], $0xffff;
	v60 =	vsel vm15, $0x1, v0  }
0x4a4: {  	[tilespmem:s9+$0x10] =	vst v57;
	v3 =	vld.idx.msk [tilespmem:v3+s20+$0x0], $0xffff;
	v10 =	vadd.s32 v60, v11  }
0x4a5: {  	[tilespmem:s10+$0x10] =	vst v61;
	v6 =	vld.idx.msk [tilespmem:v6+s20+$0x0], $0xffff  }
0x4a6: {  	[tilespmem:s22+$0xA000] =	vst v55  }
0x4a7: {  	[tilespmem:s30+$0x10] =	vst v62  }
0x4a8: {  	[tilespmem:s2+$0xA000] =	vst v1;
	v1 =	vld.idx.msk [tilespmem:v59+s20+$0x0], $0xffff  }
0x4a9: {  	[tilespmem:s25+$0xA000] =	vst v3;
	v63 =	vld.idx.msk [tilespmem:v10+s20+$0x0], $0xffff  }
0x4aa: {  	[tilespmem:s28+$0xA000] =	vst v6  }
0x4ab: {  	s0 =	rddreg [dreg:$0x1b]  }
0x4ac: {  	s0 =	sadd.s32 $0x1, s0  }
0x4ad: {  	[tilespmem:s8+$0x10] =	vst v1;
	p1 =	sne.s32 s0, $0x5  }
.Ltmp1:
0x4ae: {  	[tilespmem:s4+$0x10] =	vst v63;
	(pc) =	sbr.rel @p1 .LBB2_3-.Ltmp1, $4  }
0x4af: {  	s13 =	rddreg [dreg:$0xe]  }
0x4b0: {  	s7 =	rddreg [dreg:$0xf]  }
0x4b1: {  	s31 =	rddreg [dreg:$0x10]  }
0x4b2: {  	s13 =	sadd.s32 $0x1000, s13;
	s7 =	sadd.s32 $0x1000, s7;
	s17 =	sadd.s32 $0x1000, s31  }
0x4b3: {  	s2 =	rddreg [dreg:$0x3]  }
0x4b4: {  	s0 =	rddreg [dreg:$0x13]  }
0x4b5: {  	s1 =	rddreg [dreg:$0x11]  }
0x4b6: {  	s5 =	rddreg [dreg:$0xd]  }
0x4b7: {  	s3 =	simm.s32 $0x80;
	s4 =	simm.s32 $0x400;
	s0 =	sadd.s32 s2, s0  }
0x4b8: {  	s17 =	rddreg [dreg:$0x17];
	s16 =	sadd.s32 $0xA000, s5;
	s0 =	sadd.s32 s1, s0  }
0x4b9: {  	[hbm4b:s0+s3] =	stream.strided.scatter [tilespmem:s16], [sflag:$0x2], $0x1000, s4, s3, $0x38;
	[tilespmem:$0x14800] =	vst v63  }
0x4ba: {  	s18 =	rddreg [dreg:$0x14];
	s0 =	sadd.s32 s2, s17  }
0x4bb: {  	s22 =	rddreg [dreg:$0x18];
	s19 =	sadd.s32 $0xB000, s5;
	s0 =	sadd.s32 s18, s0  }
0x4bc: {  	[hbm4b:s0+s3] =	stream.strided.scatter [tilespmem:s19], [sflag:$0x2], $0x1000, s4, s3, $0x38;
	[tilespmem:$0x14800] =	vst v63  }
0x4bd: {  	s23 =	rddreg [dreg:$0x12];
	s0 =	sadd.s32 s2, s22  }
0x4be: {  	s25 =	rddreg [dreg:$0x1a];
	s24 =	sadd.s32 $0xC000, s5;
	s0 =	sadd.s32 s23, s0  }
0x4bf: {  	[hbm4b:s0+s3] =	stream.strided.scatter [tilespmem:s24], [sflag:$0x2], $0x1000, s4, s3, $0x38;
	[tilespmem:$0x14800] =	vst v63  }
0x4c0: {  	s26 =	rddreg [dreg:$0x15];
	s0 =	sadd.s32 s2, s25  }
0x4c1: {  	s29 =	rddreg [dreg:$0x19];
	s28 =	sadd.s32 $0xD000, s5;
	s0 =	sadd.s32 s26, s0  }
0x4c2: {  	[hbm4b:s0+s3] =	stream.strided.scatter [tilespmem:s28], [sflag:$0x2], $0x1000, s4, s3, $0x38;
	[tilespmem:$0x14800] =	vst v63  }
0x4c3: {  	s30 =	rddreg [dreg:$0x16];
	s0 =	sadd.s32 s2, s29  }
0x4c4: {  	s31 =	sadd.s32 $0xE000, s5;
	s0 =	sadd.s32 s30, s0  }
0x4c5: {  	[hbm4b:s0+s3] =	stream.strided.scatter [tilespmem:s31], [sflag:$0x2], $0x1000, s4, s3, $0x38;
	[tilespmem:$0x14800] =	vst v63  }
0x4c6: {  	s0 =	rddreg [dreg:$0xc]  }
0x4c7: {  	p1 =	sne.s32 s0, $0x4  }
.Ltmp2:
0x4c8: {  	_ = 	snop;
	(pc) =	sbr.rel @p1 .LBB2_2-.Ltmp2, $2  }
0x4c9: {  	_ =	sdelay $0x2  }
0x4ca: {  	p0 =	por !p0, !p0;
	s10 =	rddreg [dreg:$0x4]  }
0x4cb: {  	s1 =	simm.s32 $0x2  }
0x4cc: {  	_ =	swait.ge [sflag:s1], $0x1000  }
0x4cd: {  	[sflag:s1] =	ssyncset.done $0x0  }
0x4ce: {  	[sflag:s1] =	ssyncadd.s32 $0xFFFFF000  }
0x4cf: {  	_ =	swait.ge [sflag:s1], $0x1000  }
0x4d0: {  	[sflag:s1] =	ssyncset.done $0x0  }
0x4d1: {  	[sflag:s1] =	ssyncadd.s32 $0xFFFFF000  }
0x4d2: {  	_ =	swait.ge [sflag:s1], $0x1000  }
0x4d3: {  	[sflag:s1] =	ssyncset.done $0x0  }
0x4d4: {  	[sflag:s1] =	ssyncadd.s32 $0xFFFFF000  }
0x4d5: {  	_ =	swait.ge [sflag:s1], $0x1000  }
0x4d6: {  	[sflag:s1] =	ssyncset.done $0x0  }
0x4d7: {  	[sflag:s1] =	ssyncadd.s32 $0xFFFFF000  }
0x4d8: {  	_ =	swait.ge [sflag:s1], $0x1000  }
0x4d9: {  	[sflag:s1] =	ssyncset.done $0x0  }
0x4da: {  	[sflag:s1] =	ssyncadd.s32 $0xFFFFF000  }
0x4db: {  	_ =	swait.ge [sflag:s1], $0x1000  }
0x4dc: {  	[sflag:s1] =	ssyncset.done $0x0  }
0x4dd: {  	[sflag:s1] =	ssyncadd.s32 $0xFFFFF000  }
0x4de: {  	_ =	swait.ge [sflag:s1], $0x1000  }
0x4df: {  	[sflag:s1] =	ssyncset.done $0x0  }
0x4e0: {  	[sflag:s1] =	ssyncadd.s32 $0xFFFFF000  }
0x4e1: {  	_ =	swait.ge [sflag:s1], $0x1000  }
0x4e2: {  	[sflag:s1] =	ssyncset.done $0x0  }
0x4e3: {  	[sflag:s1] =	ssyncadd.s32 $0xFFFFF000  }
0x4e4: {  	_ =	swait.ge [sflag:s1], $0x1000  }
0x4e5: {  	[sflag:s1] =	ssyncset.done $0x0  }
0x4e6: {  	[sflag:s1] =	ssyncadd.s32 $0xFFFFF000  }
0x4e7: {  	_ =	swait.ge [sflag:s1], $0x1000  }
0x4e8: {  	s2 =	rddreg [dreg:$0xb]  }
0x4e9: {  	s0 =	rddreg [dreg:$0xa];
	s2 =	sadd.s32 $0x1, s2  }
0x4ea: {  	p0 =	sne.s32 s2, s0  }
.Ltmp3:
0x4eb: {  	_ = 	snop;
	(pc) =	sbr.rel @p0 .LBB2_1-.Ltmp3, $3  }
0x4ec: {  	_ =	sdelay $0x1  }
0x4ed: {  	[sflag:s1] =	ssyncset.done $0x0  }
0x4ee: {  	[sflag:s1] =	ssyncadd.s32 $0xFFFFF000  }
0x4ef: {  	_ =	sfence.sel $0x180000  }
0x4f0: {  	[bflag:$0x0] =	sbarrier.arrive $0xFFFF  }
0x4f1: {  	_ =	strace $0x90000047  }
0x4f2: {  	s0 =	stileid.u32;
	[bflag:$0x2] =	sbarrier.arrive $0xFFFF  }
0x4f3: {  	p0 =	sne.s32 s0, $0x0;
	s0 =	rddreg [dreg:$0x2]  }
0x4f4: {  	s0 =	sadd.s32 @!p0 $0x100000, s0  }
0x4f5: {  	[sflag:s0] =	ssyncadd.tile.s32 @!p0 $0x1;
	_ =	shalt  }
.Lfunc_end2:
_tile_overlayer_lowered:
.L_overlay_start_2:
0x4f6: {  	(tag) =	ssettag $0x2  }
0x4f7: {  	s0 =	rddreg [dreg:$0x0];
	s2 =	stileid.u32  }
0x4f8: {  	s1 =	rddreg [dreg:$0x1];
	p0 =	sne.s32 s2, $0x0  }
0x4f9: {  	s3 =	rddreg [dreg:$0x2];
	[bflag:$0x3] =	sbarrier.arrive $0xFFFF;
	s2 =	simm.s32 @!p0 $0x1C03  }
0x4fa: {  	[timem:s3], [sflag:s2] =	dma.local @!p0 [hbm:s0], s1  }
0x4fb: {  	s0 =	simm.s32 @!p0 $0x3  }
0x4fc: {  	_ =	swait.ge @!p0 [sflag:s0], s1  }
0x4fd: {  	s1 =	ssub.s32 @!p0 $0x0, s1;
	[sflag:s0] =	ssyncset.done @!p0 $0x0  }
0x4fe: {  	[sflag:s0] =	ssyncadd.s32 @!p0 s1  }
0x4ff: {  	[bflag:$0x3] =	sbarrier.arrive $0xFFFF  }
0x500: {  	_ =	shalt  }

</sc_bundles>
